<compile_context>
chip_gen: v7x
topology: tpu7x:2x2x1
jax: 0.10.2.dev20260603
libtpu: 0.0.44.dev20260713+nightly
codegen_flags: <defaults>
</compile_context>

<pallas_src>
import functools

import jax
import jax.numpy as jnp
from jax import lax
from jax.experimental import pallas as pl
from jax.experimental.pallas import tpu as pltpu
from jax.experimental.pallas import tpu_sc as plsc

KNN = 20
EPS = 1e-5
B, N = 8, 2048
CH = 64
R = 512
NT = N // R
RC = 128
R5 = 256
NT5 = N // R5
NW = 32
PPW = (B * N) // NW
SUB = 64
NSUB = PPW // SUB
GCH = 128
NG = (SUB * KNN) // GCH
IDXROWS = (PPW * KNN) // 128


def _knn_body(xcn_ref, xnc_ref, gidx_ref):
    b = pl.program_id(0)
    xb = xcn_ref[0]
    xr = xnc_ref[0]
    xxb = jnp.sum(xb * xb, axis=0, keepdims=True)
    xxr = jnp.sum(xr * xr, axis=1, keepdims=True)
    dot = jnp.dot(xr, xb, preferred_element_type=jnp.float32)
    vals = (2.0 * dot - xxr) - xxb
    col = lax.broadcasted_iota(jnp.int32, (R, N), 1)
    cols = []
    for t in range(KNN):
        amx = lax.argmax(vals, 1, jnp.int32).reshape(R, 1)
        cols.append(amx)
        if t != KNN - 1:
            vals = jnp.where(col == amx, -jnp.inf, vals)
    idx = jnp.concatenate(cols, axis=1)
    gidx_ref[0] = idx + b * N


def _stage_a(x_nc, x_cn):
    c = x_nc.shape[2]
    return pl.pallas_call(
        _knn_body,
        grid=(B, NT),
        in_specs=[
            pl.BlockSpec((1, c, N), lambda b, t: (b, 0, 0)),
            pl.BlockSpec((1, R, c), lambda b, t: (b, t, 0)),
        ],
        out_specs=pl.BlockSpec((1, R, KNN), lambda b, t: (b, t, 0)),
        out_shape=jax.ShapeDtypeStruct((B, N, KNN), jnp.int32),
    )(x_cn, x_nc)


def _sc_body(c):
    def body(gidx_ref, x_ref, g_ref, idx_v, rows_v, sem):
        wid = lax.axis_index("s") * 2 + lax.axis_index("c")
        pltpu.sync_copy(gidx_ref.at[wid], idx_v)
        base0 = wid * PPW

        def sub_body(s, carry):
            copies = [
                pltpu.async_copy(
                    x_ref.at[idx_v.at[s * NG + j]],
                    rows_v.at[pl.ds(j * GCH, GCH)],
                    sem,
                )
                for j in range(NG)
            ]
            for cp in copies:
                cp.wait()
            pltpu.sync_copy(
                rows_v, g_ref.at[pl.ds((base0 + s * SUB) * KNN, SUB * KNN)])
            return carry

        lax.fori_loop(0, NSUB, sub_body, 0)

    return body


@functools.cache
def _get_sc_gather(c):
    mesh = plsc.VectorSubcoreMesh(core_axis_name="c", subcore_axis_name="s")
    return pl.kernel(
        _sc_body(c),
        out_type=jax.ShapeDtypeStruct((B * N * KNN, c), jnp.float32),
        mesh=mesh,
        scratch_types=[
            pltpu.VMEM((IDXROWS, 128), jnp.int32),
            pltpu.VMEM((SUB * KNN, c), jnp.float32),
            pltpu.SemaphoreType.DMA,
        ],
        compiler_params=pltpu.CompilerParams(use_tc_tiling_on_sc=False),
    )


def _kahan_add(s_ref, comp_ref, v):
    s = s_ref[...]
    t = s + v
    comp_ref[...] += jnp.where(jnp.abs(s) >= jnp.abs(v),
                               (s - t) + v, (v - t) + s)
    s_ref[...] = t


def _make_conv_body(creal):
    def _conv_body(g_ref, x_ref, w_ref, m_ref, s1_ref, s2_ref, c_ref,
                   c_v, k1_v, k2_v):
        t = pl.program_id(0)
        x = x_ref[...]
        d = g_ref[...] - x
        if creal != x.shape[-1]:
            d = d[:, :, :creal]
            x = x[:, :, :creal]
        xb = jnp.broadcast_to(x, (RC, KNN, creal))
        f = jnp.concatenate([d, xb], axis=2)
        f16 = f.astype(jnp.bfloat16)
        y = jnp.dot(f16.reshape(RC * KNN, 2 * creal), w_ref[...],
                    preferred_element_type=jnp.float32)
        ys = jnp.sum(y, axis=0, keepdims=True)

        @pl.when(t == 0)
        def _():
            cc = ys / float(RC * KNN)
            c_v[...] = cc
            c_ref[...] = cc
            s1_ref[...] = jnp.zeros_like(s1_ref)
            s2_ref[...] = jnp.zeros_like(s2_ref)
            k1_v[...] = jnp.zeros_like(k1_v)
            k2_v[...] = jnp.zeros_like(k2_v)

        yc = y - c_v[...]
        _kahan_add(s1_ref, k1_v, ys)
        _kahan_add(s2_ref, k2_v, jnp.sum(yc * yc, axis=0, keepdims=True))
        m_ref[...] = jnp.max(y.reshape(RC, KNN, CH), axis=1)

        @pl.when(t == (B * N) // RC - 1)
        def _():
            s1_ref[...] += k1_v[...]
            s2_ref[...] += k2_v[...]

    return _conv_body


def _stage_c(g, x3, wt16, creal):
    c = x3.shape[2]
    return pl.pallas_call(
        _make_conv_body(creal),
        grid=((B * N) // RC,),
        in_specs=[
            pl.BlockSpec((RC, KNN, c), lambda t: (t, 0, 0)),
            pl.BlockSpec((RC, 1, c), lambda t: (t, 0, 0)),
            pl.BlockSpec((2 * creal, CH), lambda t: (0, 0)),
        ],
        out_specs=[
            pl.BlockSpec((RC, CH), lambda t: (t, 0)),
            pl.BlockSpec((1, CH), lambda t: (0, 0)),
            pl.BlockSpec((1, CH), lambda t: (0, 0)),
            pl.BlockSpec((1, CH), lambda t: (0, 0)),
        ],
        out_shape=[
            jax.ShapeDtypeStruct((B * N, CH), jnp.float32),
            jax.ShapeDtypeStruct((1, CH), jnp.float32),
            jax.ShapeDtypeStruct((1, CH), jnp.float32),
            jax.ShapeDtypeStruct((1, CH), jnp.float32),
        ],
        scratch_shapes=[pltpu.VMEM((1, CH), jnp.float32),
                        pltpu.VMEM((1, CH), jnp.float32),
                        pltpu.VMEM((1, CH), jnp.float32)],
    )(g, x3, wt16)


def _epi_body(m_ref, s1_ref, s2_ref, c_ref, g_ref, b_ref, o_ref):
    cnt = float(B * N * KNN)
    mean = s1_ref[...] / cnt
    dc = mean - c_ref[...]
    var = s2_ref[...] / cnt - dc * dc
    r = lax.rsqrt(var + EPS)
    z = (m_ref[...] - mean) * r * g_ref[...] + b_ref[...]
    o_ref[...] = jnp.where(z >= 0, z, 0.2 * z)


def _epilogue(m, s1, s2, cc, g, bb):
    return pl.pallas_call(
        _epi_body,
        grid=(B,),
        in_specs=[
            pl.BlockSpec((N, CH), lambda i: (i, 0)),
            pl.BlockSpec((1, CH), lambda i: (0, 0)),
            pl.BlockSpec((1, CH), lambda i: (0, 0)),
            pl.BlockSpec((1, CH), lambda i: (0, 0)),
            pl.BlockSpec((1, CH), lambda i: (0, 0)),
            pl.BlockSpec((1, CH), lambda i: (0, 0)),
        ],
        out_specs=pl.BlockSpec((N, CH), lambda i: (i, 0)),
        out_shape=jax.ShapeDtypeStruct((B * N, CH), jnp.float32),
    )(m, s1, s2, cc, g, bb)


def _k5a_body(xc_ref, w_ref, y_ref, s1_ref, s2_ref):
    y = jnp.dot(xc_ref[0], w_ref[...], preferred_element_type=jnp.float32)
    y_ref[0] = y
    first = jnp.logical_and(pl.program_id(0) == 0, pl.program_id(1) == 0)

    @pl.when(first)
    def _():
        s1_ref[...] = jnp.zeros_like(s1_ref)
        s2_ref[...] = jnp.zeros_like(s2_ref)

    s1_ref[...] += jnp.sum(y, axis=0, keepdims=True)
    s2_ref[...] += jnp.sum(y * y, axis=0, keepdims=True)


def _k5a(xc, w5t):
    return pl.pallas_call(
        _k5a_body,
        grid=(B, NT5),
        in_specs=[
            pl.BlockSpec((1, R5, 4 * CH), lambda b, t: (b, t, 0)),
            pl.BlockSpec((4 * CH, 1024), lambda b, t: (0, 0)),
        ],
        out_specs=[
            pl.BlockSpec((1, R5, 1024), lambda b, t: (b, t, 0)),
            pl.BlockSpec((1, 1024), lambda b, t: (0, 0)),
            pl.BlockSpec((1, 1024), lambda b, t: (0, 0)),
        ],
        out_shape=[
            jax.ShapeDtypeStruct((B, N, 1024), jnp.float32),
            jax.ShapeDtypeStruct((1, 1024), jnp.float32),
            jax.ShapeDtypeStruct((1, 1024), jnp.float32),
        ],
    )(xc, w5t)


def _k5b_body(y_ref, s1_ref, s2_ref, g_ref, b_ref, pm_ref, pa_ref):
    t = pl.program_id(1)
    cnt = float(B * N)
    mean = s1_ref[...] / cnt
    var = s2_ref[...] / cnt - mean * mean
    scale = g_ref[...] * lax.rsqrt(var + EPS)
    shift = b_ref[...] - mean * scale
    h = y_ref[0] * scale + shift
    h = jnp.where(h >= 0, h, 0.2 * h)

    @pl.when(t == 0)
    def _():
        pm_ref[...] = jnp.full_like(pm_ref, -jnp.inf)
        pa_ref[...] = jnp.zeros_like(pa_ref)

    pm_ref[0] = jnp.maximum(pm_ref[0], jnp.max(h, axis=0, keepdims=True))
    pa_ref[0] += jnp.sum(h, axis=0, keepdims=True)

    @pl.when(t == NT5 - 1)
    def _():
        pa_ref[...] = pa_ref[...] / float(N)


def _k5b(y5, s1, s2, g, bb):
    return pl.pallas_call(
        _k5b_body,
        grid=(B, NT5),
        in_specs=[
            pl.BlockSpec((1, R5, 1024), lambda b, t: (b, t, 0)),
            pl.BlockSpec((1, 1024), lambda b, t: (0, 0)),
            pl.BlockSpec((1, 1024), lambda b, t: (0, 0)),
            pl.BlockSpec((1, 1024), lambda b, t: (0, 0)),
            pl.BlockSpec((1, 1024), lambda b, t: (0, 0)),
        ],
        out_specs=[
            pl.BlockSpec((1, 1, 1024), lambda b, t: (b, 0, 0)),
            pl.BlockSpec((1, 1, 1024), lambda b, t: (b, 0, 0)),
        ],
        out_shape=[
            jax.ShapeDtypeStruct((B, 1, 1024), jnp.float32),
            jax.ShapeDtypeStruct((B, 1, 1024), jnp.float32),
        ],
    )(y5, s1, s2, g, bb)


def _k6_body(pc_ref, wl_ref, g_ref, b_ref, o_ref):
    z = jnp.dot(pc_ref[...], wl_ref[...], preferred_element_type=jnp.float32)
    mean = jnp.mean(z, axis=0, keepdims=True)
    var = jnp.mean((z - mean) ** 2, axis=0, keepdims=True)
    zh = (z - mean) * lax.rsqrt(var + EPS)
    zz = zh * g_ref[...] + b_ref[...]
    o_ref[...] = jnp.where(zz >= 0, zz, 0.2 * zz)


def _k6(pc, wlt, g, bb):
    return pl.pallas_call(
        _k6_body,
        out_shape=jax.ShapeDtypeStruct((B, 1024), jnp.float32),
    )(pc, wlt, g, bb)


def kernel(x, W1, W2, W3, W4, W5, Wl,
           g1, b1, g2, b2, g3, b3, g4, b4, g5, b5, g6, b6):
    x16 = jnp.pad(x, ((0, 0), (0, 0), (0, 13)))

    feats = []
    xi = x16
    creal = 3
    for (W, g, bb) in ((W1, g1, b1), (W2, g2, b2), (W3, g3, b3), (W4, g4, b4)):
        c = xi.shape[2]
        wt16 = jnp.transpose(W).astype(jnp.bfloat16)
        x_cn = jnp.transpose(xi, (0, 2, 1))
        gidx = _stage_a(xi, x_cn)
        gath = _get_sc_gather(c)(
            gidx.reshape(NW, IDXROWS, 128),
            xi.reshape(B * N, c),
        )
        m, s1, s2, cc = _stage_c(
            gath.reshape(B * N, KNN, c),
            xi.reshape(B * N, 1, c),
            wt16,
            creal,
        )
        xi = _epilogue(m, s1, s2, cc, g.reshape(1, CH), bb.reshape(1, CH))
        xi = xi.reshape(B, N, CH)
        feats.append(xi)
        creal = CH
    xc = jnp.concatenate(feats, axis=2)
    y5, t1, t2 = _k5a(xc, jnp.transpose(W5))
    pm, pa = _k5b(y5, t1, t2, g5.reshape(1, 1024), b5.reshape(1, 1024))
    pc = jnp.concatenate([pm.reshape(B, 1024), pa.reshape(B, 1024)], axis=1)
    return _k6(pc, jnp.transpose(Wl), g6.reshape(1, 1024), b6.reshape(1, 1024))

# --- scband reference (transcript-rebuilt; emitter-appended) ---
"""Pipeline reference for scband-shape-encoder-dgcnn-46024869544177 (READ-ONLY COPY).

The authoritative reference and input builder live on the scoring server;
editing this copy changes nothing except your own understanding.
"""

import jax, jax.numpy as jnp
import numpy as np

K = 20
CODE = 1024

def _lrelu(x):
    return jnp.where(x >= 0, x, 0.2 * x)

def _bn(x, gamma, beta, axes):
    mean = jnp.mean(x, axis=axes, keepdims=True)
    var = jnp.var(x, axis=axes, keepdims=True)
    xh = (x - mean) * jax.lax.rsqrt(var + 1e-5)
    shape = [1] * x.ndim
    shape[1] = -1
    return xh * gamma.reshape(shape) + beta.reshape(shape)

def _knn(x, k):
    inner = -2.0 * jnp.einsum('bcn,bcm->bnm', x, x)
    xx = jnp.sum(x * x, axis=1)
    pd = -xx[:, :, None] - inner - xx[:, None, :]
    return jax.lax.top_k(pd, k)[1]

def _graph_feature(x, k):
    B, C, N = x.shape
    idx = _knn(x, k)
    xT = jnp.transpose(x, (0, 2, 1))
    feat = jax.vmap(lambda xb, ib: xb[ib])(xT, idx)
    xc = jnp.broadcast_to(xT[:, :, None, :], (B, N, k, C))
    f = jnp.concatenate([feat - xc, xc], axis=3)
    return jnp.transpose(f, (0, 3, 1, 2))

def setup_inputs(seed: int = 0):
    key = jax.random.key(seed)
    ks = jax.random.split(key, 8)
    B, N, Cin = 8, 2048, 3
    x = jax.random.normal(ks[0], (B, N, Cin), dtype=jnp.float32)
    def w(k_, shape):
        return jax.random.normal(k_, shape, dtype=jnp.float32) * np.sqrt(2.0 / shape[1])
    W1 = w(ks[1], (64, 2 * Cin))
    W2 = w(ks[2], (64, 128))
    W3 = w(ks[3], (64, 128))
    W4 = w(ks[4], (64, 128))
    W5 = w(ks[5], (CODE, 256))
    Wl = w(ks[6], (CODE, 2 * CODE))
    inp = {'x': x, 'W1': W1, 'W2': W2, 'W3': W3, 'W4': W4, 'W5': W5, 'Wl': Wl}
    for i in range(1, 5):
        inp['g%d' % i] = jnp.ones((64,), dtype=jnp.float32)
        inp['b%d' % i] = jnp.zeros((64,), dtype=jnp.float32)
    for i in (5, 6):
        inp['g%d' % i] = jnp.ones((CODE,), dtype=jnp.float32)
        inp['b%d' % i] = jnp.zeros((CODE,), dtype=jnp.float32)
    return inp

def reference(x, W1, W2, W3, W4, W5, Wl, g1, b1, g2, b2, g3, b3, g4, b4, g5, b5, g6, b6):
    xt = jnp.transpose(x, (0, 2, 1))
    f = _graph_feature(xt, K)
    h = _lrelu(_bn(jnp.einsum('oc,bcnk->bonk', W1, f), g1, b1, (0, 2, 3)))
    x1 = jnp.max(h, axis=-1)
    f = _graph_feature(x1, K)
    h = _lrelu(_bn(jnp.einsum('oc,bcnk->bonk', W2, f), g2, b2, (0, 2, 3)))
    x2 = jnp.max(h, axis=-1)
    f = _graph_feature(x2, K)
    h = _lrelu(_bn(jnp.einsum('oc,bcnk->bonk', W3, f), g3, b3, (0, 2, 3)))
    x3 = jnp.max(h, axis=-1)
    f = _graph_feature(x3, K)
    h = _lrelu(_bn(jnp.einsum('oc,bcnk->bonk', W4, f), g4, b4, (0, 2, 3)))
    x4 = jnp.max(h, axis=-1)
    xc = jnp.concatenate([x1, x2, x3, x4], axis=1)
    h5 = _lrelu(_bn(jnp.einsum('oc,bcn->bon', W5, xc), g5, b5, (0, 2)))
    pm = jnp.max(h5, axis=-1)
    pa = jnp.mean(h5, axis=-1)
    pc = jnp.concatenate([pm, pa], axis=1)
    out = _lrelu(_bn(pc @ Wl.T, g6, b6, (0,)))
    return out

if __name__ == "__main__":
    import jax
    _d = setup_inputs()
    print(jax.jit(kernel)(*tuple(_d.values())))

</pallas_src>

<mosaic_0001>
#map = affine_map<(d0, d1) -> (0, 0, 0)>
#map1 = affine_map<(d0, d1) -> (0, 0)>
module attributes {stable_mosaic.version = 14 : i64} {
  func.func @body(%arg0: i32, %arg1: i32, %arg2: memref<32x80x128xi32, #tpu.memory_space<hbm>>, %arg3: memref<16384x64xf32, #tpu.memory_space<hbm>>, %arg4: memref<327680x64xf32, #tpu.memory_space<hbm>>, %arg5: memref<80x128xi32, #tpu.memory_space<vmem>>, %arg6: memref<1280x64xf32, #tpu.memory_space<vmem>>, %arg7: memref<!tpu.dma_semaphore, #tpu.memory_space<semaphore_mem>>) attributes {dimension_semantics = [#tpu.dimension_semantics<core_parallel>, #tpu.dimension_semantics<subcore_parallel>], iteration_bounds = array<i64: 2, 16>, scalar_prefetch = 0 : i64, scratch_operands = 3 : i64, tpu.core_type = #tpu.core_type<sc_vector_subcore>, window_params = [{transform_indices = #map}, {transform_indices = #map1}, {transform_indices = #map1}]} {
    %mul3A = arith.constant 2 : i32
    %mul3A_0 = arith.muli %arg1, %mul3A : i32
    %add3A = arith.addi %mul3A_0, %arg0 : i32
    "tpu.region"() ({
      %run_scoped3A = tpu.sem_alloc : memref<!tpu.dma_semaphore, #tpu.memory_space<semaphore_mem>>
      %dma_start3A = arith.constant 0 : i32
      %dma_start3A_8 = arith.constant 0 : i32
      %dma_start3A_9 = tpu.memref_slice %arg2[%add3A, %dma_start3A, %dma_start3A_8] : memref<32x80x128xi32, #tpu.memory_space<hbm>> -> memref<1x80x128xi32, #tpu.memory_space<hbm>>
      %dma_start3A_10 = tpu.memref_squeeze %dma_start3A_9 : memref<1x80x128xi32, #tpu.memory_space<hbm>> -> memref<80x128xi32, #tpu.memory_space<hbm>>
      %dma_start3A_11 = arith.constant 0 : i32
      %dma_start3A_12 = arith.constant 0 : i32
      %dma_start3A_13 = tpu.memref_slice %arg2[%add3A, %dma_start3A_11, %dma_start3A_12] : memref<32x80x128xi32, #tpu.memory_space<hbm>> -> memref<1x80x128xi32, #tpu.memory_space<hbm>>
      %dma_start3A_14 = tpu.memref_squeeze %dma_start3A_13 : memref<1x80x128xi32, #tpu.memory_space<hbm>> -> memref<80x128xi32, #tpu.memory_space<hbm>>
      tpu.enqueue_dma source(%dma_start3A_14 : memref<80x128xi32, #tpu.memory_space<hbm>>) target(%arg5 : memref<80x128xi32, #tpu.memory_space<vmem>>) target_semaphore(%run_scoped3A : memref<!tpu.dma_semaphore, #tpu.memory_space<semaphore_mem>>)
      %dma_wait3A = arith.constant 0 : i32
      %dma_wait3A_15 = arith.constant 0 : i32
      %dma_wait3A_16 = tpu.memref_slice %arg2[%add3A, %dma_wait3A, %dma_wait3A_15] : memref<32x80x128xi32, #tpu.memory_space<hbm>> -> memref<1x80x128xi32, #tpu.memory_space<hbm>>
      %dma_wait3A_17 = tpu.memref_squeeze %dma_wait3A_16 : memref<1x80x128xi32, #tpu.memory_space<hbm>> -> memref<80x128xi32, #tpu.memory_space<hbm>>
      %dma_wait3A_18 = arith.constant 0 : i32
      %dma_wait3A_19 = arith.constant 0 : i32
      %dma_wait3A_20 = tpu.memref_slice %arg2[%add3A, %dma_wait3A_18, %dma_wait3A_19] : memref<32x80x128xi32, #tpu.memory_space<hbm>> -> memref<1x80x128xi32, #tpu.memory_space<hbm>>
      %dma_wait3A_21 = tpu.memref_squeeze %dma_wait3A_20 : memref<1x80x128xi32, #tpu.memory_space<hbm>> -> memref<80x128xi32, #tpu.memory_space<hbm>>
      tpu.wait_dma2 semaphore(%run_scoped3A : memref<!tpu.dma_semaphore, #tpu.memory_space<semaphore_mem>>) src(%dma_wait3A_21 : memref<80x128xi32, #tpu.memory_space<hbm>>) dst(%arg5 : memref<80x128xi32, #tpu.memory_space<vmem>>)
      tpu.yield
    }) : () -> ()
    %mul3A_1 = arith.constant 512 : i32
    %mul3A_2 = arith.muli %add3A, %mul3A_1 : i32
    %scan3A = arith.constant 0 : i32
    %scan3A_3 = arith.constant 0 : i32
    %scan3A_4 = arith.constant 8 : i32
    %scan3A_5 = arith.addi %scan3A_3, %scan3A_4 : i32
    %scan3A_6 = arith.constant 1 : i32
    scf.for %scan3A_8 = %scan3A_3 to %scan3A_5 step %scan3A_6  : i32 {
      %mul3A_9 = arith.constant 10 : i32
      %mul3A_10 = arith.muli %scan3A_8, %mul3A_9 : i32
      %add3A_11 = arith.constant 0 : i32
      %add3A_12 = arith.addi %mul3A_10, %add3A_11 : i32
      %dma_start3A = arith.constant 0 : i32
      %dma_start3A_13 = arith.constant 0 : i32
      %dma_start3A_14 = tpu.memref_slice %arg6[%dma_start3A, %dma_start3A_13] : memref<1280x64xf32, #tpu.memory_space<vmem>> -> memref<128x64xf32, #tpu.memory_space<vmem>>
      %dma_start3A_15 = arith.constant 0 : i32
      %dma_start3A_16 = tpu.memref_slice %arg5[%add3A_12, %dma_start3A_15] : memref<80x128xi32, #tpu.memory_space<vmem>> -> memref<1x128xi32, #tpu.memory_space<vmem>>
      %dma_start3A_17 = tpu.memref_squeeze %dma_start3A_16 : memref<1x128xi32, #tpu.memory_space<vmem>> -> memref<128xi32, #tpu.memory_space<vmem>>
      %dma_start3A_18 = arith.constant 0 : i32
      %dma_start3A_19 = arith.constant 0 : i32
      %dma_start3A_20 = tpu.memref_slice %arg3[%dma_start3A_18, %dma_start3A_19] : memref<16384x64xf32, #tpu.memory_space<hbm>> -> memref<16384x64xf32, #tpu.memory_space<hbm>>
      tpu.enqueue_indirect_dma source(%dma_start3A_20 : memref<16384x64xf32, #tpu.memory_space<hbm>>) target(%dma_start3A_14 : memref<128x64xf32, #tpu.memory_space<vmem>>) offsets(%dma_start3A_17 : memref<128xi32, #tpu.memory_space<vmem>>) semaphore(%arg7 : memref<!tpu.dma_semaphore, #tpu.memory_space<semaphore_mem>>)
      %mul3A_21 = arith.constant 10 : i32
      %mul3A_22 = arith.muli %scan3A_8, %mul3A_21 : i32
      %add3A_23 = arith.constant 1 : i32
      %add3A_24 = arith.addi %mul3A_22, %add3A_23 : i32
      %dma_start3A_25 = arith.constant 128 : i32
      %dma_start3A_26 = arith.constant 0 : i32
      %dma_start3A_27 = tpu.memref_slice %arg6[%dma_start3A_25, %dma_start3A_26] : memref<1280x64xf32, #tpu.memory_space<vmem>> -> memref<128x64xf32, #tpu.memory_space<vmem>>
      %dma_start3A_28 = arith.constant 0 : i32
      %dma_start3A_29 = tpu.memref_slice %arg5[%add3A_24, %dma_start3A_28] : memref<80x128xi32, #tpu.memory_space<vmem>> -> memref<1x128xi32, #tpu.memory_space<vmem>>
      %dma_start3A_30 = tpu.memref_squeeze %dma_start3A_29 : memref<1x128xi32, #tpu.memory_space<vmem>> -> memref<128xi32, #tpu.memory_space<vmem>>
      %dma_start3A_31 = arith.constant 0 : i32
      %dma_start3A_32 = arith.constant 0 : i32
      %dma_start3A_33 = tpu.memref_slice %arg3[%dma_start3A_31, %dma_start3A_32] : memref<16384x64xf32, #tpu.memory_space<hbm>> -> memref<16384x64xf32, #tpu.memory_space<hbm>>
      tpu.enqueue_indirect_dma source(%dma_start3A_33 : memref<16384x64xf32, #tpu.memory_space<hbm>>) target(%dma_start3A_27 : memref<128x64xf32, #tpu.memory_space<vmem>>) offsets(%dma_start3A_30 : memref<128xi32, #tpu.memory_space<vmem>>) semaphore(%arg7 : memref<!tpu.dma_semaphore, #tpu.memory_space<semaphore_mem>>)
      %mul3A_34 = arith.constant 10 : i32
      %mul3A_35 = arith.muli %scan3A_8, %mul3A_34 : i32
      %add3A_36 = arith.constant 2 : i32
      %add3A_37 = arith.addi %mul3A_35, %add3A_36 : i32
      %dma_start3A_38 = arith.constant 256 : i32
      %dma_start3A_39 = arith.constant 0 : i32
      %dma_start3A_40 = tpu.memref_slice %arg6[%dma_start3A_38, %dma_start3A_39] : memref<1280x64xf32, #tpu.memory_space<vmem>> -> memref<128x64xf32, #tpu.memory_space<vmem>>
      %dma_start3A_41 = arith.constant 0 : i32
      %dma_start3A_42 = tpu.memref_slice %arg5[%add3A_37, %dma_start3A_41] : memref<80x128xi32, #tpu.memory_space<vmem>> -> memref<1x128xi32, #tpu.memory_space<vmem>>
      %dma_start3A_43 = tpu.memref_squeeze %dma_start3A_42 : memref<1x128xi32, #tpu.memory_space<vmem>> -> memref<128xi32, #tpu.memory_space<vmem>>
      %dma_start3A_44 = arith.constant 0 : i32
      %dma_start3A_45 = arith.constant 0 : i32
      %dma_start3A_46 = tpu.memref_slice %arg3[%dma_start3A_44, %dma_start3A_45] : memref<16384x64xf32, #tpu.memory_space<hbm>> -> memref<16384x64xf32, #tpu.memory_space<hbm>>
      tpu.enqueue_indirect_dma source(%dma_start3A_46 : memref<16384x64xf32, #tpu.memory_space<hbm>>) target(%dma_start3A_40 : memref<128x64xf32, #tpu.memory_space<vmem>>) offsets(%dma_start3A_43 : memref<128xi32, #tpu.memory_space<vmem>>) semaphore(%arg7 : memref<!tpu.dma_semaphore, #tpu.memory_space<semaphore_mem>>)
      %mul3A_47 = arith.constant 10 : i32
      %mul3A_48 = arith.muli %scan3A_8, %mul3A_47 : i32
      %add3A_49 = arith.constant 3 : i32
      %add3A_50 = arith.addi %mul3A_48, %add3A_49 : i32
      %dma_start3A_51 = arith.constant 384 : i32
      %dma_start3A_52 = arith.constant 0 : i32
      %dma_start3A_53 = tpu.memref_slice %arg6[%dma_start3A_51, %dma_start3A_52] : memref<1280x64xf32, #tpu.memory_space<vmem>> -> memref<128x64xf32, #tpu.memory_space<vmem>>
      %dma_start3A_54 = arith.constant 0 : i32
      %dma_start3A_55 = tpu.memref_slice %arg5[%add3A_50, %dma_start3A_54] : memref<80x128xi32, #tpu.memory_space<vmem>> -> memref<1x128xi32, #tpu.memory_space<vmem>>
      %dma_start3A_56 = tpu.memref_squeeze %dma_start3A_55 : memref<1x128xi32, #tpu.memory_space<vmem>> -> memref<128xi32, #tpu.memory_space<vmem>>
      %dma_start3A_57 = arith.constant 0 : i32
      %dma_start3A_58 = arith.constant 0 : i32
      %dma_start3A_59 = tpu.memref_slice %arg3[%dma_start3A_57, %dma_start3A_58] : memref<16384x64xf32, #tpu.memory_space<hbm>> -> memref<16384x64xf32, #tpu.memory_space<hbm>>
      tpu.enqueue_indirect_dma source(%dma_start3A_59 : memref<16384x64xf32, #tpu.memory_space<hbm>>) target(%dma_start3A_53 : memref<128x64xf32, #tpu.memory_space<vmem>>) offsets(%dma_start3A_56 : memref<128xi32, #tpu.memory_space<vmem>>) semaphore(%arg7 : memref<!tpu.dma_semaphore, #tpu.memory_space<semaphore_mem>>)
      %mul3A_60 = arith.constant 10 : i32
      %mul3A_61 = arith.muli %scan3A_8, %mul3A_60 : i32
      %add3A_62 = arith.constant 4 : i32
      %add3A_63 = arith.addi %mul3A_61, %add3A_62 : i32
      %dma_start3A_64 = arith.constant 512 : i32
      %dma_start3A_65 = arith.constant 0 : i32
      %dma_start3A_66 = tpu.memref_slice %arg6[%dma_start3A_64, %dma_start3A_65] : memref<1280x64xf32, #tpu.memory_space<vmem>> -> memref<128x64xf32, #tpu.memory_space<vmem>>
      %dma_start3A_67 = arith.constant 0 : i32
      %dma_start3A_68 = tpu.memref_slice %arg5[%add3A_63, %dma_start3A_67] : memref<80x128xi32, #tpu.memory_space<vmem>> -> memref<1x128xi32, #tpu.memory_space<vmem>>
      %dma_start3A_69 = tpu.memref_squeeze %dma_start3A_68 : memref<1x128xi32, #tpu.memory_space<vmem>> -> memref<128xi32, #tpu.memory_space<vmem>>
      %dma_start3A_70 = arith.constant 0 : i32
      %dma_start3A_71 = arith.constant 0 : i32
      %dma_start3A_72 = tpu.memref_slice %arg3[%dma_start3A_70, %dma_start3A_71] : memref<16384x64xf32, #tpu.memory_space<hbm>> -> memref<16384x64xf32, #tpu.memory_space<hbm>>
      tpu.enqueue_indirect_dma source(%dma_start3A_72 : memref<16384x64xf32, #tpu.memory_space<hbm>>) target(%dma_start3A_66 : memref<128x64xf32, #tpu.memory_space<vmem>>) offsets(%dma_start3A_69 : memref<128xi32, #tpu.memory_space<vmem>>) semaphore(%arg7 : memref<!tpu.dma_semaphore, #tpu.memory_space<semaphore_mem>>)
      %mul3A_73 = arith.constant 10 : i32
      %mul3A_74 = arith.muli %scan3A_8, %mul3A_73 : i32
      %add3A_75 = arith.constant 5 : i32
      %add3A_76 = arith.addi %mul3A_74, %add3A_75 : i32
      %dma_start3A_77 = arith.constant 640 : i32
      %dma_start3A_78 = arith.constant 0 : i32
      %dma_start3A_79 = tpu.memref_slice %arg6[%dma_start3A_77, %dma_start3A_78] : memref<1280x64xf32, #tpu.memory_space<vmem>> -> memref<128x64xf32, #tpu.memory_space<vmem>>
      %dma_start3A_80 = arith.constant 0 : i32
      %dma_start3A_81 = tpu.memref_slice %arg5[%add3A_76, %dma_start3A_80] : memref<80x128xi32, #tpu.memory_space<vmem>> -> memref<1x128xi32, #tpu.memory_space<vmem>>
      %dma_start3A_82 = tpu.memref_squeeze %dma_start3A_81 : memref<1x128xi32, #tpu.memory_space<vmem>> -> memref<128xi32, #tpu.memory_space<vmem>>
      %dma_start3A_83 = arith.constant 0 : i32
      %dma_start3A_84 = arith.constant 0 : i32
      %dma_start3A_85 = tpu.memref_slice %arg3[%dma_start3A_83, %dma_start3A_84] : memref<16384x64xf32, #tpu.memory_space<hbm>> -> memref<16384x64xf32, #tpu.memory_space<hbm>>
      tpu.enqueue_indirect_dma source(%dma_start3A_85 : memref<16384x64xf32, #tpu.memory_space<hbm>>) target(%dma_start3A_79 : memref<128x64xf32, #tpu.memory_space<vmem>>) offsets(%dma_start3A_82 : memref<128xi32, #tpu.memory_space<vmem>>) semaphore(%arg7 : memref<!tpu.dma_semaphore, #tpu.memory_space<semaphore_mem>>)
      %mul3A_86 = arith.constant 10 : i32
      %mul3A_87 = arith.muli %scan3A_8, %mul3A_86 : i32
      %add3A_88 = arith.constant 6 : i32
      %add3A_89 = arith.addi %mul3A_87, %add3A_88 : i32
      %dma_start3A_90 = arith.constant 768 : i32
      %dma_start3A_91 = arith.constant 0 : i32
      %dma_start3A_92 = tpu.memref_slice %arg6[%dma_start3A_90, %dma_start3A_91] : memref<1280x64xf32, #tpu.memory_space<vmem>> -> memref<128x64xf32, #tpu.memory_space<vmem>>
      %dma_start3A_93 = arith.constant 0 : i32
      %dma_start3A_94 = tpu.memref_slice %arg5[%add3A_89, %dma_start3A_93] : memref<80x128xi32, #tpu.memory_space<vmem>> -> memref<1x128xi32, #tpu.memory_space<vmem>>
      %dma_start3A_95 = tpu.memref_squeeze %dma_start3A_94 : memref<1x128xi32, #tpu.memory_space<vmem>> -> memref<128xi32, #tpu.memory_space<vmem>>
      %dma_start3A_96 = arith.constant 0 : i32
      %dma_start3A_97 = arith.constant 0 : i32
      %dma_start3A_98 = tpu.memref_slice %arg3[%dma_start3A_96, %dma_start3A_97] : memref<16384x64xf32, #tpu.memory_space<hbm>> -> memref<16384x64xf32, #tpu.memory_space<hbm>>
      tpu.enqueue_indirect_dma source(%dma_start3A_98 : memref<16384x64xf32, #tpu.memory_space<hbm>>) target(%dma_start3A_92 : memref<128x64xf32, #tpu.memory_space<vmem>>) offsets(%dma_start3A_95 : memref<128xi32, #tpu.memory_space<vmem>>) semaphore(%arg7 : memref<!tpu.dma_semaphore, #tpu.memory_space<semaphore_mem>>)
      %mul3A_99 = arith.constant 10 : i32
      %mul3A_100 = arith.muli %scan3A_8, %mul3A_99 : i32
      %add3A_101 = arith.constant 7 : i32
      %add3A_102 = arith.addi %mul3A_100, %add3A_101 : i32
      %dma_start3A_103 = arith.constant 896 : i32
      %dma_start3A_104 = arith.constant 0 : i32
      %dma_start3A_105 = tpu.memref_slice %arg6[%dma_start3A_103, %dma_start3A_104] : memref<1280x64xf32, #tpu.memory_space<vmem>> -> memref<128x64xf32, #tpu.memory_space<vmem>>
      %dma_start3A_106 = arith.constant 0 : i32
      %dma_start3A_107 = tpu.memref_slice %arg5[%add3A_102, %dma_start3A_106] : memref<80x128xi32, #tpu.memory_space<vmem>> -> memref<1x128xi32, #tpu.memory_space<vmem>>
      %dma_start3A_108 = tpu.memref_squeeze %dma_start3A_107 : memref<1x128xi32, #tpu.memory_space<vmem>> -> memref<128xi32, #tpu.memory_space<vmem>>
      %dma_start3A_109 = arith.constant 0 : i32
      %dma_start3A_110 = arith.constant 0 : i32
      %dma_start3A_111 = tpu.memref_slice %arg3[%dma_start3A_109, %dma_start3A_110] : memref<16384x64xf32, #tpu.memory_space<hbm>> -> memref<16384x64xf32, #tpu.memory_space<hbm>>
      tpu.enqueue_indirect_dma source(%dma_start3A_111 : memref<16384x64xf32, #tpu.memory_space<hbm>>) target(%dma_start3A_105 : memref<128x64xf32, #tpu.memory_space<vmem>>) offsets(%dma_start3A_108 : memref<128xi32, #tpu.memory_space<vmem>>) semaphore(%arg7 : memref<!tpu.dma_semaphore, #tpu.memory_space<semaphore_mem>>)
      %mul3A_112 = arith.constant 10 : i32
      %mul3A_113 = arith.muli %scan3A_8, %mul3A_112 : i32
      %add3A_114 = arith.constant 8 : i32
      %add3A_115 = arith.addi %mul3A_113, %add3A_114 : i32
      %dma_start3A_116 = arith.constant 1024 : i32
      %dma_start3A_117 = arith.constant 0 : i32
      %dma_start3A_118 = tpu.memref_slice %arg6[%dma_start3A_116, %dma_start3A_117] : memref<1280x64xf32, #tpu.memory_space<vmem>> -> memref<128x64xf32, #tpu.memory_space<vmem>>
      %dma_start3A_119 = arith.constant 0 : i32
      %dma_start3A_120 = tpu.memref_slice %arg5[%add3A_115, %dma_start3A_119] : memref<80x128xi32, #tpu.memory_space<vmem>> -> memref<1x128xi32, #tpu.memory_space<vmem>>
      %dma_start3A_121 = tpu.memref_squeeze %dma_start3A_120 : memref<1x128xi32, #tpu.memory_space<vmem>> -> memref<128xi32, #tpu.memory_space<vmem>>
      %dma_start3A_122 = arith.constant 0 : i32
      %dma_start3A_123 = arith.constant 0 : i32
      %dma_start3A_124 = tpu.memref_slice %arg3[%dma_start3A_122, %dma_start3A_123] : memref<16384x64xf32, #tpu.memory_space<hbm>> -> memref<16384x64xf32, #tpu.memory_space<hbm>>
      tpu.enqueue_indirect_dma source(%dma_start3A_124 : memref<16384x64xf32, #tpu.memory_space<hbm>>) target(%dma_start3A_118 : memref<128x64xf32, #tpu.memory_space<vmem>>) offsets(%dma_start3A_121 : memref<128xi32, #tpu.memory_space<vmem>>) semaphore(%arg7 : memref<!tpu.dma_semaphore, #tpu.memory_space<semaphore_mem>>)
      %mul3A_125 = arith.constant 10 : i32
      %mul3A_126 = arith.muli %scan3A_8, %mul3A_125 : i32
      %add3A_127 = arith.constant 9 : i32
      %add3A_128 = arith.addi %mul3A_126, %add3A_127 : i32
      %dma_start3A_129 = arith.constant 1152 : i32
      %dma_start3A_130 = arith.constant 0 : i32
      %dma_start3A_131 = tpu.memref_slice %arg6[%dma_start3A_129, %dma_start3A_130] : memref<1280x64xf32, #tpu.memory_space<vmem>> -> memref<128x64xf32, #tpu.memory_space<vmem>>
      %dma_start3A_132 = arith.constant 0 : i32
      %dma_start3A_133 = tpu.memref_slice %arg5[%add3A_128, %dma_start3A_132] : memref<80x128xi32, #tpu.memory_space<vmem>> -> memref<1x128xi32, #tpu.memory_space<vmem>>
      %dma_start3A_134 = tpu.memref_squeeze %dma_start3A_133 : memref<1x128xi32, #tpu.memory_space<vmem>> -> memref<128xi32, #tpu.memory_space<vmem>>
      %dma_start3A_135 = arith.constant 0 : i32
      %dma_start3A_136 = arith.constant 0 : i32
      %dma_start3A_137 = tpu.memref_slice %arg3[%dma_start3A_135, %dma_start3A_136] : memref<16384x64xf32, #tpu.memory_space<hbm>> -> memref<16384x64xf32, #tpu.memory_space<hbm>>
      tpu.enqueue_indirect_dma source(%dma_start3A_137 : memref<16384x64xf32, #tpu.memory_space<hbm>>) target(%dma_start3A_131 : memref<128x64xf32, #tpu.memory_space<vmem>>) offsets(%dma_start3A_134 : memref<128xi32, #tpu.memory_space<vmem>>) semaphore(%arg7 : memref<!tpu.dma_semaphore, #tpu.memory_space<semaphore_mem>>)
      %dma_wait3A = arith.constant 0 : i32
      %dma_wait3A_138 = arith.constant 0 : i32
      %dma_wait3A_139 = tpu.memref_slice %arg6[%dma_wait3A, %dma_wait3A_138] : memref<1280x64xf32, #tpu.memory_space<vmem>> -> memref<128x64xf32, #tpu.memory_space<vmem>>
      %dma_wait3A_140 = arith.constant 0 : i32
      %dma_wait3A_141 = tpu.memref_slice %arg5[%add3A_12, %dma_wait3A_140] : memref<80x128xi32, #tpu.memory_space<vmem>> -> memref<1x128xi32, #tpu.memory_space<vmem>>
      %dma_wait3A_142 = tpu.memref_squeeze %dma_wait3A_141 : memref<1x128xi32, #tpu.memory_space<vmem>> -> memref<128xi32, #tpu.memory_space<vmem>>
      %dma_wait3A_143 = arith.constant 0 : i32
      %dma_wait3A_144 = arith.constant 0 : i32
      %dma_wait3A_145 = tpu.memref_slice %arg3[%dma_wait3A_143, %dma_wait3A_144] : memref<16384x64xf32, #tpu.memory_space<hbm>> -> memref<16384x64xf32, #tpu.memory_space<hbm>>
      tpu.wait_indirect_dma semaphore(%arg7 : memref<!tpu.dma_semaphore, #tpu.memory_space<semaphore_mem>>) src(%dma_wait3A_145 : memref<16384x64xf32, #tpu.memory_space<hbm>>) dst(%dma_wait3A_139 : memref<128x64xf32, #tpu.memory_space<vmem>>)
      %dma_wait3A_146 = arith.constant 128 : i32
      %dma_wait3A_147 = arith.constant 0 : i32
      %dma_wait3A_148 = tpu.memref_slice %arg6[%dma_wait3A_146, %dma_wait3A_147] : memref<1280x64xf32, #tpu.memory_space<vmem>> -> memref<128x64xf32, #tpu.memory_space<vmem>>
      %dma_wait3A_149 = arith.constant 0 : i32
      %dma_wait3A_150 = tpu.memref_slice %arg5[%add3A_24, %dma_wait3A_149] : memref<80x128xi32, #tpu.memory_space<vmem>> -> memref<1x128xi32, #tpu.memory_space<vmem>>
      %dma_wait3A_151 = tpu.memref_squeeze %dma_wait3A_150 : memref<1x128xi32, #tpu.memory_space<vmem>> -> memref<128xi32, #tpu.memory_space<vmem>>
      %dma_wait3A_152 = arith.constant 0 : i32
      %dma_wait3A_153 = arith.constant 0 : i32
      %dma_wait3A_154 = tpu.memref_slice %arg3[%dma_wait3A_152, %dma_wait3A_153] : memref<16384x64xf32, #tpu.memory_space<hbm>> -> memref<16384x64xf32, #tpu.memory_space<hbm>>
      tpu.wait_indirect_dma semaphore(%arg7 : memref<!tpu.dma_semaphore, #tpu.memory_space<semaphore_mem>>) src(%dma_wait3A_154 : memref<16384x64xf32, #tpu.memory_space<hbm>>) dst(%dma_wait3A_148 : memref<128x64xf32, #tpu.memory_space<vmem>>)
      %dma_wait3A_155 = arith.constant 256 : i32
      %dma_wait3A_156 = arith.constant 0 : i32
      %dma_wait3A_157 = tpu.memref_slice %arg6[%dma_wait3A_155, %dma_wait3A_156] : memref<1280x64xf32, #tpu.memory_space<vmem>> -> memref<128x64xf32, #tpu.memory_space<vmem>>
      %dma_wait3A_158 = arith.constant 0 : i32
      %dma_wait3A_159 = tpu.memref_slice %arg5[%add3A_37, %dma_wait3A_158] : memref<80x128xi32, #tpu.memory_space<vmem>> -> memref<1x128xi32, #tpu.memory_space<vmem>>
      %dma_wait3A_160 = tpu.memref_squeeze %dma_wait3A_159 : memref<1x128xi32, #tpu.memory_space<vmem>> -> memref<128xi32, #tpu.memory_space<vmem>>
      %dma_wait3A_161 = arith.constant 0 : i32
      %dma_wait3A_162 = arith.constant 0 : i32
      %dma_wait3A_163 = tpu.memref_slice %arg3[%dma_wait3A_161, %dma_wait3A_162] : memref<16384x64xf32, #tpu.memory_space<hbm>> -> memref<16384x64xf32, #tpu.memory_space<hbm>>
      tpu.wait_indirect_dma semaphore(%arg7 : memref<!tpu.dma_semaphore, #tpu.memory_space<semaphore_mem>>) src(%dma_wait3A_163 : memref<16384x64xf32, #tpu.memory_space<hbm>>) dst(%dma_wait3A_157 : memref<128x64xf32, #tpu.memory_space<vmem>>)
      %dma_wait3A_164 = arith.constant 384 : i32
      %dma_wait3A_165 = arith.constant 0 : i32
      %dma_wait3A_166 = tpu.memref_slice %arg6[%dma_wait3A_164, %dma_wait3A_165] : memref<1280x64xf32, #tpu.memory_space<vmem>> -> memref<128x64xf32, #tpu.memory_space<vmem>>
      %dma_wait3A_167 = arith.constant 0 : i32
      %dma_wait3A_168 = tpu.memref_slice %arg5[%add3A_50, %dma_wait3A_167] : memref<80x128xi32, #tpu.memory_space<vmem>> -> memref<1x128xi32, #tpu.memory_space<vmem>>
      %dma_wait3A_169 = tpu.memref_squeeze %dma_wait3A_168 : memref<1x128xi32, #tpu.memory_space<vmem>> -> memref<128xi32, #tpu.memory_space<vmem>>
      %dma_wait3A_170 = arith.constant 0 : i32
      %dma_wait3A_171 = arith.constant 0 : i32
      %dma_wait3A_172 = tpu.memref_slice %arg3[%dma_wait3A_170, %dma_wait3A_171] : memref<16384x64xf32, #tpu.memory_space<hbm>> -> memref<16384x64xf32, #tpu.memory_space<hbm>>
      tpu.wait_indirect_dma semaphore(%arg7 : memref<!tpu.dma_semaphore, #tpu.memory_space<semaphore_mem>>) src(%dma_wait3A_172 : memref<16384x64xf32, #tpu.memory_space<hbm>>) dst(%dma_wait3A_166 : memref<128x64xf32, #tpu.memory_space<vmem>>)
      %dma_wait3A_173 = arith.constant 512 : i32
      %dma_wait3A_174 = arith.constant 0 : i32
      %dma_wait3A_175 = tpu.memref_slice %arg6[%dma_wait3A_173, %dma_wait3A_174] : memref<1280x64xf32, #tpu.memory_space<vmem>> -> memref<128x64xf32, #tpu.memory_space<vmem>>
      %dma_wait3A_176 = arith.constant 0 : i32
      %dma_wait3A_177 = tpu.memref_slice %arg5[%add3A_63, %dma_wait3A_176] : memref<80x128xi32, #tpu.memory_space<vmem>> -> memref<1x128xi32, #tpu.memory_space<vmem>>
      %dma_wait3A_178 = tpu.memref_squeeze %dma_wait3A_177 : memref<1x128xi32, #tpu.memory_space<vmem>> -> memref<128xi32, #tpu.memory_space<vmem>>
      %dma_wait3A_179 = arith.constant 0 : i32
      %dma_wait3A_180 = arith.constant 0 : i32
      %dma_wait3A_181 = tpu.memref_slice %arg3[%dma_wait3A_179, %dma_wait3A_180] : memref<16384x64xf32, #tpu.memory_space<hbm>> -> memref<16384x64xf32, #tpu.memory_space<hbm>>
      tpu.wait_indirect_dma semaphore(%arg7 : memref<!tpu.dma_semaphore, #tpu.memory_space<semaphore_mem>>) src(%dma_wait3A_181 : memref<16384x64xf32, #tpu.memory_space<hbm>>) dst(%dma_wait3A_175 : memref<128x64xf32, #tpu.memory_space<vmem>>)
      %dma_wait3A_182 = arith.constant 640 : i32
      %dma_wait3A_183 = arith.constant 0 : i32
      %dma_wait3A_184 = tpu.memref_slice %arg6[%dma_wait3A_182, %dma_wait3A_183] : memref<1280x64xf32, #tpu.memory_space<vmem>> -> memref<128x64xf32, #tpu.memory_space<vmem>>
      %dma_wait3A_185 = arith.constant 0 : i32
      %dma_wait3A_186 = tpu.memref_slice %arg5[%add3A_76, %dma_wait3A_185] : memref<80x128xi32, #tpu.memory_space<vmem>> -> memref<1x128xi32, #tpu.memory_space<vmem>>
      %dma_wait3A_187 = tpu.memref_squeeze %dma_wait3A_186 : memref<1x128xi32, #tpu.memory_space<vmem>> -> memref<128xi32, #tpu.memory_space<vmem>>
      %dma_wait3A_188 = arith.constant 0 : i32
      %dma_wait3A_189 = arith.constant 0 : i32
      %dma_wait3A_190 = tpu.memref_slice %arg3[%dma_wait3A_188, %dma_wait3A_189] : memref<16384x64xf32, #tpu.memory_space<hbm>> -> memref<16384x64xf32, #tpu.memory_space<hbm>>
      tpu.wait_indirect_dma semaphore(%arg7 : memref<!tpu.dma_semaphore, #tpu.memory_space<semaphore_mem>>) src(%dma_wait3A_190 : memref<16384x64xf32, #tpu.memory_space<hbm>>) dst(%dma_wait3A_184 : memref<128x64xf32, #tpu.memory_space<vmem>>)
      %dma_wait3A_191 = arith.constant 768 : i32
      %dma_wait3A_192 = arith.constant 0 : i32
      %dma_wait3A_193 = tpu.memref_slice %arg6[%dma_wait3A_191, %dma_wait3A_192] : memref<1280x64xf32, #tpu.memory_space<vmem>> -> memref<128x64xf32, #tpu.memory_space<vmem>>
      %dma_wait3A_194 = arith.constant 0 : i32
      %dma_wait3A_195 = tpu.memref_slice %arg5[%add3A_89, %dma_wait3A_194] : memref<80x128xi32, #tpu.memory_space<vmem>> -> memref<1x128xi32, #tpu.memory_space<vmem>>
      %dma_wait3A_196 = tpu.memref_squeeze %dma_wait3A_195 : memref<1x128xi32, #tpu.memory_space<vmem>> -> memref<128xi32, #tpu.memory_space<vmem>>
      %dma_wait3A_197 = arith.constant 0 : i32
      %dma_wait3A_198 = arith.constant 0 : i32
      %dma_wait3A_199 = tpu.memref_slice %arg3[%dma_wait3A_197, %dma_wait3A_198] : memref<16384x64xf32, #tpu.memory_space<hbm>> -> memref<16384x64xf32, #tpu.memory_space<hbm>>
      tpu.wait_indirect_dma semaphore(%arg7 : memref<!tpu.dma_semaphore, #tpu.memory_space<semaphore_mem>>) src(%dma_wait3A_199 : memref<16384x64xf32, #tpu.memory_space<hbm>>) dst(%dma_wait3A_193 : memref<128x64xf32, #tpu.memory_space<vmem>>)
      %dma_wait3A_200 = arith.constant 896 : i32
      %dma_wait3A_201 = arith.constant 0 : i32
      %dma_wait3A_202 = tpu.memref_slice %arg6[%dma_wait3A_200, %dma_wait3A_201] : memref<1280x64xf32, #tpu.memory_space<vmem>> -> memref<128x64xf32, #tpu.memory_space<vmem>>
      %dma_wait3A_203 = arith.constant 0 : i32
      %dma_wait3A_204 = tpu.memref_slice %arg5[%add3A_102, %dma_wait3A_203] : memref<80x128xi32, #tpu.memory_space<vmem>> -> memref<1x128xi32, #tpu.memory_space<vmem>>
      %dma_wait3A_205 = tpu.memref_squeeze %dma_wait3A_204 : memref<1x128xi32, #tpu.memory_space<vmem>> -> memref<128xi32, #tpu.memory_space<vmem>>
      %dma_wait3A_206 = arith.constant 0 : i32
      %dma_wait3A_207 = arith.constant 0 : i32
      %dma_wait3A_208 = tpu.memref_slice %arg3[%dma_wait3A_206, %dma_wait3A_207] : memref<16384x64xf32, #tpu.memory_space<hbm>> -> memref<16384x64xf32, #tpu.memory_space<hbm>>
      tpu.wait_indirect_dma semaphore(%arg7 : memref<!tpu.dma_semaphore, #tpu.memory_space<semaphore_mem>>) src(%dma_wait3A_208 : memref<16384x64xf32, #tpu.memory_space<hbm>>) dst(%dma_wait3A_202 : memref<128x64xf32, #tpu.memory_space<vmem>>)
      %dma_wait3A_209 = arith.constant 1024 : i32
      %dma_wait3A_210 = arith.constant 0 : i32
      %dma_wait3A_211 = tpu.memref_slice %arg6[%dma_wait3A_209, %dma_wait3A_210] : memref<1280x64xf32, #tpu.memory_space<vmem>> -> memref<128x64xf32, #tpu.memory_space<vmem>>
      %dma_wait3A_212 = arith.constant 0 : i32
      %dma_wait3A_213 = tpu.memref_slice %arg5[%add3A_115, %dma_wait3A_212] : memref<80x128xi32, #tpu.memory_space<vmem>> -> memref<1x128xi32, #tpu.memory_space<vmem>>
      %dma_wait3A_214 = tpu.memref_squeeze %dma_wait3A_213 : memref<1x128xi32, #tpu.memory_space<vmem>> -> memref<128xi32, #tpu.memory_space<vmem>>
      %dma_wait3A_215 = arith.constant 0 : i32
      %dma_wait3A_216 = arith.constant 0 : i32
      %dma_wait3A_217 = tpu.memref_slice %arg3[%dma_wait3A_215, %dma_wait3A_216] : memref<16384x64xf32, #tpu.memory_space<hbm>> -> memref<16384x64xf32, #tpu.memory_space<hbm>>
      tpu.wait_indirect_dma semaphore(%arg7 : memref<!tpu.dma_semaphore, #tpu.memory_space<semaphore_mem>>) src(%dma_wait3A_217 : memref<16384x64xf32, #tpu.memory_space<hbm>>) dst(%dma_wait3A_211 : memref<128x64xf32, #tpu.memory_space<vmem>>)
      %dma_wait3A_218 = arith.constant 1152 : i32
      %dma_wait3A_219 = arith.constant 0 : i32
      %dma_wait3A_220 = tpu.memref_slice %arg6[%dma_wait3A_218, %dma_wait3A_219] : memref<1280x64xf32, #tpu.memory_space<vmem>> -> memref<128x64xf32, #tpu.memory_space<vmem>>
      %dma_wait3A_221 = arith.constant 0 : i32
      %dma_wait3A_222 = tpu.memref_slice %arg5[%add3A_128, %dma_wait3A_221] : memref<80x128xi32, #tpu.memory_space<vmem>> -> memref<1x128xi32, #tpu.memory_space<vmem>>
      %dma_wait3A_223 = tpu.memref_squeeze %dma_wait3A_222 : memref<1x128xi32, #tpu.memory_space<vmem>> -> memref<128xi32, #tpu.memory_space<vmem>>
      %dma_wait3A_224 = arith.constant 0 : i32
      %dma_wait3A_225 = arith.constant 0 : i32
      %dma_wait3A_226 = tpu.memref_slice %arg3[%dma_wait3A_224, %dma_wait3A_225] : memref<16384x64xf32, #tpu.memory_space<hbm>> -> memref<16384x64xf32, #tpu.memory_space<hbm>>
      tpu.wait_indirect_dma semaphore(%arg7 : memref<!tpu.dma_semaphore, #tpu.memory_space<semaphore_mem>>) src(%dma_wait3A_226 : memref<16384x64xf32, #tpu.memory_space<hbm>>) dst(%dma_wait3A_220 : memref<128x64xf32, #tpu.memory_space<vmem>>)
      %mul3A_227 = arith.constant 64 : i32
      %mul3A_228 = arith.muli %scan3A_8, %mul3A_227 : i32
      %add3A_229 = arith.addi %mul3A_2, %mul3A_228 : i32
      %mul3A_230 = arith.constant 20 : i32
      %mul3A_231 = arith.muli %add3A_229, %mul3A_230 : i32
      "tpu.region"() ({
        %run_scoped3A = tpu.sem_alloc : memref<!tpu.dma_semaphore, #tpu.memory_space<semaphore_mem>>
        %dma_start3A_232 = arith.constant 0 : i32
        %dma_start3A_233 = tpu.memref_slice %arg4[%mul3A_231, %dma_start3A_232] : memref<327680x64xf32, #tpu.memory_space<hbm>> -> memref<1280x64xf32, #tpu.memory_space<hbm>>
        %dma_start3A_234 = arith.constant 0 : i32
        %dma_start3A_235 = tpu.memref_slice %arg4[%mul3A_231, %dma_start3A_234] : memref<327680x64xf32, #tpu.memory_space<hbm>> -> memref<1280x64xf32, #tpu.memory_space<hbm>>
        tpu.enqueue_dma source(%arg6 : memref<1280x64xf32, #tpu.memory_space<vmem>>) target(%dma_start3A_235 : memref<1280x64xf32, #tpu.memory_space<hbm>>) target_semaphore(%run_scoped3A : memref<!tpu.dma_semaphore, #tpu.memory_space<semaphore_mem>>)
        %dma_wait3A_236 = arith.constant 0 : i32
        %dma_wait3A_237 = tpu.memref_slice %arg4[%mul3A_231, %dma_wait3A_236] : memref<327680x64xf32, #tpu.memory_space<hbm>> -> memref<1280x64xf32, #tpu.memory_space<hbm>>
        %dma_wait3A_238 = arith.constant 0 : i32
        %dma_wait3A_239 = tpu.memref_slice %arg4[%mul3A_231, %dma_wait3A_238] : memref<327680x64xf32, #tpu.memory_space<hbm>> -> memref<1280x64xf32, #tpu.memory_space<hbm>>
        tpu.wait_dma2 semaphore(%run_scoped3A : memref<!tpu.dma_semaphore, #tpu.memory_space<semaphore_mem>>) src(%arg6 : memref<1280x64xf32, #tpu.memory_space<vmem>>) dst(%dma_wait3A_239 : memref<1280x64xf32, #tpu.memory_space<hbm>>)
        tpu.yield
      }) : () -> ()
    }
    %scan3A_7 = arith.constant 8 : i32
    return
  }
}

#map = affine_map<(d0, d1) -> (0, 0, 0)>
#map1 = affine_map<(d0, d1) -> (0, 0)>
module attributes {stable_mosaic.version = 14 : i64} {
  func.func @body(%arg0: i32, %arg1: i32, %arg2: memref<32x80x128xi32, #tpu.memory_space<hbm>>, %arg3: memref<16384x64xf32, #tpu.memory_space<hbm>>, %arg4: memref<327680x64xf32, #tpu.memory_space<hbm>>, %arg5: memref<80x128xi32, #tpu.memory_space<vmem>>, %arg6: memref<1280x64xf32, #tpu.memory_space<vmem>>, %arg7: memref<!tpu.dma_semaphore, #tpu.memory_space<semaphore_mem>>) attributes {dimension_semantics = [#tpu.dimension_semantics<core_parallel>, #tpu.dimension_semantics<subcore_parallel>], iteration_bounds = array<i64: 2, 16>, scalar_prefetch = 0 : i64, scratch_operands = 3 : i64, tpu.core_type = #tpu.core_type<sc_vector_subcore>, window_params = [{transform_indices = #map}, {transform_indices = #map1}, {transform_indices = #map1}]} {
    %mul3A = arith.constant 2 : i32
    %mul3A_0 = arith.muli %arg1, %mul3A : i32
    %add3A = arith.addi %mul3A_0, %arg0 : i32
    "tpu.region"() ({
      %run_scoped3A = tpu.sem_alloc : memref<!tpu.dma_semaphore, #tpu.memory_space<semaphore_mem>>
      %dma_start3A = arith.constant 0 : i32
      %dma_start3A_8 = arith.constant 0 : i32
      %dma_start3A_9 = tpu.memref_slice %arg2[%add3A, %dma_start3A, %dma_start3A_8] : memref<32x80x128xi32, #tpu.memory_space<hbm>> -> memref<1x80x128xi32, #tpu.memory_space<hbm>>
      %dma_start3A_10 = tpu.memref_squeeze %dma_start3A_9 : memref<1x80x128xi32, #tpu.memory_space<hbm>> -> memref<80x128xi32, #tpu.memory_space<hbm>>
      %dma_start3A_11 = arith.constant 0 : i32
      %dma_start3A_12 = arith.constant 0 : i32
      %dma_start3A_13 = tpu.memref_slice %arg2[%add3A, %dma_start3A_11, %dma_start3A_12] : memref<32x80x128xi32, #tpu.memory_space<hbm>> -> memref<1x80x128xi32, #tpu.memory_space<hbm>>
      %dma_start3A_14 = tpu.memref_squeeze %dma_start3A_13 : memref<1x80x128xi32, #tpu.memory_space<hbm>> -> memref<80x128xi32, #tpu.memory_space<hbm>>
      tpu.enqueue_dma source(%dma_start3A_14 : memref<80x128xi32, #tpu.memory_space<hbm>>) target(%arg5 : memref<80x128xi32, #tpu.memory_space<vmem>>) target_semaphore(%run_scoped3A : memref<!tpu.dma_semaphore, #tpu.memory_space<semaphore_mem>>)
      %dma_wait3A = arith.constant 0 : i32
      %dma_wait3A_15 = arith.constant 0 : i32
      %dma_wait3A_16 = tpu.memref_slice %arg2[%add3A, %dma_wait3A, %dma_wait3A_15] : memref<32x80x128xi32, #tpu.memory_space<hbm>> -> memref<1x80x128xi32, #tpu.memory_space<hbm>>
      %dma_wait3A_17 = tpu.memref_squeeze %dma_wait3A_16 : memref<1x80x128xi32, #tpu.memory_space<hbm>> -> memref<80x128xi32, #tpu.memory_space<hbm>>
      %dma_wait3A_18 = arith.constant 0 : i32
      %dma_wait3A_19 = arith.constant 0 : i32
      %dma_wait3A_20 = tpu.memref_slice %arg2[%add3A, %dma_wait3A_18, %dma_wait3A_19] : memref<32x80x128xi32, #tpu.memory_space<hbm>> -> memref<1x80x128xi32, #tpu.memory_space<hbm>>
      %dma_wait3A_21 = tpu.memref_squeeze %dma_wait3A_20 : memref<1x80x128xi32, #tpu.memory_space<hbm>> -> memref<80x128xi32, #tpu.memory_space<hbm>>
      tpu.wait_dma2 semaphore(%run_scoped3A : memref<!tpu.dma_semaphore, #tpu.memory_space<semaphore_mem>>) src(%dma_wait3A_21 : memref<80x128xi32, #tpu.memory_space<hbm>>) dst(%arg5 : memref<80x128xi32, #tpu.memory_space<vmem>>)
      tpu.yield
    }) : () -> ()
    %mul3A_1 = arith.constant 512 : i32
    %mul3A_2 = arith.muli %add3A, %mul3A_1 : i32
    %scan3A = arith.constant 0 : i32
    %scan3A_3 = arith.constant 0 : i32
    %scan3A_4 = arith.constant 8 : i32
    %scan3A_5 = arith.addi %scan3A_3, %scan3A_4 : i32
    %scan3A_6 = arith.constant 1 : i32
    scf.for %scan3A_8 = %scan3A_3 to %scan3A_5 step %scan3A_6  : i32 {
      %mul3A_9 = arith.constant 10 : i32
      %mul3A_10 = arith.muli %scan3A_8, %mul3A_9 : i32
      %add3A_11 = arith.constant 0 : i32
      %add3A_12 = arith.addi %mul3A_10, %add3A_11 : i32
      %dma_start3A = arith.constant 0 : i32
      %dma_start3A_13 = arith.constant 0 : i32
      %dma_start3A_14 = tpu.memref_slice %arg6[%dma_start3A, %dma_start3A_13] : memref<1280x64xf32, #tpu.memory_space<vmem>> -> memref<128x64xf32, #tpu.memory_space<vmem>>
      %dma_start3A_15 = arith.constant 0 : i32
      %dma_start3A_16 = tpu.memref_slice %arg5[%add3A_12, %dma_start3A_15] : memref<80x128xi32, #tpu.memory_space<vmem>> -> memref<1x128xi32, #tpu.memory_space<vmem>>
      %dma_start3A_17 = tpu.memref_squeeze %dma_start3A_16 : memref<1x128xi32, #tpu.memory_space<vmem>> -> memref<128xi32, #tpu.memory_space<vmem>>
      %dma_start3A_18 = arith.constant 0 : i32
      %dma_start3A_19 = arith.constant 0 : i32
      %dma_start3A_20 = tpu.memref_slice %arg3[%dma_start3A_18, %dma_start3A_19] : memref<16384x64xf32, #tpu.memory_space<hbm>> -> memref<16384x64xf32, #tpu.memory_space<hbm>>
      tpu.enqueue_indirect_dma source(%dma_start3A_20 : memref<16384x64xf32, #tpu.memory_space<hbm>>) target(%dma_start3A_14 : memref<128x64xf32, #tpu.memory_space<vmem>>) offsets(%dma_start3A_17 : memref<128xi32, #tpu.memory_space<vmem>>) semaphore(%arg7 : memref<!tpu.dma_semaphore, #tpu.memory_space<semaphore_mem>>)
      %mul3A_21 = arith.constant 10 : i32
      %mul3A_22 = arith.muli %scan3A_8, %mul3A_21 : i32
      %add3A_23 = arith.constant 1 : i32
      %add3A_24 = arith.addi %mul3A_22, %add3A_23 : i32
      %dma_start3A_25 = arith.constant 128 : i32
      %dma_start3A_26 = arith.constant 0 : i32
      %dma_start3A_27 = tpu.memref_slice %arg6[%dma_start3A_25, %dma_start3A_26] : memref<1280x64xf32, #tpu.memory_space<vmem>> -> memref<128x64xf32, #tpu.memory_space<vmem>>
      %dma_start3A_28 = arith.constant 0 : i32
      %dma_start3A_29 = tpu.memref_slice %arg5[%add3A_24, %dma_start3A_28] : memref<80x128xi32, #tpu.memory_space<vmem>> -> memref<1x128xi32, #tpu.memory_space<vmem>>
      %dma_start3A_30 = tpu.memref_squeeze %dma_start3A_29 : memref<1x128xi32, #tpu.memory_space<vmem>> -> memref<128xi32, #tpu.memory_space<vmem>>
      %dma_start3A_31 = arith.constant 0 : i32
      %dma_start3A_32 = arith.constant 0 : i32
      %dma_start3A_33 = tpu.memref_slice %arg3[%dma_start3A_31, %dma_start3A_32] : memref<16384x64xf32, #tpu.memory_space<hbm>> -> memref<16384x64xf32, #tpu.memory_space<hbm>>
      tpu.enqueue_indirect_dma source(%dma_start3A_33 : memref<16384x64xf32, #tpu.memory_space<hbm>>) target(%dma_start3A_27 : memref<128x64xf32, #tpu.memory_space<vmem>>) offsets(%dma_start3A_30 : memref<128xi32, #tpu.memory_space<vmem>>) semaphore(%arg7 : memref<!tpu.dma_semaphore, #tpu.memory_space<semaphore_mem>>)
      %mul3A_34 = arith.constant 10 : i32
      %mul3A_35 = arith.muli %scan3A_8, %mul3A_34 : i32
      %add3A_36 = arith.constant 2 : i32
      %add3A_37 = arith.addi %mul3A_35, %add3A_36 : i32
      %dma_start3A_38 = arith.constant 256 : i32
      %dma_start3A_39 = arith.constant 0 : i32
      %dma_start3A_40 = tpu.memref_slice %arg6[%dma_start3A_38, %dma_start3A_39] : memref<1280x64xf32, #tpu.memory_space<vmem>> -> memref<128x64xf32, #tpu.memory_space<vmem>>
      %dma_start3A_41 = arith.constant 0 : i32
      %dma_start3A_42 = tpu.memref_slice %arg5[%add3A_37, %dma_start3A_41] : memref<80x128xi32, #tpu.memory_space<vmem>> -> memref<1x128xi32, #tpu.memory_space<vmem>>
      %dma_start3A_43 = tpu.memref_squeeze %dma_start3A_42 : memref<1x128xi32, #tpu.memory_space<vmem>> -> memref<128xi32, #tpu.memory_space<vmem>>
      %dma_start3A_44 = arith.constant 0 : i32
      %dma_start3A_45 = arith.constant 0 : i32
      %dma_start3A_46 = tpu.memref_slice %arg3[%dma_start3A_44, %dma_start3A_45] : memref<16384x64xf32, #tpu.memory_space<hbm>> -> memref<16384x64xf32, #tpu.memory_space<hbm>>
      tpu.enqueue_indirect_dma source(%dma_start3A_46 : memref<16384x64xf32, #tpu.memory_space<hbm>>) target(%dma_start3A_40 : memref<128x64xf32, #tpu.memory_space<vmem>>) offsets(%dma_start3A_43 : memref<128xi32, #tpu.memory_space<vmem>>) semaphore(%arg7 : memref<!tpu.dma_semaphore, #tpu.memory_space<semaphore_mem>>)
      %mul3A_47 = arith.constant 10 : i32
      %mul3A_48 = arith.muli %scan3A_8, %mul3A_47 : i32
      %add3A_49 = arith.constant 3 : i32
      %add3A_50 = arith.addi %mul3A_48, %add3A_49 : i32
      %dma_start3A_51 = arith.constant 384 : i32
      %dma_start3A_52 = arith.constant 0 : i32
      %dma_start3A_53 = tpu.memref_slice %arg6[%dma_start3A_51, %dma_start3A_52] : memref<1280x64xf32, #tpu.memory_space<vmem>> -> memref<128x64xf32, #tpu.memory_space<vmem>>
      %dma_start3A_54 = arith.constant 0 : i32
      %dma_start3A_55 = tpu.memref_slice %arg5[%add3A_50, %dma_start3A_54] : memref<80x128xi32, #tpu.memory_space<vmem>> -> memref<1x128xi32, #tpu.memory_space<vmem>>
      %dma_start3A_56 = tpu.memref_squeeze %dma_start3A_55 : memref<1x128xi32, #tpu.memory_space<vmem>> -> memref<128xi32, #tpu.memory_space<vmem>>
      %dma_start3A_57 = arith.constant 0 : i32
      %dma_start3A_58 = arith.constant 0 : i32
      %dma_start3A_59 = tpu.memref_slice %arg3[%dma_start3A_57, %dma_start3A_58] : memref<16384x64xf32, #tpu.memory_space<hbm>> -> memref<16384x64xf32, #tpu.memory_space<hbm>>
      tpu.enqueue_indirect_dma source(%dma_start3A_59 : memref<16384x64xf32, #tpu.memory_space<hbm>>) target(%dma_start3A_53 : memref<128x64xf32, #tpu.memory_space<vmem>>) offsets(%dma_start3A_56 : memref<128xi32, #tpu.memory_space<vmem>>) semaphore(%arg7 : memref<!tpu.dma_semaphore, #tpu.memory_space<semaphore_mem>>)
      %mul3A_60 = arith.constant 10 : i32
      %mul3A_61 = arith.muli %scan3A_8, %mul3A_60 : i32
      %add3A_62 = arith.constant 4 : i32
      %add3A_63 = arith.addi %mul3A_61, %add3A_62 : i32
      %dma_start3A_64 = arith.constant 512 : i32
      %dma_start3A_65 = arith.constant 0 : i32
      %dma_start3A_66 = tpu.memref_slice %arg6[%dma_start3A_64, %dma_start3A_65] : memref<1280x64xf32, #tpu.memory_space<vmem>> -> memref<128x64xf32, #tpu.memory_space<vmem>>
      %dma_start3A_67 = arith.constant 0 : i32
      %dma_start3A_68 = tpu.memref_slice %arg5[%add3A_63, %dma_start3A_67] : memref<80x128xi32, #tpu.memory_space<vmem>> -> memref<1x128xi32, #tpu.memory_space<vmem>>
      %dma_start3A_69 = tpu.memref_squeeze %dma_start3A_68 : memref<1x128xi32, #tpu.memory_space<vmem>> -> memref<128xi32, #tpu.memory_space<vmem>>
      %dma_start3A_70 = arith.constant 0 : i32
      %dma_start3A_71 = arith.constant 0 : i32
      %dma_start3A_72 = tpu.memref_slice %arg3[%dma_start3A_70, %dma_start3A_71] : memref<16384x64xf32, #tpu.memory_space<hbm>> -> memref<16384x64xf32, #tpu.memory_space<hbm>>
      tpu.enqueue_indirect_dma source(%dma_start3A_72 : memref<16384x64xf32, #tpu.memory_space<hbm>>) target(%dma_start3A_66 : memref<128x64xf32, #tpu.memory_space<vmem>>) offsets(%dma_start3A_69 : memref<128xi32, #tpu.memory_space<vmem>>) semaphore(%arg7 : memref<!tpu.dma_semaphore, #tpu.memory_space<semaphore_mem>>)
      %mul3A_73 = arith.constant 10 : i32
      %mul3A_74 = arith.muli %scan3A_8, %mul3A_73 : i32
      %add3A_75 = arith.constant 5 : i32
      %add3A_76 = arith.addi %mul3A_74, %add3A_75 : i32
      %dma_start3A_77 = arith.constant 640 : i32
      %dma_start3A_78 = arith.constant 0 : i32
      %dma_start3A_79 = tpu.memref_slice %arg6[%dma_start3A_77, %dma_start3A_78] : memref<1280x64xf32, #tpu.memory_space<vmem>> -> memref<128x64xf32, #tpu.memory_space<vmem>>
      %dma_start3A_80 = arith.constant 0 : i32
      %dma_start3A_81 = tpu.memref_slice %arg5[%add3A_76, %dma_start3A_80] : memref<80x128xi32, #tpu.memory_space<vmem>> -> memref<1x128xi32, #tpu.memory_space<vmem>>
      %dma_start3A_82 = tpu.memref_squeeze %dma_start3A_81 : memref<1x128xi32, #tpu.memory_space<vmem>> -> memref<128xi32, #tpu.memory_space<vmem>>
      %dma_start3A_83 = arith.constant 0 : i32
      %dma_start3A_84 = arith.constant 0 : i32
      %dma_start3A_85 = tpu.memref_slice %arg3[%dma_start3A_83, %dma_start3A_84] : memref<16384x64xf32, #tpu.memory_space<hbm>> -> memref<16384x64xf32, #tpu.memory_space<hbm>>
      tpu.enqueue_indirect_dma source(%dma_start3A_85 : memref<16384x64xf32, #tpu.memory_space<hbm>>) target(%dma_start3A_79 : memref<128x64xf32, #tpu.memory_space<vmem>>) offsets(%dma_start3A_82 : memref<128xi32, #tpu.memory_space<vmem>>) semaphore(%arg7 : memref<!tpu.dma_semaphore, #tpu.memory_space<semaphore_mem>>)
      %mul3A_86 = arith.constant 10 : i32
      %mul3A_87 = arith.muli %scan3A_8, %mul3A_86 : i32
      %add3A_88 = arith.constant 6 : i32
      %add3A_89 = arith.addi %mul3A_87, %add3A_88 : i32
      %dma_start3A_90 = arith.constant 768 : i32
      %dma_start3A_91 = arith.constant 0 : i32
      %dma_start3A_92 = tpu.memref_slice %arg6[%dma_start3A_90, %dma_start3A_91] : memref<1280x64xf32, #tpu.memory_space<vmem>> -> memref<128x64xf32, #tpu.memory_space<vmem>>
      %dma_start3A_93 = arith.constant 0 : i32
      %dma_start3A_94 = tpu.memref_slice %arg5[%add3A_89, %dma_start3A_93] : memref<80x128xi32, #tpu.memory_space<vmem>> -> memref<1x128xi32, #tpu.memory_space<vmem>>
      %dma_start3A_95 = tpu.memref_squeeze %dma_start3A_94 : memref<1x128xi32, #tpu.memory_space<vmem>> -> memref<128xi32, #tpu.memory_space<vmem>>
      %dma_start3A_96 = arith.constant 0 : i32
      %dma_start3A_97 = arith.constant 0 : i32
      %dma_start3A_98 = tpu.memref_slice %arg3[%dma_start3A_96, %dma_start3A_97] : memref<16384x64xf32, #tpu.memory_space<hbm>> -> memref<16384x64xf32, #tpu.memory_space<hbm>>
      tpu.enqueue_indirect_dma source(%dma_start3A_98 : memref<16384x64xf32, #tpu.memory_space<hbm>>) target(%dma_start3A_92 : memref<128x64xf32, #tpu.memory_space<vmem>>) offsets(%dma_start3A_95 : memref<128xi32, #tpu.memory_space<vmem>>) semaphore(%arg7 : memref<!tpu.dma_semaphore, #tpu.memory_space<semaphore_mem>>)
      %mul3A_99 = arith.constant 10 : i32
      %mul3A_100 = arith.muli %scan3A_8, %mul3A_99 : i32
      %add3A_101 = arith.constant 7 : i32
      %add3A_102 = arith.addi %mul3A_100, %add3A_101 : i32
      %dma_start3A_103 = arith.constant 896 : i32
      %dma_start3A_104 = arith.constant 0 : i32
      %dma_start3A_105 = tpu.memref_slice %arg6[%dma_start3A_103, %dma_start3A_104] : memref<1280x64xf32, #tpu.memory_space<vmem>> -> memref<128x64xf32, #tpu.memory_space<vmem>>
      %dma_start3A_106 = arith.constant 0 : i32
      %dma_start3A_107 = tpu.memref_slice %arg5[%add3A_102, %dma_start3A_106] : memref<80x128xi32, #tpu.memory_space<vmem>> -> memref<1x128xi32, #tpu.memory_space<vmem>>
      %dma_start3A_108 = tpu.memref_squeeze %dma_start3A_107 : memref<1x128xi32, #tpu.memory_space<vmem>> -> memref<128xi32, #tpu.memory_space<vmem>>
      %dma_start3A_109 = arith.constant 0 : i32
      %dma_start3A_110 = arith.constant 0 : i32
      %dma_start3A_111 = tpu.memref_slice %arg3[%dma_start3A_109, %dma_start3A_110] : memref<16384x64xf32, #tpu.memory_space<hbm>> -> memref<16384x64xf32, #tpu.memory_space<hbm>>
      tpu.enqueue_indirect_dma source(%dma_start3A_111 : memref<16384x64xf32, #tpu.memory_space<hbm>>) target(%dma_start3A_105 : memref<128x64xf32, #tpu.memory_space<vmem>>) offsets(%dma_start3A_108 : memref<128xi32, #tpu.memory_space<vmem>>) semaphore(%arg7 : memref<!tpu.dma_semaphore, #tpu.memory_space<semaphore_mem>>)
      %mul3A_112 = arith.constant 10 : i32
      %mul3A_113 = arith.muli %scan3A_8, %mul3A_112 : i32
      %add3A_114 = arith.constant 8 : i32
      %add3A_115 = arith.addi %mul3A_113, %add3A_114 : i32
      %dma_start3A_116 = arith.constant 1024 : i32
      %dma_start3A_117 = arith.constant 0 : i32
      %dma_start3A_118 = tpu.memref_slice %arg6[%dma_start3A_116, %dma_start3A_117] : memref<1280x64xf32, #tpu.memory_space<vmem>> -> memref<128x64xf32, #tpu.memory_space<vmem>>
      %dma_start3A_119 = arith.constant 0 : i32
      %dma_start3A_120 = tpu.memref_slice %arg5[%add3A_115, %dma_start3A_119] : memref<80x128xi32, #tpu.memory_space<vmem>> -> memref<1x128xi32, #tpu.memory_space<vmem>>
      %dma_start3A_121 = tpu.memref_squeeze %dma_start3A_120 : memref<1x128xi32, #tpu.memory_space<vmem>> -> memref<128xi32, #tpu.memory_space<vmem>>
      %dma_start3A_122 = arith.constant 0 : i32
      %dma_start3A_123 = arith.constant 0 : i32
      %dma_start3A_124 = tpu.memref_slice %arg3[%dma_start3A_122, %dma_start3A_123] : memref<16384x64xf32, #tpu.memory_space<hbm>> -> memref<16384x64xf32, #tpu.memory_space<hbm>>
      tpu.enqueue_indirect_dma source(%dma_start3A_124 : memref<16384x64xf32, #tpu.memory_space<hbm>>) target(%dma_start3A_118 : memref<128x64xf32, #tpu.memory_space<vmem>>) offsets(%dma_start3A_121 : memref<128xi32, #tpu.memory_space<vmem>>) semaphore(%arg7 : memref<!tpu.dma_semaphore, #tpu.memory_space<semaphore_mem>>)
      %mul3A_125 = arith.constant 10 : i32
      %mul3A_126 = arith.muli %scan3A_8, %mul3A_125 : i32
      %add3A_127 = arith.constant 9 : i32
      %add3A_128 = arith.addi %mul3A_126, %add3A_127 : i32
      %dma_start3A_129 = arith.constant 1152 : i32
      %dma_start3A_130 = arith.constant 0 : i32
      %dma_start3A_131 = tpu.memref_slice %arg6[%dma_start3A_129, %dma_start3A_130] : memref<1280x64xf32, #tpu.memory_space<vmem>> -> memref<128x64xf32, #tpu.memory_space<vmem>>
      %dma_start3A_132 = arith.constant 0 : i32
      %dma_start3A_133 = tpu.memref_slice %arg5[%add3A_128, %dma_start3A_132] : memref<80x128xi32, #tpu.memory_space<vmem>> -> memref<1x128xi32, #tpu.memory_space<vmem>>
      %dma_start3A_134 = tpu.memref_squeeze %dma_start3A_133 : memref<1x128xi32, #tpu.memory_space<vmem>> -> memref<128xi32, #tpu.memory_space<vmem>>
      %dma_start3A_135 = arith.constant 0 : i32
      %dma_start3A_136 = arith.constant 0 : i32
      %dma_start3A_137 = tpu.memref_slice %arg3[%dma_start3A_135, %dma_start3A_136] : memref<16384x64xf32, #tpu.memory_space<hbm>> -> memref<16384x64xf32, #tpu.memory_space<hbm>>
      tpu.enqueue_indirect_dma source(%dma_start3A_137 : memref<16384x64xf32, #tpu.memory_space<hbm>>) target(%dma_start3A_131 : memref<128x64xf32, #tpu.memory_space<vmem>>) offsets(%dma_start3A_134 : memref<128xi32, #tpu.memory_space<vmem>>) semaphore(%arg7 : memref<!tpu.dma_semaphore, #tpu.memory_space<semaphore_mem>>)
      %dma_wait3A = arith.constant 0 : i32
      %dma_wait3A_138 = arith.constant 0 : i32
      %dma_wait3A_139 = tpu.memref_slice %arg6[%dma_wait3A, %dma_wait3A_138] : memref<1280x64xf32, #tpu.memory_space<vmem>> -> memref<128x64xf32, #tpu.memory_space<vmem>>
      %dma_wait3A_140 = arith.constant 0 : i32
      %dma_wait3A_141 = tpu.memref_slice %arg5[%add3A_12, %dma_wait3A_140] : memref<80x128xi32, #tpu.memory_space<vmem>> -> memref<1x128xi32, #tpu.memory_space<vmem>>
      %dma_wait3A_142 = tpu.memref_squeeze %dma_wait3A_141 : memref<1x128xi32, #tpu.memory_space<vmem>> -> memref<128xi32, #tpu.memory_space<vmem>>
      %dma_wait3A_143 = arith.constant 0 : i32
      %dma_wait3A_144 = arith.constant 0 : i32
      %dma_wait3A_145 = tpu.memref_slice %arg3[%dma_wait3A_143, %dma_wait3A_144] : memref<16384x64xf32, #tpu.memory_space<hbm>> -> memref<16384x64xf32, #tpu.memory_space<hbm>>
      tpu.wait_indirect_dma semaphore(%arg7 : memref<!tpu.dma_semaphore, #tpu.memory_space<semaphore_mem>>) src(%dma_wait3A_145 : memref<16384x64xf32, #tpu.memory_space<hbm>>) dst(%dma_wait3A_139 : memref<128x64xf32, #tpu.memory_space<vmem>>)
      %dma_wait3A_146 = arith.constant 128 : i32
      %dma_wait3A_147 = arith.constant 0 : i32
      %dma_wait3A_148 = tpu.memref_slice %arg6[%dma_wait3A_146, %dma_wait3A_147] : memref<1280x64xf32, #tpu.memory_space<vmem>> -> memref<128x64xf32, #tpu.memory_space<vmem>>
      %dma_wait3A_149 = arith.constant 0 : i32
      %dma_wait3A_150 = tpu.memref_slice %arg5[%add3A_24, %dma_wait3A_149] : memref<80x128xi32, #tpu.memory_space<vmem>> -> memref<1x128xi32, #tpu.memory_space<vmem>>
      %dma_wait3A_151 = tpu.memref_squeeze %dma_wait3A_150 : memref<1x128xi32, #tpu.memory_space<vmem>> -> memref<128xi32, #tpu.memory_space<vmem>>
      %dma_wait3A_152 = arith.constant 0 : i32
      %dma_wait3A_153 = arith.constant 0 : i32
      %dma_wait3A_154 = tpu.memref_slice %arg3[%dma_wait3A_152, %dma_wait3A_153] : memref<16384x64xf32, #tpu.memory_space<hbm>> -> memref<16384x64xf32, #tpu.memory_space<hbm>>
      tpu.wait_indirect_dma semaphore(%arg7 : memref<!tpu.dma_semaphore, #tpu.memory_space<semaphore_mem>>) src(%dma_wait3A_154 : memref<16384x64xf32, #tpu.memory_space<hbm>>) dst(%dma_wait3A_148 : memref<128x64xf32, #tpu.memory_space<vmem>>)
      %dma_wait3A_155 = arith.constant 256 : i32
      %dma_wait3A_156 = arith.constant 0 : i32
      %dma_wait3A_157 = tpu.memref_slice %arg6[%dma_wait3A_155, %dma_wait3A_156] : memref<1280x64xf32, #tpu.memory_space<vmem>> -> memref<128x64xf32, #tpu.memory_space<vmem>>
      %dma_wait3A_158 = arith.constant 0 : i32
      %dma_wait3A_159 = tpu.memref_slice %arg5[%add3A_37, %dma_wait3A_158] : memref<80x128xi32, #tpu.memory_space<vmem>> -> memref<1x128xi32, #tpu.memory_space<vmem>>
      %dma_wait3A_160 = tpu.memref_squeeze %dma_wait3A_159 : memref<1x128xi32, #tpu.memory_space<vmem>> -> memref<128xi32, #tpu.memory_space<vmem>>
      %dma_wait3A_161 = arith.constant 0 : i32
      %dma_wait3A_162 = arith.constant 0 : i32
      %dma_wait3A_163 = tpu.memref_slice %arg3[%dma_wait3A_161, %dma_wait3A_162] : memref<16384x64xf32, #tpu.memory_space<hbm>> -> memref<16384x64xf32, #tpu.memory_space<hbm>>
      tpu.wait_indirect_dma semaphore(%arg7 : memref<!tpu.dma_semaphore, #tpu.memory_space<semaphore_mem>>) src(%dma_wait3A_163 : memref<16384x64xf32, #tpu.memory_space<hbm>>) dst(%dma_wait3A_157 : memref<128x64xf32, #tpu.memory_space<vmem>>)
      %dma_wait3A_164 = arith.constant 384 : i32
      %dma_wait3A_165 = arith.constant 0 : i32
      %dma_wait3A_166 = tpu.memref_slice %arg6[%dma_wait3A_164, %dma_wait3A_165] : memref<1280x64xf32, #tpu.memory_space<vmem>> -> memref<128x64xf32, #tpu.memory_space<vmem>>
      %dma_wait3A_167 = arith.constant 0 : i32
      %dma_wait3A_168 = tpu.memref_slice %arg5[%add3A_50, %dma_wait3A_167] : memref<80x128xi32, #tpu.memory_space<vmem>> -> memref<1x128xi32, #tpu.memory_space<vmem>>
      %dma_wait3A_169 = tpu.memref_squeeze %dma_wait3A_168 : memref<1x128xi32, #tpu.memory_space<vmem>> -> memref<128xi32, #tpu.memory_space<vmem>>
      %dma_wait3A_170 = arith.constant 0 : i32
      %dma_wait3A_171 = arith.constant 0 : i32
      %dma_wait3A_172 = tpu.memref_slice %arg3[%dma_wait3A_170, %dma_wait3A_171] : memref<16384x64xf32, #tpu.memory_space<hbm>> -> memref<16384x64xf32, #tpu.memory_space<hbm>>
      tpu.wait_indirect_dma semaphore(%arg7 : memref<!tpu.dma_semaphore, #tpu.memory_space<semaphore_mem>>) src(%dma_wait3A_172 : memref<16384x64xf32, #tpu.memory_space<hbm>>) dst(%dma_wait3A_166 : memref<128x64xf32, #tpu.memory_space<vmem>>)
      %dma_wait3A_173 = arith.constant 512 : i32
      %dma_wait3A_174 = arith.constant 0 : i32
      %dma_wait3A_175 = tpu.memref_slice %arg6[%dma_wait3A_173, %dma_wait3A_174] : memref<1280x64xf32, #tpu.memory_space<vmem>> -> memref<128x64xf32, #tpu.memory_space<vmem>>
      %dma_wait3A_176 = arith.constant 0 : i32
      %dma_wait3A_177 = tpu.memref_slice %arg5[%add3A_63, %dma_wait3A_176] : memref<80x128xi32, #tpu.memory_space<vmem>> -> memref<1x128xi32, #tpu.memory_space<vmem>>
      %dma_wait3A_178 = tpu.memref_squeeze %dma_wait3A_177 : memref<1x128xi32, #tpu.memory_space<vmem>> -> memref<128xi32, #tpu.memory_space<vmem>>
      %dma_wait3A_179 = arith.constant 0 : i32
      %dma_wait3A_180 = arith.constant 0 : i32
      %dma_wait3A_181 = tpu.memref_slice %arg3[%dma_wait3A_179, %dma_wait3A_180] : memref<16384x64xf32, #tpu.memory_space<hbm>> -> memref<16384x64xf32, #tpu.memory_space<hbm>>
      tpu.wait_indirect_dma semaphore(%arg7 : memref<!tpu.dma_semaphore, #tpu.memory_space<semaphore_mem>>) src(%dma_wait3A_181 : memref<16384x64xf32, #tpu.memory_space<hbm>>) dst(%dma_wait3A_175 : memref<128x64xf32, #tpu.memory_space<vmem>>)
      %dma_wait3A_182 = arith.constant 640 : i32
      %dma_wait3A_183 = arith.constant 0 : i32
      %dma_wait3A_184 = tpu.memref_slice %arg6[%dma_wait3A_182, %dma_wait3A_183] : memref<1280x64xf32, #tpu.memory_space<vmem>> -> memref<128x64xf32, #tpu.memory_space<vmem>>
      %dma_wait3A_185 = arith.constant 0 : i32
      %dma_wait3A_186 = tpu.memref_slice %arg5[%add3A_76, %dma_wait3A_185] : memref<80x128xi32, #tpu.memory_space<vmem>> -> memref<1x128xi32, #tpu.memory_space<vmem>>
      %dma_wait3A_187 = tpu.memref_squeeze %dma_wait3A_186 : memref<1x128xi32, #tpu.memory_space<vmem>> -> memref<128xi32, #tpu.memory_space<vmem>>
      %dma_wait3A_188 = arith.constant 0 : i32
      %dma_wait3A_189 = arith.constant 0 : i32
      %dma_wait3A_190 = tpu.memref_slice %arg3[%dma_wait3A_188, %dma_wait3A_189] : memref<16384x64xf32, #tpu.memory_space<hbm>> -> memref<16384x64xf32, #tpu.memory_space<hbm>>
      tpu.wait_indirect_dma semaphore(%arg7 : memref<!tpu.dma_semaphore, #tpu.memory_space<semaphore_mem>>) src(%dma_wait3A_190 : memref<16384x64xf32, #tpu.memory_space<hbm>>) dst(%dma_wait3A_184 : memref<128x64xf32, #tpu.memory_space<vmem>>)
      %dma_wait3A_191 = arith.constant 768 : i32
      %dma_wait3A_192 = arith.constant 0 : i32
      %dma_wait3A_193 = tpu.memref_slice %arg6[%dma_wait3A_191, %dma_wait3A_192] : memref<1280x64xf32, #tpu.memory_space<vmem>> -> memref<128x64xf32, #tpu.memory_space<vmem>>
      %dma_wait3A_194 = arith.constant 0 : i32
      %dma_wait3A_195 = tpu.memref_slice %arg5[%add3A_89, %dma_wait3A_194] : memref<80x128xi32, #tpu.memory_space<vmem>> -> memref<1x128xi32, #tpu.memory_space<vmem>>
      %dma_wait3A_196 = tpu.memref_squeeze %dma_wait3A_195 : memref<1x128xi32, #tpu.memory_space<vmem>> -> memref<128xi32, #tpu.memory_space<vmem>>
      %dma_wait3A_197 = arith.constant 0 : i32
      %dma_wait3A_198 = arith.constant 0 : i32
      %dma_wait3A_199 = tpu.memref_slice %arg3[%dma_wait3A_197, %dma_wait3A_198] : memref<16384x64xf32, #tpu.memory_space<hbm>> -> memref<16384x64xf32, #tpu.memory_space<hbm>>
      tpu.wait_indirect_dma semaphore(%arg7 : memref<!tpu.dma_semaphore, #tpu.memory_space<semaphore_mem>>) src(%dma_wait3A_199 : memref<16384x64xf32, #tpu.memory_space<hbm>>) dst(%dma_wait3A_193 : memref<128x64xf32, #tpu.memory_space<vmem>>)
      %dma_wait3A_200 = arith.constant 896 : i32
      %dma_wait3A_201 = arith.constant 0 : i32
      %dma_wait3A_202 = tpu.memref_slice %arg6[%dma_wait3A_200, %dma_wait3A_201] : memref<1280x64xf32, #tpu.memory_space<vmem>> -> memref<128x64xf32, #tpu.memory_space<vmem>>
      %dma_wait3A_203 = arith.constant 0 : i32
      %dma_wait3A_204 = tpu.memref_slice %arg5[%add3A_102, %dma_wait3A_203] : memref<80x128xi32, #tpu.memory_space<vmem>> -> memref<1x128xi32, #tpu.memory_space<vmem>>
      %dma_wait3A_205 = tpu.memref_squeeze %dma_wait3A_204 : memref<1x128xi32, #tpu.memory_space<vmem>> -> memref<128xi32, #tpu.memory_space<vmem>>
      %dma_wait3A_206 = arith.constant 0 : i32
      %dma_wait3A_207 = arith.constant 0 : i32
      %dma_wait3A_208 = tpu.memref_slice %arg3[%dma_wait3A_206, %dma_wait3A_207] : memref<16384x64xf32, #tpu.memory_space<hbm>> -> memref<16384x64xf32, #tpu.memory_space<hbm>>
      tpu.wait_indirect_dma semaphore(%arg7 : memref<!tpu.dma_semaphore, #tpu.memory_space<semaphore_mem>>) src(%dma_wait3A_208 : memref<16384x64xf32, #tpu.memory_space<hbm>>) dst(%dma_wait3A_202 : memref<128x64xf32, #tpu.memory_space<vmem>>)
      %dma_wait3A_209 = arith.constant 1024 : i32
      %dma_wait3A_210 = arith.constant 0 : i32
      %dma_wait3A_211 = tpu.memref_slice %arg6[%dma_wait3A_209, %dma_wait3A_210] : memref<1280x64xf32, #tpu.memory_space<vmem>> -> memref<128x64xf32, #tpu.memory_space<vmem>>
      %dma_wait3A_212 = arith.constant 0 : i32
      %dma_wait3A_213 = tpu.memref_slice %arg5[%add3A_115, %dma_wait3A_212] : memref<80x128xi32, #tpu.memory_space<vmem>> -> memref<1x128xi32, #tpu.memory_space<vmem>>
      %dma_wait3A_214 = tpu.memref_squeeze %dma_wait3A_213 : memref<1x128xi32, #tpu.memory_space<vmem>> -> memref<128xi32, #tpu.memory_space<vmem>>
      %dma_wait3A_215 = arith.constant 0 : i32
      %dma_wait3A_216 = arith.constant 0 : i32
      %dma_wait3A_217 = tpu.memref_slice %arg3[%dma_wait3A_215, %dma_wait3A_216] : memref<16384x64xf32, #tpu.memory_space<hbm>> -> memref<16384x64xf32, #tpu.memory_space<hbm>>
      tpu.wait_indirect_dma semaphore(%arg7 : memref<!tpu.dma_semaphore, #tpu.memory_space<semaphore_mem>>) src(%dma_wait3A_217 : memref<16384x64xf32, #tpu.memory_space<hbm>>) dst(%dma_wait3A_211 : memref<128x64xf32, #tpu.memory_space<vmem>>)
      %dma_wait3A_218 = arith.constant 1152 : i32
      %dma_wait3A_219 = arith.constant 0 : i32
      %dma_wait3A_220 = tpu.memref_slice %arg6[%dma_wait3A_218, %dma_wait3A_219] : memref<1280x64xf32, #tpu.memory_space<vmem>> -> memref<128x64xf32, #tpu.memory_space<vmem>>
      %dma_wait3A_221 = arith.constant 0 : i32
      %dma_wait3A_222 = tpu.memref_slice %arg5[%add3A_128, %dma_wait3A_221] : memref<80x128xi32, #tpu.memory_space<vmem>> -> memref<1x128xi32, #tpu.memory_space<vmem>>
      %dma_wait3A_223 = tpu.memref_squeeze %dma_wait3A_222 : memref<1x128xi32, #tpu.memory_space<vmem>> -> memref<128xi32, #tpu.memory_space<vmem>>
      %dma_wait3A_224 = arith.constant 0 : i32
      %dma_wait3A_225 = arith.constant 0 : i32
      %dma_wait3A_226 = tpu.memref_slice %arg3[%dma_wait3A_224, %dma_wait3A_225] : memref<16384x64xf32, #tpu.memory_space<hbm>> -> memref<16384x64xf32, #tpu.memory_space<hbm>>
      tpu.wait_indirect_dma semaphore(%arg7 : memref<!tpu.dma_semaphore, #tpu.memory_space<semaphore_mem>>) src(%dma_wait3A_226 : memref<16384x64xf32, #tpu.memory_space<hbm>>) dst(%dma_wait3A_220 : memref<128x64xf32, #tpu.memory_space<vmem>>)
      %mul3A_227 = arith.constant 64 : i32
      %mul3A_228 = arith.muli %scan3A_8, %mul3A_227 : i32
      %add3A_229 = arith.addi %mul3A_2, %mul3A_228 : i32
      %mul3A_230 = arith.constant 20 : i32
      %mul3A_231 = arith.muli %add3A_229, %mul3A_230 : i32
      "tpu.region"() ({
        %run_scoped3A = tpu.sem_alloc : memref<!tpu.dma_semaphore, #tpu.memory_space<semaphore_mem>>
        %dma_start3A_232 = arith.constant 0 : i32
        %dma_start3A_233 = tpu.memref_slice %arg4[%mul3A_231, %dma_start3A_232] : memref<327680x64xf32, #tpu.memory_space<hbm>> -> memref<1280x64xf32, #tpu.memory_space<hbm>>
        %dma_start3A_234 = arith.constant 0 : i32
        %dma_start3A_235 = tpu.memref_slice %arg4[%mul3A_231, %dma_start3A_234] : memref<327680x64xf32, #tpu.memory_space<hbm>> -> memref<1280x64xf32, #tpu.memory_space<hbm>>
        tpu.enqueue_dma source(%arg6 : memref<1280x64xf32, #tpu.memory_space<vmem>>) target(%dma_start3A_235 : memref<1280x64xf32, #tpu.memory_space<hbm>>) target_semaphore(%run_scoped3A : memref<!tpu.dma_semaphore, #tpu.memory_space<semaphore_mem>>)
        %dma_wait3A_236 = arith.constant 0 : i32
        %dma_wait3A_237 = tpu.memref_slice %arg4[%mul3A_231, %dma_wait3A_236] : memref<327680x64xf32, #tpu.memory_space<hbm>> -> memref<1280x64xf32, #tpu.memory_space<hbm>>
        %dma_wait3A_238 = arith.constant 0 : i32
        %dma_wait3A_239 = tpu.memref_slice %arg4[%mul3A_231, %dma_wait3A_238] : memref<327680x64xf32, #tpu.memory_space<hbm>> -> memref<1280x64xf32, #tpu.memory_space<hbm>>
        tpu.wait_dma2 semaphore(%run_scoped3A : memref<!tpu.dma_semaphore, #tpu.memory_space<semaphore_mem>>) src(%arg6 : memref<1280x64xf32, #tpu.memory_space<vmem>>) dst(%dma_wait3A_239 : memref<1280x64xf32, #tpu.memory_space<hbm>>)
        tpu.yield
      }) : () -> ()
    }
    %scan3A_7 = arith.constant 8 : i32
    return
  }
}

#map = affine_map<(d0, d1) -> (0, 0, 0)>
#map1 = affine_map<(d0, d1) -> (0, 0)>
module attributes {stable_mosaic.version = 14 : i64} {
  func.func @body(%arg0: i32, %arg1: i32, %arg2: memref<32x80x128xi32, #tpu.memory_space<hbm>>, %arg3: memref<16384x16xf32, #tpu.memory_space<hbm>>, %arg4: memref<327680x16xf32, #tpu.memory_space<hbm>>, %arg5: memref<80x128xi32, #tpu.memory_space<vmem>>, %arg6: memref<1280x16xf32, #tpu.memory_space<vmem>>, %arg7: memref<!tpu.dma_semaphore, #tpu.memory_space<semaphore_mem>>) attributes {dimension_semantics = [#tpu.dimension_semantics<core_parallel>, #tpu.dimension_semantics<subcore_parallel>], iteration_bounds = array<i64: 2, 16>, scalar_prefetch = 0 : i64, scratch_operands = 3 : i64, tpu.core_type = #tpu.core_type<sc_vector_subcore>, window_params = [{transform_indices = #map}, {transform_indices = #map1}, {transform_indices = #map1}]} {
    %mul3A = arith.constant 2 : i32
    %mul3A_0 = arith.muli %arg1, %mul3A : i32
    %add3A = arith.addi %mul3A_0, %arg0 : i32
    "tpu.region"() ({
      %run_scoped3A = tpu.sem_alloc : memref<!tpu.dma_semaphore, #tpu.memory_space<semaphore_mem>>
      %dma_start3A = arith.constant 0 : i32
      %dma_start3A_8 = arith.constant 0 : i32
      %dma_start3A_9 = tpu.memref_slice %arg2[%add3A, %dma_start3A, %dma_start3A_8] : memref<32x80x128xi32, #tpu.memory_space<hbm>> -> memref<1x80x128xi32, #tpu.memory_space<hbm>>
      %dma_start3A_10 = tpu.memref_squeeze %dma_start3A_9 : memref<1x80x128xi32, #tpu.memory_space<hbm>> -> memref<80x128xi32, #tpu.memory_space<hbm>>
      %dma_start3A_11 = arith.constant 0 : i32
      %dma_start3A_12 = arith.constant 0 : i32
      %dma_start3A_13 = tpu.memref_slice %arg2[%add3A, %dma_start3A_11, %dma_start3A_12] : memref<32x80x128xi32, #tpu.memory_space<hbm>> -> memref<1x80x128xi32, #tpu.memory_space<hbm>>
      %dma_start3A_14 = tpu.memref_squeeze %dma_start3A_13 : memref<1x80x128xi32, #tpu.memory_space<hbm>> -> memref<80x128xi32, #tpu.memory_space<hbm>>
      tpu.enqueue_dma source(%dma_start3A_14 : memref<80x128xi32, #tpu.memory_space<hbm>>) target(%arg5 : memref<80x128xi32, #tpu.memory_space<vmem>>) target_semaphore(%run_scoped3A : memref<!tpu.dma_semaphore, #tpu.memory_space<semaphore_mem>>)
      %dma_wait3A = arith.constant 0 : i32
      %dma_wait3A_15 = arith.constant 0 : i32
      %dma_wait3A_16 = tpu.memref_slice %arg2[%add3A, %dma_wait3A, %dma_wait3A_15] : memref<32x80x128xi32, #tpu.memory_space<hbm>> -> memref<1x80x128xi32, #tpu.memory_space<hbm>>
      %dma_wait3A_17 = tpu.memref_squeeze %dma_wait3A_16 : memref<1x80x128xi32, #tpu.memory_space<hbm>> -> memref<80x128xi32, #tpu.memory_space<hbm>>
      %dma_wait3A_18 = arith.constant 0 : i32
      %dma_wait3A_19 = arith.constant 0 : i32
      %dma_wait3A_20 = tpu.memref_slice %arg2[%add3A, %dma_wait3A_18, %dma_wait3A_19] : memref<32x80x128xi32, #tpu.memory_space<hbm>> -> memref<1x80x128xi32, #tpu.memory_space<hbm>>
      %dma_wait3A_21 = tpu.memref_squeeze %dma_wait3A_20 : memref<1x80x128xi32, #tpu.memory_space<hbm>> -> memref<80x128xi32, #tpu.memory_space<hbm>>
      tpu.wait_dma2 semaphore(%run_scoped3A : memref<!tpu.dma_semaphore, #tpu.memory_space<semaphore_mem>>) src(%dma_wait3A_21 : memref<80x128xi32, #tpu.memory_space<hbm>>) dst(%arg5 : memref<80x128xi32, #tpu.memory_space<vmem>>)
      tpu.yield
    }) : () -> ()
    %mul3A_1 = arith.constant 512 : i32
    %mul3A_2 = arith.muli %add3A, %mul3A_1 : i32
    %scan3A = arith.constant 0 : i32
    %scan3A_3 = arith.constant 0 : i32
    %scan3A_4 = arith.constant 8 : i32
    %scan3A_5 = arith.addi %scan3A_3, %scan3A_4 : i32
    %scan3A_6 = arith.constant 1 : i32
    scf.for %scan3A_8 = %scan3A_3 to %scan3A_5 step %scan3A_6  : i32 {
      %mul3A_9 = arith.constant 10 : i32
      %mul3A_10 = arith.muli %scan3A_8, %mul3A_9 : i32
      %add3A_11 = arith.constant 0 : i32
      %add3A_12 = arith.addi %mul3A_10, %add3A_11 : i32
      %dma_start3A = arith.constant 0 : i32
      %dma_start3A_13 = arith.constant 0 : i32
      %dma_start3A_14 = tpu.memref_slice %arg6[%dma_start3A, %dma_start3A_13] : memref<1280x16xf32, #tpu.memory_space<vmem>> -> memref<128x16xf32, #tpu.memory_space<vmem>>
      %dma_start3A_15 = arith.constant 0 : i32
      %dma_start3A_16 = tpu.memref_slice %arg5[%add3A_12, %dma_start3A_15] : memref<80x128xi32, #tpu.memory_space<vmem>> -> memref<1x128xi32, #tpu.memory_space<vmem>>
      %dma_start3A_17 = tpu.memref_squeeze %dma_start3A_16 : memref<1x128xi32, #tpu.memory_space<vmem>> -> memref<128xi32, #tpu.memory_space<vmem>>
      %dma_start3A_18 = arith.constant 0 : i32
      %dma_start3A_19 = arith.constant 0 : i32
      %dma_start3A_20 = tpu.memref_slice %arg3[%dma_start3A_18, %dma_start3A_19] : memref<16384x16xf32, #tpu.memory_space<hbm>> -> memref<16384x16xf32, #tpu.memory_space<hbm>>
      tpu.enqueue_indirect_dma source(%dma_start3A_20 : memref<16384x16xf32, #tpu.memory_space<hbm>>) target(%dma_start3A_14 : memref<128x16xf32, #tpu.memory_space<vmem>>) offsets(%dma_start3A_17 : memref<128xi32, #tpu.memory_space<vmem>>) semaphore(%arg7 : memref<!tpu.dma_semaphore, #tpu.memory_space<semaphore_mem>>)
      %mul3A_21 = arith.constant 10 : i32
      %mul3A_22 = arith.muli %scan3A_8, %mul3A_21 : i32
      %add3A_23 = arith.constant 1 : i32
      %add3A_24 = arith.addi %mul3A_22, %add3A_23 : i32
      %dma_start3A_25 = arith.constant 128 : i32
      %dma_start3A_26 = arith.constant 0 : i32
      %dma_start3A_27 = tpu.memref_slice %arg6[%dma_start3A_25, %dma_start3A_26] : memref<1280x16xf32, #tpu.memory_space<vmem>> -> memref<128x16xf32, #tpu.memory_space<vmem>>
      %dma_start3A_28 = arith.constant 0 : i32
      %dma_start3A_29 = tpu.memref_slice %arg5[%add3A_24, %dma_start3A_28] : memref<80x128xi32, #tpu.memory_space<vmem>> -> memref<1x128xi32, #tpu.memory_space<vmem>>
      %dma_start3A_30 = tpu.memref_squeeze %dma_start3A_29 : memref<1x128xi32, #tpu.memory_space<vmem>> -> memref<128xi32, #tpu.memory_space<vmem>>
      %dma_start3A_31 = arith.constant 0 : i32
      %dma_start3A_32 = arith.constant 0 : i32
      %dma_start3A_33 = tpu.memref_slice %arg3[%dma_start3A_31, %dma_start3A_32] : memref<16384x16xf32, #tpu.memory_space<hbm>> -> memref<16384x16xf32, #tpu.memory_space<hbm>>
      tpu.enqueue_indirect_dma source(%dma_start3A_33 : memref<16384x16xf32, #tpu.memory_space<hbm>>) target(%dma_start3A_27 : memref<128x16xf32, #tpu.memory_space<vmem>>) offsets(%dma_start3A_30 : memref<128xi32, #tpu.memory_space<vmem>>) semaphore(%arg7 : memref<!tpu.dma_semaphore, #tpu.memory_space<semaphore_mem>>)
      %mul3A_34 = arith.constant 10 : i32
      %mul3A_35 = arith.muli %scan3A_8, %mul3A_34 : i32
      %add3A_36 = arith.constant 2 : i32
      %add3A_37 = arith.addi %mul3A_35, %add3A_36 : i32
      %dma_start3A_38 = arith.constant 256 : i32
      %dma_start3A_39 = arith.constant 0 : i32
      %dma_start3A_40 = tpu.memref_slice %arg6[%dma_start3A_38, %dma_start3A_39] : memref<1280x16xf32, #tpu.memory_space<vmem>> -> memref<128x16xf32, #tpu.memory_space<vmem>>
      %dma_start3A_41 = arith.constant 0 : i32
      %dma_start3A_42 = tpu.memref_slice %arg5[%add3A_37, %dma_start3A_41] : memref<80x128xi32, #tpu.memory_space<vmem>> -> memref<1x128xi32, #tpu.memory_space<vmem>>
      %dma_start3A_43 = tpu.memref_squeeze %dma_start3A_42 : memref<1x128xi32, #tpu.memory_space<vmem>> -> memref<128xi32, #tpu.memory_space<vmem>>
      %dma_start3A_44 = arith.constant 0 : i32
      %dma_start3A_45 = arith.constant 0 : i32
      %dma_start3A_46 = tpu.memref_slice %arg3[%dma_start3A_44, %dma_start3A_45] : memref<16384x16xf32, #tpu.memory_space<hbm>> -> memref<16384x16xf32, #tpu.memory_space<hbm>>
      tpu.enqueue_indirect_dma source(%dma_start3A_46 : memref<16384x16xf32, #tpu.memory_space<hbm>>) target(%dma_start3A_40 : memref<128x16xf32, #tpu.memory_space<vmem>>) offsets(%dma_start3A_43 : memref<128xi32, #tpu.memory_space<vmem>>) semaphore(%arg7 : memref<!tpu.dma_semaphore, #tpu.memory_space<semaphore_mem>>)
      %mul3A_47 = arith.constant 10 : i32
      %mul3A_48 = arith.muli %scan3A_8, %mul3A_47 : i32
      %add3A_49 = arith.constant 3 : i32
      %add3A_50 = arith.addi %mul3A_48, %add3A_49 : i32
      %dma_start3A_51 = arith.constant 384 : i32
      %dma_start3A_52 = arith.constant 0 : i32
      %dma_start3A_53 = tpu.memref_slice %arg6[%dma_start3A_51, %dma_start3A_52] : memref<1280x16xf32, #tpu.memory_space<vmem>> -> memref<128x16xf32, #tpu.memory_space<vmem>>
      %dma_start3A_54 = arith.constant 0 : i32
      %dma_start3A_55 = tpu.memref_slice %arg5[%add3A_50, %dma_start3A_54] : memref<80x128xi32, #tpu.memory_space<vmem>> -> memref<1x128xi32, #tpu.memory_space<vmem>>
      %dma_start3A_56 = tpu.memref_squeeze %dma_start3A_55 : memref<1x128xi32, #tpu.memory_space<vmem>> -> memref<128xi32, #tpu.memory_space<vmem>>
      %dma_start3A_57 = arith.constant 0 : i32
      %dma_start3A_58 = arith.constant 0 : i32
      %dma_start3A_59 = tpu.memref_slice %arg3[%dma_start3A_57, %dma_start3A_58] : memref<16384x16xf32, #tpu.memory_space<hbm>> -> memref<16384x16xf32, #tpu.memory_space<hbm>>
      tpu.enqueue_indirect_dma source(%dma_start3A_59 : memref<16384x16xf32, #tpu.memory_space<hbm>>) target(%dma_start3A_53 : memref<128x16xf32, #tpu.memory_space<vmem>>) offsets(%dma_start3A_56 : memref<128xi32, #tpu.memory_space<vmem>>) semaphore(%arg7 : memref<!tpu.dma_semaphore, #tpu.memory_space<semaphore_mem>>)
      %mul3A_60 = arith.constant 10 : i32
      %mul3A_61 = arith.muli %scan3A_8, %mul3A_60 : i32
      %add3A_62 = arith.constant 4 : i32
      %add3A_63 = arith.addi %mul3A_61, %add3A_62 : i32
      %dma_start3A_64 = arith.constant 512 : i32
      %dma_start3A_65 = arith.constant 0 : i32
      %dma_start3A_66 = tpu.memref_slice %arg6[%dma_start3A_64, %dma_start3A_65] : memref<1280x16xf32, #tpu.memory_space<vmem>> -> memref<128x16xf32, #tpu.memory_space<vmem>>
      %dma_start3A_67 = arith.constant 0 : i32
      %dma_start3A_68 = tpu.memref_slice %arg5[%add3A_63, %dma_start3A_67] : memref<80x128xi32, #tpu.memory_space<vmem>> -> memref<1x128xi32, #tpu.memory_space<vmem>>
      %dma_start3A_69 = tpu.memref_squeeze %dma_start3A_68 : memref<1x128xi32, #tpu.memory_space<vmem>> -> memref<128xi32, #tpu.memory_space<vmem>>
      %dma_start3A_70 = arith.constant 0 : i32
      %dma_start3A_71 = arith.constant 0 : i32
      %dma_start3A_72 = tpu.memref_slice %arg3[%dma_start3A_70, %dma_start3A_71] : memref<16384x16xf32, #tpu.memory_space<hbm>> -> memref<16384x16xf32, #tpu.memory_space<hbm>>
      tpu.enqueue_indirect_dma source(%dma_start3A_72 : memref<16384x16xf32, #tpu.memory_space<hbm>>) target(%dma_start3A_66 : memref<128x16xf32, #tpu.memory_space<vmem>>) offsets(%dma_start3A_69 : memref<128xi32, #tpu.memory_space<vmem>>) semaphore(%arg7 : memref<!tpu.dma_semaphore, #tpu.memory_space<semaphore_mem>>)
      %mul3A_73 = arith.constant 10 : i32
      %mul3A_74 = arith.muli %scan3A_8, %mul3A_73 : i32
      %add3A_75 = arith.constant 5 : i32
      %add3A_76 = arith.addi %mul3A_74, %add3A_75 : i32
      %dma_start3A_77 = arith.constant 640 : i32
      %dma_start3A_78 = arith.constant 0 : i32
      %dma_start3A_79 = tpu.memref_slice %arg6[%dma_start3A_77, %dma_start3A_78] : memref<1280x16xf32, #tpu.memory_space<vmem>> -> memref<128x16xf32, #tpu.memory_space<vmem>>
      %dma_start3A_80 = arith.constant 0 : i32
      %dma_start3A_81 = tpu.memref_slice %arg5[%add3A_76, %dma_start3A_80] : memref<80x128xi32, #tpu.memory_space<vmem>> -> memref<1x128xi32, #tpu.memory_space<vmem>>
      %dma_start3A_82 = tpu.memref_squeeze %dma_start3A_81 : memref<1x128xi32, #tpu.memory_space<vmem>> -> memref<128xi32, #tpu.memory_space<vmem>>
      %dma_start3A_83 = arith.constant 0 : i32
      %dma_start3A_84 = arith.constant 0 : i32
      %dma_start3A_85 = tpu.memref_slice %arg3[%dma_start3A_83, %dma_start3A_84] : memref<16384x16xf32, #tpu.memory_space<hbm>> -> memref<16384x16xf32, #tpu.memory_space<hbm>>
      tpu.enqueue_indirect_dma source(%dma_start3A_85 : memref<16384x16xf32, #tpu.memory_space<hbm>>) target(%dma_start3A_79 : memref<128x16xf32, #tpu.memory_space<vmem>>) offsets(%dma_start3A_82 : memref<128xi32, #tpu.memory_space<vmem>>) semaphore(%arg7 : memref<!tpu.dma_semaphore, #tpu.memory_space<semaphore_mem>>)
      %mul3A_86 = arith.constant 10 : i32
      %mul3A_87 = arith.muli %scan3A_8, %mul3A_86 : i32
      %add3A_88 = arith.constant 6 : i32
      %add3A_89 = arith.addi %mul3A_87, %add3A_88 : i32
      %dma_start3A_90 = arith.constant 768 : i32
      %dma_start3A_91 = arith.constant 0 : i32
      %dma_start3A_92 = tpu.memref_slice %arg6[%dma_start3A_90, %dma_start3A_91] : memref<1280x16xf32, #tpu.memory_space<vmem>> -> memref<128x16xf32, #tpu.memory_space<vmem>>
      %dma_start3A_93 = arith.constant 0 : i32
      %dma_start3A_94 = tpu.memref_slice %arg5[%add3A_89, %dma_start3A_93] : memref<80x128xi32, #tpu.memory_space<vmem>> -> memref<1x128xi32, #tpu.memory_space<vmem>>
      %dma_start3A_95 = tpu.memref_squeeze %dma_start3A_94 : memref<1x128xi32, #tpu.memory_space<vmem>> -> memref<128xi32, #tpu.memory_space<vmem>>
      %dma_start3A_96 = arith.constant 0 : i32
      %dma_start3A_97 = arith.constant 0 : i32
      %dma_start3A_98 = tpu.memref_slice %arg3[%dma_start3A_96, %dma_start3A_97] : memref<16384x16xf32, #tpu.memory_space<hbm>> -> memref<16384x16xf32, #tpu.memory_space<hbm>>
      tpu.enqueue_indirect_dma source(%dma_start3A_98 : memref<16384x16xf32, #tpu.memory_space<hbm>>) target(%dma_start3A_92 : memref<128x16xf32, #tpu.memory_space<vmem>>) offsets(%dma_start3A_95 : memref<128xi32, #tpu.memory_space<vmem>>) semaphore(%arg7 : memref<!tpu.dma_semaphore, #tpu.memory_space<semaphore_mem>>)
      %mul3A_99 = arith.constant 10 : i32
      %mul3A_100 = arith.muli %scan3A_8, %mul3A_99 : i32
      %add3A_101 = arith.constant 7 : i32
      %add3A_102 = arith.addi %mul3A_100, %add3A_101 : i32
      %dma_start3A_103 = arith.constant 896 : i32
      %dma_start3A_104 = arith.constant 0 : i32
      %dma_start3A_105 = tpu.memref_slice %arg6[%dma_start3A_103, %dma_start3A_104] : memref<1280x16xf32, #tpu.memory_space<vmem>> -> memref<128x16xf32, #tpu.memory_space<vmem>>
      %dma_start3A_106 = arith.constant 0 : i32
      %dma_start3A_107 = tpu.memref_slice %arg5[%add3A_102, %dma_start3A_106] : memref<80x128xi32, #tpu.memory_space<vmem>> -> memref<1x128xi32, #tpu.memory_space<vmem>>
      %dma_start3A_108 = tpu.memref_squeeze %dma_start3A_107 : memref<1x128xi32, #tpu.memory_space<vmem>> -> memref<128xi32, #tpu.memory_space<vmem>>
      %dma_start3A_109 = arith.constant 0 : i32
      %dma_start3A_110 = arith.constant 0 : i32
      %dma_start3A_111 = tpu.memref_slice %arg3[%dma_start3A_109, %dma_start3A_110] : memref<16384x16xf32, #tpu.memory_space<hbm>> -> memref<16384x16xf32, #tpu.memory_space<hbm>>
      tpu.enqueue_indirect_dma source(%dma_start3A_111 : memref<16384x16xf32, #tpu.memory_space<hbm>>) target(%dma_start3A_105 : memref<128x16xf32, #tpu.memory_space<vmem>>) offsets(%dma_start3A_108 : memref<128xi32, #tpu.memory_space<vmem>>) semaphore(%arg7 : memref<!tpu.dma_semaphore, #tpu.memory_space<semaphore_mem>>)
      %mul3A_112 = arith.constant 10 : i32
      %mul3A_113 = arith.muli %scan3A_8, %mul3A_112 : i32
      %add3A_114 = arith.constant 8 : i32
      %add3A_115 = arith.addi %mul3A_113, %add3A_114 : i32
      %dma_start3A_116 = arith.constant 1024 : i32
      %dma_start3A_117 = arith.constant 0 : i32
      %dma_start3A_118 = tpu.memref_slice %arg6[%dma_start3A_116, %dma_start3A_117] : memref<1280x16xf32, #tpu.memory_space<vmem>> -> memref<128x16xf32, #tpu.memory_space<vmem>>
      %dma_start3A_119 = arith.constant 0 : i32
      %dma_start3A_120 = tpu.memref_slice %arg5[%add3A_115, %dma_start3A_119] : memref<80x128xi32, #tpu.memory_space<vmem>> -> memref<1x128xi32, #tpu.memory_space<vmem>>
      %dma_start3A_121 = tpu.memref_squeeze %dma_start3A_120 : memref<1x128xi32, #tpu.memory_space<vmem>> -> memref<128xi32, #tpu.memory_space<vmem>>
      %dma_start3A_122 = arith.constant 0 : i32
      %dma_start3A_123 = arith.constant 0 : i32
      %dma_start3A_124 = tpu.memref_slice %arg3[%dma_start3A_122, %dma_start3A_123] : memref<16384x16xf32, #tpu.memory_space<hbm>> -> memref<16384x16xf32, #tpu.memory_space<hbm>>
      tpu.enqueue_indirect_dma source(%dma_start3A_124 : memref<16384x16xf32, #tpu.memory_space<hbm>>) target(%dma_start3A_118 : memref<128x16xf32, #tpu.memory_space<vmem>>) offsets(%dma_start3A_121 : memref<128xi32, #tpu.memory_space<vmem>>) semaphore(%arg7 : memref<!tpu.dma_semaphore, #tpu.memory_space<semaphore_mem>>)
      %mul3A_125 = arith.constant 10 : i32
      %mul3A_126 = arith.muli %scan3A_8, %mul3A_125 : i32
      %add3A_127 = arith.constant 9 : i32
      %add3A_128 = arith.addi %mul3A_126, %add3A_127 : i32
      %dma_start3A_129 = arith.constant 1152 : i32
      %dma_start3A_130 = arith.constant 0 : i32
      %dma_start3A_131 = tpu.memref_slice %arg6[%dma_start3A_129, %dma_start3A_130] : memref<1280x16xf32, #tpu.memory_space<vmem>> -> memref<128x16xf32, #tpu.memory_space<vmem>>
      %dma_start3A_132 = arith.constant 0 : i32
      %dma_start3A_133 = tpu.memref_slice %arg5[%add3A_128, %dma_start3A_132] : memref<80x128xi32, #tpu.memory_space<vmem>> -> memref<1x128xi32, #tpu.memory_space<vmem>>
      %dma_start3A_134 = tpu.memref_squeeze %dma_start3A_133 : memref<1x128xi32, #tpu.memory_space<vmem>> -> memref<128xi32, #tpu.memory_space<vmem>>
      %dma_start3A_135 = arith.constant 0 : i32
      %dma_start3A_136 = arith.constant 0 : i32
      %dma_start3A_137 = tpu.memref_slice %arg3[%dma_start3A_135, %dma_start3A_136] : memref<16384x16xf32, #tpu.memory_space<hbm>> -> memref<16384x16xf32, #tpu.memory_space<hbm>>
      tpu.enqueue_indirect_dma source(%dma_start3A_137 : memref<16384x16xf32, #tpu.memory_space<hbm>>) target(%dma_start3A_131 : memref<128x16xf32, #tpu.memory_space<vmem>>) offsets(%dma_start3A_134 : memref<128xi32, #tpu.memory_space<vmem>>) semaphore(%arg7 : memref<!tpu.dma_semaphore, #tpu.memory_space<semaphore_mem>>)
      %dma_wait3A = arith.constant 0 : i32
      %dma_wait3A_138 = arith.constant 0 : i32
      %dma_wait3A_139 = tpu.memref_slice %arg6[%dma_wait3A, %dma_wait3A_138] : memref<1280x16xf32, #tpu.memory_space<vmem>> -> memref<128x16xf32, #tpu.memory_space<vmem>>
      %dma_wait3A_140 = arith.constant 0 : i32
      %dma_wait3A_141 = tpu.memref_slice %arg5[%add3A_12, %dma_wait3A_140] : memref<80x128xi32, #tpu.memory_space<vmem>> -> memref<1x128xi32, #tpu.memory_space<vmem>>
      %dma_wait3A_142 = tpu.memref_squeeze %dma_wait3A_141 : memref<1x128xi32, #tpu.memory_space<vmem>> -> memref<128xi32, #tpu.memory_space<vmem>>
      %dma_wait3A_143 = arith.constant 0 : i32
      %dma_wait3A_144 = arith.constant 0 : i32
      %dma_wait3A_145 = tpu.memref_slice %arg3[%dma_wait3A_143, %dma_wait3A_144] : memref<16384x16xf32, #tpu.memory_space<hbm>> -> memref<16384x16xf32, #tpu.memory_space<hbm>>
      tpu.wait_indirect_dma semaphore(%arg7 : memref<!tpu.dma_semaphore, #tpu.memory_space<semaphore_mem>>) src(%dma_wait3A_145 : memref<16384x16xf32, #tpu.memory_space<hbm>>) dst(%dma_wait3A_139 : memref<128x16xf32, #tpu.memory_space<vmem>>)
      %dma_wait3A_146 = arith.constant 128 : i32
      %dma_wait3A_147 = arith.constant 0 : i32
      %dma_wait3A_148 = tpu.memref_slice %arg6[%dma_wait3A_146, %dma_wait3A_147] : memref<1280x16xf32, #tpu.memory_space<vmem>> -> memref<128x16xf32, #tpu.memory_space<vmem>>
      %dma_wait3A_149 = arith.constant 0 : i32
      %dma_wait3A_150 = tpu.memref_slice %arg5[%add3A_24, %dma_wait3A_149] : memref<80x128xi32, #tpu.memory_space<vmem>> -> memref<1x128xi32, #tpu.memory_space<vmem>>
      %dma_wait3A_151 = tpu.memref_squeeze %dma_wait3A_150 : memref<1x128xi32, #tpu.memory_space<vmem>> -> memref<128xi32, #tpu.memory_space<vmem>>
      %dma_wait3A_152 = arith.constant 0 : i32
      %dma_wait3A_153 = arith.constant 0 : i32
      %dma_wait3A_154 = tpu.memref_slice %arg3[%dma_wait3A_152, %dma_wait3A_153] : memref<16384x16xf32, #tpu.memory_space<hbm>> -> memref<16384x16xf32, #tpu.memory_space<hbm>>
      tpu.wait_indirect_dma semaphore(%arg7 : memref<!tpu.dma_semaphore, #tpu.memory_space<semaphore_mem>>) src(%dma_wait3A_154 : memref<16384x16xf32, #tpu.memory_space<hbm>>) dst(%dma_wait3A_148 : memref<128x16xf32, #tpu.memory_space<vmem>>)
      %dma_wait3A_155 = arith.constant 256 : i32
      %dma_wait3A_156 = arith.constant 0 : i32
      %dma_wait3A_157 = tpu.memref_slice %arg6[%dma_wait3A_155, %dma_wait3A_156] : memref<1280x16xf32, #tpu.memory_space<vmem>> -> memref<128x16xf32, #tpu.memory_space<vmem>>
      %dma_wait3A_158 = arith.constant 0 : i32
      %dma_wait3A_159 = tpu.memref_slice %arg5[%add3A_37, %dma_wait3A_158] : memref<80x128xi32, #tpu.memory_space<vmem>> -> memref<1x128xi32, #tpu.memory_space<vmem>>
      %dma_wait3A_160 = tpu.memref_squeeze %dma_wait3A_159 : memref<1x128xi32, #tpu.memory_space<vmem>> -> memref<128xi32, #tpu.memory_space<vmem>>
      %dma_wait3A_161 = arith.constant 0 : i32
      %dma_wait3A_162 = arith.constant 0 : i32
      %dma_wait3A_163 = tpu.memref_slice %arg3[%dma_wait3A_161, %dma_wait3A_162] : memref<16384x16xf32, #tpu.memory_space<hbm>> -> memref<16384x16xf32, #tpu.memory_space<hbm>>
      tpu.wait_indirect_dma semaphore(%arg7 : memref<!tpu.dma_semaphore, #tpu.memory_space<semaphore_mem>>) src(%dma_wait3A_163 : memref<16384x16xf32, #tpu.memory_space<hbm>>) dst(%dma_wait3A_157 : memref<128x16xf32, #tpu.memory_space<vmem>>)
      %dma_wait3A_164 = arith.constant 384 : i32
      %dma_wait3A_165 = arith.constant 0 : i32
      %dma_wait3A_166 = tpu.memref_slice %arg6[%dma_wait3A_164, %dma_wait3A_165] : memref<1280x16xf32, #tpu.memory_space<vmem>> -> memref<128x16xf32, #tpu.memory_space<vmem>>
      %dma_wait3A_167 = arith.constant 0 : i32
      %dma_wait3A_168 = tpu.memref_slice %arg5[%add3A_50, %dma_wait3A_167] : memref<80x128xi32, #tpu.memory_space<vmem>> -> memref<1x128xi32, #tpu.memory_space<vmem>>
      %dma_wait3A_169 = tpu.memref_squeeze %dma_wait3A_168 : memref<1x128xi32, #tpu.memory_space<vmem>> -> memref<128xi32, #tpu.memory_space<vmem>>
      %dma_wait3A_170 = arith.constant 0 : i32
      %dma_wait3A_171 = arith.constant 0 : i32
      %dma_wait3A_172 = tpu.memref_slice %arg3[%dma_wait3A_170, %dma_wait3A_171] : memref<16384x16xf32, #tpu.memory_space<hbm>> -> memref<16384x16xf32, #tpu.memory_space<hbm>>
      tpu.wait_indirect_dma semaphore(%arg7 : memref<!tpu.dma_semaphore, #tpu.memory_space<semaphore_mem>>) src(%dma_wait3A_172 : memref<16384x16xf32, #tpu.memory_space<hbm>>) dst(%dma_wait3A_166 : memref<128x16xf32, #tpu.memory_space<vmem>>)
      %dma_wait3A_173 = arith.constant 512 : i32
      %dma_wait3A_174 = arith.constant 0 : i32
      %dma_wait3A_175 = tpu.memref_slice %arg6[%dma_wait3A_173, %dma_wait3A_174] : memref<1280x16xf32, #tpu.memory_space<vmem>> -> memref<128x16xf32, #tpu.memory_space<vmem>>
      %dma_wait3A_176 = arith.constant 0 : i32
      %dma_wait3A_177 = tpu.memref_slice %arg5[%add3A_63, %dma_wait3A_176] : memref<80x128xi32, #tpu.memory_space<vmem>> -> memref<1x128xi32, #tpu.memory_space<vmem>>
      %dma_wait3A_178 = tpu.memref_squeeze %dma_wait3A_177 : memref<1x128xi32, #tpu.memory_space<vmem>> -> memref<128xi32, #tpu.memory_space<vmem>>
      %dma_wait3A_179 = arith.constant 0 : i32
      %dma_wait3A_180 = arith.constant 0 : i32
      %dma_wait3A_181 = tpu.memref_slice %arg3[%dma_wait3A_179, %dma_wait3A_180] : memref<16384x16xf32, #tpu.memory_space<hbm>> -> memref<16384x16xf32, #tpu.memory_space<hbm>>
      tpu.wait_indirect_dma semaphore(%arg7 : memref<!tpu.dma_semaphore, #tpu.memory_space<semaphore_mem>>) src(%dma_wait3A_181 : memref<16384x16xf32, #tpu.memory_space<hbm>>) dst(%dma_wait3A_175 : memref<128x16xf32, #tpu.memory_space<vmem>>)
      %dma_wait3A_182 = arith.constant 640 : i32
      %dma_wait3A_183 = arith.constant 0 : i32
      %dma_wait3A_184 = tpu.memref_slice %arg6[%dma_wait3A_182, %dma_wait3A_183] : memref<1280x16xf32, #tpu.memory_space<vmem>> -> memref<128x16xf32, #tpu.memory_space<vmem>>
      %dma_wait3A_185 = arith.constant 0 : i32
      %dma_wait3A_186 = tpu.memref_slice %arg5[%add3A_76, %dma_wait3A_185] : memref<80x128xi32, #tpu.memory_space<vmem>> -> memref<1x128xi32, #tpu.memory_space<vmem>>
      %dma_wait3A_187 = tpu.memref_squeeze %dma_wait3A_186 : memref<1x128xi32, #tpu.memory_space<vmem>> -> memref<128xi32, #tpu.memory_space<vmem>>
      %dma_wait3A_188 = arith.constant 0 : i32
      %dma_wait3A_189 = arith.constant 0 : i32
      %dma_wait3A_190 = tpu.memref_slice %arg3[%dma_wait3A_188, %dma_wait3A_189] : memref<16384x16xf32, #tpu.memory_space<hbm>> -> memref<16384x16xf32, #tpu.memory_space<hbm>>
      tpu.wait_indirect_dma semaphore(%arg7 : memref<!tpu.dma_semaphore, #tpu.memory_space<semaphore_mem>>) src(%dma_wait3A_190 : memref<16384x16xf32, #tpu.memory_space<hbm>>) dst(%dma_wait3A_184 : memref<128x16xf32, #tpu.memory_space<vmem>>)
      %dma_wait3A_191 = arith.constant 768 : i32
      %dma_wait3A_192 = arith.constant 0 : i32
      %dma_wait3A_193 = tpu.memref_slice %arg6[%dma_wait3A_191, %dma_wait3A_192] : memref<1280x16xf32, #tpu.memory_space<vmem>> -> memref<128x16xf32, #tpu.memory_space<vmem>>
      %dma_wait3A_194 = arith.constant 0 : i32
      %dma_wait3A_195 = tpu.memref_slice %arg5[%add3A_89, %dma_wait3A_194] : memref<80x128xi32, #tpu.memory_space<vmem>> -> memref<1x128xi32, #tpu.memory_space<vmem>>
      %dma_wait3A_196 = tpu.memref_squeeze %dma_wait3A_195 : memref<1x128xi32, #tpu.memory_space<vmem>> -> memref<128xi32, #tpu.memory_space<vmem>>
      %dma_wait3A_197 = arith.constant 0 : i32
      %dma_wait3A_198 = arith.constant 0 : i32
      %dma_wait3A_199 = tpu.memref_slice %arg3[%dma_wait3A_197, %dma_wait3A_198] : memref<16384x16xf32, #tpu.memory_space<hbm>> -> memref<16384x16xf32, #tpu.memory_space<hbm>>
      tpu.wait_indirect_dma semaphore(%arg7 : memref<!tpu.dma_semaphore, #tpu.memory_space<semaphore_mem>>) src(%dma_wait3A_199 : memref<16384x16xf32, #tpu.memory_space<hbm>>) dst(%dma_wait3A_193 : memref<128x16xf32, #tpu.memory_space<vmem>>)
      %dma_wait3A_200 = arith.constant 896 : i32
      %dma_wait3A_201 = arith.constant 0 : i32
      %dma_wait3A_202 = tpu.memref_slice %arg6[%dma_wait3A_200, %dma_wait3A_201] : memref<1280x16xf32, #tpu.memory_space<vmem>> -> memref<128x16xf32, #tpu.memory_space<vmem>>
      %dma_wait3A_203 = arith.constant 0 : i32
      %dma_wait3A_204 = tpu.memref_slice %arg5[%add3A_102, %dma_wait3A_203] : memref<80x128xi32, #tpu.memory_space<vmem>> -> memref<1x128xi32, #tpu.memory_space<vmem>>
      %dma_wait3A_205 = tpu.memref_squeeze %dma_wait3A_204 : memref<1x128xi32, #tpu.memory_space<vmem>> -> memref<128xi32, #tpu.memory_space<vmem>>
      %dma_wait3A_206 = arith.constant 0 : i32
      %dma_wait3A_207 = arith.constant 0 : i32
      %dma_wait3A_208 = tpu.memref_slice %arg3[%dma_wait3A_206, %dma_wait3A_207] : memref<16384x16xf32, #tpu.memory_space<hbm>> -> memref<16384x16xf32, #tpu.memory_space<hbm>>
      tpu.wait_indirect_dma semaphore(%arg7 : memref<!tpu.dma_semaphore, #tpu.memory_space<semaphore_mem>>) src(%dma_wait3A_208 : memref<16384x16xf32, #tpu.memory_space<hbm>>) dst(%dma_wait3A_202 : memref<128x16xf32, #tpu.memory_space<vmem>>)
      %dma_wait3A_209 = arith.constant 1024 : i32
      %dma_wait3A_210 = arith.constant 0 : i32
      %dma_wait3A_211 = tpu.memref_slice %arg6[%dma_wait3A_209, %dma_wait3A_210] : memref<1280x16xf32, #tpu.memory_space<vmem>> -> memref<128x16xf32, #tpu.memory_space<vmem>>
      %dma_wait3A_212 = arith.constant 0 : i32
      %dma_wait3A_213 = tpu.memref_slice %arg5[%add3A_115, %dma_wait3A_212] : memref<80x128xi32, #tpu.memory_space<vmem>> -> memref<1x128xi32, #tpu.memory_space<vmem>>
      %dma_wait3A_214 = tpu.memref_squeeze %dma_wait3A_213 : memref<1x128xi32, #tpu.memory_space<vmem>> -> memref<128xi32, #tpu.memory_space<vmem>>
      %dma_wait3A_215 = arith.constant 0 : i32
      %dma_wait3A_216 = arith.constant 0 : i32
      %dma_wait3A_217 = tpu.memref_slice %arg3[%dma_wait3A_215, %dma_wait3A_216] : memref<16384x16xf32, #tpu.memory_space<hbm>> -> memref<16384x16xf32, #tpu.memory_space<hbm>>
      tpu.wait_indirect_dma semaphore(%arg7 : memref<!tpu.dma_semaphore, #tpu.memory_space<semaphore_mem>>) src(%dma_wait3A_217 : memref<16384x16xf32, #tpu.memory_space<hbm>>) dst(%dma_wait3A_211 : memref<128x16xf32, #tpu.memory_space<vmem>>)
      %dma_wait3A_218 = arith.constant 1152 : i32
      %dma_wait3A_219 = arith.constant 0 : i32
      %dma_wait3A_220 = tpu.memref_slice %arg6[%dma_wait3A_218, %dma_wait3A_219] : memref<1280x16xf32, #tpu.memory_space<vmem>> -> memref<128x16xf32, #tpu.memory_space<vmem>>
      %dma_wait3A_221 = arith.constant 0 : i32
      %dma_wait3A_222 = tpu.memref_slice %arg5[%add3A_128, %dma_wait3A_221] : memref<80x128xi32, #tpu.memory_space<vmem>> -> memref<1x128xi32, #tpu.memory_space<vmem>>
      %dma_wait3A_223 = tpu.memref_squeeze %dma_wait3A_222 : memref<1x128xi32, #tpu.memory_space<vmem>> -> memref<128xi32, #tpu.memory_space<vmem>>
      %dma_wait3A_224 = arith.constant 0 : i32
      %dma_wait3A_225 = arith.constant 0 : i32
      %dma_wait3A_226 = tpu.memref_slice %arg3[%dma_wait3A_224, %dma_wait3A_225] : memref<16384x16xf32, #tpu.memory_space<hbm>> -> memref<16384x16xf32, #tpu.memory_space<hbm>>
      tpu.wait_indirect_dma semaphore(%arg7 : memref<!tpu.dma_semaphore, #tpu.memory_space<semaphore_mem>>) src(%dma_wait3A_226 : memref<16384x16xf32, #tpu.memory_space<hbm>>) dst(%dma_wait3A_220 : memref<128x16xf32, #tpu.memory_space<vmem>>)
      %mul3A_227 = arith.constant 64 : i32
      %mul3A_228 = arith.muli %scan3A_8, %mul3A_227 : i32
      %add3A_229 = arith.addi %mul3A_2, %mul3A_228 : i32
      %mul3A_230 = arith.constant 20 : i32
      %mul3A_231 = arith.muli %add3A_229, %mul3A_230 : i32
      "tpu.region"() ({
        %run_scoped3A = tpu.sem_alloc : memref<!tpu.dma_semaphore, #tpu.memory_space<semaphore_mem>>
        %dma_start3A_232 = arith.constant 0 : i32
        %dma_start3A_233 = tpu.memref_slice %arg4[%mul3A_231, %dma_start3A_232] : memref<327680x16xf32, #tpu.memory_space<hbm>> -> memref<1280x16xf32, #tpu.memory_space<hbm>>
        %dma_start3A_234 = arith.constant 0 : i32
        %dma_start3A_235 = tpu.memref_slice %arg4[%mul3A_231, %dma_start3A_234] : memref<327680x16xf32, #tpu.memory_space<hbm>> -> memref<1280x16xf32, #tpu.memory_space<hbm>>
        tpu.enqueue_dma source(%arg6 : memref<1280x16xf32, #tpu.memory_space<vmem>>) target(%dma_start3A_235 : memref<1280x16xf32, #tpu.memory_space<hbm>>) target_semaphore(%run_scoped3A : memref<!tpu.dma_semaphore, #tpu.memory_space<semaphore_mem>>)
        %dma_wait3A_236 = arith.constant 0 : i32
        %dma_wait3A_237 = tpu.memref_slice %arg4[%mul3A_231, %dma_wait3A_236] : memref<327680x16xf32, #tpu.memory_space<hbm>> -> memref<1280x16xf32, #tpu.memory_space<hbm>>
        %dma_wait3A_238 = arith.constant 0 : i32
        %dma_wait3A_239 = tpu.memref_slice %arg4[%mul3A_231, %dma_wait3A_238] : memref<327680x16xf32, #tpu.memory_space<hbm>> -> memref<1280x16xf32, #tpu.memory_space<hbm>>
        tpu.wait_dma2 semaphore(%run_scoped3A : memref<!tpu.dma_semaphore, #tpu.memory_space<semaphore_mem>>) src(%arg6 : memref<1280x16xf32, #tpu.memory_space<vmem>>) dst(%dma_wait3A_239 : memref<1280x16xf32, #tpu.memory_space<hbm>>)
        tpu.yield
      }) : () -> ()
    }
    %scan3A_7 = arith.constant 8 : i32
    return
  }
}

#map = affine_map<(d0, d1) -> (0, 0, 0)>
#map1 = affine_map<(d0, d1) -> (0, 0)>
module attributes {stable_mosaic.version = 14 : i64} {
  func.func @body(%arg0: i32, %arg1: i32, %arg2: memref<32x80x128xi32, #tpu.memory_space<hbm>>, %arg3: memref<16384x64xf32, #tpu.memory_space<hbm>>, %arg4: memref<327680x64xf32, #tpu.memory_space<hbm>>, %arg5: memref<80x128xi32, #tpu.memory_space<vmem>>, %arg6: memref<1280x64xf32, #tpu.memory_space<vmem>>, %arg7: memref<!tpu.dma_semaphore, #tpu.memory_space<semaphore_mem>>) attributes {dimension_semantics = [#tpu.dimension_semantics<core_parallel>, #tpu.dimension_semantics<subcore_parallel>], iteration_bounds = array<i64: 2, 16>, scalar_prefetch = 0 : i64, scratch_operands = 3 : i64, tpu.core_type = #tpu.core_type<sc_vector_subcore>, window_params = [{transform_indices = #map}, {transform_indices = #map1}, {transform_indices = #map1}]} {
    %mul3A = arith.constant 2 : i32
    %mul3A_0 = arith.muli %arg1, %mul3A : i32
    %add3A = arith.addi %mul3A_0, %arg0 : i32
    "tpu.region"() ({
      %run_scoped3A = tpu.sem_alloc : memref<!tpu.dma_semaphore, #tpu.memory_space<semaphore_mem>>
      %dma_start3A = arith.constant 0 : i32
      %dma_start3A_8 = arith.constant 0 : i32
      %dma_start3A_9 = tpu.memref_slice %arg2[%add3A, %dma_start3A, %dma_start3A_8] : memref<32x80x128xi32, #tpu.memory_space<hbm>> -> memref<1x80x128xi32, #tpu.memory_space<hbm>>
      %dma_start3A_10 = tpu.memref_squeeze %dma_start3A_9 : memref<1x80x128xi32, #tpu.memory_space<hbm>> -> memref<80x128xi32, #tpu.memory_space<hbm>>
      %dma_start3A_11 = arith.constant 0 : i32
      %dma_start3A_12 = arith.constant 0 : i32
      %dma_start3A_13 = tpu.memref_slice %arg2[%add3A, %dma_start3A_11, %dma_start3A_12] : memref<32x80x128xi32, #tpu.memory_space<hbm>> -> memref<1x80x128xi32, #tpu.memory_space<hbm>>
      %dma_start3A_14 = tpu.memref_squeeze %dma_start3A_13 : memref<1x80x128xi32, #tpu.memory_space<hbm>> -> memref<80x128xi32, #tpu.memory_space<hbm>>
      tpu.enqueue_dma source(%dma_start3A_14 : memref<80x128xi32, #tpu.memory_space<hbm>>) target(%arg5 : memref<80x128xi32, #tpu.memory_space<vmem>>) target_semaphore(%run_scoped3A : memref<!tpu.dma_semaphore, #tpu.memory_space<semaphore_mem>>)
      %dma_wait3A = arith.constant 0 : i32
      %dma_wait3A_15 = arith.constant 0 : i32
      %dma_wait3A_16 = tpu.memref_slice %arg2[%add3A, %dma_wait3A, %dma_wait3A_15] : memref<32x80x128xi32, #tpu.memory_space<hbm>> -> memref<1x80x128xi32, #tpu.memory_space<hbm>>
      %dma_wait3A_17 = tpu.memref_squeeze %dma_wait3A_16 : memref<1x80x128xi32, #tpu.memory_space<hbm>> -> memref<80x128xi32, #tpu.memory_space<hbm>>
      %dma_wait3A_18 = arith.constant 0 : i32
      %dma_wait3A_19 = arith.constant 0 : i32
      %dma_wait3A_20 = tpu.memref_slice %arg2[%add3A, %dma_wait3A_18, %dma_wait3A_19] : memref<32x80x128xi32, #tpu.memory_space<hbm>> -> memref<1x80x128xi32, #tpu.memory_space<hbm>>
      %dma_wait3A_21 = tpu.memref_squeeze %dma_wait3A_20 : memref<1x80x128xi32, #tpu.memory_space<hbm>> -> memref<80x128xi32, #tpu.memory_space<hbm>>
      tpu.wait_dma2 semaphore(%run_scoped3A : memref<!tpu.dma_semaphore, #tpu.memory_space<semaphore_mem>>) src(%dma_wait3A_21 : memref<80x128xi32, #tpu.memory_space<hbm>>) dst(%arg5 : memref<80x128xi32, #tpu.memory_space<vmem>>)
      tpu.yield
    }) : () -> ()
    %mul3A_1 = arith.constant 512 : i32
    %mul3A_2 = arith.muli %add3A, %mul3A_1 : i32
    %scan3A = arith.constant 0 : i32
    %scan3A_3 = arith.constant 0 : i32
    %scan3A_4 = arith.constant 8 : i32
    %scan3A_5 = arith.addi %scan3A_3, %scan3A_4 : i32
    %scan3A_6 = arith.constant 1 : i32
    scf.for %scan3A_8 = %scan3A_3 to %scan3A_5 step %scan3A_6  : i32 {
      %mul3A_9 = arith.constant 10 : i32
      %mul3A_10 = arith.muli %scan3A_8, %mul3A_9 : i32
      %add3A_11 = arith.constant 0 : i32
      %add3A_12 = arith.addi %mul3A_10, %add3A_11 : i32
      %dma_start3A = arith.constant 0 : i32
      %dma_start3A_13 = arith.constant 0 : i32
      %dma_start3A_14 = tpu.memref_slice %arg6[%dma_start3A, %dma_start3A_13] : memref<1280x64xf32, #tpu.memory_space<vmem>> -> memref<128x64xf32, #tpu.memory_space<vmem>>
      %dma_start3A_15 = arith.constant 0 : i32
      %dma_start3A_16 = tpu.memref_slice %arg5[%add3A_12, %dma_start3A_15] : memref<80x128xi32, #tpu.memory_space<vmem>> -> memref<1x128xi32, #tpu.memory_space<vmem>>
      %dma_start3A_17 = tpu.memref_squeeze %dma_start3A_16 : memref<1x128xi32, #tpu.memory_space<vmem>> -> memref<128xi32, #tpu.memory_space<vmem>>
      %dma_start3A_18 = arith.constant 0 : i32
      %dma_start3A_19 = arith.constant 0 : i32
      %dma_start3A_20 = tpu.memref_slice %arg3[%dma_start3A_18, %dma_start3A_19] : memref<16384x64xf32, #tpu.memory_space<hbm>> -> memref<16384x64xf32, #tpu.memory_space<hbm>>
      tpu.enqueue_indirect_dma source(%dma_start3A_20 : memref<16384x64xf32, #tpu.memory_space<hbm>>) target(%dma_start3A_14 : memref<128x64xf32, #tpu.memory_space<vmem>>) offsets(%dma_start3A_17 : memref<128xi32, #tpu.memory_space<vmem>>) semaphore(%arg7 : memref<!tpu.dma_semaphore, #tpu.memory_space<semaphore_mem>>)
      %mul3A_21 = arith.constant 10 : i32
      %mul3A_22 = arith.muli %scan3A_8, %mul3A_21 : i32
      %add3A_23 = arith.constant 1 : i32
      %add3A_24 = arith.addi %mul3A_22, %add3A_23 : i32
      %dma_start3A_25 = arith.constant 128 : i32
      %dma_start3A_26 = arith.constant 0 : i32
      %dma_start3A_27 = tpu.memref_slice %arg6[%dma_start3A_25, %dma_start3A_26] : memref<1280x64xf32, #tpu.memory_space<vmem>> -> memref<128x64xf32, #tpu.memory_space<vmem>>
      %dma_start3A_28 = arith.constant 0 : i32
      %dma_start3A_29 = tpu.memref_slice %arg5[%add3A_24, %dma_start3A_28] : memref<80x128xi32, #tpu.memory_space<vmem>> -> memref<1x128xi32, #tpu.memory_space<vmem>>
      %dma_start3A_30 = tpu.memref_squeeze %dma_start3A_29 : memref<1x128xi32, #tpu.memory_space<vmem>> -> memref<128xi32, #tpu.memory_space<vmem>>
      %dma_start3A_31 = arith.constant 0 : i32
      %dma_start3A_32 = arith.constant 0 : i32
      %dma_start3A_33 = tpu.memref_slice %arg3[%dma_start3A_31, %dma_start3A_32] : memref<16384x64xf32, #tpu.memory_space<hbm>> -> memref<16384x64xf32, #tpu.memory_space<hbm>>
      tpu.enqueue_indirect_dma source(%dma_start3A_33 : memref<16384x64xf32, #tpu.memory_space<hbm>>) target(%dma_start3A_27 : memref<128x64xf32, #tpu.memory_space<vmem>>) offsets(%dma_start3A_30 : memref<128xi32, #tpu.memory_space<vmem>>) semaphore(%arg7 : memref<!tpu.dma_semaphore, #tpu.memory_space<semaphore_mem>>)
      %mul3A_34 = arith.constant 10 : i32
      %mul3A_35 = arith.muli %scan3A_8, %mul3A_34 : i32
      %add3A_36 = arith.constant 2 : i32
      %add3A_37 = arith.addi %mul3A_35, %add3A_36 : i32
      %dma_start3A_38 = arith.constant 256 : i32
      %dma_start3A_39 = arith.constant 0 : i32
      %dma_start3A_40 = tpu.memref_slice %arg6[%dma_start3A_38, %dma_start3A_39] : memref<1280x64xf32, #tpu.memory_space<vmem>> -> memref<128x64xf32, #tpu.memory_space<vmem>>
      %dma_start3A_41 = arith.constant 0 : i32
      %dma_start3A_42 = tpu.memref_slice %arg5[%add3A_37, %dma_start3A_41] : memref<80x128xi32, #tpu.memory_space<vmem>> -> memref<1x128xi32, #tpu.memory_space<vmem>>
      %dma_start3A_43 = tpu.memref_squeeze %dma_start3A_42 : memref<1x128xi32, #tpu.memory_space<vmem>> -> memref<128xi32, #tpu.memory_space<vmem>>
      %dma_start3A_44 = arith.constant 0 : i32
      %dma_start3A_45 = arith.constant 0 : i32
      %dma_start3A_46 = tpu.memref_slice %arg3[%dma_start3A_44, %dma_start3A_45] : memref<16384x64xf32, #tpu.memory_space<hbm>> -> memref<16384x64xf32, #tpu.memory_space<hbm>>
      tpu.enqueue_indirect_dma source(%dma_start3A_46 : memref<16384x64xf32, #tpu.memory_space<hbm>>) target(%dma_start3A_40 : memref<128x64xf32, #tpu.memory_space<vmem>>) offsets(%dma_start3A_43 : memref<128xi32, #tpu.memory_space<vmem>>) semaphore(%arg7 : memref<!tpu.dma_semaphore, #tpu.memory_space<semaphore_mem>>)
      %mul3A_47 = arith.constant 10 : i32
      %mul3A_48 = arith.muli %scan3A_8, %mul3A_47 : i32
      %add3A_49 = arith.constant 3 : i32
      %add3A_50 = arith.addi %mul3A_48, %add3A_49 : i32
      %dma_start3A_51 = arith.constant 384 : i32
      %dma_start3A_52 = arith.constant 0 : i32
      %dma_start3A_53 = tpu.memref_slice %arg6[%dma_start3A_51, %dma_start3A_52] : memref<1280x64xf32, #tpu.memory_space<vmem>> -> memref<128x64xf32, #tpu.memory_space<vmem>>
      %dma_start3A_54 = arith.constant 0 : i32
      %dma_start3A_55 = tpu.memref_slice %arg5[%add3A_50, %dma_start3A_54] : memref<80x128xi32, #tpu.memory_space<vmem>> -> memref<1x128xi32, #tpu.memory_space<vmem>>
      %dma_start3A_56 = tpu.memref_squeeze %dma_start3A_55 : memref<1x128xi32, #tpu.memory_space<vmem>> -> memref<128xi32, #tpu.memory_space<vmem>>
      %dma_start3A_57 = arith.constant 0 : i32
      %dma_start3A_58 = arith.constant 0 : i32
      %dma_start3A_59 = tpu.memref_slice %arg3[%dma_start3A_57, %dma_start3A_58] : memref<16384x64xf32, #tpu.memory_space<hbm>> -> memref<16384x64xf32, #tpu.memory_space<hbm>>
      tpu.enqueue_indirect_dma source(%dma_start3A_59 : memref<16384x64xf32, #tpu.memory_space<hbm>>) target(%dma_start3A_53 : memref<128x64xf32, #tpu.memory_space<vmem>>) offsets(%dma_start3A_56 : memref<128xi32, #tpu.memory_space<vmem>>) semaphore(%arg7 : memref<!tpu.dma_semaphore, #tpu.memory_space<semaphore_mem>>)
      %mul3A_60 = arith.constant 10 : i32
      %mul3A_61 = arith.muli %scan3A_8, %mul3A_60 : i32
      %add3A_62 = arith.constant 4 : i32
      %add3A_63 = arith.addi %mul3A_61, %add3A_62 : i32
      %dma_start3A_64 = arith.constant 512 : i32
      %dma_start3A_65 = arith.constant 0 : i32
      %dma_start3A_66 = tpu.memref_slice %arg6[%dma_start3A_64, %dma_start3A_65] : memref<1280x64xf32, #tpu.memory_space<vmem>> -> memref<128x64xf32, #tpu.memory_space<vmem>>
      %dma_start3A_67 = arith.constant 0 : i32
      %dma_start3A_68 = tpu.memref_slice %arg5[%add3A_63, %dma_start3A_67] : memref<80x128xi32, #tpu.memory_space<vmem>> -> memref<1x128xi32, #tpu.memory_space<vmem>>
      %dma_start3A_69 = tpu.memref_squeeze %dma_start3A_68 : memref<1x128xi32, #tpu.memory_space<vmem>> -> memref<128xi32, #tpu.memory_space<vmem>>
      %dma_start3A_70 = arith.constant 0 : i32
      %dma_start3A_71 = arith.constant 0 : i32
      %dma_start3A_72 = tpu.memref_slice %arg3[%dma_start3A_70, %dma_start3A_71] : memref<16384x64xf32, #tpu.memory_space<hbm>> -> memref<16384x64xf32, #tpu.memory_space<hbm>>
      tpu.enqueue_indirect_dma source(%dma_start3A_72 : memref<16384x64xf32, #tpu.memory_space<hbm>>) target(%dma_start3A_66 : memref<128x64xf32, #tpu.memory_space<vmem>>) offsets(%dma_start3A_69 : memref<128xi32, #tpu.memory_space<vmem>>) semaphore(%arg7 : memref<!tpu.dma_semaphore, #tpu.memory_space<semaphore_mem>>)
      %mul3A_73 = arith.constant 10 : i32
      %mul3A_74 = arith.muli %scan3A_8, %mul3A_73 : i32
      %add3A_75 = arith.constant 5 : i32
      %add3A_76 = arith.addi %mul3A_74, %add3A_75 : i32
      %dma_start3A_77 = arith.constant 640 : i32
      %dma_start3A_78 = arith.constant 0 : i32
      %dma_start3A_79 = tpu.memref_slice %arg6[%dma_start3A_77, %dma_start3A_78] : memref<1280x64xf32, #tpu.memory_space<vmem>> -> memref<128x64xf32, #tpu.memory_space<vmem>>
      %dma_start3A_80 = arith.constant 0 : i32
      %dma_start3A_81 = tpu.memref_slice %arg5[%add3A_76, %dma_start3A_80] : memref<80x128xi32, #tpu.memory_space<vmem>> -> memref<1x128xi32, #tpu.memory_space<vmem>>
      %dma_start3A_82 = tpu.memref_squeeze %dma_start3A_81 : memref<1x128xi32, #tpu.memory_space<vmem>> -> memref<128xi32, #tpu.memory_space<vmem>>
      %dma_start3A_83 = arith.constant 0 : i32
      %dma_start3A_84 = arith.constant 0 : i32
      %dma_start3A_85 = tpu.memref_slice %arg3[%dma_start3A_83, %dma_start3A_84] : memref<16384x64xf32, #tpu.memory_space<hbm>> -> memref<16384x64xf32, #tpu.memory_space<hbm>>
      tpu.enqueue_indirect_dma source(%dma_start3A_85 : memref<16384x64xf32, #tpu.memory_space<hbm>>) target(%dma_start3A_79 : memref<128x64xf32, #tpu.memory_space<vmem>>) offsets(%dma_start3A_82 : memref<128xi32, #tpu.memory_space<vmem>>) semaphore(%arg7 : memref<!tpu.dma_semaphore, #tpu.memory_space<semaphore_mem>>)
      %mul3A_86 = arith.constant 10 : i32
      %mul3A_87 = arith.muli %scan3A_8, %mul3A_86 : i32
      %add3A_88 = arith.constant 6 : i32
      %add3A_89 = arith.addi %mul3A_87, %add3A_88 : i32
      %dma_start3A_90 = arith.constant 768 : i32
      %dma_start3A_91 = arith.constant 0 : i32
      %dma_start3A_92 = tpu.memref_slice %arg6[%dma_start3A_90, %dma_start3A_91] : memref<1280x64xf32, #tpu.memory_space<vmem>> -> memref<128x64xf32, #tpu.memory_space<vmem>>
      %dma_start3A_93 = arith.constant 0 : i32
      %dma_start3A_94 = tpu.memref_slice %arg5[%add3A_89, %dma_start3A_93] : memref<80x128xi32, #tpu.memory_space<vmem>> -> memref<1x128xi32, #tpu.memory_space<vmem>>
      %dma_start3A_95 = tpu.memref_squeeze %dma_start3A_94 : memref<1x128xi32, #tpu.memory_space<vmem>> -> memref<128xi32, #tpu.memory_space<vmem>>
      %dma_start3A_96 = arith.constant 0 : i32
      %dma_start3A_97 = arith.constant 0 : i32
      %dma_start3A_98 = tpu.memref_slice %arg3[%dma_start3A_96, %dma_start3A_97] : memref<16384x64xf32, #tpu.memory_space<hbm>> -> memref<16384x64xf32, #tpu.memory_space<hbm>>
      tpu.enqueue_indirect_dma source(%dma_start3A_98 : memref<16384x64xf32, #tpu.memory_space<hbm>>) target(%dma_start3A_92 : memref<128x64xf32, #tpu.memory_space<vmem>>) offsets(%dma_start3A_95 : memref<128xi32, #tpu.memory_space<vmem>>) semaphore(%arg7 : memref<!tpu.dma_semaphore, #tpu.memory_space<semaphore_mem>>)
      %mul3A_99 = arith.constant 10 : i32
      %mul3A_100 = arith.muli %scan3A_8, %mul3A_99 : i32
      %add3A_101 = arith.constant 7 : i32
      %add3A_102 = arith.addi %mul3A_100, %add3A_101 : i32
      %dma_start3A_103 = arith.constant 896 : i32
      %dma_start3A_104 = arith.constant 0 : i32
      %dma_start3A_105 = tpu.memref_slice %arg6[%dma_start3A_103, %dma_start3A_104] : memref<1280x64xf32, #tpu.memory_space<vmem>> -> memref<128x64xf32, #tpu.memory_space<vmem>>
      %dma_start3A_106 = arith.constant 0 : i32
      %dma_start3A_107 = tpu.memref_slice %arg5[%add3A_102, %dma_start3A_106] : memref<80x128xi32, #tpu.memory_space<vmem>> -> memref<1x128xi32, #tpu.memory_space<vmem>>
      %dma_start3A_108 = tpu.memref_squeeze %dma_start3A_107 : memref<1x128xi32, #tpu.memory_space<vmem>> -> memref<128xi32, #tpu.memory_space<vmem>>
      %dma_start3A_109 = arith.constant 0 : i32
      %dma_start3A_110 = arith.constant 0 : i32
      %dma_start3A_111 = tpu.memref_slice %arg3[%dma_start3A_109, %dma_start3A_110] : memref<16384x64xf32, #tpu.memory_space<hbm>> -> memref<16384x64xf32, #tpu.memory_space<hbm>>
      tpu.enqueue_indirect_dma source(%dma_start3A_111 : memref<16384x64xf32, #tpu.memory_space<hbm>>) target(%dma_start3A_105 : memref<128x64xf32, #tpu.memory_space<vmem>>) offsets(%dma_start3A_108 : memref<128xi32, #tpu.memory_space<vmem>>) semaphore(%arg7 : memref<!tpu.dma_semaphore, #tpu.memory_space<semaphore_mem>>)
      %mul3A_112 = arith.constant 10 : i32
      %mul3A_113 = arith.muli %scan3A_8, %mul3A_112 : i32
      %add3A_114 = arith.constant 8 : i32
      %add3A_115 = arith.addi %mul3A_113, %add3A_114 : i32
      %dma_start3A_116 = arith.constant 1024 : i32
      %dma_start3A_117 = arith.constant 0 : i32
      %dma_start3A_118 = tpu.memref_slice %arg6[%dma_start3A_116, %dma_start3A_117] : memref<1280x64xf32, #tpu.memory_space<vmem>> -> memref<128x64xf32, #tpu.memory_space<vmem>>
      %dma_start3A_119 = arith.constant 0 : i32
      %dma_start3A_120 = tpu.memref_slice %arg5[%add3A_115, %dma_start3A_119] : memref<80x128xi32, #tpu.memory_space<vmem>> -> memref<1x128xi32, #tpu.memory_space<vmem>>
      %dma_start3A_121 = tpu.memref_squeeze %dma_start3A_120 : memref<1x128xi32, #tpu.memory_space<vmem>> -> memref<128xi32, #tpu.memory_space<vmem>>
      %dma_start3A_122 = arith.constant 0 : i32
      %dma_start3A_123 = arith.constant 0 : i32
      %dma_start3A_124 = tpu.memref_slice %arg3[%dma_start3A_122, %dma_start3A_123] : memref<16384x64xf32, #tpu.memory_space<hbm>> -> memref<16384x64xf32, #tpu.memory_space<hbm>>
      tpu.enqueue_indirect_dma source(%dma_start3A_124 : memref<16384x64xf32, #tpu.memory_space<hbm>>) target(%dma_start3A_118 : memref<128x64xf32, #tpu.memory_space<vmem>>) offsets(%dma_start3A_121 : memref<128xi32, #tpu.memory_space<vmem>>) semaphore(%arg7 : memref<!tpu.dma_semaphore, #tpu.memory_space<semaphore_mem>>)
      %mul3A_125 = arith.constant 10 : i32
      %mul3A_126 = arith.muli %scan3A_8, %mul3A_125 : i32
      %add3A_127 = arith.constant 9 : i32
      %add3A_128 = arith.addi %mul3A_126, %add3A_127 : i32
      %dma_start3A_129 = arith.constant 1152 : i32
      %dma_start3A_130 = arith.constant 0 : i32
      %dma_start3A_131 = tpu.memref_slice %arg6[%dma_start3A_129, %dma_start3A_130] : memref<1280x64xf32, #tpu.memory_space<vmem>> -> memref<128x64xf32, #tpu.memory_space<vmem>>
      %dma_start3A_132 = arith.constant 0 : i32
      %dma_start3A_133 = tpu.memref_slice %arg5[%add3A_128, %dma_start3A_132] : memref<80x128xi32, #tpu.memory_space<vmem>> -> memref<1x128xi32, #tpu.memory_space<vmem>>
      %dma_start3A_134 = tpu.memref_squeeze %dma_start3A_133 : memref<1x128xi32, #tpu.memory_space<vmem>> -> memref<128xi32, #tpu.memory_space<vmem>>
      %dma_start3A_135 = arith.constant 0 : i32
      %dma_start3A_136 = arith.constant 0 : i32
      %dma_start3A_137 = tpu.memref_slice %arg3[%dma_start3A_135, %dma_start3A_136] : memref<16384x64xf32, #tpu.memory_space<hbm>> -> memref<16384x64xf32, #tpu.memory_space<hbm>>
      tpu.enqueue_indirect_dma source(%dma_start3A_137 : memref<16384x64xf32, #tpu.memory_space<hbm>>) target(%dma_start3A_131 : memref<128x64xf32, #tpu.memory_space<vmem>>) offsets(%dma_start3A_134 : memref<128xi32, #tpu.memory_space<vmem>>) semaphore(%arg7 : memref<!tpu.dma_semaphore, #tpu.memory_space<semaphore_mem>>)
      %dma_wait3A = arith.constant 0 : i32
      %dma_wait3A_138 = arith.constant 0 : i32
      %dma_wait3A_139 = tpu.memref_slice %arg6[%dma_wait3A, %dma_wait3A_138] : memref<1280x64xf32, #tpu.memory_space<vmem>> -> memref<128x64xf32, #tpu.memory_space<vmem>>
      %dma_wait3A_140 = arith.constant 0 : i32
      %dma_wait3A_141 = tpu.memref_slice %arg5[%add3A_12, %dma_wait3A_140] : memref<80x128xi32, #tpu.memory_space<vmem>> -> memref<1x128xi32, #tpu.memory_space<vmem>>
      %dma_wait3A_142 = tpu.memref_squeeze %dma_wait3A_141 : memref<1x128xi32, #tpu.memory_space<vmem>> -> memref<128xi32, #tpu.memory_space<vmem>>
      %dma_wait3A_143 = arith.constant 0 : i32
      %dma_wait3A_144 = arith.constant 0 : i32
      %dma_wait3A_145 = tpu.memref_slice %arg3[%dma_wait3A_143, %dma_wait3A_144] : memref<16384x64xf32, #tpu.memory_space<hbm>> -> memref<16384x64xf32, #tpu.memory_space<hbm>>
      tpu.wait_indirect_dma semaphore(%arg7 : memref<!tpu.dma_semaphore, #tpu.memory_space<semaphore_mem>>) src(%dma_wait3A_145 : memref<16384x64xf32, #tpu.memory_space<hbm>>) dst(%dma_wait3A_139 : memref<128x64xf32, #tpu.memory_space<vmem>>)
      %dma_wait3A_146 = arith.constant 128 : i32
      %dma_wait3A_147 = arith.constant 0 : i32
      %dma_wait3A_148 = tpu.memref_slice %arg6[%dma_wait3A_146, %dma_wait3A_147] : memref<1280x64xf32, #tpu.memory_space<vmem>> -> memref<128x64xf32, #tpu.memory_space<vmem>>
      %dma_wait3A_149 = arith.constant 0 : i32
      %dma_wait3A_150 = tpu.memref_slice %arg5[%add3A_24, %dma_wait3A_149] : memref<80x128xi32, #tpu.memory_space<vmem>> -> memref<1x128xi32, #tpu.memory_space<vmem>>
      %dma_wait3A_151 = tpu.memref_squeeze %dma_wait3A_150 : memref<1x128xi32, #tpu.memory_space<vmem>> -> memref<128xi32, #tpu.memory_space<vmem>>
      %dma_wait3A_152 = arith.constant 0 : i32
      %dma_wait3A_153 = arith.constant 0 : i32
      %dma_wait3A_154 = tpu.memref_slice %arg3[%dma_wait3A_152, %dma_wait3A_153] : memref<16384x64xf32, #tpu.memory_space<hbm>> -> memref<16384x64xf32, #tpu.memory_space<hbm>>
      tpu.wait_indirect_dma semaphore(%arg7 : memref<!tpu.dma_semaphore, #tpu.memory_space<semaphore_mem>>) src(%dma_wait3A_154 : memref<16384x64xf32, #tpu.memory_space<hbm>>) dst(%dma_wait3A_148 : memref<128x64xf32, #tpu.memory_space<vmem>>)
      %dma_wait3A_155 = arith.constant 256 : i32
      %dma_wait3A_156 = arith.constant 0 : i32
      %dma_wait3A_157 = tpu.memref_slice %arg6[%dma_wait3A_155, %dma_wait3A_156] : memref<1280x64xf32, #tpu.memory_space<vmem>> -> memref<128x64xf32, #tpu.memory_space<vmem>>
      %dma_wait3A_158 = arith.constant 0 : i32
      %dma_wait3A_159 = tpu.memref_slice %arg5[%add3A_37, %dma_wait3A_158] : memref<80x128xi32, #tpu.memory_space<vmem>> -> memref<1x128xi32, #tpu.memory_space<vmem>>
      %dma_wait3A_160 = tpu.memref_squeeze %dma_wait3A_159 : memref<1x128xi32, #tpu.memory_space<vmem>> -> memref<128xi32, #tpu.memory_space<vmem>>
      %dma_wait3A_161 = arith.constant 0 : i32
      %dma_wait3A_162 = arith.constant 0 : i32
      %dma_wait3A_163 = tpu.memref_slice %arg3[%dma_wait3A_161, %dma_wait3A_162] : memref<16384x64xf32, #tpu.memory_space<hbm>> -> memref<16384x64xf32, #tpu.memory_space<hbm>>
      tpu.wait_indirect_dma semaphore(%arg7 : memref<!tpu.dma_semaphore, #tpu.memory_space<semaphore_mem>>) src(%dma_wait3A_163 : memref<16384x64xf32, #tpu.memory_space<hbm>>) dst(%dma_wait3A_157 : memref<128x64xf32, #tpu.memory_space<vmem>>)
      %dma_wait3A_164 = arith.constant 384 : i32
      %dma_wait3A_165 = arith.constant 0 : i32
      %dma_wait3A_166 = tpu.memref_slice %arg6[%dma_wait3A_164, %dma_wait3A_165] : memref<1280x64xf32, #tpu.memory_space<vmem>> -> memref<128x64xf32, #tpu.memory_space<vmem>>
      %dma_wait3A_167 = arith.constant 0 : i32
      %dma_wait3A_168 = tpu.memref_slice %arg5[%add3A_50, %dma_wait3A_167] : memref<80x128xi32, #tpu.memory_space<vmem>> -> memref<1x128xi32, #tpu.memory_space<vmem>>
      %dma_wait3A_169 = tpu.memref_squeeze %dma_wait3A_168 : memref<1x128xi32, #tpu.memory_space<vmem>> -> memref<128xi32, #tpu.memory_space<vmem>>
      %dma_wait3A_170 = arith.constant 0 : i32
      %dma_wait3A_171 = arith.constant 0 : i32
      %dma_wait3A_172 = tpu.memref_slice %arg3[%dma_wait3A_170, %dma_wait3A_171] : memref<16384x64xf32, #tpu.memory_space<hbm>> -> memref<16384x64xf32, #tpu.memory_space<hbm>>
      tpu.wait_indirect_dma semaphore(%arg7 : memref<!tpu.dma_semaphore, #tpu.memory_space<semaphore_mem>>) src(%dma_wait3A_172 : memref<16384x64xf32, #tpu.memory_space<hbm>>) dst(%dma_wait3A_166 : memref<128x64xf32, #tpu.memory_space<vmem>>)
      %dma_wait3A_173 = arith.constant 512 : i32
      %dma_wait3A_174 = arith.constant 0 : i32
      %dma_wait3A_175 = tpu.memref_slice %arg6[%dma_wait3A_173, %dma_wait3A_174] : memref<1280x64xf32, #tpu.memory_space<vmem>> -> memref<128x64xf32, #tpu.memory_space<vmem>>
      %dma_wait3A_176 = arith.constant 0 : i32
      %dma_wait3A_177 = tpu.memref_slice %arg5[%add3A_63, %dma_wait3A_176] : memref<80x128xi32, #tpu.memory_space<vmem>> -> memref<1x128xi32, #tpu.memory_space<vmem>>
      %dma_wait3A_178 = tpu.memref_squeeze %dma_wait3A_177 : memref<1x128xi32, #tpu.memory_space<vmem>> -> memref<128xi32, #tpu.memory_space<vmem>>
      %dma_wait3A_179 = arith.constant 0 : i32
      %dma_wait3A_180 = arith.constant 0 : i32
      %dma_wait3A_181 = tpu.memref_slice %arg3[%dma_wait3A_179, %dma_wait3A_180] : memref<16384x64xf32, #tpu.memory_space<hbm>> -> memref<16384x64xf32, #tpu.memory_space<hbm>>
      tpu.wait_indirect_dma semaphore(%arg7 : memref<!tpu.dma_semaphore, #tpu.memory_space<semaphore_mem>>) src(%dma_wait3A_181 : memref<16384x64xf32, #tpu.memory_space<hbm>>) dst(%dma_wait3A_175 : memref<128x64xf32, #tpu.memory_space<vmem>>)
      %dma_wait3A_182 = arith.constant 640 : i32
      %dma_wait3A_183 = arith.constant 0 : i32
      %dma_wait3A_184 = tpu.memref_slice %arg6[%dma_wait3A_182, %dma_wait3A_183] : memref<1280x64xf32, #tpu.memory_space<vmem>> -> memref<128x64xf32, #tpu.memory_space<vmem>>
      %dma_wait3A_185 = arith.constant 0 : i32
      %dma_wait3A_186 = tpu.memref_slice %arg5[%add3A_76, %dma_wait3A_185] : memref<80x128xi32, #tpu.memory_space<vmem>> -> memref<1x128xi32, #tpu.memory_space<vmem>>
      %dma_wait3A_187 = tpu.memref_squeeze %dma_wait3A_186 : memref<1x128xi32, #tpu.memory_space<vmem>> -> memref<128xi32, #tpu.memory_space<vmem>>
      %dma_wait3A_188 = arith.constant 0 : i32
      %dma_wait3A_189 = arith.constant 0 : i32
      %dma_wait3A_190 = tpu.memref_slice %arg3[%dma_wait3A_188, %dma_wait3A_189] : memref<16384x64xf32, #tpu.memory_space<hbm>> -> memref<16384x64xf32, #tpu.memory_space<hbm>>
      tpu.wait_indirect_dma semaphore(%arg7 : memref<!tpu.dma_semaphore, #tpu.memory_space<semaphore_mem>>) src(%dma_wait3A_190 : memref<16384x64xf32, #tpu.memory_space<hbm>>) dst(%dma_wait3A_184 : memref<128x64xf32, #tpu.memory_space<vmem>>)
      %dma_wait3A_191 = arith.constant 768 : i32
      %dma_wait3A_192 = arith.constant 0 : i32
      %dma_wait3A_193 = tpu.memref_slice %arg6[%dma_wait3A_191, %dma_wait3A_192] : memref<1280x64xf32, #tpu.memory_space<vmem>> -> memref<128x64xf32, #tpu.memory_space<vmem>>
      %dma_wait3A_194 = arith.constant 0 : i32
      %dma_wait3A_195 = tpu.memref_slice %arg5[%add3A_89, %dma_wait3A_194] : memref<80x128xi32, #tpu.memory_space<vmem>> -> memref<1x128xi32, #tpu.memory_space<vmem>>
      %dma_wait3A_196 = tpu.memref_squeeze %dma_wait3A_195 : memref<1x128xi32, #tpu.memory_space<vmem>> -> memref<128xi32, #tpu.memory_space<vmem>>
      %dma_wait3A_197 = arith.constant 0 : i32
      %dma_wait3A_198 = arith.constant 0 : i32
      %dma_wait3A_199 = tpu.memref_slice %arg3[%dma_wait3A_197, %dma_wait3A_198] : memref<16384x64xf32, #tpu.memory_space<hbm>> -> memref<16384x64xf32, #tpu.memory_space<hbm>>
      tpu.wait_indirect_dma semaphore(%arg7 : memref<!tpu.dma_semaphore, #tpu.memory_space<semaphore_mem>>) src(%dma_wait3A_199 : memref<16384x64xf32, #tpu.memory_space<hbm>>) dst(%dma_wait3A_193 : memref<128x64xf32, #tpu.memory_space<vmem>>)
      %dma_wait3A_200 = arith.constant 896 : i32
      %dma_wait3A_201 = arith.constant 0 : i32
      %dma_wait3A_202 = tpu.memref_slice %arg6[%dma_wait3A_200, %dma_wait3A_201] : memref<1280x64xf32, #tpu.memory_space<vmem>> -> memref<128x64xf32, #tpu.memory_space<vmem>>
      %dma_wait3A_203 = arith.constant 0 : i32
      %dma_wait3A_204 = tpu.memref_slice %arg5[%add3A_102, %dma_wait3A_203] : memref<80x128xi32, #tpu.memory_space<vmem>> -> memref<1x128xi32, #tpu.memory_space<vmem>>
      %dma_wait3A_205 = tpu.memref_squeeze %dma_wait3A_204 : memref<1x128xi32, #tpu.memory_space<vmem>> -> memref<128xi32, #tpu.memory_space<vmem>>
      %dma_wait3A_206 = arith.constant 0 : i32
      %dma_wait3A_207 = arith.constant 0 : i32
      %dma_wait3A_208 = tpu.memref_slice %arg3[%dma_wait3A_206, %dma_wait3A_207] : memref<16384x64xf32, #tpu.memory_space<hbm>> -> memref<16384x64xf32, #tpu.memory_space<hbm>>
      tpu.wait_indirect_dma semaphore(%arg7 : memref<!tpu.dma_semaphore, #tpu.memory_space<semaphore_mem>>) src(%dma_wait3A_208 : memref<16384x64xf32, #tpu.memory_space<hbm>>) dst(%dma_wait3A_202 : memref<128x64xf32, #tpu.memory_space<vmem>>)
      %dma_wait3A_209 = arith.constant 1024 : i32
      %dma_wait3A_210 = arith.constant 0 : i32
      %dma_wait3A_211 = tpu.memref_slice %arg6[%dma_wait3A_209, %dma_wait3A_210] : memref<1280x64xf32, #tpu.memory_space<vmem>> -> memref<128x64xf32, #tpu.memory_space<vmem>>
      %dma_wait3A_212 = arith.constant 0 : i32
      %dma_wait3A_213 = tpu.memref_slice %arg5[%add3A_115, %dma_wait3A_212] : memref<80x128xi32, #tpu.memory_space<vmem>> -> memref<1x128xi32, #tpu.memory_space<vmem>>
      %dma_wait3A_214 = tpu.memref_squeeze %dma_wait3A_213 : memref<1x128xi32, #tpu.memory_space<vmem>> -> memref<128xi32, #tpu.memory_space<vmem>>
      %dma_wait3A_215 = arith.constant 0 : i32
      %dma_wait3A_216 = arith.constant 0 : i32
      %dma_wait3A_217 = tpu.memref_slice %arg3[%dma_wait3A_215, %dma_wait3A_216] : memref<16384x64xf32, #tpu.memory_space<hbm>> -> memref<16384x64xf32, #tpu.memory_space<hbm>>
      tpu.wait_indirect_dma semaphore(%arg7 : memref<!tpu.dma_semaphore, #tpu.memory_space<semaphore_mem>>) src(%dma_wait3A_217 : memref<16384x64xf32, #tpu.memory_space<hbm>>) dst(%dma_wait3A_211 : memref<128x64xf32, #tpu.memory_space<vmem>>)
      %dma_wait3A_218 = arith.constant 1152 : i32
      %dma_wait3A_219 = arith.constant 0 : i32
      %dma_wait3A_220 = tpu.memref_slice %arg6[%dma_wait3A_218, %dma_wait3A_219] : memref<1280x64xf32, #tpu.memory_space<vmem>> -> memref<128x64xf32, #tpu.memory_space<vmem>>
      %dma_wait3A_221 = arith.constant 0 : i32
      %dma_wait3A_222 = tpu.memref_slice %arg5[%add3A_128, %dma_wait3A_221] : memref<80x128xi32, #tpu.memory_space<vmem>> -> memref<1x128xi32, #tpu.memory_space<vmem>>
      %dma_wait3A_223 = tpu.memref_squeeze %dma_wait3A_222 : memref<1x128xi32, #tpu.memory_space<vmem>> -> memref<128xi32, #tpu.memory_space<vmem>>
      %dma_wait3A_224 = arith.constant 0 : i32
      %dma_wait3A_225 = arith.constant 0 : i32
      %dma_wait3A_226 = tpu.memref_slice %arg3[%dma_wait3A_224, %dma_wait3A_225] : memref<16384x64xf32, #tpu.memory_space<hbm>> -> memref<16384x64xf32, #tpu.memory_space<hbm>>
      tpu.wait_indirect_dma semaphore(%arg7 : memref<!tpu.dma_semaphore, #tpu.memory_space<semaphore_mem>>) src(%dma_wait3A_226 : memref<16384x64xf32, #tpu.memory_space<hbm>>) dst(%dma_wait3A_220 : memref<128x64xf32, #tpu.memory_space<vmem>>)
      %mul3A_227 = arith.constant 64 : i32
      %mul3A_228 = arith.muli %scan3A_8, %mul3A_227 : i32
      %add3A_229 = arith.addi %mul3A_2, %mul3A_228 : i32
      %mul3A_230 = arith.constant 20 : i32
      %mul3A_231 = arith.muli %add3A_229, %mul3A_230 : i32
      "tpu.region"() ({
        %run_scoped3A = tpu.sem_alloc : memref<!tpu.dma_semaphore, #tpu.memory_space<semaphore_mem>>
        %dma_start3A_232 = arith.constant 0 : i32
        %dma_start3A_233 = tpu.memref_slice %arg4[%mul3A_231, %dma_start3A_232] : memref<327680x64xf32, #tpu.memory_space<hbm>> -> memref<1280x64xf32, #tpu.memory_space<hbm>>
        %dma_start3A_234 = arith.constant 0 : i32
        %dma_start3A_235 = tpu.memref_slice %arg4[%mul3A_231, %dma_start3A_234] : memref<327680x64xf32, #tpu.memory_space<hbm>> -> memref<1280x64xf32, #tpu.memory_space<hbm>>
        tpu.enqueue_dma source(%arg6 : memref<1280x64xf32, #tpu.memory_space<vmem>>) target(%dma_start3A_235 : memref<1280x64xf32, #tpu.memory_space<hbm>>) target_semaphore(%run_scoped3A : memref<!tpu.dma_semaphore, #tpu.memory_space<semaphore_mem>>)
        %dma_wait3A_236 = arith.constant 0 : i32
        %dma_wait3A_237 = tpu.memref_slice %arg4[%mul3A_231, %dma_wait3A_236] : memref<327680x64xf32, #tpu.memory_space<hbm>> -> memref<1280x64xf32, #tpu.memory_space<hbm>>
        %dma_wait3A_238 = arith.constant 0 : i32
        %dma_wait3A_239 = tpu.memref_slice %arg4[%mul3A_231, %dma_wait3A_238] : memref<327680x64xf32, #tpu.memory_space<hbm>> -> memref<1280x64xf32, #tpu.memory_space<hbm>>
        tpu.wait_dma2 semaphore(%run_scoped3A : memref<!tpu.dma_semaphore, #tpu.memory_space<semaphore_mem>>) src(%arg6 : memref<1280x64xf32, #tpu.memory_space<vmem>>) dst(%dma_wait3A_239 : memref<1280x64xf32, #tpu.memory_space<hbm>>)
        tpu.yield
      }) : () -> ()
    }
    %scan3A_7 = arith.constant 8 : i32
    return
  }
}

module attributes {stable_mosaic.version = 14 : i64} {
  func.func @_knn_body(%arg0: i32, %arg1: i32, %arg2: memref<1x16x2048xf32, #tpu.memory_space<vmem>>, %arg3: memref<1x512x16xf32, #tpu.memory_space<vmem>>, %arg4: memref<1x512x20xi32, #tpu.memory_space<vmem>>) attributes {dimension_semantics = [#tpu.dimension_semantics<arbitrary>, #tpu.dimension_semantics<arbitrary>], iteration_bounds = array<i64: 8, 4>, scalar_prefetch = 0 : i64, scratch_operands = 0 : i64, tpu.core_type = #tpu.core_type<tc>, window_params = [{transform_indices = @transform_0, window_bounds = array<i64: 1, 16, 2048>}, {transform_indices = @transform_1, window_bounds = array<i64: 1, 512, 16>}, {transform_indices = @transform_2, window_bounds = array<i64: 1, 512, 20>}]} {
    %get3A = arith.constant 0 : index
    %get3A_0 = arith.constant 0 : index
    %get3A_1 = arith.constant 0 : index
    %get3A_2 = vector.load %arg2[%get3A, %get3A_0, %get3A_1] : memref<1x16x2048xf32, #tpu.memory_space<vmem>>, vector<1x16x2048xf32>
    %get3A_3 = vector.shape_cast %get3A_2 : vector<1x16x2048xf32> to vector<16x2048xf32>
    %get3A_4 = arith.constant 0 : index
    %get3A_5 = arith.constant 0 : index
    %get3A_6 = arith.constant 0 : index
    %get3A_7 = vector.load %arg3[%get3A_4, %get3A_5, %get3A_6] : memref<1x512x16xf32, #tpu.memory_space<vmem>>, vector<1x512x16xf32>
    %get3A_8 = vector.shape_cast %get3A_7 : vector<1x512x16xf32> to vector<512x16xf32>
    %mul3A = arith.mulf %get3A_3, %get3A_3 : vector<16x2048xf32>
    %reduce_sum3A = arith.constant dense<0.000000e+00> : vector<2048xf32>
    %reduce_sum3A_9 = vector.multi_reduction <add>, %mul3A, %reduce_sum3A [0] : vector<16x2048xf32> to vector<2048xf32>
    %broadcast_in_dim3A = vector.shape_cast %reduce_sum3A_9 : vector<2048xf32> to vector<1x2048xf32>
    %mul3A_10 = arith.mulf %get3A_8, %get3A_8 : vector<512x16xf32>
    %reduce_sum3A_11 = arith.constant dense<0.000000e+00> : vector<512xf32>
    %reduce_sum3A_12 = vector.multi_reduction <add>, %mul3A_10, %reduce_sum3A_11 [1] : vector<512x16xf32> to vector<512xf32>
    %broadcast_in_dim3A_13 = vector.shape_cast %reduce_sum3A_12 : vector<512xf32> to vector<512x1xf32>
    %dot_general3A = arith.constant dense<0.000000e+00> : vector<512x2048xf32>
    %dot_general3A_14 = tpu.matmul %get3A_8, %get3A_3, %dot_general3A {dimension_numbers = #tpu.dot_dimension_numbers<[1], [0], [0], [1], [0, 0, 1, 1], [], []>, transpose_lhs_hint = false} : vector<512x16xf32>, vector<16x2048xf32>, vector<512x2048xf32> -> vector<512x2048xf32>
    %mul3A_15 = arith.constant 2.000000e+00 : f32
    %mul3A_16 = vector.broadcast %mul3A_15 : f32 to vector<512x2048xf32>
    %mul3A_17 = arith.mulf %mul3A_16, %dot_general3A_14 : vector<512x2048xf32>
    %sub3A = vector.broadcast %broadcast_in_dim3A_13 : vector<512x1xf32> to vector<512x2048xf32>
    %sub3A_18 = arith.subf %mul3A_17, %sub3A : vector<512x2048xf32>
    %sub3A_19 = vector.broadcast %broadcast_in_dim3A : vector<1x2048xf32> to vector<512x2048xf32>
    %sub3A_20 = arith.subf %sub3A_18, %sub3A_19 : vector<512x2048xf32>
    %iota3A = tpu.iota {dimensions = array<i32: 1>} : vector<512x2048xi32>
    %argmax3A = tpu.reduce_index %sub3A_20 {axis = 1 : i32, kind = #tpu.reduction_kind<arg_max>} : vector<512x2048xf32> -> vector<512xi32>
    %reshape3A = vector.shape_cast %argmax3A : vector<512xi32> to vector<512x1xi32>
    %eq3A = vector.broadcast %reshape3A : vector<512x1xi32> to vector<512x2048xi32>
    %eq3A_21 = arith.cmpi eq, %iota3A, %eq3A : vector<512x2048xi32>
    %jit3A = arith.constant 0xFF800000 : f32
    %broadcast_in_dim3A_22 = vector.broadcast %jit3A : f32 to vector<512x2048xf32>
    %select_n3A = arith.select %eq3A_21, %broadcast_in_dim3A_22, %sub3A_20 : vector<512x2048xi1>, vector<512x2048xf32>
    %argmax3A_23 = tpu.reduce_index %select_n3A {axis = 1 : i32, kind = #tpu.reduction_kind<arg_max>} : vector<512x2048xf32> -> vector<512xi32>
    %reshape3A_24 = vector.shape_cast %argmax3A_23 : vector<512xi32> to vector<512x1xi32>
    %eq3A_25 = vector.broadcast %reshape3A_24 : vector<512x1xi32> to vector<512x2048xi32>
    %eq3A_26 = arith.cmpi eq, %iota3A, %eq3A_25 : vector<512x2048xi32>
    %jit3A_27 = arith.constant 0xFF800000 : f32
    %broadcast_in_dim3A_28 = vector.broadcast %jit3A_27 : f32 to vector<512x2048xf32>
    %select_n3A_29 = arith.select %eq3A_26, %broadcast_in_dim3A_28, %select_n3A : vector<512x2048xi1>, vector<512x2048xf32>
    %argmax3A_30 = tpu.reduce_index %select_n3A_29 {axis = 1 : i32, kind = #tpu.reduction_kind<arg_max>} : vector<512x2048xf32> -> vector<512xi32>
    %reshape3A_31 = vector.shape_cast %argmax3A_30 : vector<512xi32> to vector<512x1xi32>
    %eq3A_32 = vector.broadcast %reshape3A_31 : vector<512x1xi32> to vector<512x2048xi32>
    %eq3A_33 = arith.cmpi eq, %iota3A, %eq3A_32 : vector<512x2048xi32>
    %jit3A_34 = arith.constant 0xFF800000 : f32
    %broadcast_in_dim3A_35 = vector.broadcast %jit3A_34 : f32 to vector<512x2048xf32>
    %select_n3A_36 = arith.select %eq3A_33, %broadcast_in_dim3A_35, %select_n3A_29 : vector<512x2048xi1>, vector<512x2048xf32>
    %argmax3A_37 = tpu.reduce_index %select_n3A_36 {axis = 1 : i32, kind = #tpu.reduction_kind<arg_max>} : vector<512x2048xf32> -> vector<512xi32>
    %reshape3A_38 = vector.shape_cast %argmax3A_37 : vector<512xi32> to vector<512x1xi32>
    %eq3A_39 = vector.broadcast %reshape3A_38 : vector<512x1xi32> to vector<512x2048xi32>
    %eq3A_40 = arith.cmpi eq, %iota3A, %eq3A_39 : vector<512x2048xi32>
    %jit3A_41 = arith.constant 0xFF800000 : f32
    %broadcast_in_dim3A_42 = vector.broadcast %jit3A_41 : f32 to vector<512x2048xf32>
    %select_n3A_43 = arith.select %eq3A_40, %broadcast_in_dim3A_42, %select_n3A_36 : vector<512x2048xi1>, vector<512x2048xf32>
    %argmax3A_44 = tpu.reduce_index %select_n3A_43 {axis = 1 : i32, kind = #tpu.reduction_kind<arg_max>} : vector<512x2048xf32> -> vector<512xi32>
    %reshape3A_45 = vector.shape_cast %argmax3A_44 : vector<512xi32> to vector<512x1xi32>
    %eq3A_46 = vector.broadcast %reshape3A_45 : vector<512x1xi32> to vector<512x2048xi32>
    %eq3A_47 = arith.cmpi eq, %iota3A, %eq3A_46 : vector<512x2048xi32>
    %jit3A_48 = arith.constant 0xFF800000 : f32
    %broadcast_in_dim3A_49 = vector.broadcast %jit3A_48 : f32 to vector<512x2048xf32>
    %select_n3A_50 = arith.select %eq3A_47, %broadcast_in_dim3A_49, %select_n3A_43 : vector<512x2048xi1>, vector<512x2048xf32>
    %argmax3A_51 = tpu.reduce_index %select_n3A_50 {axis = 1 : i32, kind = #tpu.reduction_kind<arg_max>} : vector<512x2048xf32> -> vector<512xi32>
    %reshape3A_52 = vector.shape_cast %argmax3A_51 : vector<512xi32> to vector<512x1xi32>
    %eq3A_53 = vector.broadcast %reshape3A_52 : vector<512x1xi32> to vector<512x2048xi32>
    %eq3A_54 = arith.cmpi eq, %iota3A, %eq3A_53 : vector<512x2048xi32>
    %jit3A_55 = arith.constant 0xFF800000 : f32
    %broadcast_in_dim3A_56 = vector.broadcast %jit3A_55 : f32 to vector<512x2048xf32>
    %select_n3A_57 = arith.select %eq3A_54, %broadcast_in_dim3A_56, %select_n3A_50 : vector<512x2048xi1>, vector<512x2048xf32>
    %argmax3A_58 = tpu.reduce_index %select_n3A_57 {axis = 1 : i32, kind = #tpu.reduction_kind<arg_max>} : vector<512x2048xf32> -> vector<512xi32>
    %reshape3A_59 = vector.shape_cast %argmax3A_58 : vector<512xi32> to vector<512x1xi32>
    %eq3A_60 = vector.broadcast %reshape3A_59 : vector<512x1xi32> to vector<512x2048xi32>
    %eq3A_61 = arith.cmpi eq, %iota3A, %eq3A_60 : vector<512x2048xi32>
    %jit3A_62 = arith.constant 0xFF800000 : f32
    %broadcast_in_dim3A_63 = vector.broadcast %jit3A_62 : f32 to vector<512x2048xf32>
    %select_n3A_64 = arith.select %eq3A_61, %broadcast_in_dim3A_63, %select_n3A_57 : vector<512x2048xi1>, vector<512x2048xf32>
    %argmax3A_65 = tpu.reduce_index %select_n3A_64 {axis = 1 : i32, kind = #tpu.reduction_kind<arg_max>} : vector<512x2048xf32> -> vector<512xi32>
    %reshape3A_66 = vector.shape_cast %argmax3A_65 : vector<512xi32> to vector<512x1xi32>
    %eq3A_67 = vector.broadcast %reshape3A_66 : vector<512x1xi32> to vector<512x2048xi32>
    %eq3A_68 = arith.cmpi eq, %iota3A, %eq3A_67 : vector<512x2048xi32>
    %jit3A_69 = arith.constant 0xFF800000 : f32
    %broadcast_in_dim3A_70 = vector.broadcast %jit3A_69 : f32 to vector<512x2048xf32>
    %select_n3A_71 = arith.select %eq3A_68, %broadcast_in_dim3A_70, %select_n3A_64 : vector<512x2048xi1>, vector<512x2048xf32>
    %argmax3A_72 = tpu.reduce_index %select_n3A_71 {axis = 1 : i32, kind = #tpu.reduction_kind<arg_max>} : vector<512x2048xf32> -> vector<512xi32>
    %reshape3A_73 = vector.shape_cast %argmax3A_72 : vector<512xi32> to vector<512x1xi32>
    %eq3A_74 = vector.broadcast %reshape3A_73 : vector<512x1xi32> to vector<512x2048xi32>
    %eq3A_75 = arith.cmpi eq, %iota3A, %eq3A_74 : vector<512x2048xi32>
    %jit3A_76 = arith.constant 0xFF800000 : f32
    %broadcast_in_dim3A_77 = vector.broadcast %jit3A_76 : f32 to vector<512x2048xf32>
    %select_n3A_78 = arith.select %eq3A_75, %broadcast_in_dim3A_77, %select_n3A_71 : vector<512x2048xi1>, vector<512x2048xf32>
    %argmax3A_79 = tpu.reduce_index %select_n3A_78 {axis = 1 : i32, kind = #tpu.reduction_kind<arg_max>} : vector<512x2048xf32> -> vector<512xi32>
    %reshape3A_80 = vector.shape_cast %argmax3A_79 : vector<512xi32> to vector<512x1xi32>
    %eq3A_81 = vector.broadcast %reshape3A_80 : vector<512x1xi32> to vector<512x2048xi32>
    %eq3A_82 = arith.cmpi eq, %iota3A, %eq3A_81 : vector<512x2048xi32>
    %jit3A_83 = arith.constant 0xFF800000 : f32
    %broadcast_in_dim3A_84 = vector.broadcast %jit3A_83 : f32 to vector<512x2048xf32>
    %select_n3A_85 = arith.select %eq3A_82, %broadcast_in_dim3A_84, %select_n3A_78 : vector<512x2048xi1>, vector<512x2048xf32>
    %argmax3A_86 = tpu.reduce_index %select_n3A_85 {axis = 1 : i32, kind = #tpu.reduction_kind<arg_max>} : vector<512x2048xf32> -> vector<512xi32>
    %reshape3A_87 = vector.shape_cast %argmax3A_86 : vector<512xi32> to vector<512x1xi32>
    %eq3A_88 = vector.broadcast %reshape3A_87 : vector<512x1xi32> to vector<512x2048xi32>
    %eq3A_89 = arith.cmpi eq, %iota3A, %eq3A_88 : vector<512x2048xi32>
    %jit3A_90 = arith.constant 0xFF800000 : f32
    %broadcast_in_dim3A_91 = vector.broadcast %jit3A_90 : f32 to vector<512x2048xf32>
    %select_n3A_92 = arith.select %eq3A_89, %broadcast_in_dim3A_91, %select_n3A_85 : vector<512x2048xi1>, vector<512x2048xf32>
    %argmax3A_93 = tpu.reduce_index %select_n3A_92 {axis = 1 : i32, kind = #tpu.reduction_kind<arg_max>} : vector<512x2048xf32> -> vector<512xi32>
    %reshape3A_94 = vector.shape_cast %argmax3A_93 : vector<512xi32> to vector<512x1xi32>
    %eq3A_95 = vector.broadcast %reshape3A_94 : vector<512x1xi32> to vector<512x2048xi32>
    %eq3A_96 = arith.cmpi eq, %iota3A, %eq3A_95 : vector<512x2048xi32>
    %jit3A_97 = arith.constant 0xFF800000 : f32
    %broadcast_in_dim3A_98 = vector.broadcast %jit3A_97 : f32 to vector<512x2048xf32>
    %select_n3A_99 = arith.select %eq3A_96, %broadcast_in_dim3A_98, %select_n3A_92 : vector<512x2048xi1>, vector<512x2048xf32>
    %argmax3A_100 = tpu.reduce_index %select_n3A_99 {axis = 1 : i32, kind = #tpu.reduction_kind<arg_max>} : vector<512x2048xf32> -> vector<512xi32>
    %reshape3A_101 = vector.shape_cast %argmax3A_100 : vector<512xi32> to vector<512x1xi32>
    %eq3A_102 = vector.broadcast %reshape3A_101 : vector<512x1xi32> to vector<512x2048xi32>
    %eq3A_103 = arith.cmpi eq, %iota3A, %eq3A_102 : vector<512x2048xi32>
    %jit3A_104 = arith.constant 0xFF800000 : f32
    %broadcast_in_dim3A_105 = vector.broadcast %jit3A_104 : f32 to vector<512x2048xf32>
    %select_n3A_106 = arith.select %eq3A_103, %broadcast_in_dim3A_105, %select_n3A_99 : vector<512x2048xi1>, vector<512x2048xf32>
    %argmax3A_107 = tpu.reduce_index %select_n3A_106 {axis = 1 : i32, kind = #tpu.reduction_kind<arg_max>} : vector<512x2048xf32> -> vector<512xi32>
    %reshape3A_108 = vector.shape_cast %argmax3A_107 : vector<512xi32> to vector<512x1xi32>
    %eq3A_109 = vector.broadcast %reshape3A_108 : vector<512x1xi32> to vector<512x2048xi32>
    %eq3A_110 = arith.cmpi eq, %iota3A, %eq3A_109 : vector<512x2048xi32>
    %jit3A_111 = arith.constant 0xFF800000 : f32
    %broadcast_in_dim3A_112 = vector.broadcast %jit3A_111 : f32 to vector<512x2048xf32>
    %select_n3A_113 = arith.select %eq3A_110, %broadcast_in_dim3A_112, %select_n3A_106 : vector<512x2048xi1>, vector<512x2048xf32>
    %argmax3A_114 = tpu.reduce_index %select_n3A_113 {axis = 1 : i32, kind = #tpu.reduction_kind<arg_max>} : vector<512x2048xf32> -> vector<512xi32>
    %reshape3A_115 = vector.shape_cast %argmax3A_114 : vector<512xi32> to vector<512x1xi32>
    %eq3A_116 = vector.broadcast %reshape3A_115 : vector<512x1xi32> to vector<512x2048xi32>
    %eq3A_117 = arith.cmpi eq, %iota3A, %eq3A_116 : vector<512x2048xi32>
    %jit3A_118 = arith.constant 0xFF800000 : f32
    %broadcast_in_dim3A_119 = vector.broadcast %jit3A_118 : f32 to vector<512x2048xf32>
    %select_n3A_120 = arith.select %eq3A_117, %broadcast_in_dim3A_119, %select_n3A_113 : vector<512x2048xi1>, vector<512x2048xf32>
    %argmax3A_121 = tpu.reduce_index %select_n3A_120 {axis = 1 : i32, kind = #tpu.reduction_kind<arg_max>} : vector<512x2048xf32> -> vector<512xi32>
    %reshape3A_122 = vector.shape_cast %argmax3A_121 : vector<512xi32> to vector<512x1xi32>
    %eq3A_123 = vector.broadcast %reshape3A_122 : vector<512x1xi32> to vector<512x2048xi32>
    %eq3A_124 = arith.cmpi eq, %iota3A, %eq3A_123 : vector<512x2048xi32>
    %jit3A_125 = arith.constant 0xFF800000 : f32
    %broadcast_in_dim3A_126 = vector.broadcast %jit3A_125 : f32 to vector<512x2048xf32>
    %select_n3A_127 = arith.select %eq3A_124, %broadcast_in_dim3A_126, %select_n3A_120 : vector<512x2048xi1>, vector<512x2048xf32>
    %argmax3A_128 = tpu.reduce_index %select_n3A_127 {axis = 1 : i32, kind = #tpu.reduction_kind<arg_max>} : vector<512x2048xf32> -> vector<512xi32>
    %reshape3A_129 = vector.shape_cast %argmax3A_128 : vector<512xi32> to vector<512x1xi32>
    %eq3A_130 = vector.broadcast %reshape3A_129 : vector<512x1xi32> to vector<512x2048xi32>
    %eq3A_131 = arith.cmpi eq, %iota3A, %eq3A_130 : vector<512x2048xi32>
    %jit3A_132 = arith.constant 0xFF800000 : f32
    %broadcast_in_dim3A_133 = vector.broadcast %jit3A_132 : f32 to vector<512x2048xf32>
    %select_n3A_134 = arith.select %eq3A_131, %broadcast_in_dim3A_133, %select_n3A_127 : vector<512x2048xi1>, vector<512x2048xf32>
    %argmax3A_135 = tpu.reduce_index %select_n3A_134 {axis = 1 : i32, kind = #tpu.reduction_kind<arg_max>} : vector<512x2048xf32> -> vector<512xi32>
    %reshape3A_136 = vector.shape_cast %argmax3A_135 : vector<512xi32> to vector<512x1xi32>
    %eq3A_137 = vector.broadcast %reshape3A_136 : vector<512x1xi32> to vector<512x2048xi32>
    %eq3A_138 = arith.cmpi eq, %iota3A, %eq3A_137 : vector<512x2048xi32>
    %jit3A_139 = arith.constant 0xFF800000 : f32
    %broadcast_in_dim3A_140 = vector.broadcast %jit3A_139 : f32 to vector<512x2048xf32>
    %select_n3A_141 = arith.select %eq3A_138, %broadcast_in_dim3A_140, %select_n3A_134 : vector<512x2048xi1>, vector<512x2048xf32>
    %argmax3A_142 = tpu.reduce_index %select_n3A_141 {axis = 1 : i32, kind = #tpu.reduction_kind<arg_max>} : vector<512x2048xf32> -> vector<512xi32>
    %reshape3A_143 = vector.shape_cast %argmax3A_142 : vector<512xi32> to vector<512x1xi32>
    %eq3A_144 = vector.broadcast %reshape3A_143 : vector<512x1xi32> to vector<512x2048xi32>
    %eq3A_145 = arith.cmpi eq, %iota3A, %eq3A_144 : vector<512x2048xi32>
    %jit3A_146 = arith.constant 0xFF800000 : f32
    %broadcast_in_dim3A_147 = vector.broadcast %jit3A_146 : f32 to vector<512x2048xf32>
    %select_n3A_148 = arith.select %eq3A_145, %broadcast_in_dim3A_147, %select_n3A_141 : vector<512x2048xi1>, vector<512x2048xf32>
    %argmax3A_149 = tpu.reduce_index %select_n3A_148 {axis = 1 : i32, kind = #tpu.reduction_kind<arg_max>} : vector<512x2048xf32> -> vector<512xi32>
    %reshape3A_150 = vector.shape_cast %argmax3A_149 : vector<512xi32> to vector<512x1xi32>
    %concatenate3A = tpu.concatenate %reshape3A, %reshape3A_24, %reshape3A_31, %reshape3A_38, %reshape3A_45, %reshape3A_52, %reshape3A_59, %reshape3A_66, %reshape3A_73, %reshape3A_80, %reshape3A_87, %reshape3A_94, %reshape3A_101, %reshape3A_108, %reshape3A_115, %reshape3A_122, %reshape3A_129, %reshape3A_136, %reshape3A_143, %reshape3A_150 in 1 : vector<512x1xi32>, vector<512x1xi32>, vector<512x1xi32>, vector<512x1xi32>, vector<512x1xi32>, vector<512x1xi32>, vector<512x1xi32>, vector<512x1xi32>, vector<512x1xi32>, vector<512x1xi32>, vector<512x1xi32>, vector<512x1xi32>, vector<512x1xi32>, vector<512x1xi32>, vector<512x1xi32>, vector<512x1xi32>, vector<512x1xi32>, vector<512x1xi32>, vector<512x1xi32>, vector<512x1xi32> -> vector<512x20xi32>
    %mul3A_151 = arith.constant 2048 : i32
    %mul3A_152 = arith.muli %arg0, %mul3A_151 : i32
    %add3A = vector.broadcast %mul3A_152 : i32 to vector<512x20xi32>
    %add3A_153 = arith.addi %concatenate3A, %add3A : vector<512x20xi32>
    %swap3A = arith.constant 0 : index
    %swap3A_154 = arith.constant 0 : index
    %swap3A_155 = arith.constant 0 : index
    %swap3A_156 = vector.load %arg4[%swap3A, %swap3A_154, %swap3A_155] : memref<1x512x20xi32, #tpu.memory_space<vmem>>, vector<1x512x20xi32>
    %swap3A_157 = vector.shape_cast %swap3A_156 : vector<1x512x20xi32> to vector<512x20xi32>
    %swap3A_158 = vector.shape_cast %add3A_153 : vector<512x20xi32> to vector<1x512x20xi32>
    tpu.vector_store %arg4[%swap3A, %swap3A_154, %swap3A_155], %swap3A_158 {strides = array<i32>} : memref<1x512x20xi32, #tpu.memory_space<vmem>>, vector<1x512x20xi32>,
    return
  }
  func.func @transform_0(%arg0: i32, %arg1: i32) -> (i32, i32, i32) {
    %c0_i32 = arith.constant 0 : i32
    %c0_i32_0 = arith.constant 0 : i32
    %c0_i32_1 = arith.constant 0 : i32
    return %arg0, %c0_i32, %c0_i32_0 : i32, i32, i32
  }
  func.func @transform_1(%arg0: i32, %arg1: i32) -> (i32, i32, i32) {
    %c0_i32 = arith.constant 0 : i32
    %c0_i32_0 = arith.constant 0 : i32
    return %arg0, %arg1, %c0_i32 : i32, i32, i32
  }
  func.func @transform_2(%arg0: i32, %arg1: i32) -> (i32, i32, i32) {
    %c0_i32 = arith.constant 0 : i32
    %c0_i32_0 = arith.constant 0 : i32
    return %arg0, %arg1, %c0_i32 : i32, i32, i32
  }
}

module attributes {stable_mosaic.version = 14 : i64} {
  func.func @_conv_body(%arg0: i32, %arg1: memref<128x20x16xf32, #tpu.memory_space<vmem>>, %arg2: memref<128x1x16xf32, #tpu.memory_space<vmem>>, %arg3: memref<6x64xbf16, #tpu.memory_space<vmem>>, %arg4: memref<128x64xf32, #tpu.memory_space<vmem>>, %arg5: memref<1x64xf32, #tpu.memory_space<vmem>>, %arg6: memref<1x64xf32, #tpu.memory_space<vmem>>, %arg7: memref<1x64xf32, #tpu.memory_space<vmem>>, %arg8: memref<1x64xf32, #tpu.memory_space<vmem>>, %arg9: memref<1x64xf32, #tpu.memory_space<vmem>>, %arg10: memref<1x64xf32, #tpu.memory_space<vmem>>) attributes {dimension_semantics = [#tpu.dimension_semantics<arbitrary>], iteration_bounds = array<i64: 128>, scalar_prefetch = 0 : i64, scratch_operands = 3 : i64, tpu.core_type = #tpu.core_type<tc>, window_params = [{transform_indices = @transform_0, window_bounds = array<i64: 128, 20, 16>}, {transform_indices = @transform_1, window_bounds = array<i64: 128, 1, 16>}, {pipeline_mode = #tpu.pipeline_mode<synchronous>, transform_indices = @transform_2, window_bounds = array<i64: 6, 64>}, {transform_indices = @transform_3, window_bounds = array<i64: 128, 64>}, {pipeline_mode = #tpu.pipeline_mode<synchronous>, transform_indices = @transform_4, window_bounds = array<i64: 1, 64>}, {pipeline_mode = #tpu.pipeline_mode<synchronous>, transform_indices = @transform_5, window_bounds = array<i64: 1, 64>}, {pipeline_mode = #tpu.pipeline_mode<synchronous>, transform_indices = @transform_6, window_bounds = array<i64: 1, 64>}]} {
    %get3A = arith.constant 0 : index
    %get3A_0 = arith.constant 0 : index
    %get3A_1 = arith.constant 0 : index
    %get3A_2 = vector.load %arg2[%get3A, %get3A_0, %get3A_1] : memref<128x1x16xf32, #tpu.memory_space<vmem>>, vector<128x1x16xf32>
    %get3A_3 = arith.constant 0 : index
    %get3A_4 = arith.constant 0 : index
    %get3A_5 = arith.constant 0 : index
    %get3A_6 = vector.load %arg1[%get3A_3, %get3A_4, %get3A_5] : memref<128x20x16xf32, #tpu.memory_space<vmem>>, vector<128x20x16xf32>
    %sub3A = vector.broadcast %get3A_2 : vector<128x1x16xf32> to vector<128x20x16xf32>
    %sub3A_7 = arith.subf %get3A_6, %sub3A : vector<128x20x16xf32>
    %slice3A = vector.extract_strided_slice %sub3A_7 {offsets = [0, 0, 0], sizes = [128, 20, 3], strides = [1, 1, 1]} : vector<128x20x16xf32> to vector<128x20x3xf32>
    %slice3A_8 = vector.extract_strided_slice %get3A_2 {offsets = [0, 0, 0], sizes = [128, 1, 3], strides = [1, 1, 1]} : vector<128x1x16xf32> to vector<128x1x3xf32>
    %broadcast_in_dim3A = vector.shape_cast %slice3A_8 : vector<128x1x3xf32> to vector<128x1x3xf32>
    %broadcast_in_dim3A_9 = vector.broadcast %broadcast_in_dim3A : vector<128x1x3xf32> to vector<128x20x3xf32>
    %concatenate3A = tpu.concatenate %slice3A, %broadcast_in_dim3A_9 in 2 : vector<128x20x3xf32>, vector<128x20x3xf32> -> vector<128x20x6xf32>
    %convert_element_type3A = arith.truncf %concatenate3A : vector<128x20x6xf32> to vector<128x20x6xbf16>
    %reshape3A = vector.shape_cast %convert_element_type3A : vector<128x20x6xbf16> to vector<2560x6xbf16>
    %get3A_10 = arith.constant 0 : index
    %get3A_11 = arith.constant 0 : index
    %get3A_12 = vector.load %arg3[%get3A_10, %get3A_11] : memref<6x64xbf16, #tpu.memory_space<vmem>>, vector<6x64xbf16>
    %dot_general3A = arith.constant dense<0.000000e+00> : vector<2560x64xf32>
    %dot_general3A_13 = tpu.matmul %reshape3A, %get3A_12, %dot_general3A {dimension_numbers = #tpu.dot_dimension_numbers<[1], [0], [0], [1], [0, 0, 1, 1], [], []>, transpose_lhs_hint = false} : vector<2560x6xbf16>, vector<6x64xbf16>, vector<2560x64xf32> -> vector<2560x64xf32>
    %reduce_sum3A = arith.constant dense<0.000000e+00> : vector<64xf32>
    %reduce_sum3A_14 = vector.multi_reduction <add>, %dot_general3A_13, %reduce_sum3A [0] : vector<2560x64xf32> to vector<64xf32>
    %broadcast_in_dim3A_15 = vector.shape_cast %reduce_sum3A_14 : vector<64xf32> to vector<1x64xf32>
    %eq3A = arith.constant 0 : i32
    %eq3A_16 = arith.cmpi eq, %arg0, %eq3A : i32
    %convert_element_type3A_17 = arith.extui %eq3A_16 : i1 to i32
    %cond3A = arith.constant 0 : i32
    %cond3A_18 = arith.cmpi ne, %convert_element_type3A_17, %cond3A : i32
    scf.if %cond3A_18 {
      %div3A = arith.constant 2.560000e+03 : f32
      %div3A_76 = vector.broadcast %div3A : f32 to vector<1x64xf32>
      %div3A_77 = arith.divf %broadcast_in_dim3A_15, %div3A_76 : vector<1x64xf32>
      %swap3A_78 = arith.constant 0 : index
      %swap3A_79 = arith.constant 0 : index
      %swap3A_80 = vector.load %arg8[%swap3A_78, %swap3A_79] : memref<1x64xf32, #tpu.memory_space<vmem>>, vector<1x64xf32>
      tpu.vector_store %arg8[%swap3A_78, %swap3A_79], %div3A_77 {strides = array<i32>} : memref<1x64xf32, #tpu.memory_space<vmem>>, vector<1x64xf32>,
      %swap3A_81 = arith.constant 0 : index
      %swap3A_82 = arith.constant 0 : index
      %swap3A_83 = vector.load %arg7[%swap3A_81, %swap3A_82] : memref<1x64xf32, #tpu.memory_space<vmem>>, vector<1x64xf32>
      tpu.vector_store %arg7[%swap3A_81, %swap3A_82], %div3A_77 {strides = array<i32>} : memref<1x64xf32, #tpu.memory_space<vmem>>, vector<1x64xf32>,
      %broadcast_in_dim3A_84 = arith.constant 0.000000e+00 : f32
      %broadcast_in_dim3A_85 = vector.broadcast %broadcast_in_dim3A_84 : f32 to vector<1x64xf32>
      %swap3A_86 = arith.constant 0 : index
      %swap3A_87 = arith.constant 0 : index
      %swap3A_88 = vector.load %arg5[%swap3A_86, %swap3A_87] : memref<1x64xf32, #tpu.memory_space<vmem>>, vector<1x64xf32>
      tpu.vector_store %arg5[%swap3A_86, %swap3A_87], %broadcast_in_dim3A_85 {strides = array<i32>} : memref<1x64xf32, #tpu.memory_space<vmem>>, vector<1x64xf32>,
      %broadcast_in_dim3A_89 = arith.constant 0.000000e+00 : f32
      %broadcast_in_dim3A_90 = vector.broadcast %broadcast_in_dim3A_89 : f32 to vector<1x64xf32>
      %swap3A_91 = arith.constant 0 : index
      %swap3A_92 = arith.constant 0 : index
      %swap3A_93 = vector.load %arg6[%swap3A_91, %swap3A_92] : memref<1x64xf32, #tpu.memory_space<vmem>>, vector<1x64xf32>
      tpu.vector_store %arg6[%swap3A_91, %swap3A_92], %broadcast_in_dim3A_90 {strides = array<i32>} : memref<1x64xf32, #tpu.memory_space<vmem>>, vector<1x64xf32>,
      %broadcast_in_dim3A_94 = arith.constant 0.000000e+00 : f32
      %broadcast_in_dim3A_95 = vector.broadcast %broadcast_in_dim3A_94 : f32 to vector<1x64xf32>
      %swap3A_96 = arith.constant 0 : index
      %swap3A_97 = arith.constant 0 : index
      %swap3A_98 = vector.load %arg9[%swap3A_96, %swap3A_97] : memref<1x64xf32, #tpu.memory_space<vmem>>, vector<1x64xf32>
      tpu.vector_store %arg9[%swap3A_96, %swap3A_97], %broadcast_in_dim3A_95 {strides = array<i32>} : memref<1x64xf32, #tpu.memory_space<vmem>>, vector<1x64xf32>,
      %broadcast_in_dim3A_99 = arith.constant 0.000000e+00 : f32
      %broadcast_in_dim3A_100 = vector.broadcast %broadcast_in_dim3A_99 : f32 to vector<1x64xf32>
      %swap3A_101 = arith.constant 0 : index
      %swap3A_102 = arith.constant 0 : index
      %swap3A_103 = vector.load %arg10[%swap3A_101, %swap3A_102] : memref<1x64xf32, #tpu.memory_space<vmem>>, vector<1x64xf32>
      tpu.vector_store %arg10[%swap3A_101, %swap3A_102], %broadcast_in_dim3A_100 {strides = array<i32>} : memref<1x64xf32, #tpu.memory_space<vmem>>, vector<1x64xf32>,
    } else {
    }
    %get3A_19 = arith.constant 0 : index
    %get3A_20 = arith.constant 0 : index
    %get3A_21 = vector.load %arg8[%get3A_19, %get3A_20] : memref<1x64xf32, #tpu.memory_space<vmem>>, vector<1x64xf32>
    %sub3A_22 = vector.broadcast %get3A_21 : vector<1x64xf32> to vector<2560x64xf32>
    %sub3A_23 = arith.subf %dot_general3A_13, %sub3A_22 : vector<2560x64xf32>
    %get3A_24 = arith.constant 0 : index
    %get3A_25 = arith.constant 0 : index
    %get3A_26 = vector.load %arg5[%get3A_24, %get3A_25] : memref<1x64xf32, #tpu.memory_space<vmem>>, vector<1x64xf32>
    %add3A = arith.addf %get3A_26, %broadcast_in_dim3A_15 : vector<1x64xf32>
    %get3A_27 = arith.constant 0 : index
    %get3A_28 = arith.constant 0 : index
    %get3A_29 = vector.load %arg9[%get3A_27, %get3A_28] : memref<1x64xf32, #tpu.memory_space<vmem>>, vector<1x64xf32>
    %abs3A = math.absf %get3A_26 : vector<1x64xf32>
    %abs3A_30 = math.absf %broadcast_in_dim3A_15 : vector<1x64xf32>
    %ge3A = arith.cmpf oge, %abs3A, %abs3A_30 : vector<1x64xf32>
    %sub3A_31 = arith.subf %get3A_26, %add3A : vector<1x64xf32>
    %add3A_32 = arith.addf %sub3A_31, %broadcast_in_dim3A_15 : vector<1x64xf32>
    %sub3A_33 = arith.subf %broadcast_in_dim3A_15, %add3A : vector<1x64xf32>
    %add3A_34 = arith.addf %sub3A_33, %get3A_26 : vector<1x64xf32>
    %select_n3A = arith.select %ge3A, %add3A_32, %add3A_34 : vector<1x64xi1>, vector<1x64xf32>
    %add3A_35 = arith.addf %get3A_29, %select_n3A : vector<1x64xf32>
    %swap3A = arith.constant 0 : index
    %swap3A_36 = arith.constant 0 : index
    %swap3A_37 = vector.load %arg9[%swap3A, %swap3A_36] : memref<1x64xf32, #tpu.memory_space<vmem>>, vector<1x64xf32>
    tpu.vector_store %arg9[%swap3A, %swap3A_36], %add3A_35 {strides = array<i32>} : memref<1x64xf32, #tpu.memory_space<vmem>>, vector<1x64xf32>,
    %swap3A_38 = arith.constant 0 : index
    %swap3A_39 = arith.constant 0 : index
    %swap3A_40 = vector.load %arg5[%swap3A_38, %swap3A_39] : memref<1x64xf32, #tpu.memory_space<vmem>>, vector<1x64xf32>
    tpu.vector_store %arg5[%swap3A_38, %swap3A_39], %add3A {strides = array<i32>} : memref<1x64xf32, #tpu.memory_space<vmem>>, vector<1x64xf32>,
    %mul3A = arith.mulf %sub3A_23, %sub3A_23 : vector<2560x64xf32>
    %reduce_sum3A_41 = arith.constant dense<0.000000e+00> : vector<64xf32>
    %reduce_sum3A_42 = vector.multi_reduction <add>, %mul3A, %reduce_sum3A_41 [0] : vector<2560x64xf32> to vector<64xf32>
    %broadcast_in_dim3A_43 = vector.shape_cast %reduce_sum3A_42 : vector<64xf32> to vector<1x64xf32>
    %get3A_44 = arith.constant 0 : index
    %get3A_45 = arith.constant 0 : index
    %get3A_46 = vector.load %arg6[%get3A_44, %get3A_45] : memref<1x64xf32, #tpu.memory_space<vmem>>, vector<1x64xf32>
    %add3A_47 = arith.addf %get3A_46, %broadcast_in_dim3A_43 : vector<1x64xf32>
    %get3A_48 = arith.constant 0 : index
    %get3A_49 = arith.constant 0 : index
    %get3A_50 = vector.load %arg10[%get3A_48, %get3A_49] : memref<1x64xf32, #tpu.memory_space<vmem>>, vector<1x64xf32>
    %abs3A_51 = math.absf %get3A_46 : vector<1x64xf32>
    %abs3A_52 = math.absf %broadcast_in_dim3A_43 : vector<1x64xf32>
    %ge3A_53 = arith.cmpf oge, %abs3A_51, %abs3A_52 : vector<1x64xf32>
    %sub3A_54 = arith.subf %get3A_46, %add3A_47 : vector<1x64xf32>
    %add3A_55 = arith.addf %sub3A_54, %broadcast_in_dim3A_43 : vector<1x64xf32>
    %sub3A_56 = arith.subf %broadcast_in_dim3A_43, %add3A_47 : vector<1x64xf32>
    %add3A_57 = arith.addf %sub3A_56, %get3A_46 : vector<1x64xf32>
    %select_n3A_58 = arith.select %ge3A_53, %add3A_55, %add3A_57 : vector<1x64xi1>, vector<1x64xf32>
    %add3A_59 = arith.addf %get3A_50, %select_n3A_58 : vector<1x64xf32>
    %swap3A_60 = arith.constant 0 : index
    %swap3A_61 = arith.constant 0 : index
    %swap3A_62 = vector.load %arg10[%swap3A_60, %swap3A_61] : memref<1x64xf32, #tpu.memory_space<vmem>>, vector<1x64xf32>
    tpu.vector_store %arg10[%swap3A_60, %swap3A_61], %add3A_59 {strides = array<i32>} : memref<1x64xf32, #tpu.memory_space<vmem>>, vector<1x64xf32>,
    %swap3A_63 = arith.constant 0 : index
    %swap3A_64 = arith.constant 0 : index
    %swap3A_65 = vector.load %arg6[%swap3A_63, %swap3A_64] : memref<1x64xf32, #tpu.memory_space<vmem>>, vector<1x64xf32>
    tpu.vector_store %arg6[%swap3A_63, %swap3A_64], %add3A_47 {strides = array<i32>} : memref<1x64xf32, #tpu.memory_space<vmem>>, vector<1x64xf32>,
    %reshape3A_66 = vector.shape_cast %dot_general3A_13 : vector<2560x64xf32> to vector<128x20x64xf32>
    %reduce_max3A = arith.constant dense<0xFF800000> : vector<128x64xf32>
    %reduce_max3A_67 = vector.multi_reduction <maximumf>, %reshape3A_66, %reduce_max3A [1] : vector<128x20x64xf32> to vector<128x64xf32>
    %swap3A_68 = arith.constant 0 : index
    %swap3A_69 = arith.constant 0 : index
    %swap3A_70 = vector.load %arg4[%swap3A_68, %swap3A_69] : memref<128x64xf32, #tpu.memory_space<vmem>>, vector<128x64xf32>
    tpu.vector_store %arg4[%swap3A_68, %swap3A_69], %reduce_max3A_67 {strides = array<i32>} : memref<128x64xf32, #tpu.memory_space<vmem>>, vector<128x64xf32>,
    %eq3A_71 = arith.constant 127 : i32
    %eq3A_72 = arith.cmpi eq, %arg0, %eq3A_71 : i32
    %convert_element_type3A_73 = arith.extui %eq3A_72 : i1 to i32
    %cond3A_74 = arith.constant 0 : i32
    %cond3A_75 = arith.cmpi ne, %convert_element_type3A_73, %cond3A_74 : i32
    scf.if %cond3A_75 {
      %get3A_76 = arith.constant 0 : index
      %get3A_77 = arith.constant 0 : index
      %get3A_78 = vector.load %arg5[%get3A_76, %get3A_77] : memref<1x64xf32, #tpu.memory_space<vmem>>, vector<1x64xf32>
      %get3A_79 = arith.constant 0 : index
      %get3A_80 = arith.constant 0 : index
      %get3A_81 = vector.load %arg9[%get3A_79, %get3A_80] : memref<1x64xf32, #tpu.memory_space<vmem>>, vector<1x64xf32>
      %add3A_82 = arith.addf %get3A_78, %get3A_81 : vector<1x64xf32>
      %swap3A_83 = arith.constant 0 : index
      %swap3A_84 = arith.constant 0 : index
      %swap3A_85 = vector.load %arg5[%swap3A_83, %swap3A_84] : memref<1x64xf32, #tpu.memory_space<vmem>>, vector<1x64xf32>
      tpu.vector_store %arg5[%swap3A_83, %swap3A_84], %add3A_82 {strides = array<i32>} : memref<1x64xf32, #tpu.memory_space<vmem>>, vector<1x64xf32>,
      %get3A_86 = arith.constant 0 : index
      %get3A_87 = arith.constant 0 : index
      %get3A_88 = vector.load %arg6[%get3A_86, %get3A_87] : memref<1x64xf32, #tpu.memory_space<vmem>>, vector<1x64xf32>
      %get3A_89 = arith.constant 0 : index
      %get3A_90 = arith.constant 0 : index
      %get3A_91 = vector.load %arg10[%get3A_89, %get3A_90] : memref<1x64xf32, #tpu.memory_space<vmem>>, vector<1x64xf32>
      %add3A_92 = arith.addf %get3A_88, %get3A_91 : vector<1x64xf32>
      %swap3A_93 = arith.constant 0 : index
      %swap3A_94 = arith.constant 0 : index
      %swap3A_95 = vector.load %arg6[%swap3A_93, %swap3A_94] : memref<1x64xf32, #tpu.memory_space<vmem>>, vector<1x64xf32>
      tpu.vector_store %arg6[%swap3A_93, %swap3A_94], %add3A_92 {strides = array<i32>} : memref<1x64xf32, #tpu.memory_space<vmem>>, vector<1x64xf32>,
    } else {
    }
    return
  }
  func.func @transform_0(%arg0: i32) -> (i32, i32, i32) {
    %c0_i32 = arith.constant 0 : i32
    %c0_i32_0 = arith.constant 0 : i32
    %c0_i32_1 = arith.constant 0 : i32
    return %arg0, %c0_i32, %c0_i32_0 : i32, i32, i32
  }
  func.func @transform_1(%arg0: i32) -> (i32, i32, i32) {
    %c0_i32 = arith.constant 0 : i32
    %c0_i32_0 = arith.constant 0 : i32
    %c0_i32_1 = arith.constant 0 : i32
    return %arg0, %c0_i32, %c0_i32_0 : i32, i32, i32
  }
  func.func @transform_2(%arg0: i32) -> (i32, i32) {
    %c0_i32 = arith.constant 0 : i32
    %c0_i32_0 = arith.constant 0 : i32
    %c0_i32_1 = arith.constant 0 : i32
    return %c0_i32, %c0_i32_0 : i32, i32
  }
  func.func @transform_3(%arg0: i32) -> (i32, i32) {
    %c0_i32 = arith.constant 0 : i32
    %c0_i32_0 = arith.constant 0 : i32
    return %arg0, %c0_i32 : i32, i32
  }
  func.func @transform_4(%arg0: i32) -> (i32, i32) {
    %c0_i32 = arith.constant 0 : i32
    %c0_i32_0 = arith.constant 0 : i32
    %c0_i32_1 = arith.constant 0 : i32
    return %c0_i32, %c0_i32_0 : i32, i32
  }
  func.func @transform_5(%arg0: i32) -> (i32, i32) {
    %c0_i32 = arith.constant 0 : i32
    %c0_i32_0 = arith.constant 0 : i32
    %c0_i32_1 = arith.constant 0 : i32
    return %c0_i32, %c0_i32_0 : i32, i32
  }
  func.func @transform_6(%arg0: i32) -> (i32, i32) {
    %c0_i32 = arith.constant 0 : i32
    %c0_i32_0 = arith.constant 0 : i32
    %c0_i32_1 = arith.constant 0 : i32
    return %c0_i32, %c0_i32_0 : i32, i32
  }
}

module attributes {stable_mosaic.version = 14 : i64} {
  func.func @_epi_body(%arg0: i32, %arg1: memref<2048x64xf32, #tpu.memory_space<vmem>>, %arg2: memref<1x64xf32, #tpu.memory_space<vmem>>, %arg3: memref<1x64xf32, #tpu.memory_space<vmem>>, %arg4: memref<1x64xf32, #tpu.memory_space<vmem>>, %arg5: memref<1x64xf32, #tpu.memory_space<vmem>>, %arg6: memref<1x64xf32, #tpu.memory_space<vmem>>, %arg7: memref<2048x64xf32, #tpu.memory_space<vmem>>) attributes {dimension_semantics = [#tpu.dimension_semantics<arbitrary>], iteration_bounds = array<i64: 8>, scalar_prefetch = 0 : i64, scratch_operands = 0 : i64, tpu.core_type = #tpu.core_type<tc>, window_params = [{transform_indices = @transform_0, window_bounds = array<i64: 2048, 64>}, {pipeline_mode = #tpu.pipeline_mode<synchronous>, transform_indices = @transform_1, window_bounds = array<i64: 1, 64>}, {pipeline_mode = #tpu.pipeline_mode<synchronous>, transform_indices = @transform_2, window_bounds = array<i64: 1, 64>}, {pipeline_mode = #tpu.pipeline_mode<synchronous>, transform_indices = @transform_3, window_bounds = array<i64: 1, 64>}, {pipeline_mode = #tpu.pipeline_mode<synchronous>, transform_indices = @transform_4, window_bounds = array<i64: 1, 64>}, {pipeline_mode = #tpu.pipeline_mode<synchronous>, transform_indices = @transform_5, window_bounds = array<i64: 1, 64>}, {transform_indices = @transform_6, window_bounds = array<i64: 2048, 64>}]} {
    %get3A = arith.constant 0 : index
    %get3A_0 = arith.constant 0 : index
    %get3A_1 = vector.load %arg2[%get3A, %get3A_0] : memref<1x64xf32, #tpu.memory_space<vmem>>, vector<1x64xf32>
    %div3A = arith.constant 3.276800e+05 : f32
    %div3A_2 = vector.broadcast %div3A : f32 to vector<1x64xf32>
    %div3A_3 = arith.divf %get3A_1, %div3A_2 : vector<1x64xf32>
    %get3A_4 = arith.constant 0 : index
    %get3A_5 = arith.constant 0 : index
    %get3A_6 = vector.load %arg4[%get3A_4, %get3A_5] : memref<1x64xf32, #tpu.memory_space<vmem>>, vector<1x64xf32>
    %sub3A = arith.subf %div3A_3, %get3A_6 : vector<1x64xf32>
    %get3A_7 = arith.constant 0 : index
    %get3A_8 = arith.constant 0 : index
    %get3A_9 = vector.load %arg3[%get3A_7, %get3A_8] : memref<1x64xf32, #tpu.memory_space<vmem>>, vector<1x64xf32>
    %div3A_10 = arith.constant 3.276800e+05 : f32
    %div3A_11 = vector.broadcast %div3A_10 : f32 to vector<1x64xf32>
    %div3A_12 = arith.divf %get3A_9, %div3A_11 : vector<1x64xf32>
    %mul3A = arith.mulf %sub3A, %sub3A : vector<1x64xf32>
    %sub3A_13 = arith.subf %div3A_12, %mul3A : vector<1x64xf32>
    %add3A = arith.constant 9.99999974E-6 : f32
    %add3A_14 = vector.broadcast %add3A : f32 to vector<1x64xf32>
    %add3A_15 = arith.addf %sub3A_13, %add3A_14 : vector<1x64xf32>
    %rsqrt3A = math.rsqrt %add3A_15 : vector<1x64xf32>
    %get3A_16 = arith.constant 0 : index
    %get3A_17 = arith.constant 0 : index
    %get3A_18 = vector.load %arg1[%get3A_16, %get3A_17] : memref<2048x64xf32, #tpu.memory_space<vmem>>, vector<2048x64xf32>
    %sub3A_19 = vector.broadcast %div3A_3 : vector<1x64xf32> to vector<2048x64xf32>
    %sub3A_20 = arith.subf %get3A_18, %sub3A_19 : vector<2048x64xf32>
    %mul3A_21 = vector.broadcast %rsqrt3A : vector<1x64xf32> to vector<2048x64xf32>
    %mul3A_22 = arith.mulf %sub3A_20, %mul3A_21 : vector<2048x64xf32>
    %get3A_23 = arith.constant 0 : index
    %get3A_24 = arith.constant 0 : index
    %get3A_25 = vector.load %arg5[%get3A_23, %get3A_24] : memref<1x64xf32, #tpu.memory_space<vmem>>, vector<1x64xf32>
    %mul3A_26 = vector.broadcast %get3A_25 : vector<1x64xf32> to vector<2048x64xf32>
    %mul3A_27 = arith.mulf %mul3A_22, %mul3A_26 : vector<2048x64xf32>
    %get3A_28 = arith.constant 0 : index
    %get3A_29 = arith.constant 0 : index
    %get3A_30 = vector.load %arg6[%get3A_28, %get3A_29] : memref<1x64xf32, #tpu.memory_space<vmem>>, vector<1x64xf32>
    %add3A_31 = vector.broadcast %get3A_30 : vector<1x64xf32> to vector<2048x64xf32>
    %add3A_32 = arith.addf %mul3A_27, %add3A_31 : vector<2048x64xf32>
    %ge3A = arith.constant 0.000000e+00 : f32
    %ge3A_33 = vector.broadcast %ge3A : f32 to vector<2048x64xf32>
    %ge3A_34 = arith.cmpf oge, %add3A_32, %ge3A_33 : vector<2048x64xf32>
    %mul3A_35 = arith.constant 2.000000e-01 : f32
    %mul3A_36 = vector.broadcast %mul3A_35 : f32 to vector<2048x64xf32>
    %mul3A_37 = arith.mulf %mul3A_36, %add3A_32 : vector<2048x64xf32>
    %select_n3A = arith.select %ge3A_34, %add3A_32, %mul3A_37 : vector<2048x64xi1>, vector<2048x64xf32>
    %swap3A = arith.constant 0 : index
    %swap3A_38 = arith.constant 0 : index
    %swap3A_39 = vector.load %arg7[%swap3A, %swap3A_38] : memref<2048x64xf32, #tpu.memory_space<vmem>>, vector<2048x64xf32>
    tpu.vector_store %arg7[%swap3A, %swap3A_38], %select_n3A {strides = array<i32>} : memref<2048x64xf32, #tpu.memory_space<vmem>>, vector<2048x64xf32>,
    return
  }
  func.func @transform_0(%arg0: i32) -> (i32, i32) {
    %c0_i32 = arith.constant 0 : i32
    %c0_i32_0 = arith.constant 0 : i32
    return %arg0, %c0_i32 : i32, i32
  }
  func.func @transform_1(%arg0: i32) -> (i32, i32) {
    %c0_i32 = arith.constant 0 : i32
    %c0_i32_0 = arith.constant 0 : i32
    %c0_i32_1 = arith.constant 0 : i32
    return %c0_i32, %c0_i32_0 : i32, i32
  }
  func.func @transform_2(%arg0: i32) -> (i32, i32) {
    %c0_i32 = arith.constant 0 : i32
    %c0_i32_0 = arith.constant 0 : i32
    %c0_i32_1 = arith.constant 0 : i32
    return %c0_i32, %c0_i32_0 : i32, i32
  }
  func.func @transform_3(%arg0: i32) -> (i32, i32) {
    %c0_i32 = arith.constant 0 : i32
    %c0_i32_0 = arith.constant 0 : i32
    %c0_i32_1 = arith.constant 0 : i32
    return %c0_i32, %c0_i32_0 : i32, i32
  }
  func.func @transform_4(%arg0: i32) -> (i32, i32) {
    %c0_i32 = arith.constant 0 : i32
    %c0_i32_0 = arith.constant 0 : i32
    %c0_i32_1 = arith.constant 0 : i32
    return %c0_i32, %c0_i32_0 : i32, i32
  }
  func.func @transform_5(%arg0: i32) -> (i32, i32) {
    %c0_i32 = arith.constant 0 : i32
    %c0_i32_0 = arith.constant 0 : i32
    %c0_i32_1 = arith.constant 0 : i32
    return %c0_i32, %c0_i32_0 : i32, i32
  }
  func.func @transform_6(%arg0: i32) -> (i32, i32) {
    %c0_i32 = arith.constant 0 : i32
    %c0_i32_0 = arith.constant 0 : i32
    return %arg0, %c0_i32 : i32, i32
  }
}

module attributes {stable_mosaic.version = 14 : i64} {
  func.func @_knn_body(%arg0: i32, %arg1: i32, %arg2: memref<1x64x2048xf32, #tpu.memory_space<vmem>>, %arg3: memref<1x512x64xf32, #tpu.memory_space<vmem>>, %arg4: memref<1x512x20xi32, #tpu.memory_space<vmem>>) attributes {dimension_semantics = [#tpu.dimension_semantics<arbitrary>, #tpu.dimension_semantics<arbitrary>], iteration_bounds = array<i64: 8, 4>, scalar_prefetch = 0 : i64, scratch_operands = 0 : i64, tpu.core_type = #tpu.core_type<tc>, window_params = [{transform_indices = @transform_0, window_bounds = array<i64: 1, 64, 2048>}, {transform_indices = @transform_1, window_bounds = array<i64: 1, 512, 64>}, {transform_indices = @transform_2, window_bounds = array<i64: 1, 512, 20>}]} {
    %get3A = arith.constant 0 : index
    %get3A_0 = arith.constant 0 : index
    %get3A_1 = arith.constant 0 : index
    %get3A_2 = vector.load %arg2[%get3A, %get3A_0, %get3A_1] : memref<1x64x2048xf32, #tpu.memory_space<vmem>>, vector<1x64x2048xf32>
    %get3A_3 = vector.shape_cast %get3A_2 : vector<1x64x2048xf32> to vector<64x2048xf32>
    %get3A_4 = arith.constant 0 : index
    %get3A_5 = arith.constant 0 : index
    %get3A_6 = arith.constant 0 : index
    %get3A_7 = vector.load %arg3[%get3A_4, %get3A_5, %get3A_6] : memref<1x512x64xf32, #tpu.memory_space<vmem>>, vector<1x512x64xf32>
    %get3A_8 = vector.shape_cast %get3A_7 : vector<1x512x64xf32> to vector<512x64xf32>
    %mul3A = arith.mulf %get3A_3, %get3A_3 : vector<64x2048xf32>
    %reduce_sum3A = arith.constant dense<0.000000e+00> : vector<2048xf32>
    %reduce_sum3A_9 = vector.multi_reduction <add>, %mul3A, %reduce_sum3A [0] : vector<64x2048xf32> to vector<2048xf32>
    %broadcast_in_dim3A = vector.shape_cast %reduce_sum3A_9 : vector<2048xf32> to vector<1x2048xf32>
    %mul3A_10 = arith.mulf %get3A_8, %get3A_8 : vector<512x64xf32>
    %reduce_sum3A_11 = arith.constant dense<0.000000e+00> : vector<512xf32>
    %reduce_sum3A_12 = vector.multi_reduction <add>, %mul3A_10, %reduce_sum3A_11 [1] : vector<512x64xf32> to vector<512xf32>
    %broadcast_in_dim3A_13 = vector.shape_cast %reduce_sum3A_12 : vector<512xf32> to vector<512x1xf32>
    %dot_general3A = arith.constant dense<0.000000e+00> : vector<512x2048xf32>
    %dot_general3A_14 = tpu.matmul %get3A_8, %get3A_3, %dot_general3A {dimension_numbers = #tpu.dot_dimension_numbers<[1], [0], [0], [1], [0, 0, 1, 1], [], []>, transpose_lhs_hint = false} : vector<512x64xf32>, vector<64x2048xf32>, vector<512x2048xf32> -> vector<512x2048xf32>
    %mul3A_15 = arith.constant 2.000000e+00 : f32
    %mul3A_16 = vector.broadcast %mul3A_15 : f32 to vector<512x2048xf32>
    %mul3A_17 = arith.mulf %mul3A_16, %dot_general3A_14 : vector<512x2048xf32>
    %sub3A = vector.broadcast %broadcast_in_dim3A_13 : vector<512x1xf32> to vector<512x2048xf32>
    %sub3A_18 = arith.subf %mul3A_17, %sub3A : vector<512x2048xf32>
    %sub3A_19 = vector.broadcast %broadcast_in_dim3A : vector<1x2048xf32> to vector<512x2048xf32>
    %sub3A_20 = arith.subf %sub3A_18, %sub3A_19 : vector<512x2048xf32>
    %iota3A = tpu.iota {dimensions = array<i32: 1>} : vector<512x2048xi32>
    %argmax3A = tpu.reduce_index %sub3A_20 {axis = 1 : i32, kind = #tpu.reduction_kind<arg_max>} : vector<512x2048xf32> -> vector<512xi32>
    %reshape3A = vector.shape_cast %argmax3A : vector<512xi32> to vector<512x1xi32>
    %eq3A = vector.broadcast %reshape3A : vector<512x1xi32> to vector<512x2048xi32>
    %eq3A_21 = arith.cmpi eq, %iota3A, %eq3A : vector<512x2048xi32>
    %jit3A = arith.constant 0xFF800000 : f32
    %broadcast_in_dim3A_22 = vector.broadcast %jit3A : f32 to vector<512x2048xf32>
    %select_n3A = arith.select %eq3A_21, %broadcast_in_dim3A_22, %sub3A_20 : vector<512x2048xi1>, vector<512x2048xf32>
    %argmax3A_23 = tpu.reduce_index %select_n3A {axis = 1 : i32, kind = #tpu.reduction_kind<arg_max>} : vector<512x2048xf32> -> vector<512xi32>
    %reshape3A_24 = vector.shape_cast %argmax3A_23 : vector<512xi32> to vector<512x1xi32>
    %eq3A_25 = vector.broadcast %reshape3A_24 : vector<512x1xi32> to vector<512x2048xi32>
    %eq3A_26 = arith.cmpi eq, %iota3A, %eq3A_25 : vector<512x2048xi32>
    %jit3A_27 = arith.constant 0xFF800000 : f32
    %broadcast_in_dim3A_28 = vector.broadcast %jit3A_27 : f32 to vector<512x2048xf32>
    %select_n3A_29 = arith.select %eq3A_26, %broadcast_in_dim3A_28, %select_n3A : vector<512x2048xi1>, vector<512x2048xf32>
    %argmax3A_30 = tpu.reduce_index %select_n3A_29 {axis = 1 : i32, kind = #tpu.reduction_kind<arg_max>} : vector<512x2048xf32> -> vector<512xi32>
    %reshape3A_31 = vector.shape_cast %argmax3A_30 : vector<512xi32> to vector<512x1xi32>
    %eq3A_32 = vector.broadcast %reshape3A_31 : vector<512x1xi32> to vector<512x2048xi32>
    %eq3A_33 = arith.cmpi eq, %iota3A, %eq3A_32 : vector<512x2048xi32>
    %jit3A_34 = arith.constant 0xFF800000 : f32
    %broadcast_in_dim3A_35 = vector.broadcast %jit3A_34 : f32 to vector<512x2048xf32>
    %select_n3A_36 = arith.select %eq3A_33, %broadcast_in_dim3A_35, %select_n3A_29 : vector<512x2048xi1>, vector<512x2048xf32>
    %argmax3A_37 = tpu.reduce_index %select_n3A_36 {axis = 1 : i32, kind = #tpu.reduction_kind<arg_max>} : vector<512x2048xf32> -> vector<512xi32>
    %reshape3A_38 = vector.shape_cast %argmax3A_37 : vector<512xi32> to vector<512x1xi32>
    %eq3A_39 = vector.broadcast %reshape3A_38 : vector<512x1xi32> to vector<512x2048xi32>
    %eq3A_40 = arith.cmpi eq, %iota3A, %eq3A_39 : vector<512x2048xi32>
    %jit3A_41 = arith.constant 0xFF800000 : f32
    %broadcast_in_dim3A_42 = vector.broadcast %jit3A_41 : f32 to vector<512x2048xf32>
    %select_n3A_43 = arith.select %eq3A_40, %broadcast_in_dim3A_42, %select_n3A_36 : vector<512x2048xi1>, vector<512x2048xf32>
    %argmax3A_44 = tpu.reduce_index %select_n3A_43 {axis = 1 : i32, kind = #tpu.reduction_kind<arg_max>} : vector<512x2048xf32> -> vector<512xi32>
    %reshape3A_45 = vector.shape_cast %argmax3A_44 : vector<512xi32> to vector<512x1xi32>
    %eq3A_46 = vector.broadcast %reshape3A_45 : vector<512x1xi32> to vector<512x2048xi32>
    %eq3A_47 = arith.cmpi eq, %iota3A, %eq3A_46 : vector<512x2048xi32>
    %jit3A_48 = arith.constant 0xFF800000 : f32
    %broadcast_in_dim3A_49 = vector.broadcast %jit3A_48 : f32 to vector<512x2048xf32>
    %select_n3A_50 = arith.select %eq3A_47, %broadcast_in_dim3A_49, %select_n3A_43 : vector<512x2048xi1>, vector<512x2048xf32>
    %argmax3A_51 = tpu.reduce_index %select_n3A_50 {axis = 1 : i32, kind = #tpu.reduction_kind<arg_max>} : vector<512x2048xf32> -> vector<512xi32>
    %reshape3A_52 = vector.shape_cast %argmax3A_51 : vector<512xi32> to vector<512x1xi32>
    %eq3A_53 = vector.broadcast %reshape3A_52 : vector<512x1xi32> to vector<512x2048xi32>
    %eq3A_54 = arith.cmpi eq, %iota3A, %eq3A_53 : vector<512x2048xi32>
    %jit3A_55 = arith.constant 0xFF800000 : f32
    %broadcast_in_dim3A_56 = vector.broadcast %jit3A_55 : f32 to vector<512x2048xf32>
    %select_n3A_57 = arith.select %eq3A_54, %broadcast_in_dim3A_56, %select_n3A_50 : vector<512x2048xi1>, vector<512x2048xf32>
    %argmax3A_58 = tpu.reduce_index %select_n3A_57 {axis = 1 : i32, kind = #tpu.reduction_kind<arg_max>} : vector<512x2048xf32> -> vector<512xi32>
    %reshape3A_59 = vector.shape_cast %argmax3A_58 : vector<512xi32> to vector<512x1xi32>
    %eq3A_60 = vector.broadcast %reshape3A_59 : vector<512x1xi32> to vector<512x2048xi32>
    %eq3A_61 = arith.cmpi eq, %iota3A, %eq3A_60 : vector<512x2048xi32>
    %jit3A_62 = arith.constant 0xFF800000 : f32
    %broadcast_in_dim3A_63 = vector.broadcast %jit3A_62 : f32 to vector<512x2048xf32>
    %select_n3A_64 = arith.select %eq3A_61, %broadcast_in_dim3A_63, %select_n3A_57 : vector<512x2048xi1>, vector<512x2048xf32>
    %argmax3A_65 = tpu.reduce_index %select_n3A_64 {axis = 1 : i32, kind = #tpu.reduction_kind<arg_max>} : vector<512x2048xf32> -> vector<512xi32>
    %reshape3A_66 = vector.shape_cast %argmax3A_65 : vector<512xi32> to vector<512x1xi32>
    %eq3A_67 = vector.broadcast %reshape3A_66 : vector<512x1xi32> to vector<512x2048xi32>
    %eq3A_68 = arith.cmpi eq, %iota3A, %eq3A_67 : vector<512x2048xi32>
    %jit3A_69 = arith.constant 0xFF800000 : f32
    %broadcast_in_dim3A_70 = vector.broadcast %jit3A_69 : f32 to vector<512x2048xf32>
    %select_n3A_71 = arith.select %eq3A_68, %broadcast_in_dim3A_70, %select_n3A_64 : vector<512x2048xi1>, vector<512x2048xf32>
    %argmax3A_72 = tpu.reduce_index %select_n3A_71 {axis = 1 : i32, kind = #tpu.reduction_kind<arg_max>} : vector<512x2048xf32> -> vector<512xi32>
    %reshape3A_73 = vector.shape_cast %argmax3A_72 : vector<512xi32> to vector<512x1xi32>
    %eq3A_74 = vector.broadcast %reshape3A_73 : vector<512x1xi32> to vector<512x2048xi32>
    %eq3A_75 = arith.cmpi eq, %iota3A, %eq3A_74 : vector<512x2048xi32>
    %jit3A_76 = arith.constant 0xFF800000 : f32
    %broadcast_in_dim3A_77 = vector.broadcast %jit3A_76 : f32 to vector<512x2048xf32>
    %select_n3A_78 = arith.select %eq3A_75, %broadcast_in_dim3A_77, %select_n3A_71 : vector<512x2048xi1>, vector<512x2048xf32>
    %argmax3A_79 = tpu.reduce_index %select_n3A_78 {axis = 1 : i32, kind = #tpu.reduction_kind<arg_max>} : vector<512x2048xf32> -> vector<512xi32>
    %reshape3A_80 = vector.shape_cast %argmax3A_79 : vector<512xi32> to vector<512x1xi32>
    %eq3A_81 = vector.broadcast %reshape3A_80 : vector<512x1xi32> to vector<512x2048xi32>
    %eq3A_82 = arith.cmpi eq, %iota3A, %eq3A_81 : vector<512x2048xi32>
    %jit3A_83 = arith.constant 0xFF800000 : f32
    %broadcast_in_dim3A_84 = vector.broadcast %jit3A_83 : f32 to vector<512x2048xf32>
    %select_n3A_85 = arith.select %eq3A_82, %broadcast_in_dim3A_84, %select_n3A_78 : vector<512x2048xi1>, vector<512x2048xf32>
    %argmax3A_86 = tpu.reduce_index %select_n3A_85 {axis = 1 : i32, kind = #tpu.reduction_kind<arg_max>} : vector<512x2048xf32> -> vector<512xi32>
    %reshape3A_87 = vector.shape_cast %argmax3A_86 : vector<512xi32> to vector<512x1xi32>
    %eq3A_88 = vector.broadcast %reshape3A_87 : vector<512x1xi32> to vector<512x2048xi32>
    %eq3A_89 = arith.cmpi eq, %iota3A, %eq3A_88 : vector<512x2048xi32>
    %jit3A_90 = arith.constant 0xFF800000 : f32
    %broadcast_in_dim3A_91 = vector.broadcast %jit3A_90 : f32 to vector<512x2048xf32>
    %select_n3A_92 = arith.select %eq3A_89, %broadcast_in_dim3A_91, %select_n3A_85 : vector<512x2048xi1>, vector<512x2048xf32>
    %argmax3A_93 = tpu.reduce_index %select_n3A_92 {axis = 1 : i32, kind = #tpu.reduction_kind<arg_max>} : vector<512x2048xf32> -> vector<512xi32>
    %reshape3A_94 = vector.shape_cast %argmax3A_93 : vector<512xi32> to vector<512x1xi32>
    %eq3A_95 = vector.broadcast %reshape3A_94 : vector<512x1xi32> to vector<512x2048xi32>
    %eq3A_96 = arith.cmpi eq, %iota3A, %eq3A_95 : vector<512x2048xi32>
    %jit3A_97 = arith.constant 0xFF800000 : f32
    %broadcast_in_dim3A_98 = vector.broadcast %jit3A_97 : f32 to vector<512x2048xf32>
    %select_n3A_99 = arith.select %eq3A_96, %broadcast_in_dim3A_98, %select_n3A_92 : vector<512x2048xi1>, vector<512x2048xf32>
    %argmax3A_100 = tpu.reduce_index %select_n3A_99 {axis = 1 : i32, kind = #tpu.reduction_kind<arg_max>} : vector<512x2048xf32> -> vector<512xi32>
    %reshape3A_101 = vector.shape_cast %argmax3A_100 : vector<512xi32> to vector<512x1xi32>
    %eq3A_102 = vector.broadcast %reshape3A_101 : vector<512x1xi32> to vector<512x2048xi32>
    %eq3A_103 = arith.cmpi eq, %iota3A, %eq3A_102 : vector<512x2048xi32>
    %jit3A_104 = arith.constant 0xFF800000 : f32
    %broadcast_in_dim3A_105 = vector.broadcast %jit3A_104 : f32 to vector<512x2048xf32>
    %select_n3A_106 = arith.select %eq3A_103, %broadcast_in_dim3A_105, %select_n3A_99 : vector<512x2048xi1>, vector<512x2048xf32>
    %argmax3A_107 = tpu.reduce_index %select_n3A_106 {axis = 1 : i32, kind = #tpu.reduction_kind<arg_max>} : vector<512x2048xf32> -> vector<512xi32>
    %reshape3A_108 = vector.shape_cast %argmax3A_107 : vector<512xi32> to vector<512x1xi32>
    %eq3A_109 = vector.broadcast %reshape3A_108 : vector<512x1xi32> to vector<512x2048xi32>
    %eq3A_110 = arith.cmpi eq, %iota3A, %eq3A_109 : vector<512x2048xi32>
    %jit3A_111 = arith.constant 0xFF800000 : f32
    %broadcast_in_dim3A_112 = vector.broadcast %jit3A_111 : f32 to vector<512x2048xf32>
    %select_n3A_113 = arith.select %eq3A_110, %broadcast_in_dim3A_112, %select_n3A_106 : vector<512x2048xi1>, vector<512x2048xf32>
    %argmax3A_114 = tpu.reduce_index %select_n3A_113 {axis = 1 : i32, kind = #tpu.reduction_kind<arg_max>} : vector<512x2048xf32> -> vector<512xi32>
    %reshape3A_115 = vector.shape_cast %argmax3A_114 : vector<512xi32> to vector<512x1xi32>
    %eq3A_116 = vector.broadcast %reshape3A_115 : vector<512x1xi32> to vector<512x2048xi32>
    %eq3A_117 = arith.cmpi eq, %iota3A, %eq3A_116 : vector<512x2048xi32>
    %jit3A_118 = arith.constant 0xFF800000 : f32
    %broadcast_in_dim3A_119 = vector.broadcast %jit3A_118 : f32 to vector<512x2048xf32>
    %select_n3A_120 = arith.select %eq3A_117, %broadcast_in_dim3A_119, %select_n3A_113 : vector<512x2048xi1>, vector<512x2048xf32>
    %argmax3A_121 = tpu.reduce_index %select_n3A_120 {axis = 1 : i32, kind = #tpu.reduction_kind<arg_max>} : vector<512x2048xf32> -> vector<512xi32>
    %reshape3A_122 = vector.shape_cast %argmax3A_121 : vector<512xi32> to vector<512x1xi32>
    %eq3A_123 = vector.broadcast %reshape3A_122 : vector<512x1xi32> to vector<512x2048xi32>
    %eq3A_124 = arith.cmpi eq, %iota3A, %eq3A_123 : vector<512x2048xi32>
    %jit3A_125 = arith.constant 0xFF800000 : f32
    %broadcast_in_dim3A_126 = vector.broadcast %jit3A_125 : f32 to vector<512x2048xf32>
    %select_n3A_127 = arith.select %eq3A_124, %broadcast_in_dim3A_126, %select_n3A_120 : vector<512x2048xi1>, vector<512x2048xf32>
    %argmax3A_128 = tpu.reduce_index %select_n3A_127 {axis = 1 : i32, kind = #tpu.reduction_kind<arg_max>} : vector<512x2048xf32> -> vector<512xi32>
    %reshape3A_129 = vector.shape_cast %argmax3A_128 : vector<512xi32> to vector<512x1xi32>
    %eq3A_130 = vector.broadcast %reshape3A_129 : vector<512x1xi32> to vector<512x2048xi32>
    %eq3A_131 = arith.cmpi eq, %iota3A, %eq3A_130 : vector<512x2048xi32>
    %jit3A_132 = arith.constant 0xFF800000 : f32
    %broadcast_in_dim3A_133 = vector.broadcast %jit3A_132 : f32 to vector<512x2048xf32>
    %select_n3A_134 = arith.select %eq3A_131, %broadcast_in_dim3A_133, %select_n3A_127 : vector<512x2048xi1>, vector<512x2048xf32>
    %argmax3A_135 = tpu.reduce_index %select_n3A_134 {axis = 1 : i32, kind = #tpu.reduction_kind<arg_max>} : vector<512x2048xf32> -> vector<512xi32>
    %reshape3A_136 = vector.shape_cast %argmax3A_135 : vector<512xi32> to vector<512x1xi32>
    %eq3A_137 = vector.broadcast %reshape3A_136 : vector<512x1xi32> to vector<512x2048xi32>
    %eq3A_138 = arith.cmpi eq, %iota3A, %eq3A_137 : vector<512x2048xi32>
    %jit3A_139 = arith.constant 0xFF800000 : f32
    %broadcast_in_dim3A_140 = vector.broadcast %jit3A_139 : f32 to vector<512x2048xf32>
    %select_n3A_141 = arith.select %eq3A_138, %broadcast_in_dim3A_140, %select_n3A_134 : vector<512x2048xi1>, vector<512x2048xf32>
    %argmax3A_142 = tpu.reduce_index %select_n3A_141 {axis = 1 : i32, kind = #tpu.reduction_kind<arg_max>} : vector<512x2048xf32> -> vector<512xi32>
    %reshape3A_143 = vector.shape_cast %argmax3A_142 : vector<512xi32> to vector<512x1xi32>
    %eq3A_144 = vector.broadcast %reshape3A_143 : vector<512x1xi32> to vector<512x2048xi32>
    %eq3A_145 = arith.cmpi eq, %iota3A, %eq3A_144 : vector<512x2048xi32>
    %jit3A_146 = arith.constant 0xFF800000 : f32
    %broadcast_in_dim3A_147 = vector.broadcast %jit3A_146 : f32 to vector<512x2048xf32>
    %select_n3A_148 = arith.select %eq3A_145, %broadcast_in_dim3A_147, %select_n3A_141 : vector<512x2048xi1>, vector<512x2048xf32>
    %argmax3A_149 = tpu.reduce_index %select_n3A_148 {axis = 1 : i32, kind = #tpu.reduction_kind<arg_max>} : vector<512x2048xf32> -> vector<512xi32>
    %reshape3A_150 = vector.shape_cast %argmax3A_149 : vector<512xi32> to vector<512x1xi32>
    %concatenate3A = tpu.concatenate %reshape3A, %reshape3A_24, %reshape3A_31, %reshape3A_38, %reshape3A_45, %reshape3A_52, %reshape3A_59, %reshape3A_66, %reshape3A_73, %reshape3A_80, %reshape3A_87, %reshape3A_94, %reshape3A_101, %reshape3A_108, %reshape3A_115, %reshape3A_122, %reshape3A_129, %reshape3A_136, %reshape3A_143, %reshape3A_150 in 1 : vector<512x1xi32>, vector<512x1xi32>, vector<512x1xi32>, vector<512x1xi32>, vector<512x1xi32>, vector<512x1xi32>, vector<512x1xi32>, vector<512x1xi32>, vector<512x1xi32>, vector<512x1xi32>, vector<512x1xi32>, vector<512x1xi32>, vector<512x1xi32>, vector<512x1xi32>, vector<512x1xi32>, vector<512x1xi32>, vector<512x1xi32>, vector<512x1xi32>, vector<512x1xi32>, vector<512x1xi32> -> vector<512x20xi32>
    %mul3A_151 = arith.constant 2048 : i32
    %mul3A_152 = arith.muli %arg0, %mul3A_151 : i32
    %add3A = vector.broadcast %mul3A_152 : i32 to vector<512x20xi32>
    %add3A_153 = arith.addi %concatenate3A, %add3A : vector<512x20xi32>
    %swap3A = arith.constant 0 : index
    %swap3A_154 = arith.constant 0 : index
    %swap3A_155 = arith.constant 0 : index
    %swap3A_156 = vector.load %arg4[%swap3A, %swap3A_154, %swap3A_155] : memref<1x512x20xi32, #tpu.memory_space<vmem>>, vector<1x512x20xi32>
    %swap3A_157 = vector.shape_cast %swap3A_156 : vector<1x512x20xi32> to vector<512x20xi32>
    %swap3A_158 = vector.shape_cast %add3A_153 : vector<512x20xi32> to vector<1x512x20xi32>
    tpu.vector_store %arg4[%swap3A, %swap3A_154, %swap3A_155], %swap3A_158 {strides = array<i32>} : memref<1x512x20xi32, #tpu.memory_space<vmem>>, vector<1x512x20xi32>,
    return
  }
  func.func @transform_0(%arg0: i32, %arg1: i32) -> (i32, i32, i32) {
    %c0_i32 = arith.constant 0 : i32
    %c0_i32_0 = arith.constant 0 : i32
    %c0_i32_1 = arith.constant 0 : i32
    return %arg0, %c0_i32, %c0_i32_0 : i32, i32, i32
  }
  func.func @transform_1(%arg0: i32, %arg1: i32) -> (i32, i32, i32) {
    %c0_i32 = arith.constant 0 : i32
    %c0_i32_0 = arith.constant 0 : i32
    return %arg0, %arg1, %c0_i32 : i32, i32, i32
  }
  func.func @transform_2(%arg0: i32, %arg1: i32) -> (i32, i32, i32) {
    %c0_i32 = arith.constant 0 : i32
    %c0_i32_0 = arith.constant 0 : i32
    return %arg0, %arg1, %c0_i32 : i32, i32, i32
  }
}

module attributes {stable_mosaic.version = 14 : i64} {
  func.func @_conv_body(%arg0: i32, %arg1: memref<128x20x64xf32, #tpu.memory_space<vmem>>, %arg2: memref<128x1x64xf32, #tpu.memory_space<vmem>>, %arg3: memref<128x64xbf16, #tpu.memory_space<vmem>>, %arg4: memref<128x64xf32, #tpu.memory_space<vmem>>, %arg5: memref<1x64xf32, #tpu.memory_space<vmem>>, %arg6: memref<1x64xf32, #tpu.memory_space<vmem>>, %arg7: memref<1x64xf32, #tpu.memory_space<vmem>>, %arg8: memref<1x64xf32, #tpu.memory_space<vmem>>, %arg9: memref<1x64xf32, #tpu.memory_space<vmem>>, %arg10: memref<1x64xf32, #tpu.memory_space<vmem>>) attributes {dimension_semantics = [#tpu.dimension_semantics<arbitrary>], iteration_bounds = array<i64: 128>, scalar_prefetch = 0 : i64, scratch_operands = 3 : i64, tpu.core_type = #tpu.core_type<tc>, window_params = [{transform_indices = @transform_0, window_bounds = array<i64: 128, 20, 64>}, {transform_indices = @transform_1, window_bounds = array<i64: 128, 1, 64>}, {pipeline_mode = #tpu.pipeline_mode<synchronous>, transform_indices = @transform_2, window_bounds = array<i64: 128, 64>}, {transform_indices = @transform_3, window_bounds = array<i64: 128, 64>}, {pipeline_mode = #tpu.pipeline_mode<synchronous>, transform_indices = @transform_4, window_bounds = array<i64: 1, 64>}, {pipeline_mode = #tpu.pipeline_mode<synchronous>, transform_indices = @transform_5, window_bounds = array<i64: 1, 64>}, {pipeline_mode = #tpu.pipeline_mode<synchronous>, transform_indices = @transform_6, window_bounds = array<i64: 1, 64>}]} {
    %get3A = arith.constant 0 : index
    %get3A_0 = arith.constant 0 : index
    %get3A_1 = arith.constant 0 : index
    %get3A_2 = vector.load %arg2[%get3A, %get3A_0, %get3A_1] : memref<128x1x64xf32, #tpu.memory_space<vmem>>, vector<128x1x64xf32>
    %get3A_3 = arith.constant 0 : index
    %get3A_4 = arith.constant 0 : index
    %get3A_5 = arith.constant 0 : index
    %get3A_6 = vector.load %arg1[%get3A_3, %get3A_4, %get3A_5] : memref<128x20x64xf32, #tpu.memory_space<vmem>>, vector<128x20x64xf32>
    %sub3A = vector.broadcast %get3A_2 : vector<128x1x64xf32> to vector<128x20x64xf32>
    %sub3A_7 = arith.subf %get3A_6, %sub3A : vector<128x20x64xf32>
    %broadcast_in_dim3A = vector.shape_cast %get3A_2 : vector<128x1x64xf32> to vector<128x1x64xf32>
    %broadcast_in_dim3A_8 = vector.broadcast %broadcast_in_dim3A : vector<128x1x64xf32> to vector<128x20x64xf32>
    %concatenate3A = tpu.concatenate %sub3A_7, %broadcast_in_dim3A_8 in 2 : vector<128x20x64xf32>, vector<128x20x64xf32> -> vector<128x20x128xf32>
    %convert_element_type3A = arith.truncf %concatenate3A : vector<128x20x128xf32> to vector<128x20x128xbf16>
    %reshape3A = vector.shape_cast %convert_element_type3A : vector<128x20x128xbf16> to vector<2560x128xbf16>
    %get3A_9 = arith.constant 0 : index
    %get3A_10 = arith.constant 0 : index
    %get3A_11 = vector.load %arg3[%get3A_9, %get3A_10] : memref<128x64xbf16, #tpu.memory_space<vmem>>, vector<128x64xbf16>
    %dot_general3A = arith.constant dense<0.000000e+00> : vector<2560x64xf32>
    %dot_general3A_12 = tpu.matmul %reshape3A, %get3A_11, %dot_general3A {dimension_numbers = #tpu.dot_dimension_numbers<[1], [0], [0], [1], [0, 0, 1, 1], [], []>, transpose_lhs_hint = false} : vector<2560x128xbf16>, vector<128x64xbf16>, vector<2560x64xf32> -> vector<2560x64xf32>
    %reduce_sum3A = arith.constant dense<0.000000e+00> : vector<64xf32>
    %reduce_sum3A_13 = vector.multi_reduction <add>, %dot_general3A_12, %reduce_sum3A [0] : vector<2560x64xf32> to vector<64xf32>
    %broadcast_in_dim3A_14 = vector.shape_cast %reduce_sum3A_13 : vector<64xf32> to vector<1x64xf32>
    %eq3A = arith.constant 0 : i32
    %eq3A_15 = arith.cmpi eq, %arg0, %eq3A : i32
    %convert_element_type3A_16 = arith.extui %eq3A_15 : i1 to i32
    %cond3A = arith.constant 0 : i32
    %cond3A_17 = arith.cmpi ne, %convert_element_type3A_16, %cond3A : i32
    scf.if %cond3A_17 {
      %div3A = arith.constant 2.560000e+03 : f32
      %div3A_75 = vector.broadcast %div3A : f32 to vector<1x64xf32>
      %div3A_76 = arith.divf %broadcast_in_dim3A_14, %div3A_75 : vector<1x64xf32>
      %swap3A_77 = arith.constant 0 : index
      %swap3A_78 = arith.constant 0 : index
      %swap3A_79 = vector.load %arg8[%swap3A_77, %swap3A_78] : memref<1x64xf32, #tpu.memory_space<vmem>>, vector<1x64xf32>
      tpu.vector_store %arg8[%swap3A_77, %swap3A_78], %div3A_76 {strides = array<i32>} : memref<1x64xf32, #tpu.memory_space<vmem>>, vector<1x64xf32>,
      %swap3A_80 = arith.constant 0 : index
      %swap3A_81 = arith.constant 0 : index
      %swap3A_82 = vector.load %arg7[%swap3A_80, %swap3A_81] : memref<1x64xf32, #tpu.memory_space<vmem>>, vector<1x64xf32>
      tpu.vector_store %arg7[%swap3A_80, %swap3A_81], %div3A_76 {strides = array<i32>} : memref<1x64xf32, #tpu.memory_space<vmem>>, vector<1x64xf32>,
      %broadcast_in_dim3A_83 = arith.constant 0.000000e+00 : f32
      %broadcast_in_dim3A_84 = vector.broadcast %broadcast_in_dim3A_83 : f32 to vector<1x64xf32>
      %swap3A_85 = arith.constant 0 : index
      %swap3A_86 = arith.constant 0 : index
      %swap3A_87 = vector.load %arg5[%swap3A_85, %swap3A_86] : memref<1x64xf32, #tpu.memory_space<vmem>>, vector<1x64xf32>
      tpu.vector_store %arg5[%swap3A_85, %swap3A_86], %broadcast_in_dim3A_84 {strides = array<i32>} : memref<1x64xf32, #tpu.memory_space<vmem>>, vector<1x64xf32>,
      %broadcast_in_dim3A_88 = arith.constant 0.000000e+00 : f32
      %broadcast_in_dim3A_89 = vector.broadcast %broadcast_in_dim3A_88 : f32 to vector<1x64xf32>
      %swap3A_90 = arith.constant 0 : index
      %swap3A_91 = arith.constant 0 : index
      %swap3A_92 = vector.load %arg6[%swap3A_90, %swap3A_91] : memref<1x64xf32, #tpu.memory_space<vmem>>, vector<1x64xf32>
      tpu.vector_store %arg6[%swap3A_90, %swap3A_91], %broadcast_in_dim3A_89 {strides = array<i32>} : memref<1x64xf32, #tpu.memory_space<vmem>>, vector<1x64xf32>,
      %broadcast_in_dim3A_93 = arith.constant 0.000000e+00 : f32
      %broadcast_in_dim3A_94 = vector.broadcast %broadcast_in_dim3A_93 : f32 to vector<1x64xf32>
      %swap3A_95 = arith.constant 0 : index
      %swap3A_96 = arith.constant 0 : index
      %swap3A_97 = vector.load %arg9[%swap3A_95, %swap3A_96] : memref<1x64xf32, #tpu.memory_space<vmem>>, vector<1x64xf32>
      tpu.vector_store %arg9[%swap3A_95, %swap3A_96], %broadcast_in_dim3A_94 {strides = array<i32>} : memref<1x64xf32, #tpu.memory_space<vmem>>, vector<1x64xf32>,
      %broadcast_in_dim3A_98 = arith.constant 0.000000e+00 : f32
      %broadcast_in_dim3A_99 = vector.broadcast %broadcast_in_dim3A_98 : f32 to vector<1x64xf32>
      %swap3A_100 = arith.constant 0 : index
      %swap3A_101 = arith.constant 0 : index
      %swap3A_102 = vector.load %arg10[%swap3A_100, %swap3A_101] : memref<1x64xf32, #tpu.memory_space<vmem>>, vector<1x64xf32>
      tpu.vector_store %arg10[%swap3A_100, %swap3A_101], %broadcast_in_dim3A_99 {strides = array<i32>} : memref<1x64xf32, #tpu.memory_space<vmem>>, vector<1x64xf32>,
    } else {
    }
    %get3A_18 = arith.constant 0 : index
    %get3A_19 = arith.constant 0 : index
    %get3A_20 = vector.load %arg8[%get3A_18, %get3A_19] : memref<1x64xf32, #tpu.memory_space<vmem>>, vector<1x64xf32>
    %sub3A_21 = vector.broadcast %get3A_20 : vector<1x64xf32> to vector<2560x64xf32>
    %sub3A_22 = arith.subf %dot_general3A_12, %sub3A_21 : vector<2560x64xf32>
    %get3A_23 = arith.constant 0 : index
    %get3A_24 = arith.constant 0 : index
    %get3A_25 = vector.load %arg5[%get3A_23, %get3A_24] : memref<1x64xf32, #tpu.memory_space<vmem>>, vector<1x64xf32>
    %add3A = arith.addf %get3A_25, %broadcast_in_dim3A_14 : vector<1x64xf32>
    %get3A_26 = arith.constant 0 : index
    %get3A_27 = arith.constant 0 : index
    %get3A_28 = vector.load %arg9[%get3A_26, %get3A_27] : memref<1x64xf32, #tpu.memory_space<vmem>>, vector<1x64xf32>
    %abs3A = math.absf %get3A_25 : vector<1x64xf32>
    %abs3A_29 = math.absf %broadcast_in_dim3A_14 : vector<1x64xf32>
    %ge3A = arith.cmpf oge, %abs3A, %abs3A_29 : vector<1x64xf32>
    %sub3A_30 = arith.subf %get3A_25, %add3A : vector<1x64xf32>
    %add3A_31 = arith.addf %sub3A_30, %broadcast_in_dim3A_14 : vector<1x64xf32>
    %sub3A_32 = arith.subf %broadcast_in_dim3A_14, %add3A : vector<1x64xf32>
    %add3A_33 = arith.addf %sub3A_32, %get3A_25 : vector<1x64xf32>
    %select_n3A = arith.select %ge3A, %add3A_31, %add3A_33 : vector<1x64xi1>, vector<1x64xf32>
    %add3A_34 = arith.addf %get3A_28, %select_n3A : vector<1x64xf32>
    %swap3A = arith.constant 0 : index
    %swap3A_35 = arith.constant 0 : index
    %swap3A_36 = vector.load %arg9[%swap3A, %swap3A_35] : memref<1x64xf32, #tpu.memory_space<vmem>>, vector<1x64xf32>
    tpu.vector_store %arg9[%swap3A, %swap3A_35], %add3A_34 {strides = array<i32>} : memref<1x64xf32, #tpu.memory_space<vmem>>, vector<1x64xf32>,
    %swap3A_37 = arith.constant 0 : index
    %swap3A_38 = arith.constant 0 : index
    %swap3A_39 = vector.load %arg5[%swap3A_37, %swap3A_38] : memref<1x64xf32, #tpu.memory_space<vmem>>, vector<1x64xf32>
    tpu.vector_store %arg5[%swap3A_37, %swap3A_38], %add3A {strides = array<i32>} : memref<1x64xf32, #tpu.memory_space<vmem>>, vector<1x64xf32>,
    %mul3A = arith.mulf %sub3A_22, %sub3A_22 : vector<2560x64xf32>
    %reduce_sum3A_40 = arith.constant dense<0.000000e+00> : vector<64xf32>
    %reduce_sum3A_41 = vector.multi_reduction <add>, %mul3A, %reduce_sum3A_40 [0] : vector<2560x64xf32> to vector<64xf32>
    %broadcast_in_dim3A_42 = vector.shape_cast %reduce_sum3A_41 : vector<64xf32> to vector<1x64xf32>
    %get3A_43 = arith.constant 0 : index
    %get3A_44 = arith.constant 0 : index
    %get3A_45 = vector.load %arg6[%get3A_43, %get3A_44] : memref<1x64xf32, #tpu.memory_space<vmem>>, vector<1x64xf32>
    %add3A_46 = arith.addf %get3A_45, %broadcast_in_dim3A_42 : vector<1x64xf32>
    %get3A_47 = arith.constant 0 : index
    %get3A_48 = arith.constant 0 : index
    %get3A_49 = vector.load %arg10[%get3A_47, %get3A_48] : memref<1x64xf32, #tpu.memory_space<vmem>>, vector<1x64xf32>
    %abs3A_50 = math.absf %get3A_45 : vector<1x64xf32>
    %abs3A_51 = math.absf %broadcast_in_dim3A_42 : vector<1x64xf32>
    %ge3A_52 = arith.cmpf oge, %abs3A_50, %abs3A_51 : vector<1x64xf32>
    %sub3A_53 = arith.subf %get3A_45, %add3A_46 : vector<1x64xf32>
    %add3A_54 = arith.addf %sub3A_53, %broadcast_in_dim3A_42 : vector<1x64xf32>
    %sub3A_55 = arith.subf %broadcast_in_dim3A_42, %add3A_46 : vector<1x64xf32>
    %add3A_56 = arith.addf %sub3A_55, %get3A_45 : vector<1x64xf32>
    %select_n3A_57 = arith.select %ge3A_52, %add3A_54, %add3A_56 : vector<1x64xi1>, vector<1x64xf32>
    %add3A_58 = arith.addf %get3A_49, %select_n3A_57 : vector<1x64xf32>
    %swap3A_59 = arith.constant 0 : index
    %swap3A_60 = arith.constant 0 : index
    %swap3A_61 = vector.load %arg10[%swap3A_59, %swap3A_60] : memref<1x64xf32, #tpu.memory_space<vmem>>, vector<1x64xf32>
    tpu.vector_store %arg10[%swap3A_59, %swap3A_60], %add3A_58 {strides = array<i32>} : memref<1x64xf32, #tpu.memory_space<vmem>>, vector<1x64xf32>,
    %swap3A_62 = arith.constant 0 : index
    %swap3A_63 = arith.constant 0 : index
    %swap3A_64 = vector.load %arg6[%swap3A_62, %swap3A_63] : memref<1x64xf32, #tpu.memory_space<vmem>>, vector<1x64xf32>
    tpu.vector_store %arg6[%swap3A_62, %swap3A_63], %add3A_46 {strides = array<i32>} : memref<1x64xf32, #tpu.memory_space<vmem>>, vector<1x64xf32>,
    %reshape3A_65 = vector.shape_cast %dot_general3A_12 : vector<2560x64xf32> to vector<128x20x64xf32>
    %reduce_max3A = arith.constant dense<0xFF800000> : vector<128x64xf32>
    %reduce_max3A_66 = vector.multi_reduction <maximumf>, %reshape3A_65, %reduce_max3A [1] : vector<128x20x64xf32> to vector<128x64xf32>
    %swap3A_67 = arith.constant 0 : index
    %swap3A_68 = arith.constant 0 : index
    %swap3A_69 = vector.load %arg4[%swap3A_67, %swap3A_68] : memref<128x64xf32, #tpu.memory_space<vmem>>, vector<128x64xf32>
    tpu.vector_store %arg4[%swap3A_67, %swap3A_68], %reduce_max3A_66 {strides = array<i32>} : memref<128x64xf32, #tpu.memory_space<vmem>>, vector<128x64xf32>,
    %eq3A_70 = arith.constant 127 : i32
    %eq3A_71 = arith.cmpi eq, %arg0, %eq3A_70 : i32
    %convert_element_type3A_72 = arith.extui %eq3A_71 : i1 to i32
    %cond3A_73 = arith.constant 0 : i32
    %cond3A_74 = arith.cmpi ne, %convert_element_type3A_72, %cond3A_73 : i32
    scf.if %cond3A_74 {
      %get3A_75 = arith.constant 0 : index
      %get3A_76 = arith.constant 0 : index
      %get3A_77 = vector.load %arg5[%get3A_75, %get3A_76] : memref<1x64xf32, #tpu.memory_space<vmem>>, vector<1x64xf32>
      %get3A_78 = arith.constant 0 : index
      %get3A_79 = arith.constant 0 : index
      %get3A_80 = vector.load %arg9[%get3A_78, %get3A_79] : memref<1x64xf32, #tpu.memory_space<vmem>>, vector<1x64xf32>
      %add3A_81 = arith.addf %get3A_77, %get3A_80 : vector<1x64xf32>
      %swap3A_82 = arith.constant 0 : index
      %swap3A_83 = arith.constant 0 : index
      %swap3A_84 = vector.load %arg5[%swap3A_82, %swap3A_83] : memref<1x64xf32, #tpu.memory_space<vmem>>, vector<1x64xf32>
      tpu.vector_store %arg5[%swap3A_82, %swap3A_83], %add3A_81 {strides = array<i32>} : memref<1x64xf32, #tpu.memory_space<vmem>>, vector<1x64xf32>,
      %get3A_85 = arith.constant 0 : index
      %get3A_86 = arith.constant 0 : index
      %get3A_87 = vector.load %arg6[%get3A_85, %get3A_86] : memref<1x64xf32, #tpu.memory_space<vmem>>, vector<1x64xf32>
      %get3A_88 = arith.constant 0 : index
      %get3A_89 = arith.constant 0 : index
      %get3A_90 = vector.load %arg10[%get3A_88, %get3A_89] : memref<1x64xf32, #tpu.memory_space<vmem>>, vector<1x64xf32>
      %add3A_91 = arith.addf %get3A_87, %get3A_90 : vector<1x64xf32>
      %swap3A_92 = arith.constant 0 : index
      %swap3A_93 = arith.constant 0 : index
      %swap3A_94 = vector.load %arg6[%swap3A_92, %swap3A_93] : memref<1x64xf32, #tpu.memory_space<vmem>>, vector<1x64xf32>
      tpu.vector_store %arg6[%swap3A_92, %swap3A_93], %add3A_91 {strides = array<i32>} : memref<1x64xf32, #tpu.memory_space<vmem>>, vector<1x64xf32>,
    } else {
    }
    return
  }
  func.func @transform_0(%arg0: i32) -> (i32, i32, i32) {
    %c0_i32 = arith.constant 0 : i32
    %c0_i32_0 = arith.constant 0 : i32
    %c0_i32_1 = arith.constant 0 : i32
    return %arg0, %c0_i32, %c0_i32_0 : i32, i32, i32
  }
  func.func @transform_1(%arg0: i32) -> (i32, i32, i32) {
    %c0_i32 = arith.constant 0 : i32
    %c0_i32_0 = arith.constant 0 : i32
    %c0_i32_1 = arith.constant 0 : i32
    return %arg0, %c0_i32, %c0_i32_0 : i32, i32, i32
  }
  func.func @transform_2(%arg0: i32) -> (i32, i32) {
    %c0_i32 = arith.constant 0 : i32
    %c0_i32_0 = arith.constant 0 : i32
    %c0_i32_1 = arith.constant 0 : i32
    return %c0_i32, %c0_i32_0 : i32, i32
  }
  func.func @transform_3(%arg0: i32) -> (i32, i32) {
    %c0_i32 = arith.constant 0 : i32
    %c0_i32_0 = arith.constant 0 : i32
    return %arg0, %c0_i32 : i32, i32
  }
  func.func @transform_4(%arg0: i32) -> (i32, i32) {
    %c0_i32 = arith.constant 0 : i32
    %c0_i32_0 = arith.constant 0 : i32
    %c0_i32_1 = arith.constant 0 : i32
    return %c0_i32, %c0_i32_0 : i32, i32
  }
  func.func @transform_5(%arg0: i32) -> (i32, i32) {
    %c0_i32 = arith.constant 0 : i32
    %c0_i32_0 = arith.constant 0 : i32
    %c0_i32_1 = arith.constant 0 : i32
    return %c0_i32, %c0_i32_0 : i32, i32
  }
  func.func @transform_6(%arg0: i32) -> (i32, i32) {
    %c0_i32 = arith.constant 0 : i32
    %c0_i32_0 = arith.constant 0 : i32
    %c0_i32_1 = arith.constant 0 : i32
    return %c0_i32, %c0_i32_0 : i32, i32
  }
}

module attributes {stable_mosaic.version = 14 : i64} {
  func.func @_k5a_body(%arg0: i32, %arg1: i32, %arg2: memref<1x256x256xf32, #tpu.memory_space<vmem>>, %arg3: memref<256x1024xf32, #tpu.memory_space<vmem>>, %arg4: memref<1x256x1024xf32, #tpu.memory_space<vmem>>, %arg5: memref<1x1024xf32, #tpu.memory_space<vmem>>, %arg6: memref<1x1024xf32, #tpu.memory_space<vmem>>) attributes {dimension_semantics = [#tpu.dimension_semantics<arbitrary>, #tpu.dimension_semantics<arbitrary>], iteration_bounds = array<i64: 8, 8>, scalar_prefetch = 0 : i64, scratch_operands = 0 : i64, tpu.core_type = #tpu.core_type<tc>, window_params = [{transform_indices = @transform_0, window_bounds = array<i64: 1, 256, 256>}, {pipeline_mode = #tpu.pipeline_mode<synchronous>, transform_indices = @transform_1, window_bounds = array<i64: 256, 1024>}, {transform_indices = @transform_2, window_bounds = array<i64: 1, 256, 1024>}, {pipeline_mode = #tpu.pipeline_mode<synchronous>, transform_indices = @transform_3, window_bounds = array<i64: 1, 1024>}, {pipeline_mode = #tpu.pipeline_mode<synchronous>, transform_indices = @transform_4, window_bounds = array<i64: 1, 1024>}]} {
    %get3A = arith.constant 0 : index
    %get3A_0 = arith.constant 0 : index
    %get3A_1 = arith.constant 0 : index
    %get3A_2 = vector.load %arg2[%get3A, %get3A_0, %get3A_1] : memref<1x256x256xf32, #tpu.memory_space<vmem>>, vector<1x256x256xf32>
    %get3A_3 = vector.shape_cast %get3A_2 : vector<1x256x256xf32> to vector<256x256xf32>
    %get3A_4 = arith.constant 0 : index
    %get3A_5 = arith.constant 0 : index
    %get3A_6 = vector.load %arg3[%get3A_4, %get3A_5] : memref<256x1024xf32, #tpu.memory_space<vmem>>, vector<256x1024xf32>
    %dot_general3A = arith.constant dense<0.000000e+00> : vector<256x1024xf32>
    %dot_general3A_7 = tpu.matmul %get3A_3, %get3A_6, %dot_general3A {dimension_numbers = #tpu.dot_dimension_numbers<[1], [0], [0], [1], [0, 0, 1, 1], [], []>, transpose_lhs_hint = false} : vector<256x256xf32>, vector<256x1024xf32>, vector<256x1024xf32> -> vector<256x1024xf32>
    %swap3A = arith.constant 0 : index
    %swap3A_8 = arith.constant 0 : index
    %swap3A_9 = arith.constant 0 : index
    %swap3A_10 = vector.load %arg4[%swap3A, %swap3A_8, %swap3A_9] : memref<1x256x1024xf32, #tpu.memory_space<vmem>>, vector<1x256x1024xf32>
    %swap3A_11 = vector.shape_cast %swap3A_10 : vector<1x256x1024xf32> to vector<256x1024xf32>
    %swap3A_12 = vector.shape_cast %dot_general3A_7 : vector<256x1024xf32> to vector<1x256x1024xf32>
    tpu.vector_store %arg4[%swap3A, %swap3A_8, %swap3A_9], %swap3A_12 {strides = array<i32>} : memref<1x256x1024xf32, #tpu.memory_space<vmem>>, vector<1x256x1024xf32>,
    %eq3A = arith.constant 0 : i32
    %eq3A_13 = arith.cmpi eq, %arg0, %eq3A : i32
    %eq3A_14 = arith.constant 0 : i32
    %eq3A_15 = arith.cmpi eq, %arg1, %eq3A_14 : i32
    %and3A = arith.andi %eq3A_13, %eq3A_15 : i1
    %convert_element_type3A = arith.extui %and3A : i1 to i32
    %cond3A = arith.constant 0 : i32
    %cond3A_16 = arith.cmpi ne, %convert_element_type3A, %cond3A : i32
    scf.if %cond3A_16 {
      %broadcast_in_dim3A_34 = arith.constant 0.000000e+00 : f32
      %broadcast_in_dim3A_35 = vector.broadcast %broadcast_in_dim3A_34 : f32 to vector<1x1024xf32>
      %swap3A_36 = arith.constant 0 : index
      %swap3A_37 = arith.constant 0 : index
      %swap3A_38 = vector.load %arg5[%swap3A_36, %swap3A_37] : memref<1x1024xf32, #tpu.memory_space<vmem>>, vector<1x1024xf32>
      tpu.vector_store %arg5[%swap3A_36, %swap3A_37], %broadcast_in_dim3A_35 {strides = array<i32>} : memref<1x1024xf32, #tpu.memory_space<vmem>>, vector<1x1024xf32>,
      %broadcast_in_dim3A_39 = arith.constant 0.000000e+00 : f32
      %broadcast_in_dim3A_40 = vector.broadcast %broadcast_in_dim3A_39 : f32 to vector<1x1024xf32>
      %swap3A_41 = arith.constant 0 : index
      %swap3A_42 = arith.constant 0 : index
      %swap3A_43 = vector.load %arg6[%swap3A_41, %swap3A_42] : memref<1x1024xf32, #tpu.memory_space<vmem>>, vector<1x1024xf32>
      tpu.vector_store %arg6[%swap3A_41, %swap3A_42], %broadcast_in_dim3A_40 {strides = array<i32>} : memref<1x1024xf32, #tpu.memory_space<vmem>>, vector<1x1024xf32>,
    } else {
    }
    %get3A_17 = arith.constant 0 : index
    %get3A_18 = arith.constant 0 : index
    %get3A_19 = vector.load %arg5[%get3A_17, %get3A_18] : memref<1x1024xf32, #tpu.memory_space<vmem>>, vector<1x1024xf32>
    %reduce_sum3A = arith.constant dense<0.000000e+00> : vector<1024xf32>
    %reduce_sum3A_20 = vector.multi_reduction <add>, %dot_general3A_7, %reduce_sum3A [0] : vector<256x1024xf32> to vector<1024xf32>
    %broadcast_in_dim3A = vector.shape_cast %reduce_sum3A_20 : vector<1024xf32> to vector<1x1024xf32>
    %add3A = arith.addf %get3A_19, %broadcast_in_dim3A : vector<1x1024xf32>
    %swap3A_21 = arith.constant 0 : index
    %swap3A_22 = arith.constant 0 : index
    %swap3A_23 = vector.load %arg5[%swap3A_21, %swap3A_22] : memref<1x1024xf32, #tpu.memory_space<vmem>>, vector<1x1024xf32>
    tpu.vector_store %arg5[%swap3A_21, %swap3A_22], %add3A {strides = array<i32>} : memref<1x1024xf32, #tpu.memory_space<vmem>>, vector<1x1024xf32>,
    %get3A_24 = arith.constant 0 : index
    %get3A_25 = arith.constant 0 : index
    %get3A_26 = vector.load %arg6[%get3A_24, %get3A_25] : memref<1x1024xf32, #tpu.memory_space<vmem>>, vector<1x1024xf32>
    %mul3A = arith.mulf %dot_general3A_7, %dot_general3A_7 : vector<256x1024xf32>
    %reduce_sum3A_27 = arith.constant dense<0.000000e+00> : vector<1024xf32>
    %reduce_sum3A_28 = vector.multi_reduction <add>, %mul3A, %reduce_sum3A_27 [0] : vector<256x1024xf32> to vector<1024xf32>
    %broadcast_in_dim3A_29 = vector.shape_cast %reduce_sum3A_28 : vector<1024xf32> to vector<1x1024xf32>
    %add3A_30 = arith.addf %get3A_26, %broadcast_in_dim3A_29 : vector<1x1024xf32>
    %swap3A_31 = arith.constant 0 : index
    %swap3A_32 = arith.constant 0 : index
    %swap3A_33 = vector.load %arg6[%swap3A_31, %swap3A_32] : memref<1x1024xf32, #tpu.memory_space<vmem>>, vector<1x1024xf32>
    tpu.vector_store %arg6[%swap3A_31, %swap3A_32], %add3A_30 {strides = array<i32>} : memref<1x1024xf32, #tpu.memory_space<vmem>>, vector<1x1024xf32>,
    return
  }
  func.func @transform_0(%arg0: i32, %arg1: i32) -> (i32, i32, i32) {
    %c0_i32 = arith.constant 0 : i32
    %c0_i32_0 = arith.constant 0 : i32
    return %arg0, %arg1, %c0_i32 : i32, i32, i32
  }
  func.func @transform_1(%arg0: i32, %arg1: i32) -> (i32, i32) {
    %c0_i32 = arith.constant 0 : i32
    %c0_i32_0 = arith.constant 0 : i32
    %c0_i32_1 = arith.constant 0 : i32
    return %c0_i32, %c0_i32_0 : i32, i32
  }
  func.func @transform_2(%arg0: i32, %arg1: i32) -> (i32, i32, i32) {
    %c0_i32 = arith.constant 0 : i32
    %c0_i32_0 = arith.constant 0 : i32
    return %arg0, %arg1, %c0_i32 : i32, i32, i32
  }
  func.func @transform_3(%arg0: i32, %arg1: i32) -> (i32, i32) {
    %c0_i32 = arith.constant 0 : i32
    %c0_i32_0 = arith.constant 0 : i32
    %c0_i32_1 = arith.constant 0 : i32
    return %c0_i32, %c0_i32_0 : i32, i32
  }
  func.func @transform_4(%arg0: i32, %arg1: i32) -> (i32, i32) {
    %c0_i32 = arith.constant 0 : i32
    %c0_i32_0 = arith.constant 0 : i32
    %c0_i32_1 = arith.constant 0 : i32
    return %c0_i32, %c0_i32_0 : i32, i32
  }
}

module attributes {stable_mosaic.version = 14 : i64} {
  func.func @_k5b_body(%arg0: i32, %arg1: i32, %arg2: memref<1x256x1024xf32, #tpu.memory_space<vmem>>, %arg3: memref<1x1024xf32, #tpu.memory_space<vmem>>, %arg4: memref<1x1024xf32, #tpu.memory_space<vmem>>, %arg5: memref<1x1024xf32, #tpu.memory_space<vmem>>, %arg6: memref<1x1024xf32, #tpu.memory_space<vmem>>, %arg7: memref<1x1x1024xf32, #tpu.memory_space<vmem>>, %arg8: memref<1x1x1024xf32, #tpu.memory_space<vmem>>) attributes {dimension_semantics = [#tpu.dimension_semantics<arbitrary>, #tpu.dimension_semantics<arbitrary>], iteration_bounds = array<i64: 8, 8>, scalar_prefetch = 0 : i64, scratch_operands = 0 : i64, tpu.core_type = #tpu.core_type<tc>, window_params = [{transform_indices = @transform_0, window_bounds = array<i64: 1, 256, 1024>}, {pipeline_mode = #tpu.pipeline_mode<synchronous>, transform_indices = @transform_1, window_bounds = array<i64: 1, 1024>}, {pipeline_mode = #tpu.pipeline_mode<synchronous>, transform_indices = @transform_2, window_bounds = array<i64: 1, 1024>}, {pipeline_mode = #tpu.pipeline_mode<synchronous>, transform_indices = @transform_3, window_bounds = array<i64: 1, 1024>}, {pipeline_mode = #tpu.pipeline_mode<synchronous>, transform_indices = @transform_4, window_bounds = array<i64: 1, 1024>}, {transform_indices = @transform_5, window_bounds = array<i64: 1, 1, 1024>}, {transform_indices = @transform_6, window_bounds = array<i64: 1, 1, 1024>}]} {
    %get3A = arith.constant 0 : index
    %get3A_0 = arith.constant 0 : index
    %get3A_1 = vector.load %arg3[%get3A, %get3A_0] : memref<1x1024xf32, #tpu.memory_space<vmem>>, vector<1x1024xf32>
    %div3A = arith.constant 1.638400e+04 : f32
    %div3A_2 = vector.broadcast %div3A : f32 to vector<1x1024xf32>
    %div3A_3 = arith.divf %get3A_1, %div3A_2 : vector<1x1024xf32>
    %get3A_4 = arith.constant 0 : index
    %get3A_5 = arith.constant 0 : index
    %get3A_6 = vector.load %arg4[%get3A_4, %get3A_5] : memref<1x1024xf32, #tpu.memory_space<vmem>>, vector<1x1024xf32>
    %div3A_7 = arith.constant 1.638400e+04 : f32
    %div3A_8 = vector.broadcast %div3A_7 : f32 to vector<1x1024xf32>
    %div3A_9 = arith.divf %get3A_6, %div3A_8 : vector<1x1024xf32>
    %mul3A = arith.mulf %div3A_3, %div3A_3 : vector<1x1024xf32>
    %sub3A = arith.subf %div3A_9, %mul3A : vector<1x1024xf32>
    %get3A_10 = arith.constant 0 : index
    %get3A_11 = arith.constant 0 : index
    %get3A_12 = vector.load %arg5[%get3A_10, %get3A_11] : memref<1x1024xf32, #tpu.memory_space<vmem>>, vector<1x1024xf32>
    %add3A = arith.constant 9.99999974E-6 : f32
    %add3A_13 = vector.broadcast %add3A : f32 to vector<1x1024xf32>
    %add3A_14 = arith.addf %sub3A, %add3A_13 : vector<1x1024xf32>
    %rsqrt3A = math.rsqrt %add3A_14 : vector<1x1024xf32>
    %mul3A_15 = arith.mulf %get3A_12, %rsqrt3A : vector<1x1024xf32>
    %get3A_16 = arith.constant 0 : index
    %get3A_17 = arith.constant 0 : index
    %get3A_18 = vector.load %arg6[%get3A_16, %get3A_17] : memref<1x1024xf32, #tpu.memory_space<vmem>>, vector<1x1024xf32>
    %mul3A_19 = arith.mulf %div3A_3, %mul3A_15 : vector<1x1024xf32>
    %sub3A_20 = arith.subf %get3A_18, %mul3A_19 : vector<1x1024xf32>
    %get3A_21 = arith.constant 0 : index
    %get3A_22 = arith.constant 0 : index
    %get3A_23 = arith.constant 0 : index
    %get3A_24 = vector.load %arg2[%get3A_21, %get3A_22, %get3A_23] : memref<1x256x1024xf32, #tpu.memory_space<vmem>>, vector<1x256x1024xf32>
    %get3A_25 = vector.shape_cast %get3A_24 : vector<1x256x1024xf32> to vector<256x1024xf32>
    %mul3A_26 = vector.broadcast %mul3A_15 : vector<1x1024xf32> to vector<256x1024xf32>
    %mul3A_27 = arith.mulf %get3A_25, %mul3A_26 : vector<256x1024xf32>
    %add3A_28 = vector.broadcast %sub3A_20 : vector<1x1024xf32> to vector<256x1024xf32>
    %add3A_29 = arith.addf %mul3A_27, %add3A_28 : vector<256x1024xf32>
    %ge3A = arith.constant 0.000000e+00 : f32
    %ge3A_30 = vector.broadcast %ge3A : f32 to vector<256x1024xf32>
    %ge3A_31 = arith.cmpf oge, %add3A_29, %ge3A_30 : vector<256x1024xf32>
    %mul3A_32 = arith.constant 2.000000e-01 : f32
    %mul3A_33 = vector.broadcast %mul3A_32 : f32 to vector<256x1024xf32>
    %mul3A_34 = arith.mulf %mul3A_33, %add3A_29 : vector<256x1024xf32>
    %select_n3A = arith.select %ge3A_31, %add3A_29, %mul3A_34 : vector<256x1024xi1>, vector<256x1024xf32>
    %eq3A = arith.constant 0 : i32
    %eq3A_35 = arith.cmpi eq, %arg1, %eq3A : i32
    %convert_element_type3A = arith.extui %eq3A_35 : i1 to i32
    %cond3A = arith.constant 0 : i32
    %cond3A_36 = arith.cmpi ne, %convert_element_type3A, %cond3A : i32
    scf.if %cond3A_36 {
      %broadcast_in_dim3A_67 = arith.constant 0xFF800000 : f32
      %broadcast_in_dim3A_68 = vector.broadcast %broadcast_in_dim3A_67 : f32 to vector<1x1x1024xf32>
      %swap3A_69 = arith.constant 0 : index
      %swap3A_70 = arith.constant 0 : index
      %swap3A_71 = arith.constant 0 : index
      %swap3A_72 = vector.load %arg7[%swap3A_69, %swap3A_70, %swap3A_71] : memref<1x1x1024xf32, #tpu.memory_space<vmem>>, vector<1x1x1024xf32>
      tpu.vector_store %arg7[%swap3A_69, %swap3A_70, %swap3A_71], %broadcast_in_dim3A_68 {strides = array<i32>} : memref<1x1x1024xf32, #tpu.memory_space<vmem>>, vector<1x1x1024xf32>,
      %broadcast_in_dim3A_73 = arith.constant 0.000000e+00 : f32
      %broadcast_in_dim3A_74 = vector.broadcast %broadcast_in_dim3A_73 : f32 to vector<1x1x1024xf32>
      %swap3A_75 = arith.constant 0 : index
      %swap3A_76 = arith.constant 0 : index
      %swap3A_77 = arith.constant 0 : index
      %swap3A_78 = vector.load %arg8[%swap3A_75, %swap3A_76, %swap3A_77] : memref<1x1x1024xf32, #tpu.memory_space<vmem>>, vector<1x1x1024xf32>
      tpu.vector_store %arg8[%swap3A_75, %swap3A_76, %swap3A_77], %broadcast_in_dim3A_74 {strides = array<i32>} : memref<1x1x1024xf32, #tpu.memory_space<vmem>>, vector<1x1x1024xf32>,
    } else {
    }
    %get3A_37 = arith.constant 0 : index
    %get3A_38 = arith.constant 0 : index
    %get3A_39 = arith.constant 0 : index
    %get3A_40 = vector.load %arg7[%get3A_37, %get3A_38, %get3A_39] : memref<1x1x1024xf32, #tpu.memory_space<vmem>>, vector<1x1x1024xf32>
    %get3A_41 = vector.shape_cast %get3A_40 : vector<1x1x1024xf32> to vector<1x1024xf32>
    %reduce_max3A = arith.constant dense<0xFF800000> : vector<1024xf32>
    %reduce_max3A_42 = vector.multi_reduction <maximumf>, %select_n3A, %reduce_max3A [0] : vector<256x1024xf32> to vector<1024xf32>
    %broadcast_in_dim3A = vector.shape_cast %reduce_max3A_42 : vector<1024xf32> to vector<1x1024xf32>
    %max3A = arith.maximumf %get3A_41, %broadcast_in_dim3A : vector<1x1024xf32>
    %swap3A = arith.constant 0 : index
    %swap3A_43 = arith.constant 0 : index
    %swap3A_44 = arith.constant 0 : index
    %swap3A_45 = vector.load %arg7[%swap3A, %swap3A_43, %swap3A_44] : memref<1x1x1024xf32, #tpu.memory_space<vmem>>, vector<1x1x1024xf32>
    %swap3A_46 = vector.shape_cast %swap3A_45 : vector<1x1x1024xf32> to vector<1x1024xf32>
    %swap3A_47 = vector.shape_cast %max3A : vector<1x1024xf32> to vector<1x1x1024xf32>
    tpu.vector_store %arg7[%swap3A, %swap3A_43, %swap3A_44], %swap3A_47 {strides = array<i32>} : memref<1x1x1024xf32, #tpu.memory_space<vmem>>, vector<1x1x1024xf32>,
    %get3A_48 = arith.constant 0 : index
    %get3A_49 = arith.constant 0 : index
    %get3A_50 = arith.constant 0 : index
    %get3A_51 = vector.load %arg8[%get3A_48, %get3A_49, %get3A_50] : memref<1x1x1024xf32, #tpu.memory_space<vmem>>, vector<1x1x1024xf32>
    %get3A_52 = vector.shape_cast %get3A_51 : vector<1x1x1024xf32> to vector<1x1024xf32>
    %reduce_sum3A = arith.constant dense<0.000000e+00> : vector<1024xf32>
    %reduce_sum3A_53 = vector.multi_reduction <add>, %select_n3A, %reduce_sum3A [0] : vector<256x1024xf32> to vector<1024xf32>
    %broadcast_in_dim3A_54 = vector.shape_cast %reduce_sum3A_53 : vector<1024xf32> to vector<1x1024xf32>
    %add3A_55 = arith.addf %get3A_52, %broadcast_in_dim3A_54 : vector<1x1024xf32>
    %swap3A_56 = arith.constant 0 : index
    %swap3A_57 = arith.constant 0 : index
    %swap3A_58 = arith.constant 0 : index
    %swap3A_59 = vector.load %arg8[%swap3A_56, %swap3A_57, %swap3A_58] : memref<1x1x1024xf32, #tpu.memory_space<vmem>>, vector<1x1x1024xf32>
    %swap3A_60 = vector.shape_cast %swap3A_59 : vector<1x1x1024xf32> to vector<1x1024xf32>
    %swap3A_61 = vector.shape_cast %add3A_55 : vector<1x1024xf32> to vector<1x1x1024xf32>
    tpu.vector_store %arg8[%swap3A_56, %swap3A_57, %swap3A_58], %swap3A_61 {strides = array<i32>} : memref<1x1x1024xf32, #tpu.memory_space<vmem>>, vector<1x1x1024xf32>,
    %eq3A_62 = arith.constant 7 : i32
    %eq3A_63 = arith.cmpi eq, %arg1, %eq3A_62 : i32
    %convert_element_type3A_64 = arith.extui %eq3A_63 : i1 to i32
    %cond3A_65 = arith.constant 0 : i32
    %cond3A_66 = arith.cmpi ne, %convert_element_type3A_64, %cond3A_65 : i32
    scf.if %cond3A_66 {
      %get3A_67 = arith.constant 0 : index
      %get3A_68 = arith.constant 0 : index
      %get3A_69 = arith.constant 0 : index
      %get3A_70 = vector.load %arg8[%get3A_67, %get3A_68, %get3A_69] : memref<1x1x1024xf32, #tpu.memory_space<vmem>>, vector<1x1x1024xf32>
      %div3A_71 = arith.constant 2.048000e+03 : f32
      %div3A_72 = vector.broadcast %div3A_71 : f32 to vector<1x1x1024xf32>
      %div3A_73 = arith.divf %get3A_70, %div3A_72 : vector<1x1x1024xf32>
      %swap3A_74 = arith.constant 0 : index
      %swap3A_75 = arith.constant 0 : index
      %swap3A_76 = arith.constant 0 : index
      %swap3A_77 = vector.load %arg8[%swap3A_74, %swap3A_75, %swap3A_76] : memref<1x1x1024xf32, #tpu.memory_space<vmem>>, vector<1x1x1024xf32>
      tpu.vector_store %arg8[%swap3A_74, %swap3A_75, %swap3A_76], %div3A_73 {strides = array<i32>} : memref<1x1x1024xf32, #tpu.memory_space<vmem>>, vector<1x1x1024xf32>,
    } else {
    }
    return
  }
  func.func @transform_0(%arg0: i32, %arg1: i32) -> (i32, i32, i32) {
    %c0_i32 = arith.constant 0 : i32
    %c0_i32_0 = arith.constant 0 : i32
    return %arg0, %arg1, %c0_i32 : i32, i32, i32
  }
  func.func @transform_1(%arg0: i32, %arg1: i32) -> (i32, i32) {
    %c0_i32 = arith.constant 0 : i32
    %c0_i32_0 = arith.constant 0 : i32
    %c0_i32_1 = arith.constant 0 : i32
    return %c0_i32, %c0_i32_0 : i32, i32
  }
  func.func @transform_2(%arg0: i32, %arg1: i32) -> (i32, i32) {
    %c0_i32 = arith.constant 0 : i32
    %c0_i32_0 = arith.constant 0 : i32
    %c0_i32_1 = arith.constant 0 : i32
    return %c0_i32, %c0_i32_0 : i32, i32
  }
  func.func @transform_3(%arg0: i32, %arg1: i32) -> (i32, i32) {
    %c0_i32 = arith.constant 0 : i32
    %c0_i32_0 = arith.constant 0 : i32
    %c0_i32_1 = arith.constant 0 : i32
    return %c0_i32, %c0_i32_0 : i32, i32
  }
  func.func @transform_4(%arg0: i32, %arg1: i32) -> (i32, i32) {
    %c0_i32 = arith.constant 0 : i32
    %c0_i32_0 = arith.constant 0 : i32
    %c0_i32_1 = arith.constant 0 : i32
    return %c0_i32, %c0_i32_0 : i32, i32
  }
  func.func @transform_5(%arg0: i32, %arg1: i32) -> (i32, i32, i32) {
    %c0_i32 = arith.constant 0 : i32
    %c0_i32_0 = arith.constant 0 : i32
    %c0_i32_1 = arith.constant 0 : i32
    return %arg0, %c0_i32, %c0_i32_0 : i32, i32, i32
  }
  func.func @transform_6(%arg0: i32, %arg1: i32) -> (i32, i32, i32) {
    %c0_i32 = arith.constant 0 : i32
    %c0_i32_0 = arith.constant 0 : i32
    %c0_i32_1 = arith.constant 0 : i32
    return %arg0, %c0_i32, %c0_i32_0 : i32, i32, i32
  }
}

module attributes {stable_mosaic.version = 14 : i64} {
  func.func @_k6_body(%arg0: memref<8x2048xf32, #tpu.memory_space<vmem>>, %arg1: memref<2048x1024xf32, #tpu.memory_space<vmem>>, %arg2: memref<1x1024xf32, #tpu.memory_space<vmem>>, %arg3: memref<1x1024xf32, #tpu.memory_space<vmem>>, %arg4: memref<8x1024xf32, #tpu.memory_space<vmem>>) attributes {dimension_semantics = [], scalar_prefetch = 0 : i64, scratch_operands = 0 : i64, tpu.core_type = #tpu.core_type<tc>} {
    %get3A = arith.constant 0 : index
    %get3A_0 = arith.constant 0 : index
    %get3A_1 = vector.load %arg0[%get3A, %get3A_0] : memref<8x2048xf32, #tpu.memory_space<vmem>>, vector<8x2048xf32>
    %get3A_2 = arith.constant 0 : index
    %get3A_3 = arith.constant 0 : index
    %get3A_4 = vector.load %arg1[%get3A_2, %get3A_3] : memref<2048x1024xf32, #tpu.memory_space<vmem>>, vector<2048x1024xf32>
    %dot_general3A = arith.constant dense<0.000000e+00> : vector<8x1024xf32>
    %dot_general3A_5 = tpu.matmul %get3A_1, %get3A_4, %dot_general3A {dimension_numbers = #tpu.dot_dimension_numbers<[1], [0], [0], [1], [0, 0, 1, 1], [], []>, transpose_lhs_hint = false} : vector<8x2048xf32>, vector<2048x1024xf32>, vector<8x1024xf32> -> vector<8x1024xf32>
    %reduce_sum3A = arith.constant dense<0.000000e+00> : vector<1024xf32>
    %reduce_sum3A_6 = vector.multi_reduction <add>, %dot_general3A_5, %reduce_sum3A [0] : vector<8x1024xf32> to vector<1024xf32>
    %broadcast_in_dim3A = vector.shape_cast %reduce_sum3A_6 : vector<1024xf32> to vector<1x1024xf32>
    %div3A = arith.constant 8.000000e+00 : f32
    %div3A_7 = vector.broadcast %div3A : f32 to vector<1x1024xf32>
    %div3A_8 = arith.divf %broadcast_in_dim3A, %div3A_7 : vector<1x1024xf32>
    %sub3A = vector.broadcast %div3A_8 : vector<1x1024xf32> to vector<8x1024xf32>
    %sub3A_9 = arith.subf %dot_general3A_5, %sub3A : vector<8x1024xf32>
    %integer_pow3A = arith.mulf %sub3A_9, %sub3A_9 : vector<8x1024xf32>
    %reduce_sum3A_10 = arith.constant dense<0.000000e+00> : vector<1024xf32>
    %reduce_sum3A_11 = vector.multi_reduction <add>, %integer_pow3A, %reduce_sum3A_10 [0] : vector<8x1024xf32> to vector<1024xf32>
    %broadcast_in_dim3A_12 = vector.shape_cast %reduce_sum3A_11 : vector<1024xf32> to vector<1x1024xf32>
    %div3A_13 = arith.constant 8.000000e+00 : f32
    %div3A_14 = vector.broadcast %div3A_13 : f32 to vector<1x1024xf32>
    %div3A_15 = arith.divf %broadcast_in_dim3A_12, %div3A_14 : vector<1x1024xf32>
    %sub3A_16 = vector.broadcast %div3A_8 : vector<1x1024xf32> to vector<8x1024xf32>
    %sub3A_17 = arith.subf %dot_general3A_5, %sub3A_16 : vector<8x1024xf32>
    %add3A = arith.constant 9.99999974E-6 : f32
    %add3A_18 = vector.broadcast %add3A : f32 to vector<1x1024xf32>
    %add3A_19 = arith.addf %div3A_15, %add3A_18 : vector<1x1024xf32>
    %rsqrt3A = math.rsqrt %add3A_19 : vector<1x1024xf32>
    %mul3A = vector.broadcast %rsqrt3A : vector<1x1024xf32> to vector<8x1024xf32>
    %mul3A_20 = arith.mulf %sub3A_17, %mul3A : vector<8x1024xf32>
    %get3A_21 = arith.constant 0 : index
    %get3A_22 = arith.constant 0 : index
    %get3A_23 = vector.load %arg2[%get3A_21, %get3A_22] : memref<1x1024xf32, #tpu.memory_space<vmem>>, vector<1x1024xf32>
    %mul3A_24 = vector.broadcast %get3A_23 : vector<1x1024xf32> to vector<8x1024xf32>
    %mul3A_25 = arith.mulf %mul3A_20, %mul3A_24 : vector<8x1024xf32>
    %get3A_26 = arith.constant 0 : index
    %get3A_27 = arith.constant 0 : index
    %get3A_28 = vector.load %arg3[%get3A_26, %get3A_27] : memref<1x1024xf32, #tpu.memory_space<vmem>>, vector<1x1024xf32>
    %add3A_29 = vector.broadcast %get3A_28 : vector<1x1024xf32> to vector<8x1024xf32>
    %add3A_30 = arith.addf %mul3A_25, %add3A_29 : vector<8x1024xf32>
    %ge3A = arith.constant 0.000000e+00 : f32
    %ge3A_31 = vector.broadcast %ge3A : f32 to vector<8x1024xf32>
    %ge3A_32 = arith.cmpf oge, %add3A_30, %ge3A_31 : vector<8x1024xf32>
    %mul3A_33 = arith.constant 2.000000e-01 : f32
    %mul3A_34 = vector.broadcast %mul3A_33 : f32 to vector<8x1024xf32>
    %mul3A_35 = arith.mulf %mul3A_34, %add3A_30 : vector<8x1024xf32>
    %select_n3A = arith.select %ge3A_32, %add3A_30, %mul3A_35 : vector<8x1024xi1>, vector<8x1024xf32>
    %swap3A = arith.constant 0 : index
    %swap3A_36 = arith.constant 0 : index
    %swap3A_37 = vector.load %arg4[%swap3A, %swap3A_36] : memref<8x1024xf32, #tpu.memory_space<vmem>>, vector<8x1024xf32>
    tpu.vector_store %arg4[%swap3A, %swap3A_36], %select_n3A {strides = array<i32>} : memref<8x1024xf32, #tpu.memory_space<vmem>>, vector<8x1024xf32>,
    return
  }
}

</mosaic_0001>

<sc_bundles>
// kernel: kernel.21.cloned.1.call-start
scs
__scs_entry_jumppad:
0x0: {  	(pc) =	sbr.rel $0x88, $3  }
0x1: {  	(tag) =	ssettag $0x0;
	lr =	simm.s32 $0x1  }
0x2: {  	[smem:$0x3F8E] =	sst lr;
	_ =	strace $0xD0000000  }
0x3: {  	_ = 	snop  }
0x4: {  	_ = 	snop  }
0x5: {  	_ = 	snop  }
0x6: {  	_ = 	snop  }
0x7: {  	_ = 	snop  }
__scs_overlays_trampoline_lowered:
0x8: {  	[smem:$0x3F9D] =	sst s0  }
0x9: {  	[smem:$0x3F9E] =	sst s1  }
0xa: {  	[smem:$0x3F9F] =	sst s2  }
0xb: {  	[smem:$0x3FA0] =	sst s3  }
0xc: {  	[smem:$0x3FA1] =	sst s4  }
0xd: {  	[smem:$0x3FA2] =	sst s5  }
0xe: {  	[smem:$0x3FA3] =	sst s6  }
0xf: {  	[smem:$0x3FA4] =	sst s7  }
0x10: {  	[smem:$0x3FA5] =	sst s8  }
0x11: {  	[smem:$0x3FA6] =	sst s9;
	s0 =	simm.s32 @!p0 $0x0  }
0x12: {  	s1 =	sld [smem:$0x3F8C];
	s0 =	simm.s32 @p0 $0x1  }
0x13: {  	[smem:$0x3FA7] =	sst s0;
	s0 =	simm.s32 @!p1 $0x0  }
0x14: {  	s2 =	sld [smem:$0x3F8B];
	s0 =	simm.s32 @p1 $0x1  }
0x15: {  	[smem:$0x3FA8] =	sst s0;
	s0 =	simm.s32 @!p2 $0x0  }
0x16: {  	s3 =	sld [smem:$0x3FDB];
	s0 =	simm.s32 @p2 $0x1  }
0x17: {  	s4 =	simm.s32 $0x1BF5;
	[smem:$0x3FAA] =	sst s0  }
0x18: {  	s0 =	sld [smem:$0x3F8D];
	_ =	swait.ge [sflag:s4], $0x0  }
0x19: {  	s7 =	sld [smem:$0x3F8E]  }
0x1a: {  	s8 =	sadd.s32 $0xFFFFE003, lr  }
0x1b: {  	s9 =	sadd.s32 $0xFFFFFEF7, lr;
	s5 =	simm.s32 $0xFFFFFFFF;
	p2 =	slt.u32 s8, $0xFFFFF086  }
0x1c: {  	p1 =	slt.u32 s9, $0xF7A;
	s5 =	simm.s32 @!p2 $0x0  }
0x1d: {  	s5 =	simm.s32 @p1 $0x1;
	p0 =	seq.s32 s7, s2  }
0x1e: {  	s7 =	smul.u32 @!p0 $0xF7A, s2;
	p2 =	seq.s32 @!p0 s5, $0x0  }
0x1f: {  	s9 =	smul.u32 $0xF7A, s1;
	s8 =	simm.s32 @!p0 $0x1BF5;
	p2 =	por !p2, p0  }
0x20: {  	[sflag:s8] =	ssyncset.s32 @!p0 $0xFFFFF086;
	s6 =	sadd.s32 @!p0 s3, s7;
	s7 =	simm.s32 @!p0 $0x108  }
0x21: {  	s3 =	sadd.s32 s3, s9;
	s6 =	sadd.s32 @!p0 $0x88, s6;
	s7 =	simm.s32 @p2 $0x1082  }
0x22: {  	[simem:s7], [sflag:s8] =	dma.local @!p0 [hbm:s6], $0xF7A  }
0x23: {  	s9 =	sor.u32 $0xD0000000, s2;
	s6 =	simm.s32 $0x108;
	_ =	swait.ge @!p0 [sflag:s8], $0x0  }
0x24: {  	s3 =	sadd.s32 $0x88, s3;
	s6 =	simm.s32 @!p1 $0x1082;
	[sflag:s4] =	ssyncset.s32 $0xFFFFF086  }
0x25: {  	[simem:s6], [sflag:s4] =	dma.local [hbm:s3], $0xF7A  }
0x26: {  	[smem:$0x3F8E] =	sst s1;
	(tag) =	ssettag s2;
	_ =	strace s9  }
0x27: {  	s1 =	sld [smem:$0x3F9E]  }
0x28: {  	s2 =	sld [smem:$0x3F9F]  }
0x29: {  	s4 =	sld [smem:$0x3FA1]  }
0x2a: {  	p0 =	seq.s32 s5, $0x0;
	s5 =	sld [smem:$0x3FA2]  }
0x2b: {  	s6 =	sld [smem:$0x3FA3]  }
0x2c: {  	s7 =	sld [smem:$0x3FA4]  }
0x2d: {  	s3 =	simm.s32 $0x108;
	s8 =	sld [smem:$0x3FA5]  }
0x2e: {  	s3 =	simm.s32 @!p0 $0x1082;
	s9 =	sld [smem:$0x3FA6]  }
0x2f: {  	lr =	sadd.s32 s0, s3;
	s0 =	sld [smem:$0x3F9D]  }
0x30: {  	s3 =	sld [smem:$0x3FA0]  }
0x31: {  	[smem:$0x3FA9] =	sst s10  }
0x32: {  	s10 =	sld [smem:$0x3FA7];
	_ =	sdelay $0x3  }
0x33: {  	p0 =	seq.s32 s10, $0x1;
	s10 =	sld [smem:$0x3FA9];
	_ =	sdelay $0x3  }
0x34: {  	[smem:$0x3FA9] =	sst s10  }
0x35: {  	s10 =	sld [smem:$0x3FA8];
	_ =	sdelay $0x3  }
0x36: {  	p1 =	seq.s32 s10, $0x1;
	s10 =	sld [smem:$0x3FA9];
	_ =	sdelay $0x3  }
0x37: {  	[smem:$0x3FA9] =	sst s10  }
0x38: {  	s10 =	sld [smem:$0x3FAA]  }
0x39: {  	_ = 	snop;
	(pc) =	sbr.ind lr, $3  }
0x3a: {  	_ = 	snop  }
0x3b: {  	_ = 	snop  }
0x3c: {  	p2 =	seq.s32 s10, $0x1;
	s10 =	sld [smem:$0x3FA9]  }
0x3d: {  	_ =	shalt  }
0x3e: {  	_ =	shalt  }
0x3f: {  	_ =	shalt  }
0x40: {  	_ =	shalt  }
0x41: {  	_ =	shalt  }
0x42: {  	_ =	shalt  }
0x43: {  	_ =	shalt  }
0x44: {  	_ =	shalt  }
0x45: {  	_ =	shalt  }
0x46: {  	_ =	shalt  }
0x47: {  	_ =	shalt  }
0x48: {  	_ =	shalt  }
0x49: {  	_ =	shalt  }
0x4a: {  	_ =	shalt  }
0x4b: {  	_ =	shalt  }
0x4c: {  	_ =	shalt  }
0x4d: {  	_ =	shalt  }
0x4e: {  	_ =	shalt  }
0x4f: {  	_ =	shalt  }
0x50: {  	_ =	shalt  }
0x51: {  	_ =	shalt  }
0x52: {  	_ =	shalt  }
0x53: {  	_ =	shalt  }
0x54: {  	_ =	shalt  }
0x55: {  	_ =	shalt  }
0x56: {  	_ =	shalt  }
0x57: {  	_ =	shalt  }
0x58: {  	_ =	shalt  }
0x59: {  	_ =	shalt  }
0x5a: {  	_ =	shalt  }
0x5b: {  	_ =	shalt  }
0x5c: {  	_ =	shalt  }
0x5d: {  	_ =	shalt  }
0x5e: {  	_ =	shalt  }
0x5f: {  	_ =	shalt  }
0x60: {  	_ =	shalt  }
0x61: {  	_ =	shalt  }
0x62: {  	_ =	shalt  }
0x63: {  	_ =	shalt  }
0x64: {  	_ =	shalt  }
0x65: {  	_ =	shalt  }
0x66: {  	_ =	shalt  }
0x67: {  	_ =	shalt  }
0x68: {  	_ =	shalt  }
0x69: {  	_ =	shalt  }
0x6a: {  	_ =	shalt  }
0x6b: {  	_ =	shalt  }
0x6c: {  	_ =	shalt  }
0x6d: {  	_ =	shalt  }
0x6e: {  	_ =	shalt  }
0x6f: {  	_ =	shalt  }
0x70: {  	_ =	shalt  }
0x71: {  	_ =	shalt  }
0x72: {  	_ =	shalt  }
0x73: {  	_ =	shalt  }
0x74: {  	_ =	shalt  }
0x75: {  	_ =	shalt  }
0x76: {  	_ =	shalt  }
0x77: {  	_ =	shalt  }
0x78: {  	_ =	shalt  }
0x79: {  	_ =	shalt  }
0x7a: {  	_ =	shalt  }
0x7b: {  	_ =	shalt  }
0x7c: {  	_ =	shalt  }
0x7d: {  	_ =	shalt  }
0x7e: {  	_ =	shalt  }
0x7f: {  	_ =	shalt  }
0x80: {  	_ =	shalt  }
0x81: {  	_ =	shalt  }
0x82: {  	_ =	shalt  }
0x83: {  	_ =	shalt  }
0x84: {  	_ =	shalt  }
0x85: {  	_ =	shalt  }
0x86: {  	_ =	shalt  }
0x87: {  	_ =	shalt  }
.Lfunc_end0:
.L_simem_size_0:
called_computation_lowered:
.L_overlay_start_0:
0x88: {  	s2 =	sld [smem:$0x3FD9]  }
0x89: {  	s3 =	sld [smem:$0x3FFE];
	_ =	sdelay $0x1  }
0x8a: {  	s1 =	srdreg.scid  }
0x8b: {  	s0 =	sand.u32 $0x1, s1  }
0x8c: {  	s16 =	sshll.u32 s0, $0xA;
	s2 =	sadd.s32 s3, s2  }
0x8d: {  	s2 =	sadd.s32 s2, s16  }
0x8e: {  	[smem:$0x3FB5] =	sst s2  }
0x8f: {  	_ = 	snop  }
0x90: {  	(tm) =	ssettm $0x1  }
0x91: {  	s17 =	sld [smem:$0x3FFB];
	_ =	sdelay $0x3  }
0x92: {  	_ =	strace s17  }
0x93: {  	s2 =	sld [smem:$0x3FFC];
	_ =	sdelay $0x3  }
0x94: {  	_ =	strace s2  }
0x95: {  	s2 =	sld [smem:$0x3FFD];
	_ =	sdelay $0x3  }
0x96: {  	_ =	strace s2  }
0x97: {  	_ =	strace $0x8FFFFFFF  }
0x98: {  	s18 =	sld [smem:$0x3FDB];
	_ =	sdelay $0x1  }
0x99: {  	s19 =	simm.s32 $_scs_section_size  }
0x9a: {  	s4 =	simm.s32 $_size__tile_overlayer_lowered;
	s5 =	simm.s32 $_tile_overlayer_lowered  }
0x9b: {  	s22 =	simm.s32 $0x1BFF;
	s21 =	sshll.u32 s5, $0x1;
	s2 =	sadd.s32 s19, s18  }
0x9c: {  	s6 =	simm.s32 $0x0;
	s20 =	sshll.u32 s4, $0x1;
	s4 =	sadd.s32 s21, s2  }
0x9d: {  	[timem:s6], [sflag:s22] =	dma.local [hbm:s4], s20  }
0x9e: {  	_ =	swait.ge [sflag:s22], s20  }
0x9f: {  	s3 =	ssub.s32 $0x0, s20;
	[sflag:s22] =	ssyncset.done $0x0  }
0xa0: {  	[sflag:s22] =	ssyncadd.s32 s3;
	_ =	sdelay $0x1  }
0xa1: {  	s23 =	simm.s32 $0x1B8B  }
0xa2: {  	_ =	swait.ge [sflag:s23], $0x1  }
0xa3: {  	[sflag:s23] =	ssyncset.done $0x0  }
0xa4: {  	s25 =	simm.s32 $0x1B8E;
	s24 =	sld [smem:$0x3FFE];
	[sflag:s23] =	ssyncadd.s32 $0xFFFFFFFF  }
0xa5: {  	s26 =	simm.s32 $execute0_lowered;
	[smem:$0x3FD2] =	sst s25  }
0xa6: {  	s4 =	sshll.u32 s26, $0x1;
	_ =	strace $0x80000046;
	[dreg:$0x1] =	wrdreg $0xFFFFFFFF  }
0xa7: {  	s28 =	simm.s32 $_size_execute0_lowered;
	s2 =	sadd.s32 s2, s4;
	[dreg:$0x0] =	wrdreg $0x0  }
0xa8: {  	s4 =	sshll.u32 s28, $0x1;
	[dreg:$0x2] =	wrdreg s2  }
0xa9: {  	[dreg:$0x3] =	wrdreg s4  }
0xaa: {  	[dreg:$0x4] =	wrdreg $0xC0  }
0xab: {  	_ =	task [dreg:s6], $0x5FFFF  }
0xac: {  	[dreg:$0x1] =	wrdreg $0xFFFFFFFF  }
0xad: {  	[dreg:$0x0] =	wrdreg $0x60  }
0xae: {  	[dreg:$0x2] =	wrdreg s24  }
0xaf: {  	[dreg:$0x3] =	wrdreg $0x9  }
0xb0: {  	_ =	task.clear_ibuf [dreg:s6], $0x4FFFF;
	_ =	strace $0x90000046  }
0xb1: {  	s29 =	simm.s32 $0x9;
	_ =	strace $0x80000048  }
0xb2: {  	_ =	swait.ge [sflag:s29], $0x1  }
0xb3: {  	[sflag:s29] =	ssyncadd.s32 $0xFFFFFFFF  }
0xb4: {  	_ =	strace $0x90000048  }
0xb5: {  	_ =	sfence  }
0xb6: {  	s30 =	sld [smem:$0x0];
	_ =	sdelay $0x2  }
0xb7: {  	s31 =	sshll.u32 s1, $0xD;
	s1 =	sshrl.u32 s1, $0x2  }
0xb8: {  	s3 =	sand.u32 $0x4000, s31;
	s1 =	sadd.s32 s1, s30  }
0xb9: {  	s0 =	sor.u32 s3, s0;
	s1 =	sshll.u32 s1, $0x11  }
0xba: {  	s0 =	sor.u32 s1, s0  }
0xbb: {  	s0 =	sadd.s32 $0x8F2B, s0  }
0xbc: {  	[sflag:s0] =	ssyncadd.remote.s32 $0x1  }
0xbd: {  	_ =	sfence.sel $0xFFFF  }
0xbe: {  	[dreg:$0x0] =	wrdreg $0xFFFFFFFF;
	(pc) =	sbr.abs _section_cstart, $3  }
0xbf: {  	[dreg:$0x1] =	wrdreg $0xFFFFFFFF  }
0xc0: {  	_ =	task.clear_ibuf [dreg:s6], $0x2FFFF;
	_ =	strace $0x9FFFFFFF  }
0xc1: {  	(tm) =	ssettm $0x7FFFFFFF  }
tec
execute0_lowered:
.L_overlay_start_1:
0x0: {  	(tag) =	ssettag $0x1  }
0x1: {  	s1 =	srdreg.scid  }
0x2: {  	s0 =	stileid.u32;
	s4 =	rddreg [dreg:$0x0];
	s2 =	simm.s32 $0x0  }
0x3: {  	s10 =	simm.s32 $0x3000;
	s11 =	simm.s32 $0x3800;
	s12 =	simm.s32 $0x4000  }
0x4: {  	s13 =	simm.s32 $0x4800;
	s14 =	simm.s32 $0x5000;
	s15 =	simm.s32 $0x5800  }
0x5: {  	s16 =	simm.s32 $0x6000;
	s17 =	simm.s32 $0x6800;
	s18 =	simm.s32 $0x7000  }
0x6: {  	s19 =	simm.s32 $0x1;
	s3 =	sand.u32 $0x1, s1;
	s1 =	rddreg [dreg:$0x1]  }
0x7: {  	s20 =	simm.s32 $0x0;
	s5 =	sshll.u32 s0, $0x1;
	[smem:$0x7FF] =	sst s2  }
0x8: {  	s6 =	smul.u32 $0xA000, s0;
	s5 =	sor.u32 s3, s5;
	_ =	strace $0x80000047  }
0x9: {  	s7 =	ssub.s32 $0x2, s3;
	s9 =	smul.u32 $0x5000, s3;
	s3 =	sadd.s32 $0x11000, s4  }
0xa: {  	s5 =	smul.u32 $0x500, s5;
	s8 =	sshrl.u32 s7, $0x1;
	s6 =	sadd.s32 s6, s4  }
0xb: {  	s7 =	ssub.s32 s7, s8;
	s6 =	sadd.s32 s9, s6;
	s8 =	simm.s32 $0x80  }
0xc: {  	s9 =	simm.s32 $0x2800;
	s5 =	sadd.s32 s5, s4;
	s6 =	sadd.s32 $0x19000, s6  }
0xd: {  	s4 =	sadd.s32 $0x7000, s5;
	s5 =	smax.u32 s7, $0x1;
	s7 =	simm.s32 $0x2  }
.LBB2_1:
0xe: {  	[tilespmem:s2], [sflag:$0x2] =	stream.linear.gather [hbm4b:s4+s2], $0x2800, $0x38;
	[tilespmem:$0x7800] =	vst v63  }
0xf: {  	_ =	swait.ge [sflag:s7], $0x2800  }
0x10: {  	[sflag:s7] =	ssyncset.done $0x0  }
0x11: {  	s21 =	simm.s32 $0x0;
	[sflag:s7] =	ssyncadd.s32 $0xFFFFD800  }
0x12: {  	[tilespmem:s9], [sflag:$0x1] =	stream.indirect.gather [hbm4b:s3+s8], $0x10, s21, s8, $0xb8;
	[tilespmem:$0x7800] =	vst v63  }
0x13: {  	s22 =	simm.s32 $0x80  }
0x14: {  	[tilespmem:s10], [sflag:$0x1] =	stream.indirect.gather [hbm4b:s3+s8], $0x10, s22, s8, $0xb8;
	[tilespmem:$0x7800] =	vst v63  }
0x15: {  	s23 =	simm.s32 $0x100  }
0x16: {  	[tilespmem:s11], [sflag:$0x1] =	stream.indirect.gather [hbm4b:s3+s8], $0x10, s23, s8, $0xb8;
	[tilespmem:$0x7800] =	vst v63  }
0x17: {  	s24 =	simm.s32 $0x180  }
0x18: {  	[tilespmem:s12], [sflag:$0x1] =	stream.indirect.gather [hbm4b:s3+s8], $0x10, s24, s8, $0xb8;
	[tilespmem:$0x7800] =	vst v63  }
0x19: {  	s25 =	simm.s32 $0x200  }
0x1a: {  	[tilespmem:s13], [sflag:$0x1] =	stream.indirect.gather [hbm4b:s3+s8], $0x10, s25, s8, $0xb8;
	[tilespmem:$0x7800] =	vst v63  }
0x1b: {  	s26 =	simm.s32 $0x280  }
0x1c: {  	[tilespmem:s14], [sflag:$0x1] =	stream.indirect.gather [hbm4b:s3+s8], $0x10, s26, s8, $0xb8;
	[tilespmem:$0x7800] =	vst v63  }
0x1d: {  	s28 =	simm.s32 $0x300  }
0x1e: {  	[tilespmem:s15], [sflag:$0x1] =	stream.indirect.gather [hbm4b:s3+s8], $0x10, s28, s8, $0xb8;
	[tilespmem:$0x7800] =	vst v63  }
0x1f: {  	s29 =	simm.s32 $0x380  }
0x20: {  	[tilespmem:s16], [sflag:$0x1] =	stream.indirect.gather [hbm4b:s3+s8], $0x10, s29, s8, $0xb8;
	[tilespmem:$0x7800] =	vst v63  }
0x21: {  	s30 =	simm.s32 $0x400  }
0x22: {  	[tilespmem:s17], [sflag:$0x1] =	stream.indirect.gather [hbm4b:s3+s8], $0x10, s30, s8, $0xb8;
	[tilespmem:$0x7800] =	vst v63  }
0x23: {  	s31 =	simm.s32 $0x480  }
0x24: {  	[tilespmem:s18], [sflag:$0x1] =	stream.indirect.gather [hbm4b:s3+s8], $0x10, s31, s8, $0xb8;
	[tilespmem:$0x7800] =	vst v63  }
0x25: {  	_ =	swait.ge [sflag:s19], $0x800  }
0x26: {  	[sflag:s19] =	ssyncset.done $0x0  }
0x27: {  	[sflag:s19] =	ssyncadd.s32 $0xFFFFF800  }
0x28: {  	_ =	swait.ge [sflag:s19], $0x800  }
0x29: {  	[sflag:s19] =	ssyncset.done $0x0  }
0x2a: {  	[sflag:s19] =	ssyncadd.s32 $0xFFFFF800  }
0x2b: {  	_ =	swait.ge [sflag:s19], $0x800  }
0x2c: {  	[sflag:s19] =	ssyncset.done $0x0  }
0x2d: {  	[sflag:s19] =	ssyncadd.s32 $0xFFFFF800  }
0x2e: {  	_ =	swait.ge [sflag:s19], $0x800  }
0x2f: {  	[sflag:s19] =	ssyncset.done $0x0  }
0x30: {  	[sflag:s19] =	ssyncadd.s32 $0xFFFFF800  }
0x31: {  	_ =	swait.ge [sflag:s19], $0x800  }
0x32: {  	[sflag:s19] =	ssyncset.done $0x0  }
0x33: {  	[sflag:s19] =	ssyncadd.s32 $0xFFFFF800  }
0x34: {  	_ =	swait.ge [sflag:s19], $0x800  }
0x35: {  	[sflag:s19] =	ssyncset.done $0x0  }
0x36: {  	[sflag:s19] =	ssyncadd.s32 $0xFFFFF800  }
0x37: {  	_ =	swait.ge [sflag:s19], $0x800  }
0x38: {  	[sflag:s19] =	ssyncset.done $0x0  }
0x39: {  	[sflag:s19] =	ssyncadd.s32 $0xFFFFF800  }
0x3a: {  	_ =	swait.ge [sflag:s19], $0x800  }
0x3b: {  	[sflag:s19] =	ssyncset.done $0x0  }
0x3c: {  	[sflag:s19] =	ssyncadd.s32 $0xFFFFF800  }
0x3d: {  	_ =	swait.ge [sflag:s19], $0x800  }
0x3e: {  	[sflag:s19] =	ssyncset.done $0x0  }
0x3f: {  	[sflag:s19] =	ssyncadd.s32 $0xFFFFF800  }
0x40: {  	_ =	swait.ge [sflag:s19], $0x800  }
0x41: {  	[sflag:s19] =	ssyncset.done $0x0  }
0x42: {  	[sflag:s19] =	ssyncadd.s32 $0xFFFFF800  }
0x43: {  	[hbm4b:s6+s2] =	stream.linear.scatter [tilespmem:s9], [sflag:$0x2], $0x5000, $0x38;
	[tilespmem:$0x7800] =	vst v63  }
0x44: {  	s21 =	sadd.s32 $0xA00, s6;
	_ =	swait.ge [sflag:s7], $0x5000  }
0x45: {  	s22 =	simm.s32 $0x1400;
	s24 =	simm.s32 $0x2800;
	[sflag:s7] =	ssyncset.done $0x0  }
.LBB2_2:
0x46: {  	s25 =	sshra.s32 s22, $0x2  }
0x47: {  	[sflag:s7] =	ssyncadd.s32 $0xFFFFB000;
	s22 =	smov.u32 s24;
	s23 =	sadd.s32 $0x1400, s24  }
0x48: {  	[tilespmem:s9], [sflag:$0x1] =	stream.indirect.gather [hbm4b:s3+s8], $0x10, s25, s8, $0xb8;
	[tilespmem:$0x7800] =	vst v63  }
0x49: {  	p0 =	sne.s32 s24, $0x8C00;
	s24 =	sadd.s32 $0x80, s25  }
0x4a: {  	[tilespmem:s10], [sflag:$0x1] =	stream.indirect.gather [hbm4b:s3+s8], $0x10, s24, s8, $0xb8;
	[tilespmem:$0x7800] =	vst v63  }
0x4b: {  	s24 =	sadd.s32 $0x100, s25  }
0x4c: {  	[tilespmem:s11], [sflag:$0x1] =	stream.indirect.gather [hbm4b:s3+s8], $0x10, s24, s8, $0xb8;
	[tilespmem:$0x7800] =	vst v63  }
0x4d: {  	s24 =	sadd.s32 $0x180, s25  }
0x4e: {  	[tilespmem:s12], [sflag:$0x1] =	stream.indirect.gather [hbm4b:s3+s8], $0x10, s24, s8, $0xb8;
	[tilespmem:$0x7800] =	vst v63  }
0x4f: {  	s24 =	sadd.s32 $0x200, s25  }
0x50: {  	[tilespmem:s13], [sflag:$0x1] =	stream.indirect.gather [hbm4b:s3+s8], $0x10, s24, s8, $0xb8;
	[tilespmem:$0x7800] =	vst v63  }
0x51: {  	s24 =	sadd.s32 $0x280, s25  }
0x52: {  	[tilespmem:s14], [sflag:$0x1] =	stream.indirect.gather [hbm4b:s3+s8], $0x10, s24, s8, $0xb8;
	[tilespmem:$0x7800] =	vst v63  }
0x53: {  	s24 =	sadd.s32 $0x300, s25  }
0x54: {  	[tilespmem:s15], [sflag:$0x1] =	stream.indirect.gather [hbm4b:s3+s8], $0x10, s24, s8, $0xb8;
	[tilespmem:$0x7800] =	vst v63  }
0x55: {  	s24 =	sadd.s32 $0x380, s25  }
0x56: {  	[tilespmem:s16], [sflag:$0x1] =	stream.indirect.gather [hbm4b:s3+s8], $0x10, s24, s8, $0xb8;
	[tilespmem:$0x7800] =	vst v63  }
0x57: {  	s24 =	sadd.s32 $0x400, s25  }
0x58: {  	[tilespmem:s17], [sflag:$0x1] =	stream.indirect.gather [hbm4b:s3+s8], $0x10, s24, s8, $0xb8;
	[tilespmem:$0x7800] =	vst v63  }
0x59: {  	s24 =	sadd.s32 $0x480, s25  }
0x5a: {  	[tilespmem:s18], [sflag:$0x1] =	stream.indirect.gather [hbm4b:s3+s8], $0x10, s24, s8, $0xb8;
	[tilespmem:$0x7800] =	vst v63  }
0x5b: {  	_ =	swait.ge [sflag:s19], $0x800  }
0x5c: {  	[sflag:s19] =	ssyncset.done $0x0  }
0x5d: {  	[sflag:s19] =	ssyncadd.s32 $0xFFFFF800  }
0x5e: {  	_ =	swait.ge [sflag:s19], $0x800  }
0x5f: {  	[sflag:s19] =	ssyncset.done $0x0  }
0x60: {  	[sflag:s19] =	ssyncadd.s32 $0xFFFFF800  }
0x61: {  	_ =	swait.ge [sflag:s19], $0x800  }
0x62: {  	[sflag:s19] =	ssyncset.done $0x0  }
0x63: {  	[sflag:s19] =	ssyncadd.s32 $0xFFFFF800  }
0x64: {  	_ =	swait.ge [sflag:s19], $0x800  }
0x65: {  	[sflag:s19] =	ssyncset.done $0x0  }
0x66: {  	[sflag:s19] =	ssyncadd.s32 $0xFFFFF800  }
0x67: {  	_ =	swait.ge [sflag:s19], $0x800  }
0x68: {  	[sflag:s19] =	ssyncset.done $0x0  }
0x69: {  	[sflag:s19] =	ssyncadd.s32 $0xFFFFF800  }
0x6a: {  	_ =	swait.ge [sflag:s19], $0x800  }
0x6b: {  	[sflag:s19] =	ssyncset.done $0x0  }
0x6c: {  	[sflag:s19] =	ssyncadd.s32 $0xFFFFF800  }
0x6d: {  	_ =	swait.ge [sflag:s19], $0x800  }
0x6e: {  	[sflag:s19] =	ssyncset.done $0x0  }
0x6f: {  	[sflag:s19] =	ssyncadd.s32 $0xFFFFF800  }
0x70: {  	_ =	swait.ge [sflag:s19], $0x800  }
0x71: {  	[sflag:s19] =	ssyncset.done $0x0  }
0x72: {  	[sflag:s19] =	ssyncadd.s32 $0xFFFFF800  }
0x73: {  	_ =	swait.ge [sflag:s19], $0x800  }
0x74: {  	[sflag:s19] =	ssyncset.done $0x0  }
0x75: {  	[sflag:s19] =	ssyncadd.s32 $0xFFFFF800  }
0x76: {  	_ =	swait.ge [sflag:s19], $0x800  }
.Ltmp0:
0x77: {  	[sflag:s19] =	ssyncset.done $0x0;
	(pc) =	sbr.rel @p0 .LBB2_2-.Ltmp0, $4  }
0x78: {  	[sflag:s19] =	ssyncadd.s32 $0xFFFFF800  }
0x79: {  	[hbm4b:s21+s2] =	stream.linear.scatter [tilespmem:s9], [sflag:$0x2], $0x5000, $0x38;
	[tilespmem:$0x7800] =	vst v63  }
0x7a: {  	_ =	swait.ge [sflag:s7], $0x5000  }
0x7b: {  	s24 =	smov.u32 s23;
	s21 =	sadd.s32 $0xA00, s21;
	[sflag:s7] =	ssyncset.done $0x0  }
0x7c: {  	s22 =	sshra.s32 s22, $0x2;
	[sflag:s7] =	ssyncadd.s32 $0xFFFFB000  }
0x7d: {  	[tilespmem:s9], [sflag:$0x1] =	stream.indirect.gather [hbm4b:s3+s8], $0x10, s22, s8, $0xb8;
	[tilespmem:$0x7800] =	vst v63  }
0x7e: {  	s23 =	sadd.s32 $0x80, s22  }
0x7f: {  	[tilespmem:s10], [sflag:$0x1] =	stream.indirect.gather [hbm4b:s3+s8], $0x10, s23, s8, $0xb8;
	[tilespmem:$0x7800] =	vst v63  }
0x80: {  	s24 =	sadd.s32 $0x100, s22  }
0x81: {  	[tilespmem:s11], [sflag:$0x1] =	stream.indirect.gather [hbm4b:s3+s8], $0x10, s24, s8, $0xb8;
	[tilespmem:$0x7800] =	vst v63  }
0x82: {  	s25 =	sadd.s32 $0x180, s22  }
0x83: {  	[tilespmem:s12], [sflag:$0x1] =	stream.indirect.gather [hbm4b:s3+s8], $0x10, s25, s8, $0xb8;
	[tilespmem:$0x7800] =	vst v63  }
0x84: {  	s26 =	sadd.s32 $0x200, s22  }
0x85: {  	[tilespmem:s13], [sflag:$0x1] =	stream.indirect.gather [hbm4b:s3+s8], $0x10, s26, s8, $0xb8;
	[tilespmem:$0x7800] =	vst v63  }
0x86: {  	s28 =	sadd.s32 $0x280, s22  }
0x87: {  	[tilespmem:s14], [sflag:$0x1] =	stream.indirect.gather [hbm4b:s3+s8], $0x10, s28, s8, $0xb8;
	[tilespmem:$0x7800] =	vst v63  }
0x88: {  	s29 =	sadd.s32 $0x300, s22  }
0x89: {  	[tilespmem:s15], [sflag:$0x1] =	stream.indirect.gather [hbm4b:s3+s8], $0x10, s29, s8, $0xb8;
	[tilespmem:$0x7800] =	vst v63  }
0x8a: {  	s30 =	sadd.s32 $0x380, s22  }
0x8b: {  	[tilespmem:s16], [sflag:$0x1] =	stream.indirect.gather [hbm4b:s3+s8], $0x10, s30, s8, $0xb8;
	[tilespmem:$0x7800] =	vst v63  }
0x8c: {  	s31 =	sadd.s32 $0x400, s22  }
0x8d: {  	[tilespmem:s17], [sflag:$0x1] =	stream.indirect.gather [hbm4b:s3+s8], $0x10, s31, s8, $0xb8;
	[tilespmem:$0x7800] =	vst v63  }
0x8e: {  	s22 =	sadd.s32 $0x480, s22  }
0x8f: {  	[tilespmem:s18], [sflag:$0x1] =	stream.indirect.gather [hbm4b:s3+s8], $0x10, s22, s8, $0xb8;
	[tilespmem:$0x7800] =	vst v63  }
0x90: {  	_ =	swait.ge [sflag:s19], $0x800  }
0x91: {  	[sflag:s19] =	ssyncset.done $0x0  }
0x92: {  	[sflag:s19] =	ssyncadd.s32 $0xFFFFF800  }
0x93: {  	_ =	swait.ge [sflag:s19], $0x800  }
0x94: {  	[sflag:s19] =	ssyncset.done $0x0  }
0x95: {  	[sflag:s19] =	ssyncadd.s32 $0xFFFFF800  }
0x96: {  	_ =	swait.ge [sflag:s19], $0x800  }
0x97: {  	[sflag:s19] =	ssyncset.done $0x0  }
0x98: {  	[sflag:s19] =	ssyncadd.s32 $0xFFFFF800  }
0x99: {  	_ =	swait.ge [sflag:s19], $0x800  }
0x9a: {  	[sflag:s19] =	ssyncset.done $0x0  }
0x9b: {  	[sflag:s19] =	ssyncadd.s32 $0xFFFFF800  }
0x9c: {  	_ =	swait.ge [sflag:s19], $0x800  }
0x9d: {  	[sflag:s19] =	ssyncset.done $0x0  }
0x9e: {  	[sflag:s19] =	ssyncadd.s32 $0xFFFFF800  }
0x9f: {  	_ =	swait.ge [sflag:s19], $0x800  }
0xa0: {  	[sflag:s19] =	ssyncset.done $0x0  }
0xa1: {  	[sflag:s19] =	ssyncadd.s32 $0xFFFFF800  }
0xa2: {  	_ =	swait.ge [sflag:s19], $0x800  }
0xa3: {  	[sflag:s19] =	ssyncset.done $0x0  }
0xa4: {  	[sflag:s19] =	ssyncadd.s32 $0xFFFFF800  }
0xa5: {  	_ =	swait.ge [sflag:s19], $0x800  }
0xa6: {  	[sflag:s19] =	ssyncset.done $0x0  }
0xa7: {  	[sflag:s19] =	ssyncadd.s32 $0xFFFFF800  }
0xa8: {  	_ =	swait.ge [sflag:s19], $0x800  }
0xa9: {  	[sflag:s19] =	ssyncset.done $0x0  }
0xaa: {  	[sflag:s19] =	ssyncadd.s32 $0xFFFFF800  }
0xab: {  	s20 =	sadd.s32 $0x1, s20;
	_ =	swait.ge [sflag:s19], $0x800  }
0xac: {  	p0 =	sne.s32 s20, s5;
	[sflag:s19] =	ssyncset.done $0x0  }
.Ltmp1:
0xad: {  	[sflag:s19] =	ssyncadd.s32 $0xFFFFF800;
	(pc) =	sbr.rel @p0 .LBB2_1-.Ltmp1, $4  }
0xae: {  	[hbm4b:s21+s2] =	stream.linear.scatter [tilespmem:s9], [sflag:$0x2], $0x5000, $0x38;
	[tilespmem:$0x7800] =	vst v63  }
0xaf: {  	_ =	swait.ge [sflag:s7], $0x5000  }
0xb0: {  	[sflag:s7] =	ssyncset.done $0x0  }
0xb1: {  	[sflag:s7] =	ssyncadd.s32 $0xFFFFB000  }
0xb2: {  	_ =	sfence.sel $0x180000  }
0xb3: {  	[bflag:$0x0] =	sbarrier.arrive $0xFFFF  }
0xb4: {  	p0 =	sne.s32 s0, $0x0;
	_ =	strace $0x90000047  }
0xb5: {  	s0 =	sadd.s32 @!p0 $0x100000, s1;
	[bflag:$0x2] =	sbarrier.arrive $0xFFFF  }
0xb6: {  	[sflag:s0] =	ssyncadd.tile.s32 @!p0 $0x1;
	_ =	shalt  }
.Lfunc_end2:
_tile_overlayer_lowered:
.L_overlay_start_2:
0xb7: {  	(tag) =	ssettag $0x2  }
0xb8: {  	s0 =	rddreg [dreg:$0x0];
	s2 =	stileid.u32  }
0xb9: {  	s1 =	rddreg [dreg:$0x1];
	p0 =	sne.s32 s2, $0x0  }
0xba: {  	s3 =	rddreg [dreg:$0x2];
	[bflag:$0x3] =	sbarrier.arrive $0xFFFF;
	s2 =	simm.s32 @!p0 $0x1C02  }
0xbb: {  	[timem:s3], [sflag:s2] =	dma.local @!p0 [hbm:s0], s1  }
0xbc: {  	s0 =	simm.s32 @!p0 $0x2  }
0xbd: {  	_ =	swait.ge @!p0 [sflag:s0], s1  }
0xbe: {  	s1 =	ssub.s32 @!p0 $0x0, s1;
	[sflag:s0] =	ssyncset.done @!p0 $0x0  }
0xbf: {  	[sflag:s0] =	ssyncadd.s32 @!p0 s1  }
0xc0: {  	[bflag:$0x3] =	sbarrier.arrive $0xFFFF  }
0xc1: {  	_ =	shalt  }

// kernel: kernel.24.cloned.1.call-start
scs
__scs_entry_jumppad:
0x0: {  	(pc) =	sbr.rel $0x88, $3  }
0x1: {  	(tag) =	ssettag $0x0;
	lr =	simm.s32 $0x1  }
0x2: {  	[smem:$0x3F8E] =	sst lr;
	_ =	strace $0xD0000000  }
0x3: {  	_ = 	snop  }
0x4: {  	_ = 	snop  }
0x5: {  	_ = 	snop  }
0x6: {  	_ = 	snop  }
0x7: {  	_ = 	snop  }
__scs_overlays_trampoline_lowered:
0x8: {  	[smem:$0x3F9D] =	sst s0  }
0x9: {  	[smem:$0x3F9E] =	sst s1  }
0xa: {  	[smem:$0x3F9F] =	sst s2  }
0xb: {  	[smem:$0x3FA0] =	sst s3  }
0xc: {  	[smem:$0x3FA1] =	sst s4  }
0xd: {  	[smem:$0x3FA2] =	sst s5  }
0xe: {  	[smem:$0x3FA3] =	sst s6  }
0xf: {  	[smem:$0x3FA4] =	sst s7  }
0x10: {  	[smem:$0x3FA5] =	sst s8  }
0x11: {  	[smem:$0x3FA6] =	sst s9;
	s0 =	simm.s32 @!p0 $0x0  }
0x12: {  	s1 =	sld [smem:$0x3F8C];
	s0 =	simm.s32 @p0 $0x1  }
0x13: {  	[smem:$0x3FA7] =	sst s0;
	s0 =	simm.s32 @!p1 $0x0  }
0x14: {  	s2 =	sld [smem:$0x3F8B];
	s0 =	simm.s32 @p1 $0x1  }
0x15: {  	[smem:$0x3FA8] =	sst s0;
	s0 =	simm.s32 @!p2 $0x0  }
0x16: {  	s3 =	sld [smem:$0x3FDB];
	s0 =	simm.s32 @p2 $0x1  }
0x17: {  	s4 =	simm.s32 $0x1BF5;
	[smem:$0x3FAA] =	sst s0  }
0x18: {  	s0 =	sld [smem:$0x3F8D];
	_ =	swait.ge [sflag:s4], $0x0  }
0x19: {  	s7 =	sld [smem:$0x3F8E]  }
0x1a: {  	s8 =	sadd.s32 $0xFFFFE003, lr  }
0x1b: {  	s9 =	sadd.s32 $0xFFFFFEF7, lr;
	s5 =	simm.s32 $0xFFFFFFFF;
	p2 =	slt.u32 s8, $0xFFFFF086  }
0x1c: {  	p1 =	slt.u32 s9, $0xF7A;
	s5 =	simm.s32 @!p2 $0x0  }
0x1d: {  	s5 =	simm.s32 @p1 $0x1;
	p0 =	seq.s32 s7, s2  }
0x1e: {  	s7 =	smul.u32 @!p0 $0xF7A, s2;
	p2 =	seq.s32 @!p0 s5, $0x0  }
0x1f: {  	s9 =	smul.u32 $0xF7A, s1;
	s8 =	simm.s32 @!p0 $0x1BF5;
	p2 =	por !p2, p0  }
0x20: {  	[sflag:s8] =	ssyncset.s32 @!p0 $0xFFFFF086;
	s6 =	sadd.s32 @!p0 s3, s7;
	s7 =	simm.s32 @!p0 $0x108  }
0x21: {  	s3 =	sadd.s32 s3, s9;
	s6 =	sadd.s32 @!p0 $0x88, s6;
	s7 =	simm.s32 @p2 $0x1082  }
0x22: {  	[simem:s7], [sflag:s8] =	dma.local @!p0 [hbm:s6], $0xF7A  }
0x23: {  	s9 =	sor.u32 $0xD0000000, s2;
	s6 =	simm.s32 $0x108;
	_ =	swait.ge @!p0 [sflag:s8], $0x0  }
0x24: {  	s3 =	sadd.s32 $0x88, s3;
	s6 =	simm.s32 @!p1 $0x1082;
	[sflag:s4] =	ssyncset.s32 $0xFFFFF086  }
0x25: {  	[simem:s6], [sflag:s4] =	dma.local [hbm:s3], $0xF7A  }
0x26: {  	[smem:$0x3F8E] =	sst s1;
	(tag) =	ssettag s2;
	_ =	strace s9  }
0x27: {  	s1 =	sld [smem:$0x3F9E]  }
0x28: {  	s2 =	sld [smem:$0x3F9F]  }
0x29: {  	s4 =	sld [smem:$0x3FA1]  }
0x2a: {  	p0 =	seq.s32 s5, $0x0;
	s5 =	sld [smem:$0x3FA2]  }
0x2b: {  	s6 =	sld [smem:$0x3FA3]  }
0x2c: {  	s7 =	sld [smem:$0x3FA4]  }
0x2d: {  	s3 =	simm.s32 $0x108;
	s8 =	sld [smem:$0x3FA5]  }
0x2e: {  	s3 =	simm.s32 @!p0 $0x1082;
	s9 =	sld [smem:$0x3FA6]  }
0x2f: {  	lr =	sadd.s32 s0, s3;
	s0 =	sld [smem:$0x3F9D]  }
0x30: {  	s3 =	sld [smem:$0x3FA0]  }
0x31: {  	[smem:$0x3FA9] =	sst s10  }
0x32: {  	s10 =	sld [smem:$0x3FA7];
	_ =	sdelay $0x3  }
0x33: {  	p0 =	seq.s32 s10, $0x1;
	s10 =	sld [smem:$0x3FA9];
	_ =	sdelay $0x3  }
0x34: {  	[smem:$0x3FA9] =	sst s10  }
0x35: {  	s10 =	sld [smem:$0x3FA8];
	_ =	sdelay $0x3  }
0x36: {  	p1 =	seq.s32 s10, $0x1;
	s10 =	sld [smem:$0x3FA9];
	_ =	sdelay $0x3  }
0x37: {  	[smem:$0x3FA9] =	sst s10  }
0x38: {  	s10 =	sld [smem:$0x3FAA]  }
0x39: {  	_ = 	snop;
	(pc) =	sbr.ind lr, $3  }
0x3a: {  	_ = 	snop  }
0x3b: {  	_ = 	snop  }
0x3c: {  	p2 =	seq.s32 s10, $0x1;
	s10 =	sld [smem:$0x3FA9]  }
0x3d: {  	_ =	shalt  }
0x3e: {  	_ =	shalt  }
0x3f: {  	_ =	shalt  }
0x40: {  	_ =	shalt  }
0x41: {  	_ =	shalt  }
0x42: {  	_ =	shalt  }
0x43: {  	_ =	shalt  }
0x44: {  	_ =	shalt  }
0x45: {  	_ =	shalt  }
0x46: {  	_ =	shalt  }
0x47: {  	_ =	shalt  }
0x48: {  	_ =	shalt  }
0x49: {  	_ =	shalt  }
0x4a: {  	_ =	shalt  }
0x4b: {  	_ =	shalt  }
0x4c: {  	_ =	shalt  }
0x4d: {  	_ =	shalt  }
0x4e: {  	_ =	shalt  }
0x4f: {  	_ =	shalt  }
0x50: {  	_ =	shalt  }
0x51: {  	_ =	shalt  }
0x52: {  	_ =	shalt  }
0x53: {  	_ =	shalt  }
0x54: {  	_ =	shalt  }
0x55: {  	_ =	shalt  }
0x56: {  	_ =	shalt  }
0x57: {  	_ =	shalt  }
0x58: {  	_ =	shalt  }
0x59: {  	_ =	shalt  }
0x5a: {  	_ =	shalt  }
0x5b: {  	_ =	shalt  }
0x5c: {  	_ =	shalt  }
0x5d: {  	_ =	shalt  }
0x5e: {  	_ =	shalt  }
0x5f: {  	_ =	shalt  }
0x60: {  	_ =	shalt  }
0x61: {  	_ =	shalt  }
0x62: {  	_ =	shalt  }
0x63: {  	_ =	shalt  }
0x64: {  	_ =	shalt  }
0x65: {  	_ =	shalt  }
0x66: {  	_ =	shalt  }
0x67: {  	_ =	shalt  }
0x68: {  	_ =	shalt  }
0x69: {  	_ =	shalt  }
0x6a: {  	_ =	shalt  }
0x6b: {  	_ =	shalt  }
0x6c: {  	_ =	shalt  }
0x6d: {  	_ =	shalt  }
0x6e: {  	_ =	shalt  }
0x6f: {  	_ =	shalt  }
0x70: {  	_ =	shalt  }
0x71: {  	_ =	shalt  }
0x72: {  	_ =	shalt  }
0x73: {  	_ =	shalt  }
0x74: {  	_ =	shalt  }
0x75: {  	_ =	shalt  }
0x76: {  	_ =	shalt  }
0x77: {  	_ =	shalt  }
0x78: {  	_ =	shalt  }
0x79: {  	_ =	shalt  }
0x7a: {  	_ =	shalt  }
0x7b: {  	_ =	shalt  }
0x7c: {  	_ =	shalt  }
0x7d: {  	_ =	shalt  }
0x7e: {  	_ =	shalt  }
0x7f: {  	_ =	shalt  }
0x80: {  	_ =	shalt  }
0x81: {  	_ =	shalt  }
0x82: {  	_ =	shalt  }
0x83: {  	_ =	shalt  }
0x84: {  	_ =	shalt  }
0x85: {  	_ =	shalt  }
0x86: {  	_ =	shalt  }
0x87: {  	_ =	shalt  }
.Lfunc_end0:
.L_simem_size_0:
called_computation.1_lowered:
.L_overlay_start_0:
0x88: {  	s2 =	sld [smem:$0x3FD9]  }
0x89: {  	s3 =	sld [smem:$0x3FFE];
	_ =	sdelay $0x1  }
0x8a: {  	s1 =	srdreg.scid  }
0x8b: {  	s0 =	sand.u32 $0x1, s1  }
0x8c: {  	s16 =	sshll.u32 s0, $0xA;
	s2 =	sadd.s32 s3, s2  }
0x8d: {  	s2 =	sadd.s32 s2, s16  }
0x8e: {  	[smem:$0x3FB5] =	sst s2  }
0x8f: {  	_ = 	snop  }
0x90: {  	(tm) =	ssettm $0x1  }
0x91: {  	s17 =	sld [smem:$0x3FFB];
	_ =	sdelay $0x3  }
0x92: {  	_ =	strace s17  }
0x93: {  	s2 =	sld [smem:$0x3FFC];
	_ =	sdelay $0x3  }
0x94: {  	_ =	strace s2  }
0x95: {  	s2 =	sld [smem:$0x3FFD];
	_ =	sdelay $0x3  }
0x96: {  	_ =	strace s2  }
0x97: {  	_ =	strace $0x8FFFFFFF  }
0x98: {  	s18 =	sld [smem:$0x3FDB];
	_ =	sdelay $0x1  }
0x99: {  	s19 =	simm.s32 $_scs_section_size  }
0x9a: {  	s4 =	simm.s32 $_size__tile_overlayer_lowered;
	s5 =	simm.s32 $_tile_overlayer_lowered  }
0x9b: {  	s22 =	simm.s32 $0x1BFF;
	s21 =	sshll.u32 s5, $0x1;
	s2 =	sadd.s32 s19, s18  }
0x9c: {  	s6 =	simm.s32 $0x0;
	s20 =	sshll.u32 s4, $0x1;
	s4 =	sadd.s32 s21, s2  }
0x9d: {  	[timem:s6], [sflag:s22] =	dma.local [hbm:s4], s20  }
0x9e: {  	_ =	swait.ge [sflag:s22], s20  }
0x9f: {  	s3 =	ssub.s32 $0x0, s20;
	[sflag:s22] =	ssyncset.done $0x0  }
0xa0: {  	[sflag:s22] =	ssyncadd.s32 s3;
	_ =	sdelay $0x1  }
0xa1: {  	s23 =	simm.s32 $0x1B8B  }
0xa2: {  	_ =	swait.ge [sflag:s23], $0x1  }
0xa3: {  	[sflag:s23] =	ssyncset.done $0x0  }
0xa4: {  	s25 =	simm.s32 $0x1B8E;
	s24 =	sld [smem:$0x3FFE];
	[sflag:s23] =	ssyncadd.s32 $0xFFFFFFFF  }
0xa5: {  	s26 =	simm.s32 $execute0_lowered;
	[smem:$0x3FD2] =	sst s25  }
0xa6: {  	s4 =	sshll.u32 s26, $0x1;
	_ =	strace $0x80000049;
	[dreg:$0x1] =	wrdreg $0xFFFFFFFF  }
0xa7: {  	s28 =	simm.s32 $_size_execute0_lowered;
	s2 =	sadd.s32 s2, s4;
	[dreg:$0x0] =	wrdreg $0x0  }
0xa8: {  	s4 =	sshll.u32 s28, $0x1;
	[dreg:$0x2] =	wrdreg s2  }
0xa9: {  	[dreg:$0x3] =	wrdreg s4  }
0xaa: {  	[dreg:$0x4] =	wrdreg $0xC0  }
0xab: {  	_ =	task [dreg:s6], $0x5FFFF  }
0xac: {  	[dreg:$0x1] =	wrdreg $0xFFFFFFFF  }
0xad: {  	[dreg:$0x0] =	wrdreg $0x60  }
0xae: {  	[dreg:$0x2] =	wrdreg s24  }
0xaf: {  	[dreg:$0x3] =	wrdreg $0x9  }
0xb0: {  	_ =	task.clear_ibuf [dreg:s6], $0x4FFFF;
	_ =	strace $0x90000049  }
0xb1: {  	s29 =	simm.s32 $0x9;
	_ =	strace $0x8000004B  }
0xb2: {  	_ =	swait.ge [sflag:s29], $0x1  }
0xb3: {  	[sflag:s29] =	ssyncadd.s32 $0xFFFFFFFF  }
0xb4: {  	_ =	strace $0x9000004B  }
0xb5: {  	_ =	sfence  }
0xb6: {  	s30 =	sld [smem:$0x0];
	_ =	sdelay $0x2  }
0xb7: {  	s31 =	sshll.u32 s1, $0xD;
	s1 =	sshrl.u32 s1, $0x2  }
0xb8: {  	s3 =	sand.u32 $0x4000, s31;
	s1 =	sadd.s32 s1, s30  }
0xb9: {  	s0 =	sor.u32 s3, s0;
	s1 =	sshll.u32 s1, $0x11  }
0xba: {  	s0 =	sor.u32 s1, s0  }
0xbb: {  	s0 =	sadd.s32 $0x8F2B, s0  }
0xbc: {  	[sflag:s0] =	ssyncadd.remote.s32 $0x1  }
0xbd: {  	_ =	sfence.sel $0xFFFF  }
0xbe: {  	[dreg:$0x0] =	wrdreg $0xFFFFFFFF;
	(pc) =	sbr.abs _section_cstart, $3  }
0xbf: {  	[dreg:$0x1] =	wrdreg $0xFFFFFFFF  }
0xc0: {  	_ =	task.clear_ibuf [dreg:s6], $0x2FFFF;
	_ =	strace $0x9FFFFFFF  }
0xc1: {  	(tm) =	ssettm $0x7FFFFFFF  }
tec
execute0_lowered:
.L_overlay_start_1:
0x0: {  	(tag) =	ssettag $0x1  }
0x1: {  	s1 =	srdreg.scid  }
0x2: {  	s0 =	stileid.u32;
	s4 =	rddreg [dreg:$0x0];
	s2 =	simm.s32 $0x0  }
0x3: {  	s10 =	simm.s32 $0x4800;
	s11 =	simm.s32 $0x6800;
	s12 =	simm.s32 $0x8800  }
0x4: {  	s13 =	simm.s32 $0xA800;
	s14 =	simm.s32 $0xC800;
	s15 =	simm.s32 $0xE800  }
0x5: {  	s16 =	simm.s32 $0x10800;
	s17 =	simm.s32 $0x12800;
	s18 =	simm.s32 $0x14800  }
0x6: {  	s19 =	simm.s32 $0x1;
	s3 =	sand.u32 $0x1, s1;
	s1 =	rddreg [dreg:$0x1]  }
0x7: {  	s20 =	simm.s32 $0x0;
	s5 =	sshll.u32 s0, $0x1;
	[smem:$0x7FF] =	sst s2  }
0x8: {  	s6 =	smul.u32 $0x28000, s0;
	s5 =	sor.u32 s3, s5;
	_ =	strace $0x8000004A  }
0x9: {  	s7 =	ssub.s32 $0x2, s3;
	s9 =	smul.u32 $0x14000, s3;
	s3 =	sadd.s32 $0x47000, s4  }
0xa: {  	s5 =	smul.u32 $0x500, s5;
	s8 =	sshrl.u32 s7, $0x1;
	s6 =	sadd.s32 s6, s4  }
0xb: {  	s7 =	ssub.s32 s7, s8;
	s6 =	sadd.s32 s9, s6;
	s8 =	simm.s32 $0x80  }
0xc: {  	s9 =	simm.s32 $0x2800;
	s5 =	sadd.s32 s5, s4;
	s6 =	sadd.s32 $0x71000, s6  }
0xd: {  	s4 =	sadd.s32 $0x67000, s5;
	s5 =	smax.u32 s7, $0x1;
	s7 =	simm.s32 $0x2  }
.LBB2_1:
0xe: {  	[tilespmem:s2], [sflag:$0x2] =	stream.linear.gather [hbm4b:s4+s2], $0x2800, $0x38;
	[tilespmem:$0x16800] =	vst v63  }
0xf: {  	_ =	swait.ge [sflag:s7], $0x2800  }
0x10: {  	[sflag:s7] =	ssyncset.done $0x0  }
0x11: {  	s21 =	simm.s32 $0x0;
	[sflag:s7] =	ssyncadd.s32 $0xFFFFD800  }
0x12: {  	[tilespmem:s9], [sflag:$0x1] =	stream.indirect.gather [hbm4b:s3+s8], $0x40, s21, s8, $0xb8;
	[tilespmem:$0x16800] =	vst v63  }
0x13: {  	s22 =	simm.s32 $0x80  }
0x14: {  	[tilespmem:s10], [sflag:$0x1] =	stream.indirect.gather [hbm4b:s3+s8], $0x40, s22, s8, $0xb8;
	[tilespmem:$0x16800] =	vst v63  }
0x15: {  	s23 =	simm.s32 $0x100  }
0x16: {  	[tilespmem:s11], [sflag:$0x1] =	stream.indirect.gather [hbm4b:s3+s8], $0x40, s23, s8, $0xb8;
	[tilespmem:$0x16800] =	vst v63  }
0x17: {  	s24 =	simm.s32 $0x180  }
0x18: {  	[tilespmem:s12], [sflag:$0x1] =	stream.indirect.gather [hbm4b:s3+s8], $0x40, s24, s8, $0xb8;
	[tilespmem:$0x16800] =	vst v63  }
0x19: {  	s25 =	simm.s32 $0x200  }
0x1a: {  	[tilespmem:s13], [sflag:$0x1] =	stream.indirect.gather [hbm4b:s3+s8], $0x40, s25, s8, $0xb8;
	[tilespmem:$0x16800] =	vst v63  }
0x1b: {  	s26 =	simm.s32 $0x280  }
0x1c: {  	[tilespmem:s14], [sflag:$0x1] =	stream.indirect.gather [hbm4b:s3+s8], $0x40, s26, s8, $0xb8;
	[tilespmem:$0x16800] =	vst v63  }
0x1d: {  	s28 =	simm.s32 $0x300  }
0x1e: {  	[tilespmem:s15], [sflag:$0x1] =	stream.indirect.gather [hbm4b:s3+s8], $0x40, s28, s8, $0xb8;
	[tilespmem:$0x16800] =	vst v63  }
0x1f: {  	s29 =	simm.s32 $0x380  }
0x20: {  	[tilespmem:s16], [sflag:$0x1] =	stream.indirect.gather [hbm4b:s3+s8], $0x40, s29, s8, $0xb8;
	[tilespmem:$0x16800] =	vst v63  }
0x21: {  	s30 =	simm.s32 $0x400  }
0x22: {  	[tilespmem:s17], [sflag:$0x1] =	stream.indirect.gather [hbm4b:s3+s8], $0x40, s30, s8, $0xb8;
	[tilespmem:$0x16800] =	vst v63  }
0x23: {  	s31 =	simm.s32 $0x480  }
0x24: {  	[tilespmem:s18], [sflag:$0x1] =	stream.indirect.gather [hbm4b:s3+s8], $0x40, s31, s8, $0xb8;
	[tilespmem:$0x16800] =	vst v63  }
0x25: {  	_ =	swait.ge [sflag:s19], $0x2000  }
0x26: {  	[sflag:s19] =	ssyncset.done $0x0  }
0x27: {  	[sflag:s19] =	ssyncadd.s32 $0xFFFFE000  }
0x28: {  	_ =	swait.ge [sflag:s19], $0x2000  }
0x29: {  	[sflag:s19] =	ssyncset.done $0x0  }
0x2a: {  	[sflag:s19] =	ssyncadd.s32 $0xFFFFE000  }
0x2b: {  	_ =	swait.ge [sflag:s19], $0x2000  }
0x2c: {  	[sflag:s19] =	ssyncset.done $0x0  }
0x2d: {  	[sflag:s19] =	ssyncadd.s32 $0xFFFFE000  }
0x2e: {  	_ =	swait.ge [sflag:s19], $0x2000  }
0x2f: {  	[sflag:s19] =	ssyncset.done $0x0  }
0x30: {  	[sflag:s19] =	ssyncadd.s32 $0xFFFFE000  }
0x31: {  	_ =	swait.ge [sflag:s19], $0x2000  }
0x32: {  	[sflag:s19] =	ssyncset.done $0x0  }
0x33: {  	[sflag:s19] =	ssyncadd.s32 $0xFFFFE000  }
0x34: {  	_ =	swait.ge [sflag:s19], $0x2000  }
0x35: {  	[sflag:s19] =	ssyncset.done $0x0  }
0x36: {  	[sflag:s19] =	ssyncadd.s32 $0xFFFFE000  }
0x37: {  	_ =	swait.ge [sflag:s19], $0x2000  }
0x38: {  	[sflag:s19] =	ssyncset.done $0x0  }
0x39: {  	[sflag:s19] =	ssyncadd.s32 $0xFFFFE000  }
0x3a: {  	_ =	swait.ge [sflag:s19], $0x2000  }
0x3b: {  	[sflag:s19] =	ssyncset.done $0x0  }
0x3c: {  	[sflag:s19] =	ssyncadd.s32 $0xFFFFE000  }
0x3d: {  	_ =	swait.ge [sflag:s19], $0x2000  }
0x3e: {  	[sflag:s19] =	ssyncset.done $0x0  }
0x3f: {  	[sflag:s19] =	ssyncadd.s32 $0xFFFFE000  }
0x40: {  	_ =	swait.ge [sflag:s19], $0x2000  }
0x41: {  	[sflag:s19] =	ssyncset.done $0x0  }
0x42: {  	[sflag:s19] =	ssyncadd.s32 $0xFFFFE000  }
0x43: {  	[hbm4b:s6+s2] =	stream.linear.scatter [tilespmem:s9], [sflag:$0x2], $0x14000, $0x38;
	[tilespmem:$0x16800] =	vst v63  }
0x44: {  	s21 =	sadd.s32 $0x2800, s6;
	_ =	swait.ge [sflag:s7], $0x14000  }
0x45: {  	s22 =	simm.s32 $0x1400;
	s24 =	simm.s32 $0x2800;
	[sflag:s7] =	ssyncset.done $0x0  }
.LBB2_2:
0x46: {  	s25 =	sshra.s32 s22, $0x2  }
0x47: {  	[sflag:s7] =	ssyncadd.s32 $0xFFFEC000;
	s22 =	smov.u32 s24;
	s23 =	sadd.s32 $0x1400, s24  }
0x48: {  	[tilespmem:s9], [sflag:$0x1] =	stream.indirect.gather [hbm4b:s3+s8], $0x40, s25, s8, $0xb8;
	[tilespmem:$0x16800] =	vst v63  }
0x49: {  	p0 =	sne.s32 s24, $0x8C00;
	s24 =	sadd.s32 $0x80, s25  }
0x4a: {  	[tilespmem:s10], [sflag:$0x1] =	stream.indirect.gather [hbm4b:s3+s8], $0x40, s24, s8, $0xb8;
	[tilespmem:$0x16800] =	vst v63  }
0x4b: {  	s24 =	sadd.s32 $0x100, s25  }
0x4c: {  	[tilespmem:s11], [sflag:$0x1] =	stream.indirect.gather [hbm4b:s3+s8], $0x40, s24, s8, $0xb8;
	[tilespmem:$0x16800] =	vst v63  }
0x4d: {  	s24 =	sadd.s32 $0x180, s25  }
0x4e: {  	[tilespmem:s12], [sflag:$0x1] =	stream.indirect.gather [hbm4b:s3+s8], $0x40, s24, s8, $0xb8;
	[tilespmem:$0x16800] =	vst v63  }
0x4f: {  	s24 =	sadd.s32 $0x200, s25  }
0x50: {  	[tilespmem:s13], [sflag:$0x1] =	stream.indirect.gather [hbm4b:s3+s8], $0x40, s24, s8, $0xb8;
	[tilespmem:$0x16800] =	vst v63  }
0x51: {  	s24 =	sadd.s32 $0x280, s25  }
0x52: {  	[tilespmem:s14], [sflag:$0x1] =	stream.indirect.gather [hbm4b:s3+s8], $0x40, s24, s8, $0xb8;
	[tilespmem:$0x16800] =	vst v63  }
0x53: {  	s24 =	sadd.s32 $0x300, s25  }
0x54: {  	[tilespmem:s15], [sflag:$0x1] =	stream.indirect.gather [hbm4b:s3+s8], $0x40, s24, s8, $0xb8;
	[tilespmem:$0x16800] =	vst v63  }
0x55: {  	s24 =	sadd.s32 $0x380, s25  }
0x56: {  	[tilespmem:s16], [sflag:$0x1] =	stream.indirect.gather [hbm4b:s3+s8], $0x40, s24, s8, $0xb8;
	[tilespmem:$0x16800] =	vst v63  }
0x57: {  	s24 =	sadd.s32 $0x400, s25  }
0x58: {  	[tilespmem:s17], [sflag:$0x1] =	stream.indirect.gather [hbm4b:s3+s8], $0x40, s24, s8, $0xb8;
	[tilespmem:$0x16800] =	vst v63  }
0x59: {  	s24 =	sadd.s32 $0x480, s25  }
0x5a: {  	[tilespmem:s18], [sflag:$0x1] =	stream.indirect.gather [hbm4b:s3+s8], $0x40, s24, s8, $0xb8;
	[tilespmem:$0x16800] =	vst v63  }
0x5b: {  	_ =	swait.ge [sflag:s19], $0x2000  }
0x5c: {  	[sflag:s19] =	ssyncset.done $0x0  }
0x5d: {  	[sflag:s19] =	ssyncadd.s32 $0xFFFFE000  }
0x5e: {  	_ =	swait.ge [sflag:s19], $0x2000  }
0x5f: {  	[sflag:s19] =	ssyncset.done $0x0  }
0x60: {  	[sflag:s19] =	ssyncadd.s32 $0xFFFFE000  }
0x61: {  	_ =	swait.ge [sflag:s19], $0x2000  }
0x62: {  	[sflag:s19] =	ssyncset.done $0x0  }
0x63: {  	[sflag:s19] =	ssyncadd.s32 $0xFFFFE000  }
0x64: {  	_ =	swait.ge [sflag:s19], $0x2000  }
0x65: {  	[sflag:s19] =	ssyncset.done $0x0  }
0x66: {  	[sflag:s19] =	ssyncadd.s32 $0xFFFFE000  }
0x67: {  	_ =	swait.ge [sflag:s19], $0x2000  }
0x68: {  	[sflag:s19] =	ssyncset.done $0x0  }
0x69: {  	[sflag:s19] =	ssyncadd.s32 $0xFFFFE000  }
0x6a: {  	_ =	swait.ge [sflag:s19], $0x2000  }
0x6b: {  	[sflag:s19] =	ssyncset.done $0x0  }
0x6c: {  	[sflag:s19] =	ssyncadd.s32 $0xFFFFE000  }
0x6d: {  	_ =	swait.ge [sflag:s19], $0x2000  }
0x6e: {  	[sflag:s19] =	ssyncset.done $0x0  }
0x6f: {  	[sflag:s19] =	ssyncadd.s32 $0xFFFFE000  }
0x70: {  	_ =	swait.ge [sflag:s19], $0x2000  }
0x71: {  	[sflag:s19] =	ssyncset.done $0x0  }
0x72: {  	[sflag:s19] =	ssyncadd.s32 $0xFFFFE000  }
0x73: {  	_ =	swait.ge [sflag:s19], $0x2000  }
0x74: {  	[sflag:s19] =	ssyncset.done $0x0  }
0x75: {  	[sflag:s19] =	ssyncadd.s32 $0xFFFFE000  }
0x76: {  	_ =	swait.ge [sflag:s19], $0x2000  }
.Ltmp0:
0x77: {  	[sflag:s19] =	ssyncset.done $0x0;
	(pc) =	sbr.rel @p0 .LBB2_2-.Ltmp0, $4  }
0x78: {  	[sflag:s19] =	ssyncadd.s32 $0xFFFFE000  }
0x79: {  	[hbm4b:s21+s2] =	stream.linear.scatter [tilespmem:s9], [sflag:$0x2], $0x14000, $0x38;
	[tilespmem:$0x16800] =	vst v63  }
0x7a: {  	_ =	swait.ge [sflag:s7], $0x14000  }
0x7b: {  	s24 =	smov.u32 s23;
	s21 =	sadd.s32 $0x2800, s21;
	[sflag:s7] =	ssyncset.done $0x0  }
0x7c: {  	s22 =	sshra.s32 s22, $0x2;
	[sflag:s7] =	ssyncadd.s32 $0xFFFEC000  }
0x7d: {  	[tilespmem:s9], [sflag:$0x1] =	stream.indirect.gather [hbm4b:s3+s8], $0x40, s22, s8, $0xb8;
	[tilespmem:$0x16800] =	vst v63  }
0x7e: {  	s23 =	sadd.s32 $0x80, s22  }
0x7f: {  	[tilespmem:s10], [sflag:$0x1] =	stream.indirect.gather [hbm4b:s3+s8], $0x40, s23, s8, $0xb8;
	[tilespmem:$0x16800] =	vst v63  }
0x80: {  	s24 =	sadd.s32 $0x100, s22  }
0x81: {  	[tilespmem:s11], [sflag:$0x1] =	stream.indirect.gather [hbm4b:s3+s8], $0x40, s24, s8, $0xb8;
	[tilespmem:$0x16800] =	vst v63  }
0x82: {  	s25 =	sadd.s32 $0x180, s22  }
0x83: {  	[tilespmem:s12], [sflag:$0x1] =	stream.indirect.gather [hbm4b:s3+s8], $0x40, s25, s8, $0xb8;
	[tilespmem:$0x16800] =	vst v63  }
0x84: {  	s26 =	sadd.s32 $0x200, s22  }
0x85: {  	[tilespmem:s13], [sflag:$0x1] =	stream.indirect.gather [hbm4b:s3+s8], $0x40, s26, s8, $0xb8;
	[tilespmem:$0x16800] =	vst v63  }
0x86: {  	s28 =	sadd.s32 $0x280, s22  }
0x87: {  	[tilespmem:s14], [sflag:$0x1] =	stream.indirect.gather [hbm4b:s3+s8], $0x40, s28, s8, $0xb8;
	[tilespmem:$0x16800] =	vst v63  }
0x88: {  	s29 =	sadd.s32 $0x300, s22  }
0x89: {  	[tilespmem:s15], [sflag:$0x1] =	stream.indirect.gather [hbm4b:s3+s8], $0x40, s29, s8, $0xb8;
	[tilespmem:$0x16800] =	vst v63  }
0x8a: {  	s30 =	sadd.s32 $0x380, s22  }
0x8b: {  	[tilespmem:s16], [sflag:$0x1] =	stream.indirect.gather [hbm4b:s3+s8], $0x40, s30, s8, $0xb8;
	[tilespmem:$0x16800] =	vst v63  }
0x8c: {  	s31 =	sadd.s32 $0x400, s22  }
0x8d: {  	[tilespmem:s17], [sflag:$0x1] =	stream.indirect.gather [hbm4b:s3+s8], $0x40, s31, s8, $0xb8;
	[tilespmem:$0x16800] =	vst v63  }
0x8e: {  	s22 =	sadd.s32 $0x480, s22  }
0x8f: {  	[tilespmem:s18], [sflag:$0x1] =	stream.indirect.gather [hbm4b:s3+s8], $0x40, s22, s8, $0xb8;
	[tilespmem:$0x16800] =	vst v63  }
0x90: {  	_ =	swait.ge [sflag:s19], $0x2000  }
0x91: {  	[sflag:s19] =	ssyncset.done $0x0  }
0x92: {  	[sflag:s19] =	ssyncadd.s32 $0xFFFFE000  }
0x93: {  	_ =	swait.ge [sflag:s19], $0x2000  }
0x94: {  	[sflag:s19] =	ssyncset.done $0x0  }
0x95: {  	[sflag:s19] =	ssyncadd.s32 $0xFFFFE000  }
0x96: {  	_ =	swait.ge [sflag:s19], $0x2000  }
0x97: {  	[sflag:s19] =	ssyncset.done $0x0  }
0x98: {  	[sflag:s19] =	ssyncadd.s32 $0xFFFFE000  }
0x99: {  	_ =	swait.ge [sflag:s19], $0x2000  }
0x9a: {  	[sflag:s19] =	ssyncset.done $0x0  }
0x9b: {  	[sflag:s19] =	ssyncadd.s32 $0xFFFFE000  }
0x9c: {  	_ =	swait.ge [sflag:s19], $0x2000  }
0x9d: {  	[sflag:s19] =	ssyncset.done $0x0  }
0x9e: {  	[sflag:s19] =	ssyncadd.s32 $0xFFFFE000  }
0x9f: {  	_ =	swait.ge [sflag:s19], $0x2000  }
0xa0: {  	[sflag:s19] =	ssyncset.done $0x0  }
0xa1: {  	[sflag:s19] =	ssyncadd.s32 $0xFFFFE000  }
0xa2: {  	_ =	swait.ge [sflag:s19], $0x2000  }
0xa3: {  	[sflag:s19] =	ssyncset.done $0x0  }
0xa4: {  	[sflag:s19] =	ssyncadd.s32 $0xFFFFE000  }
0xa5: {  	_ =	swait.ge [sflag:s19], $0x2000  }
0xa6: {  	[sflag:s19] =	ssyncset.done $0x0  }
0xa7: {  	[sflag:s19] =	ssyncadd.s32 $0xFFFFE000  }
0xa8: {  	_ =	swait.ge [sflag:s19], $0x2000  }
0xa9: {  	[sflag:s19] =	ssyncset.done $0x0  }
0xaa: {  	[sflag:s19] =	ssyncadd.s32 $0xFFFFE000  }
0xab: {  	s20 =	sadd.s32 $0x1, s20;
	_ =	swait.ge [sflag:s19], $0x2000  }
0xac: {  	p0 =	sne.s32 s20, s5;
	[sflag:s19] =	ssyncset.done $0x0  }
.Ltmp1:
0xad: {  	[sflag:s19] =	ssyncadd.s32 $0xFFFFE000;
	(pc) =	sbr.rel @p0 .LBB2_1-.Ltmp1, $4  }
0xae: {  	[hbm4b:s21+s2] =	stream.linear.scatter [tilespmem:s9], [sflag:$0x2], $0x14000, $0x38;
	[tilespmem:$0x16800] =	vst v63  }
0xaf: {  	_ =	swait.ge [sflag:s7], $0x14000  }
0xb0: {  	[sflag:s7] =	ssyncset.done $0x0  }
0xb1: {  	[sflag:s7] =	ssyncadd.s32 $0xFFFEC000  }
0xb2: {  	_ =	sfence.sel $0x180000  }
0xb3: {  	[bflag:$0x0] =	sbarrier.arrive $0xFFFF  }
0xb4: {  	p0 =	sne.s32 s0, $0x0;
	_ =	strace $0x9000004A  }
0xb5: {  	s0 =	sadd.s32 @!p0 $0x100000, s1;
	[bflag:$0x2] =	sbarrier.arrive $0xFFFF  }
0xb6: {  	[sflag:s0] =	ssyncadd.tile.s32 @!p0 $0x1;
	_ =	shalt  }
.Lfunc_end2:
_tile_overlayer_lowered:
.L_overlay_start_2:
0xb7: {  	(tag) =	ssettag $0x2  }
0xb8: {  	s0 =	rddreg [dreg:$0x0];
	s2 =	stileid.u32  }
0xb9: {  	s1 =	rddreg [dreg:$0x1];
	p0 =	sne.s32 s2, $0x0  }
0xba: {  	s3 =	rddreg [dreg:$0x2];
	[bflag:$0x3] =	sbarrier.arrive $0xFFFF;
	s2 =	simm.s32 @!p0 $0x1C02  }
0xbb: {  	[timem:s3], [sflag:s2] =	dma.local @!p0 [hbm:s0], s1  }
0xbc: {  	s0 =	simm.s32 @!p0 $0x2  }
0xbd: {  	_ =	swait.ge @!p0 [sflag:s0], s1  }
0xbe: {  	s1 =	ssub.s32 @!p0 $0x0, s1;
	[sflag:s0] =	ssyncset.done @!p0 $0x0  }
0xbf: {  	[sflag:s0] =	ssyncadd.s32 @!p0 s1  }
0xc0: {  	[bflag:$0x3] =	sbarrier.arrive $0xFFFF  }
0xc1: {  	_ =	shalt  }

// kernel: kernel.27.cloned.1.call-start
scs
__scs_entry_jumppad:
0x0: {  	(pc) =	sbr.rel $0x88, $3  }
0x1: {  	(tag) =	ssettag $0x0;
	lr =	simm.s32 $0x1  }
0x2: {  	[smem:$0x3F8E] =	sst lr;
	_ =	strace $0xD0000000  }
0x3: {  	_ = 	snop  }
0x4: {  	_ = 	snop  }
0x5: {  	_ = 	snop  }
0x6: {  	_ = 	snop  }
0x7: {  	_ = 	snop  }
__scs_overlays_trampoline_lowered:
0x8: {  	[smem:$0x3F9D] =	sst s0  }
0x9: {  	[smem:$0x3F9E] =	sst s1  }
0xa: {  	[smem:$0x3F9F] =	sst s2  }
0xb: {  	[smem:$0x3FA0] =	sst s3  }
0xc: {  	[smem:$0x3FA1] =	sst s4  }
0xd: {  	[smem:$0x3FA2] =	sst s5  }
0xe: {  	[smem:$0x3FA3] =	sst s6  }
0xf: {  	[smem:$0x3FA4] =	sst s7  }
0x10: {  	[smem:$0x3FA5] =	sst s8  }
0x11: {  	[smem:$0x3FA6] =	sst s9;
	s0 =	simm.s32 @!p0 $0x0  }
0x12: {  	s1 =	sld [smem:$0x3F8C];
	s0 =	simm.s32 @p0 $0x1  }
0x13: {  	[smem:$0x3FA7] =	sst s0;
	s0 =	simm.s32 @!p1 $0x0  }
0x14: {  	s2 =	sld [smem:$0x3F8B];
	s0 =	simm.s32 @p1 $0x1  }
0x15: {  	[smem:$0x3FA8] =	sst s0;
	s0 =	simm.s32 @!p2 $0x0  }
0x16: {  	s3 =	sld [smem:$0x3FDB];
	s0 =	simm.s32 @p2 $0x1  }
0x17: {  	s4 =	simm.s32 $0x1BF5;
	[smem:$0x3FAA] =	sst s0  }
0x18: {  	s0 =	sld [smem:$0x3F8D];
	_ =	swait.ge [sflag:s4], $0x0  }
0x19: {  	s7 =	sld [smem:$0x3F8E]  }
0x1a: {  	s8 =	sadd.s32 $0xFFFFE003, lr  }
0x1b: {  	s9 =	sadd.s32 $0xFFFFFEF7, lr;
	s5 =	simm.s32 $0xFFFFFFFF;
	p2 =	slt.u32 s8, $0xFFFFF086  }
0x1c: {  	p1 =	slt.u32 s9, $0xF7A;
	s5 =	simm.s32 @!p2 $0x0  }
0x1d: {  	s5 =	simm.s32 @p1 $0x1;
	p0 =	seq.s32 s7, s2  }
0x1e: {  	s7 =	smul.u32 @!p0 $0xF7A, s2;
	p2 =	seq.s32 @!p0 s5, $0x0  }
0x1f: {  	s9 =	smul.u32 $0xF7A, s1;
	s8 =	simm.s32 @!p0 $0x1BF5;
	p2 =	por !p2, p0  }
0x20: {  	[sflag:s8] =	ssyncset.s32 @!p0 $0xFFFFF086;
	s6 =	sadd.s32 @!p0 s3, s7;
	s7 =	simm.s32 @!p0 $0x108  }
0x21: {  	s3 =	sadd.s32 s3, s9;
	s6 =	sadd.s32 @!p0 $0x88, s6;
	s7 =	simm.s32 @p2 $0x1082  }
0x22: {  	[simem:s7], [sflag:s8] =	dma.local @!p0 [hbm:s6], $0xF7A  }
0x23: {  	s9 =	sor.u32 $0xD0000000, s2;
	s6 =	simm.s32 $0x108;
	_ =	swait.ge @!p0 [sflag:s8], $0x0  }
0x24: {  	s3 =	sadd.s32 $0x88, s3;
	s6 =	simm.s32 @!p1 $0x1082;
	[sflag:s4] =	ssyncset.s32 $0xFFFFF086  }
0x25: {  	[simem:s6], [sflag:s4] =	dma.local [hbm:s3], $0xF7A  }
0x26: {  	[smem:$0x3F8E] =	sst s1;
	(tag) =	ssettag s2;
	_ =	strace s9  }
0x27: {  	s1 =	sld [smem:$0x3F9E]  }
0x28: {  	s2 =	sld [smem:$0x3F9F]  }
0x29: {  	s4 =	sld [smem:$0x3FA1]  }
0x2a: {  	p0 =	seq.s32 s5, $0x0;
	s5 =	sld [smem:$0x3FA2]  }
0x2b: {  	s6 =	sld [smem:$0x3FA3]  }
0x2c: {  	s7 =	sld [smem:$0x3FA4]  }
0x2d: {  	s3 =	simm.s32 $0x108;
	s8 =	sld [smem:$0x3FA5]  }
0x2e: {  	s3 =	simm.s32 @!p0 $0x1082;
	s9 =	sld [smem:$0x3FA6]  }
0x2f: {  	lr =	sadd.s32 s0, s3;
	s0 =	sld [smem:$0x3F9D]  }
0x30: {  	s3 =	sld [smem:$0x3FA0]  }
0x31: {  	[smem:$0x3FA9] =	sst s10  }
0x32: {  	s10 =	sld [smem:$0x3FA7];
	_ =	sdelay $0x3  }
0x33: {  	p0 =	seq.s32 s10, $0x1;
	s10 =	sld [smem:$0x3FA9];
	_ =	sdelay $0x3  }
0x34: {  	[smem:$0x3FA9] =	sst s10  }
0x35: {  	s10 =	sld [smem:$0x3FA8];
	_ =	sdelay $0x3  }
0x36: {  	p1 =	seq.s32 s10, $0x1;
	s10 =	sld [smem:$0x3FA9];
	_ =	sdelay $0x3  }
0x37: {  	[smem:$0x3FA9] =	sst s10  }
0x38: {  	s10 =	sld [smem:$0x3FAA]  }
0x39: {  	_ = 	snop;
	(pc) =	sbr.ind lr, $3  }
0x3a: {  	_ = 	snop  }
0x3b: {  	_ = 	snop  }
0x3c: {  	p2 =	seq.s32 s10, $0x1;
	s10 =	sld [smem:$0x3FA9]  }
0x3d: {  	_ =	shalt  }
0x3e: {  	_ =	shalt  }
0x3f: {  	_ =	shalt  }
0x40: {  	_ =	shalt  }
0x41: {  	_ =	shalt  }
0x42: {  	_ =	shalt  }
0x43: {  	_ =	shalt  }
0x44: {  	_ =	shalt  }
0x45: {  	_ =	shalt  }
0x46: {  	_ =	shalt  }
0x47: {  	_ =	shalt  }
0x48: {  	_ =	shalt  }
0x49: {  	_ =	shalt  }
0x4a: {  	_ =	shalt  }
0x4b: {  	_ =	shalt  }
0x4c: {  	_ =	shalt  }
0x4d: {  	_ =	shalt  }
0x4e: {  	_ =	shalt  }
0x4f: {  	_ =	shalt  }
0x50: {  	_ =	shalt  }
0x51: {  	_ =	shalt  }
0x52: {  	_ =	shalt  }
0x53: {  	_ =	shalt  }
0x54: {  	_ =	shalt  }
0x55: {  	_ =	shalt  }
0x56: {  	_ =	shalt  }
0x57: {  	_ =	shalt  }
0x58: {  	_ =	shalt  }
0x59: {  	_ =	shalt  }
0x5a: {  	_ =	shalt  }
0x5b: {  	_ =	shalt  }
0x5c: {  	_ =	shalt  }
0x5d: {  	_ =	shalt  }
0x5e: {  	_ =	shalt  }
0x5f: {  	_ =	shalt  }
0x60: {  	_ =	shalt  }
0x61: {  	_ =	shalt  }
0x62: {  	_ =	shalt  }
0x63: {  	_ =	shalt  }
0x64: {  	_ =	shalt  }
0x65: {  	_ =	shalt  }
0x66: {  	_ =	shalt  }
0x67: {  	_ =	shalt  }
0x68: {  	_ =	shalt  }
0x69: {  	_ =	shalt  }
0x6a: {  	_ =	shalt  }
0x6b: {  	_ =	shalt  }
0x6c: {  	_ =	shalt  }
0x6d: {  	_ =	shalt  }
0x6e: {  	_ =	shalt  }
0x6f: {  	_ =	shalt  }
0x70: {  	_ =	shalt  }
0x71: {  	_ =	shalt  }
0x72: {  	_ =	shalt  }
0x73: {  	_ =	shalt  }
0x74: {  	_ =	shalt  }
0x75: {  	_ =	shalt  }
0x76: {  	_ =	shalt  }
0x77: {  	_ =	shalt  }
0x78: {  	_ =	shalt  }
0x79: {  	_ =	shalt  }
0x7a: {  	_ =	shalt  }
0x7b: {  	_ =	shalt  }
0x7c: {  	_ =	shalt  }
0x7d: {  	_ =	shalt  }
0x7e: {  	_ =	shalt  }
0x7f: {  	_ =	shalt  }
0x80: {  	_ =	shalt  }
0x81: {  	_ =	shalt  }
0x82: {  	_ =	shalt  }
0x83: {  	_ =	shalt  }
0x84: {  	_ =	shalt  }
0x85: {  	_ =	shalt  }
0x86: {  	_ =	shalt  }
0x87: {  	_ =	shalt  }
.Lfunc_end0:
.L_simem_size_0:
called_computation.2_lowered:
.L_overlay_start_0:
0x88: {  	s2 =	sld [smem:$0x3FD9]  }
0x89: {  	s3 =	sld [smem:$0x3FFE];
	_ =	sdelay $0x1  }
0x8a: {  	s1 =	srdreg.scid  }
0x8b: {  	s0 =	sand.u32 $0x1, s1  }
0x8c: {  	s16 =	sshll.u32 s0, $0xA;
	s2 =	sadd.s32 s3, s2  }
0x8d: {  	s2 =	sadd.s32 s2, s16  }
0x8e: {  	[smem:$0x3FB5] =	sst s2  }
0x8f: {  	_ = 	snop  }
0x90: {  	(tm) =	ssettm $0x1  }
0x91: {  	s17 =	sld [smem:$0x3FFB];
	_ =	sdelay $0x3  }
0x92: {  	_ =	strace s17  }
0x93: {  	s2 =	sld [smem:$0x3FFC];
	_ =	sdelay $0x3  }
0x94: {  	_ =	strace s2  }
0x95: {  	s2 =	sld [smem:$0x3FFD];
	_ =	sdelay $0x3  }
0x96: {  	_ =	strace s2  }
0x97: {  	_ =	strace $0x8FFFFFFF  }
0x98: {  	s18 =	sld [smem:$0x3FDB];
	_ =	sdelay $0x1  }
0x99: {  	s19 =	simm.s32 $_scs_section_size  }
0x9a: {  	s4 =	simm.s32 $_size__tile_overlayer_lowered;
	s5 =	simm.s32 $_tile_overlayer_lowered  }
0x9b: {  	s22 =	simm.s32 $0x1BFF;
	s21 =	sshll.u32 s5, $0x1;
	s2 =	sadd.s32 s19, s18  }
0x9c: {  	s6 =	simm.s32 $0x0;
	s20 =	sshll.u32 s4, $0x1;
	s4 =	sadd.s32 s21, s2  }
0x9d: {  	[timem:s6], [sflag:s22] =	dma.local [hbm:s4], s20  }
0x9e: {  	_ =	swait.ge [sflag:s22], s20  }
0x9f: {  	s3 =	ssub.s32 $0x0, s20;
	[sflag:s22] =	ssyncset.done $0x0  }
0xa0: {  	[sflag:s22] =	ssyncadd.s32 s3;
	_ =	sdelay $0x1  }
0xa1: {  	s23 =	simm.s32 $0x1B8B  }
0xa2: {  	_ =	swait.ge [sflag:s23], $0x1  }
0xa3: {  	[sflag:s23] =	ssyncset.done $0x0  }
0xa4: {  	s25 =	simm.s32 $0x1B8E;
	s24 =	sld [smem:$0x3FFE];
	[sflag:s23] =	ssyncadd.s32 $0xFFFFFFFF  }
0xa5: {  	s26 =	simm.s32 $execute0_lowered;
	[smem:$0x3FD2] =	sst s25  }
0xa6: {  	s4 =	sshll.u32 s26, $0x1;
	_ =	strace $0x8000004C;
	[dreg:$0x1] =	wrdreg $0xFFFFFFFF  }
0xa7: {  	s28 =	simm.s32 $_size_execute0_lowered;
	s2 =	sadd.s32 s2, s4;
	[dreg:$0x0] =	wrdreg $0x0  }
0xa8: {  	s4 =	sshll.u32 s28, $0x1;
	[dreg:$0x2] =	wrdreg s2  }
0xa9: {  	[dreg:$0x3] =	wrdreg s4  }
0xaa: {  	[dreg:$0x4] =	wrdreg $0xC0  }
0xab: {  	_ =	task [dreg:s6], $0x5FFFF  }
0xac: {  	[dreg:$0x1] =	wrdreg $0xFFFFFFFF  }
0xad: {  	[dreg:$0x0] =	wrdreg $0x60  }
0xae: {  	[dreg:$0x2] =	wrdreg s24  }
0xaf: {  	[dreg:$0x3] =	wrdreg $0x9  }
0xb0: {  	_ =	task.clear_ibuf [dreg:s6], $0x4FFFF;
	_ =	strace $0x9000004C  }
0xb1: {  	s29 =	simm.s32 $0x9;
	_ =	strace $0x8000004E  }
0xb2: {  	_ =	swait.ge [sflag:s29], $0x1  }
0xb3: {  	[sflag:s29] =	ssyncadd.s32 $0xFFFFFFFF  }
0xb4: {  	_ =	strace $0x9000004E  }
0xb5: {  	_ =	sfence  }
0xb6: {  	s30 =	sld [smem:$0x0];
	_ =	sdelay $0x2  }
0xb7: {  	s31 =	sshll.u32 s1, $0xD;
	s1 =	sshrl.u32 s1, $0x2  }
0xb8: {  	s3 =	sand.u32 $0x4000, s31;
	s1 =	sadd.s32 s1, s30  }
0xb9: {  	s0 =	sor.u32 s3, s0;
	s1 =	sshll.u32 s1, $0x11  }
0xba: {  	s0 =	sor.u32 s1, s0  }
0xbb: {  	s0 =	sadd.s32 $0x8F2B, s0  }
0xbc: {  	[sflag:s0] =	ssyncadd.remote.s32 $0x1  }
0xbd: {  	_ =	sfence.sel $0xFFFF  }
0xbe: {  	[dreg:$0x0] =	wrdreg $0xFFFFFFFF;
	(pc) =	sbr.abs _section_cstart, $3  }
0xbf: {  	[dreg:$0x1] =	wrdreg $0xFFFFFFFF  }
0xc0: {  	_ =	task.clear_ibuf [dreg:s6], $0x2FFFF;
	_ =	strace $0x9FFFFFFF  }
0xc1: {  	(tm) =	ssettm $0x7FFFFFFF  }
tec
execute0_lowered:
.L_overlay_start_1:
0x0: {  	(tag) =	ssettag $0x1  }
0x1: {  	s1 =	srdreg.scid  }
0x2: {  	s0 =	stileid.u32;
	s4 =	rddreg [dreg:$0x0];
	s2 =	simm.s32 $0x0  }
0x3: {  	s10 =	simm.s32 $0x4800;
	s11 =	simm.s32 $0x6800;
	s12 =	simm.s32 $0x8800  }
0x4: {  	s13 =	simm.s32 $0xA800;
	s14 =	simm.s32 $0xC800;
	s15 =	simm.s32 $0xE800  }
0x5: {  	s16 =	simm.s32 $0x10800;
	s17 =	simm.s32 $0x12800;
	s18 =	simm.s32 $0x14800  }
0x6: {  	s19 =	simm.s32 $0x1;
	s3 =	sand.u32 $0x1, s1;
	s1 =	rddreg [dreg:$0x1]  }
0x7: {  	s20 =	simm.s32 $0x0;
	s5 =	sshll.u32 s0, $0x1;
	[smem:$0x7FF] =	sst s2  }
0x8: {  	s6 =	smul.u32 $0x28000, s0;
	s5 =	sor.u32 s3, s5;
	_ =	strace $0x8000004D  }
0x9: {  	s7 =	ssub.s32 $0x2, s3;
	s9 =	smul.u32 $0x14000, s3;
	s3 =	sadd.s32 $0x87000, s4  }
0xa: {  	s5 =	smul.u32 $0x500, s5;
	s8 =	sshrl.u32 s7, $0x1;
	s6 =	sadd.s32 s6, s4  }
0xb: {  	s7 =	ssub.s32 s7, s8;
	s6 =	sadd.s32 s9, s6;
	s8 =	simm.s32 $0x80  }
0xc: {  	s9 =	simm.s32 $0x2800;
	s5 =	sadd.s32 s5, s4;
	s6 =	sadd.s32 $0xB1000, s6  }
0xd: {  	s4 =	sadd.s32 $0xA7000, s5;
	s5 =	smax.u32 s7, $0x1;
	s7 =	simm.s32 $0x2  }
.LBB2_1:
0xe: {  	[tilespmem:s2], [sflag:$0x2] =	stream.linear.gather [hbm4b:s4+s2], $0x2800, $0x38;
	[tilespmem:$0x16800] =	vst v63  }
0xf: {  	_ =	swait.ge [sflag:s7], $0x2800  }
0x10: {  	[sflag:s7] =	ssyncset.done $0x0  }
0x11: {  	s21 =	simm.s32 $0x0;
	[sflag:s7] =	ssyncadd.s32 $0xFFFFD800  }
0x12: {  	[tilespmem:s9], [sflag:$0x1] =	stream.indirect.gather [hbm4b:s3+s8], $0x40, s21, s8, $0xb8;
	[tilespmem:$0x16800] =	vst v63  }
0x13: {  	s22 =	simm.s32 $0x80  }
0x14: {  	[tilespmem:s10], [sflag:$0x1] =	stream.indirect.gather [hbm4b:s3+s8], $0x40, s22, s8, $0xb8;
	[tilespmem:$0x16800] =	vst v63  }
0x15: {  	s23 =	simm.s32 $0x100  }
0x16: {  	[tilespmem:s11], [sflag:$0x1] =	stream.indirect.gather [hbm4b:s3+s8], $0x40, s23, s8, $0xb8;
	[tilespmem:$0x16800] =	vst v63  }
0x17: {  	s24 =	simm.s32 $0x180  }
0x18: {  	[tilespmem:s12], [sflag:$0x1] =	stream.indirect.gather [hbm4b:s3+s8], $0x40, s24, s8, $0xb8;
	[tilespmem:$0x16800] =	vst v63  }
0x19: {  	s25 =	simm.s32 $0x200  }
0x1a: {  	[tilespmem:s13], [sflag:$0x1] =	stream.indirect.gather [hbm4b:s3+s8], $0x40, s25, s8, $0xb8;
	[tilespmem:$0x16800] =	vst v63  }
0x1b: {  	s26 =	simm.s32 $0x280  }
0x1c: {  	[tilespmem:s14], [sflag:$0x1] =	stream.indirect.gather [hbm4b:s3+s8], $0x40, s26, s8, $0xb8;
	[tilespmem:$0x16800] =	vst v63  }
0x1d: {  	s28 =	simm.s32 $0x300  }
0x1e: {  	[tilespmem:s15], [sflag:$0x1] =	stream.indirect.gather [hbm4b:s3+s8], $0x40, s28, s8, $0xb8;
	[tilespmem:$0x16800] =	vst v63  }
0x1f: {  	s29 =	simm.s32 $0x380  }
0x20: {  	[tilespmem:s16], [sflag:$0x1] =	stream.indirect.gather [hbm4b:s3+s8], $0x40, s29, s8, $0xb8;
	[tilespmem:$0x16800] =	vst v63  }
0x21: {  	s30 =	simm.s32 $0x400  }
0x22: {  	[tilespmem:s17], [sflag:$0x1] =	stream.indirect.gather [hbm4b:s3+s8], $0x40, s30, s8, $0xb8;
	[tilespmem:$0x16800] =	vst v63  }
0x23: {  	s31 =	simm.s32 $0x480  }
0x24: {  	[tilespmem:s18], [sflag:$0x1] =	stream.indirect.gather [hbm4b:s3+s8], $0x40, s31, s8, $0xb8;
	[tilespmem:$0x16800] =	vst v63  }
0x25: {  	_ =	swait.ge [sflag:s19], $0x2000  }
0x26: {  	[sflag:s19] =	ssyncset.done $0x0  }
0x27: {  	[sflag:s19] =	ssyncadd.s32 $0xFFFFE000  }
0x28: {  	_ =	swait.ge [sflag:s19], $0x2000  }
0x29: {  	[sflag:s19] =	ssyncset.done $0x0  }
0x2a: {  	[sflag:s19] =	ssyncadd.s32 $0xFFFFE000  }
0x2b: {  	_ =	swait.ge [sflag:s19], $0x2000  }
0x2c: {  	[sflag:s19] =	ssyncset.done $0x0  }
0x2d: {  	[sflag:s19] =	ssyncadd.s32 $0xFFFFE000  }
0x2e: {  	_ =	swait.ge [sflag:s19], $0x2000  }
0x2f: {  	[sflag:s19] =	ssyncset.done $0x0  }
0x30: {  	[sflag:s19] =	ssyncadd.s32 $0xFFFFE000  }
0x31: {  	_ =	swait.ge [sflag:s19], $0x2000  }
0x32: {  	[sflag:s19] =	ssyncset.done $0x0  }
0x33: {  	[sflag:s19] =	ssyncadd.s32 $0xFFFFE000  }
0x34: {  	_ =	swait.ge [sflag:s19], $0x2000  }
0x35: {  	[sflag:s19] =	ssyncset.done $0x0  }
0x36: {  	[sflag:s19] =	ssyncadd.s32 $0xFFFFE000  }
0x37: {  	_ =	swait.ge [sflag:s19], $0x2000  }
0x38: {  	[sflag:s19] =	ssyncset.done $0x0  }
0x39: {  	[sflag:s19] =	ssyncadd.s32 $0xFFFFE000  }
0x3a: {  	_ =	swait.ge [sflag:s19], $0x2000  }
0x3b: {  	[sflag:s19] =	ssyncset.done $0x0  }
0x3c: {  	[sflag:s19] =	ssyncadd.s32 $0xFFFFE000  }
0x3d: {  	_ =	swait.ge [sflag:s19], $0x2000  }
0x3e: {  	[sflag:s19] =	ssyncset.done $0x0  }
0x3f: {  	[sflag:s19] =	ssyncadd.s32 $0xFFFFE000  }
0x40: {  	_ =	swait.ge [sflag:s19], $0x2000  }
0x41: {  	[sflag:s19] =	ssyncset.done $0x0  }
0x42: {  	[sflag:s19] =	ssyncadd.s32 $0xFFFFE000  }
0x43: {  	[hbm4b:s6+s2] =	stream.linear.scatter [tilespmem:s9], [sflag:$0x2], $0x14000, $0x38;
	[tilespmem:$0x16800] =	vst v63  }
0x44: {  	s21 =	sadd.s32 $0x2800, s6;
	_ =	swait.ge [sflag:s7], $0x14000  }
0x45: {  	s22 =	simm.s32 $0x1400;
	s24 =	simm.s32 $0x2800;
	[sflag:s7] =	ssyncset.done $0x0  }
.LBB2_2:
0x46: {  	s25 =	sshra.s32 s22, $0x2  }
0x47: {  	[sflag:s7] =	ssyncadd.s32 $0xFFFEC000;
	s22 =	smov.u32 s24;
	s23 =	sadd.s32 $0x1400, s24  }
0x48: {  	[tilespmem:s9], [sflag:$0x1] =	stream.indirect.gather [hbm4b:s3+s8], $0x40, s25, s8, $0xb8;
	[tilespmem:$0x16800] =	vst v63  }
0x49: {  	p0 =	sne.s32 s24, $0x8C00;
	s24 =	sadd.s32 $0x80, s25  }
0x4a: {  	[tilespmem:s10], [sflag:$0x1] =	stream.indirect.gather [hbm4b:s3+s8], $0x40, s24, s8, $0xb8;
	[tilespmem:$0x16800] =	vst v63  }
0x4b: {  	s24 =	sadd.s32 $0x100, s25  }
0x4c: {  	[tilespmem:s11], [sflag:$0x1] =	stream.indirect.gather [hbm4b:s3+s8], $0x40, s24, s8, $0xb8;
	[tilespmem:$0x16800] =	vst v63  }
0x4d: {  	s24 =	sadd.s32 $0x180, s25  }
0x4e: {  	[tilespmem:s12], [sflag:$0x1] =	stream.indirect.gather [hbm4b:s3+s8], $0x40, s24, s8, $0xb8;
	[tilespmem:$0x16800] =	vst v63  }
0x4f: {  	s24 =	sadd.s32 $0x200, s25  }
0x50: {  	[tilespmem:s13], [sflag:$0x1] =	stream.indirect.gather [hbm4b:s3+s8], $0x40, s24, s8, $0xb8;
	[tilespmem:$0x16800] =	vst v63  }
0x51: {  	s24 =	sadd.s32 $0x280, s25  }
0x52: {  	[tilespmem:s14], [sflag:$0x1] =	stream.indirect.gather [hbm4b:s3+s8], $0x40, s24, s8, $0xb8;
	[tilespmem:$0x16800] =	vst v63  }
0x53: {  	s24 =	sadd.s32 $0x300, s25  }
0x54: {  	[tilespmem:s15], [sflag:$0x1] =	stream.indirect.gather [hbm4b:s3+s8], $0x40, s24, s8, $0xb8;
	[tilespmem:$0x16800] =	vst v63  }
0x55: {  	s24 =	sadd.s32 $0x380, s25  }
0x56: {  	[tilespmem:s16], [sflag:$0x1] =	stream.indirect.gather [hbm4b:s3+s8], $0x40, s24, s8, $0xb8;
	[tilespmem:$0x16800] =	vst v63  }
0x57: {  	s24 =	sadd.s32 $0x400, s25  }
0x58: {  	[tilespmem:s17], [sflag:$0x1] =	stream.indirect.gather [hbm4b:s3+s8], $0x40, s24, s8, $0xb8;
	[tilespmem:$0x16800] =	vst v63  }
0x59: {  	s24 =	sadd.s32 $0x480, s25  }
0x5a: {  	[tilespmem:s18], [sflag:$0x1] =	stream.indirect.gather [hbm4b:s3+s8], $0x40, s24, s8, $0xb8;
	[tilespmem:$0x16800] =	vst v63  }
0x5b: {  	_ =	swait.ge [sflag:s19], $0x2000  }
0x5c: {  	[sflag:s19] =	ssyncset.done $0x0  }
0x5d: {  	[sflag:s19] =	ssyncadd.s32 $0xFFFFE000  }
0x5e: {  	_ =	swait.ge [sflag:s19], $0x2000  }
0x5f: {  	[sflag:s19] =	ssyncset.done $0x0  }
0x60: {  	[sflag:s19] =	ssyncadd.s32 $0xFFFFE000  }
0x61: {  	_ =	swait.ge [sflag:s19], $0x2000  }
0x62: {  	[sflag:s19] =	ssyncset.done $0x0  }
0x63: {  	[sflag:s19] =	ssyncadd.s32 $0xFFFFE000  }
0x64: {  	_ =	swait.ge [sflag:s19], $0x2000  }
0x65: {  	[sflag:s19] =	ssyncset.done $0x0  }
0x66: {  	[sflag:s19] =	ssyncadd.s32 $0xFFFFE000  }
0x67: {  	_ =	swait.ge [sflag:s19], $0x2000  }
0x68: {  	[sflag:s19] =	ssyncset.done $0x0  }
0x69: {  	[sflag:s19] =	ssyncadd.s32 $0xFFFFE000  }
0x6a: {  	_ =	swait.ge [sflag:s19], $0x2000  }
0x6b: {  	[sflag:s19] =	ssyncset.done $0x0  }
0x6c: {  	[sflag:s19] =	ssyncadd.s32 $0xFFFFE000  }
0x6d: {  	_ =	swait.ge [sflag:s19], $0x2000  }
0x6e: {  	[sflag:s19] =	ssyncset.done $0x0  }
0x6f: {  	[sflag:s19] =	ssyncadd.s32 $0xFFFFE000  }
0x70: {  	_ =	swait.ge [sflag:s19], $0x2000  }
0x71: {  	[sflag:s19] =	ssyncset.done $0x0  }
0x72: {  	[sflag:s19] =	ssyncadd.s32 $0xFFFFE000  }
0x73: {  	_ =	swait.ge [sflag:s19], $0x2000  }
0x74: {  	[sflag:s19] =	ssyncset.done $0x0  }
0x75: {  	[sflag:s19] =	ssyncadd.s32 $0xFFFFE000  }
0x76: {  	_ =	swait.ge [sflag:s19], $0x2000  }
.Ltmp0:
0x77: {  	[sflag:s19] =	ssyncset.done $0x0;
	(pc) =	sbr.rel @p0 .LBB2_2-.Ltmp0, $4  }
0x78: {  	[sflag:s19] =	ssyncadd.s32 $0xFFFFE000  }
0x79: {  	[hbm4b:s21+s2] =	stream.linear.scatter [tilespmem:s9], [sflag:$0x2], $0x14000, $0x38;
	[tilespmem:$0x16800] =	vst v63  }
0x7a: {  	_ =	swait.ge [sflag:s7], $0x14000  }
0x7b: {  	s24 =	smov.u32 s23;
	s21 =	sadd.s32 $0x2800, s21;
	[sflag:s7] =	ssyncset.done $0x0  }
0x7c: {  	s22 =	sshra.s32 s22, $0x2;
	[sflag:s7] =	ssyncadd.s32 $0xFFFEC000  }
0x7d: {  	[tilespmem:s9], [sflag:$0x1] =	stream.indirect.gather [hbm4b:s3+s8], $0x40, s22, s8, $0xb8;
	[tilespmem:$0x16800] =	vst v63  }
0x7e: {  	s23 =	sadd.s32 $0x80, s22  }
0x7f: {  	[tilespmem:s10], [sflag:$0x1] =	stream.indirect.gather [hbm4b:s3+s8], $0x40, s23, s8, $0xb8;
	[tilespmem:$0x16800] =	vst v63  }
0x80: {  	s24 =	sadd.s32 $0x100, s22  }
0x81: {  	[tilespmem:s11], [sflag:$0x1] =	stream.indirect.gather [hbm4b:s3+s8], $0x40, s24, s8, $0xb8;
	[tilespmem:$0x16800] =	vst v63  }
0x82: {  	s25 =	sadd.s32 $0x180, s22  }
0x83: {  	[tilespmem:s12], [sflag:$0x1] =	stream.indirect.gather [hbm4b:s3+s8], $0x40, s25, s8, $0xb8;
	[tilespmem:$0x16800] =	vst v63  }
0x84: {  	s26 =	sadd.s32 $0x200, s22  }
0x85: {  	[tilespmem:s13], [sflag:$0x1] =	stream.indirect.gather [hbm4b:s3+s8], $0x40, s26, s8, $0xb8;
	[tilespmem:$0x16800] =	vst v63  }
0x86: {  	s28 =	sadd.s32 $0x280, s22  }
0x87: {  	[tilespmem:s14], [sflag:$0x1] =	stream.indirect.gather [hbm4b:s3+s8], $0x40, s28, s8, $0xb8;
	[tilespmem:$0x16800] =	vst v63  }
0x88: {  	s29 =	sadd.s32 $0x300, s22  }
0x89: {  	[tilespmem:s15], [sflag:$0x1] =	stream.indirect.gather [hbm4b:s3+s8], $0x40, s29, s8, $0xb8;
	[tilespmem:$0x16800] =	vst v63  }
0x8a: {  	s30 =	sadd.s32 $0x380, s22  }
0x8b: {  	[tilespmem:s16], [sflag:$0x1] =	stream.indirect.gather [hbm4b:s3+s8], $0x40, s30, s8, $0xb8;
	[tilespmem:$0x16800] =	vst v63  }
0x8c: {  	s31 =	sadd.s32 $0x400, s22  }
0x8d: {  	[tilespmem:s17], [sflag:$0x1] =	stream.indirect.gather [hbm4b:s3+s8], $0x40, s31, s8, $0xb8;
	[tilespmem:$0x16800] =	vst v63  }
0x8e: {  	s22 =	sadd.s32 $0x480, s22  }
0x8f: {  	[tilespmem:s18], [sflag:$0x1] =	stream.indirect.gather [hbm4b:s3+s8], $0x40, s22, s8, $0xb8;
	[tilespmem:$0x16800] =	vst v63  }
0x90: {  	_ =	swait.ge [sflag:s19], $0x2000  }
0x91: {  	[sflag:s19] =	ssyncset.done $0x0  }
0x92: {  	[sflag:s19] =	ssyncadd.s32 $0xFFFFE000  }
0x93: {  	_ =	swait.ge [sflag:s19], $0x2000  }
0x94: {  	[sflag:s19] =	ssyncset.done $0x0  }
0x95: {  	[sflag:s19] =	ssyncadd.s32 $0xFFFFE000  }
0x96: {  	_ =	swait.ge [sflag:s19], $0x2000  }
0x97: {  	[sflag:s19] =	ssyncset.done $0x0  }
0x98: {  	[sflag:s19] =	ssyncadd.s32 $0xFFFFE000  }
0x99: {  	_ =	swait.ge [sflag:s19], $0x2000  }
0x9a: {  	[sflag:s19] =	ssyncset.done $0x0  }
0x9b: {  	[sflag:s19] =	ssyncadd.s32 $0xFFFFE000  }
0x9c: {  	_ =	swait.ge [sflag:s19], $0x2000  }
0x9d: {  	[sflag:s19] =	ssyncset.done $0x0  }
0x9e: {  	[sflag:s19] =	ssyncadd.s32 $0xFFFFE000  }
0x9f: {  	_ =	swait.ge [sflag:s19], $0x2000  }
0xa0: {  	[sflag:s19] =	ssyncset.done $0x0  }
0xa1: {  	[sflag:s19] =	ssyncadd.s32 $0xFFFFE000  }
0xa2: {  	_ =	swait.ge [sflag:s19], $0x2000  }
0xa3: {  	[sflag:s19] =	ssyncset.done $0x0  }
0xa4: {  	[sflag:s19] =	ssyncadd.s32 $0xFFFFE000  }
0xa5: {  	_ =	swait.ge [sflag:s19], $0x2000  }
0xa6: {  	[sflag:s19] =	ssyncset.done $0x0  }
0xa7: {  	[sflag:s19] =	ssyncadd.s32 $0xFFFFE000  }
0xa8: {  	_ =	swait.ge [sflag:s19], $0x2000  }
0xa9: {  	[sflag:s19] =	ssyncset.done $0x0  }
0xaa: {  	[sflag:s19] =	ssyncadd.s32 $0xFFFFE000  }
0xab: {  	s20 =	sadd.s32 $0x1, s20;
	_ =	swait.ge [sflag:s19], $0x2000  }
0xac: {  	p0 =	sne.s32 s20, s5;
	[sflag:s19] =	ssyncset.done $0x0  }
.Ltmp1:
0xad: {  	[sflag:s19] =	ssyncadd.s32 $0xFFFFE000;
	(pc) =	sbr.rel @p0 .LBB2_1-.Ltmp1, $4  }
0xae: {  	[hbm4b:s21+s2] =	stream.linear.scatter [tilespmem:s9], [sflag:$0x2], $0x14000, $0x38;
	[tilespmem:$0x16800] =	vst v63  }
0xaf: {  	_ =	swait.ge [sflag:s7], $0x14000  }
0xb0: {  	[sflag:s7] =	ssyncset.done $0x0  }
0xb1: {  	[sflag:s7] =	ssyncadd.s32 $0xFFFEC000  }
0xb2: {  	_ =	sfence.sel $0x180000  }
0xb3: {  	[bflag:$0x0] =	sbarrier.arrive $0xFFFF  }
0xb4: {  	p0 =	sne.s32 s0, $0x0;
	_ =	strace $0x9000004D  }
0xb5: {  	s0 =	sadd.s32 @!p0 $0x100000, s1;
	[bflag:$0x2] =	sbarrier.arrive $0xFFFF  }
0xb6: {  	[sflag:s0] =	ssyncadd.tile.s32 @!p0 $0x1;
	_ =	shalt  }
.Lfunc_end2:
_tile_overlayer_lowered:
.L_overlay_start_2:
0xb7: {  	(tag) =	ssettag $0x2  }
0xb8: {  	s0 =	rddreg [dreg:$0x0];
	s2 =	stileid.u32  }
0xb9: {  	s1 =	rddreg [dreg:$0x1];
	p0 =	sne.s32 s2, $0x0  }
0xba: {  	s3 =	rddreg [dreg:$0x2];
	[bflag:$0x3] =	sbarrier.arrive $0xFFFF;
	s2 =	simm.s32 @!p0 $0x1C02  }
0xbb: {  	[timem:s3], [sflag:s2] =	dma.local @!p0 [hbm:s0], s1  }
0xbc: {  	s0 =	simm.s32 @!p0 $0x2  }
0xbd: {  	_ =	swait.ge @!p0 [sflag:s0], s1  }
0xbe: {  	s1 =	ssub.s32 @!p0 $0x0, s1;
	[sflag:s0] =	ssyncset.done @!p0 $0x0  }
0xbf: {  	[sflag:s0] =	ssyncadd.s32 @!p0 s1  }
0xc0: {  	[bflag:$0x3] =	sbarrier.arrive $0xFFFF  }
0xc1: {  	_ =	shalt  }

// kernel: kernel.30.cloned.1.call-start
scs
__scs_entry_jumppad:
0x0: {  	(pc) =	sbr.rel $0x88, $3  }
0x1: {  	(tag) =	ssettag $0x0;
	lr =	simm.s32 $0x1  }
0x2: {  	[smem:$0x3F8E] =	sst lr;
	_ =	strace $0xD0000000  }
0x3: {  	_ = 	snop  }
0x4: {  	_ = 	snop  }
0x5: {  	_ = 	snop  }
0x6: {  	_ = 	snop  }
0x7: {  	_ = 	snop  }
__scs_overlays_trampoline_lowered:
0x8: {  	[smem:$0x3F9D] =	sst s0  }
0x9: {  	[smem:$0x3F9E] =	sst s1  }
0xa: {  	[smem:$0x3F9F] =	sst s2  }
0xb: {  	[smem:$0x3FA0] =	sst s3  }
0xc: {  	[smem:$0x3FA1] =	sst s4  }
0xd: {  	[smem:$0x3FA2] =	sst s5  }
0xe: {  	[smem:$0x3FA3] =	sst s6  }
0xf: {  	[smem:$0x3FA4] =	sst s7  }
0x10: {  	[smem:$0x3FA5] =	sst s8  }
0x11: {  	[smem:$0x3FA6] =	sst s9;
	s0 =	simm.s32 @!p0 $0x0  }
0x12: {  	s1 =	sld [smem:$0x3F8C];
	s0 =	simm.s32 @p0 $0x1  }
0x13: {  	[smem:$0x3FA7] =	sst s0;
	s0 =	simm.s32 @!p1 $0x0  }
0x14: {  	s2 =	sld [smem:$0x3F8B];
	s0 =	simm.s32 @p1 $0x1  }
0x15: {  	[smem:$0x3FA8] =	sst s0;
	s0 =	simm.s32 @!p2 $0x0  }
0x16: {  	s3 =	sld [smem:$0x3FDB];
	s0 =	simm.s32 @p2 $0x1  }
0x17: {  	s4 =	simm.s32 $0x1BF5;
	[smem:$0x3FAA] =	sst s0  }
0x18: {  	s0 =	sld [smem:$0x3F8D];
	_ =	swait.ge [sflag:s4], $0x0  }
0x19: {  	s7 =	sld [smem:$0x3F8E]  }
0x1a: {  	s8 =	sadd.s32 $0xFFFFE003, lr  }
0x1b: {  	s9 =	sadd.s32 $0xFFFFFEF7, lr;
	s5 =	simm.s32 $0xFFFFFFFF;
	p2 =	slt.u32 s8, $0xFFFFF086  }
0x1c: {  	p1 =	slt.u32 s9, $0xF7A;
	s5 =	simm.s32 @!p2 $0x0  }
0x1d: {  	s5 =	simm.s32 @p1 $0x1;
	p0 =	seq.s32 s7, s2  }
0x1e: {  	s7 =	smul.u32 @!p0 $0xF7A, s2;
	p2 =	seq.s32 @!p0 s5, $0x0  }
0x1f: {  	s9 =	smul.u32 $0xF7A, s1;
	s8 =	simm.s32 @!p0 $0x1BF5;
	p2 =	por !p2, p0  }
0x20: {  	[sflag:s8] =	ssyncset.s32 @!p0 $0xFFFFF086;
	s6 =	sadd.s32 @!p0 s3, s7;
	s7 =	simm.s32 @!p0 $0x108  }
0x21: {  	s3 =	sadd.s32 s3, s9;
	s6 =	sadd.s32 @!p0 $0x88, s6;
	s7 =	simm.s32 @p2 $0x1082  }
0x22: {  	[simem:s7], [sflag:s8] =	dma.local @!p0 [hbm:s6], $0xF7A  }
0x23: {  	s9 =	sor.u32 $0xD0000000, s2;
	s6 =	simm.s32 $0x108;
	_ =	swait.ge @!p0 [sflag:s8], $0x0  }
0x24: {  	s3 =	sadd.s32 $0x88, s3;
	s6 =	simm.s32 @!p1 $0x1082;
	[sflag:s4] =	ssyncset.s32 $0xFFFFF086  }
0x25: {  	[simem:s6], [sflag:s4] =	dma.local [hbm:s3], $0xF7A  }
0x26: {  	[smem:$0x3F8E] =	sst s1;
	(tag) =	ssettag s2;
	_ =	strace s9  }
0x27: {  	s1 =	sld [smem:$0x3F9E]  }
0x28: {  	s2 =	sld [smem:$0x3F9F]  }
0x29: {  	s4 =	sld [smem:$0x3FA1]  }
0x2a: {  	p0 =	seq.s32 s5, $0x0;
	s5 =	sld [smem:$0x3FA2]  }
0x2b: {  	s6 =	sld [smem:$0x3FA3]  }
0x2c: {  	s7 =	sld [smem:$0x3FA4]  }
0x2d: {  	s3 =	simm.s32 $0x108;
	s8 =	sld [smem:$0x3FA5]  }
0x2e: {  	s3 =	simm.s32 @!p0 $0x1082;
	s9 =	sld [smem:$0x3FA6]  }
0x2f: {  	lr =	sadd.s32 s0, s3;
	s0 =	sld [smem:$0x3F9D]  }
0x30: {  	s3 =	sld [smem:$0x3FA0]  }
0x31: {  	[smem:$0x3FA9] =	sst s10  }
0x32: {  	s10 =	sld [smem:$0x3FA7];
	_ =	sdelay $0x3  }
0x33: {  	p0 =	seq.s32 s10, $0x1;
	s10 =	sld [smem:$0x3FA9];
	_ =	sdelay $0x3  }
0x34: {  	[smem:$0x3FA9] =	sst s10  }
0x35: {  	s10 =	sld [smem:$0x3FA8];
	_ =	sdelay $0x3  }
0x36: {  	p1 =	seq.s32 s10, $0x1;
	s10 =	sld [smem:$0x3FA9];
	_ =	sdelay $0x3  }
0x37: {  	[smem:$0x3FA9] =	sst s10  }
0x38: {  	s10 =	sld [smem:$0x3FAA]  }
0x39: {  	_ = 	snop;
	(pc) =	sbr.ind lr, $3  }
0x3a: {  	_ = 	snop  }
0x3b: {  	_ = 	snop  }
0x3c: {  	p2 =	seq.s32 s10, $0x1;
	s10 =	sld [smem:$0x3FA9]  }
0x3d: {  	_ =	shalt  }
0x3e: {  	_ =	shalt  }
0x3f: {  	_ =	shalt  }
0x40: {  	_ =	shalt  }
0x41: {  	_ =	shalt  }
0x42: {  	_ =	shalt  }
0x43: {  	_ =	shalt  }
0x44: {  	_ =	shalt  }
0x45: {  	_ =	shalt  }
0x46: {  	_ =	shalt  }
0x47: {  	_ =	shalt  }
0x48: {  	_ =	shalt  }
0x49: {  	_ =	shalt  }
0x4a: {  	_ =	shalt  }
0x4b: {  	_ =	shalt  }
0x4c: {  	_ =	shalt  }
0x4d: {  	_ =	shalt  }
0x4e: {  	_ =	shalt  }
0x4f: {  	_ =	shalt  }
0x50: {  	_ =	shalt  }
0x51: {  	_ =	shalt  }
0x52: {  	_ =	shalt  }
0x53: {  	_ =	shalt  }
0x54: {  	_ =	shalt  }
0x55: {  	_ =	shalt  }
0x56: {  	_ =	shalt  }
0x57: {  	_ =	shalt  }
0x58: {  	_ =	shalt  }
0x59: {  	_ =	shalt  }
0x5a: {  	_ =	shalt  }
0x5b: {  	_ =	shalt  }
0x5c: {  	_ =	shalt  }
0x5d: {  	_ =	shalt  }
0x5e: {  	_ =	shalt  }
0x5f: {  	_ =	shalt  }
0x60: {  	_ =	shalt  }
0x61: {  	_ =	shalt  }
0x62: {  	_ =	shalt  }
0x63: {  	_ =	shalt  }
0x64: {  	_ =	shalt  }
0x65: {  	_ =	shalt  }
0x66: {  	_ =	shalt  }
0x67: {  	_ =	shalt  }
0x68: {  	_ =	shalt  }
0x69: {  	_ =	shalt  }
0x6a: {  	_ =	shalt  }
0x6b: {  	_ =	shalt  }
0x6c: {  	_ =	shalt  }
0x6d: {  	_ =	shalt  }
0x6e: {  	_ =	shalt  }
0x6f: {  	_ =	shalt  }
0x70: {  	_ =	shalt  }
0x71: {  	_ =	shalt  }
0x72: {  	_ =	shalt  }
0x73: {  	_ =	shalt  }
0x74: {  	_ =	shalt  }
0x75: {  	_ =	shalt  }
0x76: {  	_ =	shalt  }
0x77: {  	_ =	shalt  }
0x78: {  	_ =	shalt  }
0x79: {  	_ =	shalt  }
0x7a: {  	_ =	shalt  }
0x7b: {  	_ =	shalt  }
0x7c: {  	_ =	shalt  }
0x7d: {  	_ =	shalt  }
0x7e: {  	_ =	shalt  }
0x7f: {  	_ =	shalt  }
0x80: {  	_ =	shalt  }
0x81: {  	_ =	shalt  }
0x82: {  	_ =	shalt  }
0x83: {  	_ =	shalt  }
0x84: {  	_ =	shalt  }
0x85: {  	_ =	shalt  }
0x86: {  	_ =	shalt  }
0x87: {  	_ =	shalt  }
.Lfunc_end0:
.L_simem_size_0:
called_computation.3_lowered:
.L_overlay_start_0:
0x88: {  	s2 =	sld [smem:$0x3FD9]  }
0x89: {  	s3 =	sld [smem:$0x3FFE];
	_ =	sdelay $0x1  }
0x8a: {  	s1 =	srdreg.scid  }
0x8b: {  	s0 =	sand.u32 $0x1, s1  }
0x8c: {  	s16 =	sshll.u32 s0, $0xA;
	s2 =	sadd.s32 s3, s2  }
0x8d: {  	s2 =	sadd.s32 s2, s16  }
0x8e: {  	[smem:$0x3FB5] =	sst s2  }
0x8f: {  	_ = 	snop  }
0x90: {  	(tm) =	ssettm $0x1  }
0x91: {  	s17 =	sld [smem:$0x3FFB];
	_ =	sdelay $0x3  }
0x92: {  	_ =	strace s17  }
0x93: {  	s2 =	sld [smem:$0x3FFC];
	_ =	sdelay $0x3  }
0x94: {  	_ =	strace s2  }
0x95: {  	s2 =	sld [smem:$0x3FFD];
	_ =	sdelay $0x3  }
0x96: {  	_ =	strace s2  }
0x97: {  	_ =	strace $0x8FFFFFFF  }
0x98: {  	s18 =	sld [smem:$0x3FDB];
	_ =	sdelay $0x1  }
0x99: {  	s19 =	simm.s32 $_scs_section_size  }
0x9a: {  	s4 =	simm.s32 $_size__tile_overlayer_lowered;
	s5 =	simm.s32 $_tile_overlayer_lowered  }
0x9b: {  	s22 =	simm.s32 $0x1BFF;
	s21 =	sshll.u32 s5, $0x1;
	s2 =	sadd.s32 s19, s18  }
0x9c: {  	s6 =	simm.s32 $0x0;
	s20 =	sshll.u32 s4, $0x1;
	s4 =	sadd.s32 s21, s2  }
0x9d: {  	[timem:s6], [sflag:s22] =	dma.local [hbm:s4], s20  }
0x9e: {  	_ =	swait.ge [sflag:s22], s20  }
0x9f: {  	s3 =	ssub.s32 $0x0, s20;
	[sflag:s22] =	ssyncset.done $0x0  }
0xa0: {  	[sflag:s22] =	ssyncadd.s32 s3;
	_ =	sdelay $0x1  }
0xa1: {  	s23 =	simm.s32 $0x1B8B  }
0xa2: {  	_ =	swait.ge [sflag:s23], $0x1  }
0xa3: {  	[sflag:s23] =	ssyncset.done $0x0  }
0xa4: {  	s25 =	simm.s32 $0x1B8E;
	s24 =	sld [smem:$0x3FFE];
	[sflag:s23] =	ssyncadd.s32 $0xFFFFFFFF  }
0xa5: {  	s26 =	simm.s32 $execute0_lowered;
	[smem:$0x3FD2] =	sst s25  }
0xa6: {  	s4 =	sshll.u32 s26, $0x1;
	_ =	strace $0x8000004F;
	[dreg:$0x1] =	wrdreg $0xFFFFFFFF  }
0xa7: {  	s28 =	simm.s32 $_size_execute0_lowered;
	s2 =	sadd.s32 s2, s4;
	[dreg:$0x0] =	wrdreg $0x0  }
0xa8: {  	s4 =	sshll.u32 s28, $0x1;
	[dreg:$0x2] =	wrdreg s2  }
0xa9: {  	[dreg:$0x3] =	wrdreg s4  }
0xaa: {  	[dreg:$0x4] =	wrdreg $0xC0  }
0xab: {  	_ =	task [dreg:s6], $0x5FFFF  }
0xac: {  	[dreg:$0x1] =	wrdreg $0xFFFFFFFF  }
0xad: {  	[dreg:$0x0] =	wrdreg $0x60  }
0xae: {  	[dreg:$0x2] =	wrdreg s24  }
0xaf: {  	[dreg:$0x3] =	wrdreg $0x9  }
0xb0: {  	_ =	task.clear_ibuf [dreg:s6], $0x4FFFF;
	_ =	strace $0x9000004F  }
0xb1: {  	s29 =	simm.s32 $0x9;
	_ =	strace $0x80000051  }
0xb2: {  	_ =	swait.ge [sflag:s29], $0x1  }
0xb3: {  	[sflag:s29] =	ssyncadd.s32 $0xFFFFFFFF  }
0xb4: {  	_ =	strace $0x90000051  }
0xb5: {  	_ =	sfence  }
0xb6: {  	s30 =	sld [smem:$0x0];
	_ =	sdelay $0x2  }
0xb7: {  	s31 =	sshll.u32 s1, $0xD;
	s1 =	sshrl.u32 s1, $0x2  }
0xb8: {  	s3 =	sand.u32 $0x4000, s31;
	s1 =	sadd.s32 s1, s30  }
0xb9: {  	s0 =	sor.u32 s3, s0;
	s1 =	sshll.u32 s1, $0x11  }
0xba: {  	s0 =	sor.u32 s1, s0  }
0xbb: {  	s0 =	sadd.s32 $0x8F2B, s0  }
0xbc: {  	[sflag:s0] =	ssyncadd.remote.s32 $0x1  }
0xbd: {  	_ =	sfence.sel $0xFFFF  }
0xbe: {  	[dreg:$0x0] =	wrdreg $0xFFFFFFFF;
	(pc) =	sbr.abs _section_cstart, $3  }
0xbf: {  	[dreg:$0x1] =	wrdreg $0xFFFFFFFF  }
0xc0: {  	_ =	task.clear_ibuf [dreg:s6], $0x2FFFF;
	_ =	strace $0x9FFFFFFF  }
0xc1: {  	(tm) =	ssettm $0x7FFFFFFF  }
tec
execute0_lowered:
.L_overlay_start_1:
0x0: {  	(tag) =	ssettag $0x1  }
0x1: {  	s1 =	srdreg.scid  }
0x2: {  	s0 =	stileid.u32;
	s4 =	rddreg [dreg:$0x0];
	s2 =	simm.s32 $0x0  }
0x3: {  	s10 =	simm.s32 $0x4800;
	s11 =	simm.s32 $0x6800;
	s12 =	simm.s32 $0x8800  }
0x4: {  	s13 =	simm.s32 $0xA800;
	s14 =	simm.s32 $0xC800;
	s15 =	simm.s32 $0xE800  }
0x5: {  	s16 =	simm.s32 $0x10800;
	s17 =	simm.s32 $0x12800;
	s18 =	simm.s32 $0x14800  }
0x6: {  	s19 =	simm.s32 $0x1;
	s3 =	sand.u32 $0x1, s1;
	s1 =	rddreg [dreg:$0x1]  }
0x7: {  	s20 =	simm.s32 $0x0;
	s5 =	sshll.u32 s0, $0x1;
	[smem:$0x7FF] =	sst s2  }
0x8: {  	s6 =	smul.u32 $0x28000, s0;
	s5 =	sor.u32 s3, s5;
	_ =	strace $0x80000050  }
0x9: {  	s7 =	ssub.s32 $0x2, s3;
	s9 =	smul.u32 $0x14000, s3;
	s3 =	sadd.s32 $0xC7000, s4  }
0xa: {  	s5 =	smul.u32 $0x500, s5;
	s8 =	sshrl.u32 s7, $0x1;
	s6 =	sadd.s32 s6, s4  }
0xb: {  	s7 =	ssub.s32 s7, s8;
	s6 =	sadd.s32 s9, s6;
	s8 =	simm.s32 $0x80  }
0xc: {  	s9 =	simm.s32 $0x2800;
	s5 =	sadd.s32 s5, s4;
	s6 =	sadd.s32 $0xF1000, s6  }
0xd: {  	s4 =	sadd.s32 $0xE7000, s5;
	s5 =	smax.u32 s7, $0x1;
	s7 =	simm.s32 $0x2  }
.LBB2_1:
0xe: {  	[tilespmem:s2], [sflag:$0x2] =	stream.linear.gather [hbm4b:s4+s2], $0x2800, $0x38;
	[tilespmem:$0x16800] =	vst v63  }
0xf: {  	_ =	swait.ge [sflag:s7], $0x2800  }
0x10: {  	[sflag:s7] =	ssyncset.done $0x0  }
0x11: {  	s21 =	simm.s32 $0x0;
	[sflag:s7] =	ssyncadd.s32 $0xFFFFD800  }
0x12: {  	[tilespmem:s9], [sflag:$0x1] =	stream.indirect.gather [hbm4b:s3+s8], $0x40, s21, s8, $0xb8;
	[tilespmem:$0x16800] =	vst v63  }
0x13: {  	s22 =	simm.s32 $0x80  }
0x14: {  	[tilespmem:s10], [sflag:$0x1] =	stream.indirect.gather [hbm4b:s3+s8], $0x40, s22, s8, $0xb8;
	[tilespmem:$0x16800] =	vst v63  }
0x15: {  	s23 =	simm.s32 $0x100  }
0x16: {  	[tilespmem:s11], [sflag:$0x1] =	stream.indirect.gather [hbm4b:s3+s8], $0x40, s23, s8, $0xb8;
	[tilespmem:$0x16800] =	vst v63  }
0x17: {  	s24 =	simm.s32 $0x180  }
0x18: {  	[tilespmem:s12], [sflag:$0x1] =	stream.indirect.gather [hbm4b:s3+s8], $0x40, s24, s8, $0xb8;
	[tilespmem:$0x16800] =	vst v63  }
0x19: {  	s25 =	simm.s32 $0x200  }
0x1a: {  	[tilespmem:s13], [sflag:$0x1] =	stream.indirect.gather [hbm4b:s3+s8], $0x40, s25, s8, $0xb8;
	[tilespmem:$0x16800] =	vst v63  }
0x1b: {  	s26 =	simm.s32 $0x280  }
0x1c: {  	[tilespmem:s14], [sflag:$0x1] =	stream.indirect.gather [hbm4b:s3+s8], $0x40, s26, s8, $0xb8;
	[tilespmem:$0x16800] =	vst v63  }
0x1d: {  	s28 =	simm.s32 $0x300  }
0x1e: {  	[tilespmem:s15], [sflag:$0x1] =	stream.indirect.gather [hbm4b:s3+s8], $0x40, s28, s8, $0xb8;
	[tilespmem:$0x16800] =	vst v63  }
0x1f: {  	s29 =	simm.s32 $0x380  }
0x20: {  	[tilespmem:s16], [sflag:$0x1] =	stream.indirect.gather [hbm4b:s3+s8], $0x40, s29, s8, $0xb8;
	[tilespmem:$0x16800] =	vst v63  }
0x21: {  	s30 =	simm.s32 $0x400  }
0x22: {  	[tilespmem:s17], [sflag:$0x1] =	stream.indirect.gather [hbm4b:s3+s8], $0x40, s30, s8, $0xb8;
	[tilespmem:$0x16800] =	vst v63  }
0x23: {  	s31 =	simm.s32 $0x480  }
0x24: {  	[tilespmem:s18], [sflag:$0x1] =	stream.indirect.gather [hbm4b:s3+s8], $0x40, s31, s8, $0xb8;
	[tilespmem:$0x16800] =	vst v63  }
0x25: {  	_ =	swait.ge [sflag:s19], $0x2000  }
0x26: {  	[sflag:s19] =	ssyncset.done $0x0  }
0x27: {  	[sflag:s19] =	ssyncadd.s32 $0xFFFFE000  }
0x28: {  	_ =	swait.ge [sflag:s19], $0x2000  }
0x29: {  	[sflag:s19] =	ssyncset.done $0x0  }
0x2a: {  	[sflag:s19] =	ssyncadd.s32 $0xFFFFE000  }
0x2b: {  	_ =	swait.ge [sflag:s19], $0x2000  }
0x2c: {  	[sflag:s19] =	ssyncset.done $0x0  }
0x2d: {  	[sflag:s19] =	ssyncadd.s32 $0xFFFFE000  }
0x2e: {  	_ =	swait.ge [sflag:s19], $0x2000  }
0x2f: {  	[sflag:s19] =	ssyncset.done $0x0  }
0x30: {  	[sflag:s19] =	ssyncadd.s32 $0xFFFFE000  }
0x31: {  	_ =	swait.ge [sflag:s19], $0x2000  }
0x32: {  	[sflag:s19] =	ssyncset.done $0x0  }
0x33: {  	[sflag:s19] =	ssyncadd.s32 $0xFFFFE000  }
0x34: {  	_ =	swait.ge [sflag:s19], $0x2000  }
0x35: {  	[sflag:s19] =	ssyncset.done $0x0  }
0x36: {  	[sflag:s19] =	ssyncadd.s32 $0xFFFFE000  }
0x37: {  	_ =	swait.ge [sflag:s19], $0x2000  }
0x38: {  	[sflag:s19] =	ssyncset.done $0x0  }
0x39: {  	[sflag:s19] =	ssyncadd.s32 $0xFFFFE000  }
0x3a: {  	_ =	swait.ge [sflag:s19], $0x2000  }
0x3b: {  	[sflag:s19] =	ssyncset.done $0x0  }
0x3c: {  	[sflag:s19] =	ssyncadd.s32 $0xFFFFE000  }
0x3d: {  	_ =	swait.ge [sflag:s19], $0x2000  }
0x3e: {  	[sflag:s19] =	ssyncset.done $0x0  }
0x3f: {  	[sflag:s19] =	ssyncadd.s32 $0xFFFFE000  }
0x40: {  	_ =	swait.ge [sflag:s19], $0x2000  }
0x41: {  	[sflag:s19] =	ssyncset.done $0x0  }
0x42: {  	[sflag:s19] =	ssyncadd.s32 $0xFFFFE000  }
0x43: {  	[hbm4b:s6+s2] =	stream.linear.scatter [tilespmem:s9], [sflag:$0x2], $0x14000, $0x38;
	[tilespmem:$0x16800] =	vst v63  }
0x44: {  	s21 =	sadd.s32 $0x2800, s6;
	_ =	swait.ge [sflag:s7], $0x14000  }
0x45: {  	s22 =	simm.s32 $0x1400;
	s24 =	simm.s32 $0x2800;
	[sflag:s7] =	ssyncset.done $0x0  }
.LBB2_2:
0x46: {  	s25 =	sshra.s32 s22, $0x2  }
0x47: {  	[sflag:s7] =	ssyncadd.s32 $0xFFFEC000;
	s22 =	smov.u32 s24;
	s23 =	sadd.s32 $0x1400, s24  }
0x48: {  	[tilespmem:s9], [sflag:$0x1] =	stream.indirect.gather [hbm4b:s3+s8], $0x40, s25, s8, $0xb8;
	[tilespmem:$0x16800] =	vst v63  }
0x49: {  	p0 =	sne.s32 s24, $0x8C00;
	s24 =	sadd.s32 $0x80, s25  }
0x4a: {  	[tilespmem:s10], [sflag:$0x1] =	stream.indirect.gather [hbm4b:s3+s8], $0x40, s24, s8, $0xb8;
	[tilespmem:$0x16800] =	vst v63  }
0x4b: {  	s24 =	sadd.s32 $0x100, s25  }
0x4c: {  	[tilespmem:s11], [sflag:$0x1] =	stream.indirect.gather [hbm4b:s3+s8], $0x40, s24, s8, $0xb8;
	[tilespmem:$0x16800] =	vst v63  }
0x4d: {  	s24 =	sadd.s32 $0x180, s25  }
0x4e: {  	[tilespmem:s12], [sflag:$0x1] =	stream.indirect.gather [hbm4b:s3+s8], $0x40, s24, s8, $0xb8;
	[tilespmem:$0x16800] =	vst v63  }
0x4f: {  	s24 =	sadd.s32 $0x200, s25  }
0x50: {  	[tilespmem:s13], [sflag:$0x1] =	stream.indirect.gather [hbm4b:s3+s8], $0x40, s24, s8, $0xb8;
	[tilespmem:$0x16800] =	vst v63  }
0x51: {  	s24 =	sadd.s32 $0x280, s25  }
0x52: {  	[tilespmem:s14], [sflag:$0x1] =	stream.indirect.gather [hbm4b:s3+s8], $0x40, s24, s8, $0xb8;
	[tilespmem:$0x16800] =	vst v63  }
0x53: {  	s24 =	sadd.s32 $0x300, s25  }
0x54: {  	[tilespmem:s15], [sflag:$0x1] =	stream.indirect.gather [hbm4b:s3+s8], $0x40, s24, s8, $0xb8;
	[tilespmem:$0x16800] =	vst v63  }
0x55: {  	s24 =	sadd.s32 $0x380, s25  }
0x56: {  	[tilespmem:s16], [sflag:$0x1] =	stream.indirect.gather [hbm4b:s3+s8], $0x40, s24, s8, $0xb8;
	[tilespmem:$0x16800] =	vst v63  }
0x57: {  	s24 =	sadd.s32 $0x400, s25  }
0x58: {  	[tilespmem:s17], [sflag:$0x1] =	stream.indirect.gather [hbm4b:s3+s8], $0x40, s24, s8, $0xb8;
	[tilespmem:$0x16800] =	vst v63  }
0x59: {  	s24 =	sadd.s32 $0x480, s25  }
0x5a: {  	[tilespmem:s18], [sflag:$0x1] =	stream.indirect.gather [hbm4b:s3+s8], $0x40, s24, s8, $0xb8;
	[tilespmem:$0x16800] =	vst v63  }
0x5b: {  	_ =	swait.ge [sflag:s19], $0x2000  }
0x5c: {  	[sflag:s19] =	ssyncset.done $0x0  }
0x5d: {  	[sflag:s19] =	ssyncadd.s32 $0xFFFFE000  }
0x5e: {  	_ =	swait.ge [sflag:s19], $0x2000  }
0x5f: {  	[sflag:s19] =	ssyncset.done $0x0  }
0x60: {  	[sflag:s19] =	ssyncadd.s32 $0xFFFFE000  }
0x61: {  	_ =	swait.ge [sflag:s19], $0x2000  }
0x62: {  	[sflag:s19] =	ssyncset.done $0x0  }
0x63: {  	[sflag:s19] =	ssyncadd.s32 $0xFFFFE000  }
0x64: {  	_ =	swait.ge [sflag:s19], $0x2000  }
0x65: {  	[sflag:s19] =	ssyncset.done $0x0  }
0x66: {  	[sflag:s19] =	ssyncadd.s32 $0xFFFFE000  }
0x67: {  	_ =	swait.ge [sflag:s19], $0x2000  }
0x68: {  	[sflag:s19] =	ssyncset.done $0x0  }
0x69: {  	[sflag:s19] =	ssyncadd.s32 $0xFFFFE000  }
0x6a: {  	_ =	swait.ge [sflag:s19], $0x2000  }
0x6b: {  	[sflag:s19] =	ssyncset.done $0x0  }
0x6c: {  	[sflag:s19] =	ssyncadd.s32 $0xFFFFE000  }
0x6d: {  	_ =	swait.ge [sflag:s19], $0x2000  }
0x6e: {  	[sflag:s19] =	ssyncset.done $0x0  }
0x6f: {  	[sflag:s19] =	ssyncadd.s32 $0xFFFFE000  }
0x70: {  	_ =	swait.ge [sflag:s19], $0x2000  }
0x71: {  	[sflag:s19] =	ssyncset.done $0x0  }
0x72: {  	[sflag:s19] =	ssyncadd.s32 $0xFFFFE000  }
0x73: {  	_ =	swait.ge [sflag:s19], $0x2000  }
0x74: {  	[sflag:s19] =	ssyncset.done $0x0  }
0x75: {  	[sflag:s19] =	ssyncadd.s32 $0xFFFFE000  }
0x76: {  	_ =	swait.ge [sflag:s19], $0x2000  }
.Ltmp0:
0x77: {  	[sflag:s19] =	ssyncset.done $0x0;
	(pc) =	sbr.rel @p0 .LBB2_2-.Ltmp0, $4  }
0x78: {  	[sflag:s19] =	ssyncadd.s32 $0xFFFFE000  }
0x79: {  	[hbm4b:s21+s2] =	stream.linear.scatter [tilespmem:s9], [sflag:$0x2], $0x14000, $0x38;
	[tilespmem:$0x16800] =	vst v63  }
0x7a: {  	_ =	swait.ge [sflag:s7], $0x14000  }
0x7b: {  	s24 =	smov.u32 s23;
	s21 =	sadd.s32 $0x2800, s21;
	[sflag:s7] =	ssyncset.done $0x0  }
0x7c: {  	s22 =	sshra.s32 s22, $0x2;
	[sflag:s7] =	ssyncadd.s32 $0xFFFEC000  }
0x7d: {  	[tilespmem:s9], [sflag:$0x1] =	stream.indirect.gather [hbm4b:s3+s8], $0x40, s22, s8, $0xb8;
	[tilespmem:$0x16800] =	vst v63  }
0x7e: {  	s23 =	sadd.s32 $0x80, s22  }
0x7f: {  	[tilespmem:s10], [sflag:$0x1] =	stream.indirect.gather [hbm4b:s3+s8], $0x40, s23, s8, $0xb8;
	[tilespmem:$0x16800] =	vst v63  }
0x80: {  	s24 =	sadd.s32 $0x100, s22  }
0x81: {  	[tilespmem:s11], [sflag:$0x1] =	stream.indirect.gather [hbm4b:s3+s8], $0x40, s24, s8, $0xb8;
	[tilespmem:$0x16800] =	vst v63  }
0x82: {  	s25 =	sadd.s32 $0x180, s22  }
0x83: {  	[tilespmem:s12], [sflag:$0x1] =	stream.indirect.gather [hbm4b:s3+s8], $0x40, s25, s8, $0xb8;
	[tilespmem:$0x16800] =	vst v63  }
0x84: {  	s26 =	sadd.s32 $0x200, s22  }
0x85: {  	[tilespmem:s13], [sflag:$0x1] =	stream.indirect.gather [hbm4b:s3+s8], $0x40, s26, s8, $0xb8;
	[tilespmem:$0x16800] =	vst v63  }
0x86: {  	s28 =	sadd.s32 $0x280, s22  }
0x87: {  	[tilespmem:s14], [sflag:$0x1] =	stream.indirect.gather [hbm4b:s3+s8], $0x40, s28, s8, $0xb8;
	[tilespmem:$0x16800] =	vst v63  }
0x88: {  	s29 =	sadd.s32 $0x300, s22  }
0x89: {  	[tilespmem:s15], [sflag:$0x1] =	stream.indirect.gather [hbm4b:s3+s8], $0x40, s29, s8, $0xb8;
	[tilespmem:$0x16800] =	vst v63  }
0x8a: {  	s30 =	sadd.s32 $0x380, s22  }
0x8b: {  	[tilespmem:s16], [sflag:$0x1] =	stream.indirect.gather [hbm4b:s3+s8], $0x40, s30, s8, $0xb8;
	[tilespmem:$0x16800] =	vst v63  }
0x8c: {  	s31 =	sadd.s32 $0x400, s22  }
0x8d: {  	[tilespmem:s17], [sflag:$0x1] =	stream.indirect.gather [hbm4b:s3+s8], $0x40, s31, s8, $0xb8;
	[tilespmem:$0x16800] =	vst v63  }
0x8e: {  	s22 =	sadd.s32 $0x480, s22  }
0x8f: {  	[tilespmem:s18], [sflag:$0x1] =	stream.indirect.gather [hbm4b:s3+s8], $0x40, s22, s8, $0xb8;
	[tilespmem:$0x16800] =	vst v63  }
0x90: {  	_ =	swait.ge [sflag:s19], $0x2000  }
0x91: {  	[sflag:s19] =	ssyncset.done $0x0  }
0x92: {  	[sflag:s19] =	ssyncadd.s32 $0xFFFFE000  }
0x93: {  	_ =	swait.ge [sflag:s19], $0x2000  }
0x94: {  	[sflag:s19] =	ssyncset.done $0x0  }
0x95: {  	[sflag:s19] =	ssyncadd.s32 $0xFFFFE000  }
0x96: {  	_ =	swait.ge [sflag:s19], $0x2000  }
0x97: {  	[sflag:s19] =	ssyncset.done $0x0  }
0x98: {  	[sflag:s19] =	ssyncadd.s32 $0xFFFFE000  }
0x99: {  	_ =	swait.ge [sflag:s19], $0x2000  }
0x9a: {  	[sflag:s19] =	ssyncset.done $0x0  }
0x9b: {  	[sflag:s19] =	ssyncadd.s32 $0xFFFFE000  }
0x9c: {  	_ =	swait.ge [sflag:s19], $0x2000  }
0x9d: {  	[sflag:s19] =	ssyncset.done $0x0  }
0x9e: {  	[sflag:s19] =	ssyncadd.s32 $0xFFFFE000  }
0x9f: {  	_ =	swait.ge [sflag:s19], $0x2000  }
0xa0: {  	[sflag:s19] =	ssyncset.done $0x0  }
0xa1: {  	[sflag:s19] =	ssyncadd.s32 $0xFFFFE000  }
0xa2: {  	_ =	swait.ge [sflag:s19], $0x2000  }
0xa3: {  	[sflag:s19] =	ssyncset.done $0x0  }
0xa4: {  	[sflag:s19] =	ssyncadd.s32 $0xFFFFE000  }
0xa5: {  	_ =	swait.ge [sflag:s19], $0x2000  }
0xa6: {  	[sflag:s19] =	ssyncset.done $0x0  }
0xa7: {  	[sflag:s19] =	ssyncadd.s32 $0xFFFFE000  }
0xa8: {  	_ =	swait.ge [sflag:s19], $0x2000  }
0xa9: {  	[sflag:s19] =	ssyncset.done $0x0  }
0xaa: {  	[sflag:s19] =	ssyncadd.s32 $0xFFFFE000  }
0xab: {  	s20 =	sadd.s32 $0x1, s20;
	_ =	swait.ge [sflag:s19], $0x2000  }
0xac: {  	p0 =	sne.s32 s20, s5;
	[sflag:s19] =	ssyncset.done $0x0  }
.Ltmp1:
0xad: {  	[sflag:s19] =	ssyncadd.s32 $0xFFFFE000;
	(pc) =	sbr.rel @p0 .LBB2_1-.Ltmp1, $4  }
0xae: {  	[hbm4b:s21+s2] =	stream.linear.scatter [tilespmem:s9], [sflag:$0x2], $0x14000, $0x38;
	[tilespmem:$0x16800] =	vst v63  }
0xaf: {  	_ =	swait.ge [sflag:s7], $0x14000  }
0xb0: {  	[sflag:s7] =	ssyncset.done $0x0  }
0xb1: {  	[sflag:s7] =	ssyncadd.s32 $0xFFFEC000  }
0xb2: {  	_ =	sfence.sel $0x180000  }
0xb3: {  	[bflag:$0x0] =	sbarrier.arrive $0xFFFF  }
0xb4: {  	p0 =	sne.s32 s0, $0x0;
	_ =	strace $0x90000050  }
0xb5: {  	s0 =	sadd.s32 @!p0 $0x100000, s1;
	[bflag:$0x2] =	sbarrier.arrive $0xFFFF  }
0xb6: {  	[sflag:s0] =	ssyncadd.tile.s32 @!p0 $0x1;
	_ =	shalt  }
.Lfunc_end2:
_tile_overlayer_lowered:
.L_overlay_start_2:
0xb7: {  	(tag) =	ssettag $0x2  }
0xb8: {  	s0 =	rddreg [dreg:$0x0];
	s2 =	stileid.u32  }
0xb9: {  	s1 =	rddreg [dreg:$0x1];
	p0 =	sne.s32 s2, $0x0  }
0xba: {  	s3 =	rddreg [dreg:$0x2];
	[bflag:$0x3] =	sbarrier.arrive $0xFFFF;
	s2 =	simm.s32 @!p0 $0x1C02  }
0xbb: {  	[timem:s3], [sflag:s2] =	dma.local @!p0 [hbm:s0], s1  }
0xbc: {  	s0 =	simm.s32 @!p0 $0x2  }
0xbd: {  	_ =	swait.ge @!p0 [sflag:s0], s1  }
0xbe: {  	s1 =	ssub.s32 @!p0 $0x0, s1;
	[sflag:s0] =	ssyncset.done @!p0 $0x0  }
0xbf: {  	[sflag:s0] =	ssyncadd.s32 @!p0 s1  }
0xc0: {  	[bflag:$0x3] =	sbarrier.arrive $0xFFFF  }
0xc1: {  	_ =	shalt  }

</sc_bundles>
